<compile_context>
chip_gen: v7x
topology: tpu7x:2x2x1
jax: 0.10.2.dev20260603
libtpu: 0.0.44.dev20260713+nightly
codegen_flags: <defaults>
</compile_context>

<pallas_src>
import functools

import jax
import jax.numpy as jnp
from jax import lax
from jax.experimental import pallas as pl
from jax.experimental.pallas import tpu as pltpu
from jax.experimental.pallas import tpu_sc as plsc

_VOCAB = 1000000
_FEAT = 32
_BATCH = 16384
_HIST = 20
_NW = 32
_VBLK = 128
_NFULL = _VOCAB // _VBLK
_TAIL = _VOCAB - _NFULL * _VBLK
_VPAD = (_NFULL + 1) * _VBLK
_TITER = 246
_BPW = _BATCH // _NW
_SUB = 128
_NSUB = _BPW // _SUB
_NCH = _HIST * _NSUB

_mesh = plsc.VectorSubcoreMesh(core_axis_name="c", subcore_axis_name="s")
_params = pltpu.CompilerParams(use_tc_tiling_on_sc=True,
                               needs_layout_passes=False)


def _wid():
    return lax.axis_index("s") * 2 + lax.axis_index("c")


@functools.partial(
    pl.kernel,
    mesh=_mesh,
    out_type=[
        jax.ShapeDtypeStruct((_VPAD, 128), jnp.float32),
        jax.ShapeDtypeStruct((_VPAD, 128), jnp.float32),
    ],
    scratch_types=[
        [pltpu.VMEM((_FEAT, _VBLK), jnp.float32) for _ in range(2)],
        [pltpu.VMEM((_FEAT, _VBLK), jnp.float32) for _ in range(2)],
        [pltpu.VMEM((_VBLK, 128), jnp.float32) for _ in range(2)],
        [pltpu.VMEM((_VBLK, 128), jnp.float32) for _ in range(2)],
        [pltpu.SemaphoreType.DMA for _ in range(2)],
        [pltpu.SemaphoreType.DMA for _ in range(2)],
        [pltpu.SemaphoreType.DMA for _ in range(2)],
        [pltpu.SemaphoreType.DMA for _ in range(2)],
    ],
    compiler_params=_params,
)
def _transpose_sc(rtT, itT, tail_r, tail_i, sr, si,
                  tin_r, tin_i, stage_r, stage_i,
                  isem_r, isem_i, osem_r, osem_i):
    wid = _wid()
    rows16 = lax.iota(jnp.int32, 16)

    def in_start(blk, buf):
        v0 = blk * _VBLK
        pltpu.async_copy(rtT.at[:, pl.ds(v0, _VBLK)], tin_r[buf], isem_r[buf])
        pltpu.async_copy(itT.at[:, pl.ds(v0, _VBLK)], tin_i[buf], isem_i[buf])

    def in_wait(blk, buf):
        v0 = blk * _VBLK
        pltpu.make_async_copy(rtT.at[:, pl.ds(v0, _VBLK)], tin_r[buf],
                              isem_r[buf]).wait()
        pltpu.make_async_copy(itT.at[:, pl.ds(v0, _VBLK)], tin_i[buf],
                              isem_i[buf]).wait()

    def out_start(blk, buf):
        v0 = blk * _VBLK
        pltpu.async_copy(stage_r[buf], sr.at[pl.ds(v0, _VBLK), :], osem_r[buf])
        pltpu.async_copy(stage_i[buf], si.at[pl.ds(v0, _VBLK), :], osem_i[buf])

    def out_wait(blk, buf):
        v0 = blk * _VBLK
        pltpu.make_async_copy(stage_r[buf], sr.at[pl.ds(v0, _VBLK), :],
                              osem_r[buf]).wait()
        pltpu.make_async_copy(stage_i[buf], si.at[pl.ds(v0, _VBLK), :],
                              osem_i[buf]).wait()

    def transpose_block(buf):
        def tile_body(i, carry):
            c0 = (i >> 1) * 16
            d0 = (i & 1) * 8
            for tin, stage in ((tin_r, stage_r), (tin_i, stage_i)):
                for r0 in (0, 16):
                    rvec = rows16 + r0
                    for dk in range(8):
                        cvec = c0 + ((rows16 + (d0 + dk)) & 15)
                        v = plsc.load_gather(tin[buf], [rvec, cvec])
                        plsc.store_scatter(stage[buf], [cvec, rvec], v)
            return carry

        lax.fori_loop(0, (_VBLK // 16) * 2, tile_body, 0)

    in_start(wid, 0)
    in_start(wid + _NW, 1)

    def half(t, buf):
        blk = t * _NW + wid
        prev = blk - 2 * _NW
        nxt = blk + 2 * _NW

        @pl.when(blk < _NFULL)
        def _():
            in_wait(blk, buf)

        @pl.when((prev >= 0) & (prev < _NFULL))
        def _():
            out_wait(prev, buf)

        @pl.when(blk < _NFULL)
        def _():
            transpose_block(buf)
            out_start(blk, buf)

        @pl.when(nxt < _NFULL)
        def _():
            in_start(nxt, buf)

    def pair_body(t2, carry):
        half(t2 * 2, 0)
        half(t2 * 2 + 1, 1)
        return carry

    lax.fori_loop(0, _TITER // 2, pair_body, 0)

    @pl.when(wid + 244 * _NW < _NFULL)
    def _():
        out_wait(wid + 244 * _NW, 0)

    @pl.when(wid == 31)
    def _():
        pltpu.sync_copy(tail_r, sr.at[pl.ds(_NFULL * _VBLK, _VBLK), :])
        pltpu.sync_copy(tail_i, si.at[pl.ds(_NFULL * _VBLK, _VBLK), :])


@functools.partial(
    pl.kernel,
    mesh=_mesh,
    out_type=[
        jax.ShapeDtypeStruct((_HIST, _FEAT, _BATCH), jnp.float32),
        jax.ShapeDtypeStruct((_HIST, _FEAT, _BATCH), jnp.float32),
    ],
    scratch_types=[
        [pltpu.VMEM((_SUB,), jnp.int32) for _ in range(2)],
        [pltpu.VMEM((_SUB, 128), jnp.float32) for _ in range(2)],
        [pltpu.VMEM((_SUB, 128), jnp.float32) for _ in range(2)],
        [pltpu.VMEM((_FEAT, _SUB), jnp.float32) for _ in range(2)],
        [pltpu.VMEM((_FEAT, _SUB), jnp.float32) for _ in range(2)],
        [pltpu.SemaphoreType.DMA for _ in range(2)],
        [pltpu.SemaphoreType.DMA for _ in range(2)],
        [pltpu.SemaphoreType.DMA for _ in range(2)],
        [pltpu.SemaphoreType.DMA for _ in range(2)],
    ],
    compiler_params=_params,
)
def _gather_sc(xT, sr, si, o_r, o_i,
               idx_v, rows_r, rows_i, stage_r, stage_i,
               gsem_r, gsem_i, osem_r, osem_i):
    wid = _wid()
    b0w = wid * _BPW
    rows16 = lax.iota(jnp.int32, 16)

    def pos(k):
        return k // _NSUB, b0w + (k % _NSUB) * _SUB

    def g_start(k, buf):
        h, b0 = pos(k)
        pltpu.sync_copy(xT.at[h, pl.ds(b0, _SUB)], idx_v[buf])
        pltpu.async_copy(sr.at[idx_v[buf]], rows_r[buf], gsem_r[buf])
        pltpu.async_copy(si.at[idx_v[buf]], rows_i[buf], gsem_i[buf])

    def g_wait(buf):
        pltpu.make_async_copy(sr.at[idx_v[buf]], rows_r[buf],
                              gsem_r[buf]).wait()
        pltpu.make_async_copy(si.at[idx_v[buf]], rows_i[buf],
                              gsem_i[buf]).wait()

    def o_start(k, buf):
        h, b0 = pos(k)
        pltpu.async_copy(stage_r[buf], o_r.at[h, :, pl.ds(b0, _SUB)],
                         osem_r[buf])
        pltpu.async_copy(stage_i[buf], o_i.at[h, :, pl.ds(b0, _SUB)],
                         osem_i[buf])

    def o_wait(k, buf):
        h, b0 = pos(k)
        pltpu.make_async_copy(stage_r[buf], o_r.at[h, :, pl.ds(b0, _SUB)],
                              osem_r[buf]).wait()
        pltpu.make_async_copy(stage_i[buf], o_i.at[h, :, pl.ds(b0, _SUB)],
                              osem_i[buf]).wait()

    def transpose_chunk(buf):
        def tile_body(i, carry):
            rvec = rows16 + (i >> 1) * 16
            d0 = (i & 1) * 8
            for rows, stage in ((rows_r, stage_r), (rows_i, stage_i)):
                for f0 in (0, 16):
                    for dk in range(8):
                        fvec = f0 + ((rows16 + (d0 + dk)) & 15)
                        v = plsc.load_gather(rows[buf], [rvec, fvec])
                        plsc.store_scatter(stage[buf], [fvec, rvec], v)
            return carry

        lax.fori_loop(0, (_SUB // 16) * 2, tile_body, 0)

    g_start(0, 0)
    g_start(1, 1)

    def half(k, buf):
        g_wait(buf)

        @pl.when(k >= 2)
        def _():
            o_wait(k - 2, buf)

        transpose_chunk(buf)
        o_start(k, buf)

        @pl.when(k + 2 < _NCH)
        def _():
            g_start(k + 2, buf)

    def pair_body(k2, carry):
        half(k2 * 2, 0)
        half(k2 * 2 + 1, 1)
        return carry

    lax.fori_loop(0, _NCH // 2, pair_body, 0)
    o_wait(_NCH - 2, 0)
    o_wait(_NCH - 1, 1)


def kernel(x, real_table, imag_table):
    xT = x.T.astype(jnp.int32)
    tail_r = jnp.pad(real_table[_NFULL * _VBLK:],
                     ((0, _VBLK - _TAIL), (0, 128 - _FEAT)))
    tail_i = jnp.pad(imag_table[_NFULL * _VBLK:],
                     ((0, _VBLK - _TAIL), (0, 128 - _FEAT)))
    sr, si = _transpose_sc(real_table.T, imag_table.T, tail_r, tail_i)
    pr, pi = _gather_sc(xT, sr, si)
    return (jnp.transpose(pr, (2, 0, 1)), jnp.transpose(pi, (2, 0, 1)))

# --- scband reference (transcript-rebuilt; emitter-appended) ---
"""Pipeline reference for scband-complex-embedding-19318762898084 (READ-ONLY COPY).

The authoritative reference and input builder live on the scoring server;
editing this copy changes nothing except your own understanding.
"""

import jax, jax.numpy as jnp
import numpy as np

VOCAB = 1000000
FEATURES = 32
BATCH = 16384
HIST = 20

def setup_inputs(seed: int = 0) -> dict:
    key = jax.random.key(seed)
    k_idx, k_re, k_im = jax.random.split(key, 3)
    x = jax.random.randint(k_idx, (BATCH, HIST), 0, VOCAB, dtype=jnp.int64 if jax.config.jax_enable_x64 else jnp.int32)
    # flax nn.Embed default init: normal(stddev=1/sqrt(features)) approximated here as scaled normal
    real_table = jax.random.normal(k_re, (VOCAB, FEATURES), dtype=jnp.float32) * (1.0 / np.sqrt(FEATURES))
    imag_table = jax.random.normal(k_im, (VOCAB, FEATURES), dtype=jnp.float32) * (1.0 / np.sqrt(FEATURES))
    return {"x": x, "real_table": real_table, "imag_table": imag_table}

def reference(x, real_table, imag_table):
    # Faithful translation of ComplexEmbedding.__call__:
    # real_embed = nn.Embed(vocab, features)(x); imag_embed = nn.Embed(vocab, features)(x)
    real_embed = jnp.take(real_table, x, axis=0)
    imag_embed = jnp.take(imag_table, x, axis=0)
    return (real_embed, imag_embed)

if __name__ == "__main__":
    import jax
    _d = setup_inputs()
    print(jax.jit(kernel)(*tuple(_d.values())))

</pallas_src>

<mosaic_0001>
#map = affine_map<(d0, d1) -> (0, 0)>
module attributes {stable_mosaic.version = 14 : i64} {
  func.func @_transpose_sc(%arg0: i32, %arg1: i32, %arg2: memref<32x1000000xf32, #tpu.memory_space<hbm>>, %arg3: memref<32x1000000xf32, #tpu.memory_space<hbm>>, %arg4: memref<128x128xf32, #tpu.memory_space<hbm>>, %arg5: memref<128x128xf32, #tpu.memory_space<hbm>>, %arg6: memref<1000064x128xf32, #tpu.memory_space<hbm>>, %arg7: memref<1000064x128xf32, #tpu.memory_space<hbm>>, %arg8: memref<32x128xf32, #tpu.memory_space<vmem>>, %arg9: memref<32x128xf32, #tpu.memory_space<vmem>>, %arg10: memref<32x128xf32, #tpu.memory_space<vmem>>, %arg11: memref<32x128xf32, #tpu.memory_space<vmem>>, %arg12: memref<128x128xf32, #tpu.memory_space<vmem>>, %arg13: memref<128x128xf32, #tpu.memory_space<vmem>>, %arg14: memref<128x128xf32, #tpu.memory_space<vmem>>, %arg15: memref<128x128xf32, #tpu.memory_space<vmem>>, %arg16: memref<!tpu.dma_semaphore, #tpu.memory_space<semaphore_mem>>, %arg17: memref<!tpu.dma_semaphore, #tpu.memory_space<semaphore_mem>>, %arg18: memref<!tpu.dma_semaphore, #tpu.memory_space<semaphore_mem>>, %arg19: memref<!tpu.dma_semaphore, #tpu.memory_space<semaphore_mem>>, %arg20: memref<!tpu.dma_semaphore, #tpu.memory_space<semaphore_mem>>, %arg21: memref<!tpu.dma_semaphore, #tpu.memory_space<semaphore_mem>>, %arg22: memref<!tpu.dma_semaphore, #tpu.memory_space<semaphore_mem>>, %arg23: memref<!tpu.dma_semaphore, #tpu.memory_space<semaphore_mem>>) attributes {dimension_semantics = [#tpu.dimension_semantics<core_parallel>, #tpu.dimension_semantics<subcore_parallel>], iteration_bounds = array<i64: 2, 16>, scalar_prefetch = 0 : i64, scratch_operands = 16 : i64, tpu.core_type = #tpu.core_type<sc_vector_subcore>, window_params = [{transform_indices = #map}, {transform_indices = #map}, {transform_indices = #map}, {transform_indices = #map}, {transform_indices = #map}, {transform_indices = #map}]} {
    %mul3A = arith.constant 2 : i32
    %mul3A_0 = arith.muli %arg1, %mul3A : i32
    %add3A = arith.addi %mul3A_0, %arg0 : i32
    %iota3A = tpu.iota {dimensions = array<i32: 0>} : vector<16xi32>
    %mul3A_1 = arith.constant 128 : i32
    %mul3A_2 = arith.muli %add3A, %mul3A_1 : i32
    %dma_start3A = arith.constant 0 : i32
    %dma_start3A_3 = tpu.memref_slice %arg2[%dma_start3A, %mul3A_2] : memref<32x1000000xf32, #tpu.memory_space<hbm>> -> memref<32x128xf32, #tpu.memory_space<hbm>>
    %dma_start3A_4 = arith.constant 0 : i32
    %dma_start3A_5 = tpu.memref_slice %arg2[%dma_start3A_4, %mul3A_2] : memref<32x1000000xf32, #tpu.memory_space<hbm>> -> memref<32x128xf32, #tpu.memory_space<hbm>>
    tpu.enqueue_dma source(%dma_start3A_5 : memref<32x128xf32, #tpu.memory_space<hbm>>) target(%arg8 : memref<32x128xf32, #tpu.memory_space<vmem>>) target_semaphore(%arg16 : memref<!tpu.dma_semaphore, #tpu.memory_space<semaphore_mem>>)
    %dma_start3A_6 = arith.constant 0 : i32
    %dma_start3A_7 = tpu.memref_slice %arg3[%dma_start3A_6, %mul3A_2] : memref<32x1000000xf32, #tpu.memory_space<hbm>> -> memref<32x128xf32, #tpu.memory_space<hbm>>
    %dma_start3A_8 = arith.constant 0 : i32
    %dma_start3A_9 = tpu.memref_slice %arg3[%dma_start3A_8, %mul3A_2] : memref<32x1000000xf32, #tpu.memory_space<hbm>> -> memref<32x128xf32, #tpu.memory_space<hbm>>
    tpu.enqueue_dma source(%dma_start3A_9 : memref<32x128xf32, #tpu.memory_space<hbm>>) target(%arg10 : memref<32x128xf32, #tpu.memory_space<vmem>>) target_semaphore(%arg18 : memref<!tpu.dma_semaphore, #tpu.memory_space<semaphore_mem>>)
    %add3A_10 = arith.constant 32 : i32
    %add3A_11 = arith.addi %add3A, %add3A_10 : i32
    %mul3A_12 = arith.constant 128 : i32
    %mul3A_13 = arith.muli %add3A_11, %mul3A_12 : i32
    %dma_start3A_14 = arith.constant 0 : i32
    %dma_start3A_15 = tpu.memref_slice %arg2[%dma_start3A_14, %mul3A_13] : memref<32x1000000xf32, #tpu.memory_space<hbm>> -> memref<32x128xf32, #tpu.memory_space<hbm>>
    %dma_start3A_16 = arith.constant 0 : i32
    %dma_start3A_17 = tpu.memref_slice %arg2[%dma_start3A_16, %mul3A_13] : memref<32x1000000xf32, #tpu.memory_space<hbm>> -> memref<32x128xf32, #tpu.memory_space<hbm>>
    tpu.enqueue_dma source(%dma_start3A_17 : memref<32x128xf32, #tpu.memory_space<hbm>>) target(%arg9 : memref<32x128xf32, #tpu.memory_space<vmem>>) target_semaphore(%arg17 : memref<!tpu.dma_semaphore, #tpu.memory_space<semaphore_mem>>)
    %dma_start3A_18 = arith.constant 0 : i32
    %dma_start3A_19 = tpu.memref_slice %arg3[%dma_start3A_18, %mul3A_13] : memref<32x1000000xf32, #tpu.memory_space<hbm>> -> memref<32x128xf32, #tpu.memory_space<hbm>>
    %dma_start3A_20 = arith.constant 0 : i32
    %dma_start3A_21 = tpu.memref_slice %arg3[%dma_start3A_20, %mul3A_13] : memref<32x1000000xf32, #tpu.memory_space<hbm>> -> memref<32x128xf32, #tpu.memory_space<hbm>>
    tpu.enqueue_dma source(%dma_start3A_21 : memref<32x128xf32, #tpu.memory_space<hbm>>) target(%arg11 : memref<32x128xf32, #tpu.memory_space<vmem>>) target_semaphore(%arg19 : memref<!tpu.dma_semaphore, #tpu.memory_space<semaphore_mem>>)
    %scan3A = arith.constant 0 : i32
    %scan3A_22 = arith.constant 0 : i32
    %scan3A_23 = arith.constant 123 : i32
    %scan3A_24 = arith.addi %scan3A_22, %scan3A_23 : i32
    %scan3A_25 = arith.constant 1 : i32
    scf.for %scan3A_35 = %scan3A_22 to %scan3A_24 step %scan3A_25  : i32 {
      %mul3A_36 = arith.constant 2 : i32
      %mul3A_37 = arith.muli %scan3A_35, %mul3A_36 : i32
      %mul3A_38 = arith.constant 32 : i32
      %mul3A_39 = arith.muli %mul3A_37, %mul3A_38 : i32
      %add3A_40 = arith.addi %mul3A_39, %add3A : i32
      %sub3A = arith.constant 64 : i32
      %sub3A_41 = arith.subi %add3A_40, %sub3A : i32
      %add3A_42 = arith.constant 64 : i32
      %add3A_43 = arith.addi %add3A_40, %add3A_42 : i32
      %lt3A_44 = arith.constant 7812 : i32
      %lt3A_45 = arith.cmpi slt, %add3A_40, %lt3A_44 : i32
      %convert_element_type3A_46 = arith.extui %lt3A_45 : i1 to i32
      %cond3A_47 = arith.constant 0 : i32
      %cond3A_48 = arith.cmpi ne, %convert_element_type3A_46, %cond3A_47 : i32
      scf.if %cond3A_48 {
        %mul3A_99 = arith.constant 128 : i32
        %mul3A_100 = arith.muli %add3A_40, %mul3A_99 : i32
        %dma_wait3A = arith.constant 0 : i32
        %dma_wait3A_101 = tpu.memref_slice %arg2[%dma_wait3A, %mul3A_100] : memref<32x1000000xf32, #tpu.memory_space<hbm>> -> memref<32x128xf32, #tpu.memory_space<hbm>>
        %dma_wait3A_102 = arith.constant 0 : i32
        %dma_wait3A_103 = tpu.memref_slice %arg2[%dma_wait3A_102, %mul3A_100] : memref<32x1000000xf32, #tpu.memory_space<hbm>> -> memref<32x128xf32, #tpu.memory_space<hbm>>
        tpu.wait_dma2 semaphore(%arg16 : memref<!tpu.dma_semaphore, #tpu.memory_space<semaphore_mem>>) src(%dma_wait3A_103 : memref<32x128xf32, #tpu.memory_space<hbm>>) dst(%arg8 : memref<32x128xf32, #tpu.memory_space<vmem>>)
        %dma_wait3A_104 = arith.constant 0 : i32
        %dma_wait3A_105 = tpu.memref_slice %arg3[%dma_wait3A_104, %mul3A_100] : memref<32x1000000xf32, #tpu.memory_space<hbm>> -> memref<32x128xf32, #tpu.memory_space<hbm>>
        %dma_wait3A_106 = arith.constant 0 : i32
        %dma_wait3A_107 = tpu.memref_slice %arg3[%dma_wait3A_106, %mul3A_100] : memref<32x1000000xf32, #tpu.memory_space<hbm>> -> memref<32x128xf32, #tpu.memory_space<hbm>>
        tpu.wait_dma2 semaphore(%arg18 : memref<!tpu.dma_semaphore, #tpu.memory_space<semaphore_mem>>) src(%dma_wait3A_107 : memref<32x128xf32, #tpu.memory_space<hbm>>) dst(%arg10 : memref<32x128xf32, #tpu.memory_space<vmem>>)
      } else {
      }
      %ge3A = arith.constant 0 : i32
      %ge3A_49 = arith.cmpi sge, %sub3A_41, %ge3A : i32
      %lt3A_50 = arith.constant 7812 : i32
      %lt3A_51 = arith.cmpi slt, %sub3A_41, %lt3A_50 : i32
      %and3A = arith.andi %ge3A_49, %lt3A_51 : i1
      %convert_element_type3A_52 = arith.extui %and3A : i1 to i32
      %cond3A_53 = arith.constant 0 : i32
      %cond3A_54 = arith.cmpi ne, %convert_element_type3A_52, %cond3A_53 : i32
      scf.if %cond3A_54 {
        %mul3A_99 = arith.constant 128 : i32
        %mul3A_100 = arith.muli %sub3A_41, %mul3A_99 : i32
        %dma_wait3A = arith.constant 0 : i32
        %dma_wait3A_101 = tpu.memref_slice %arg6[%mul3A_100, %dma_wait3A] : memref<1000064x128xf32, #tpu.memory_space<hbm>> -> memref<128x128xf32, #tpu.memory_space<hbm>>
        %dma_wait3A_102 = arith.constant 0 : i32
        %dma_wait3A_103 = tpu.memref_slice %arg6[%mul3A_100, %dma_wait3A_102] : memref<1000064x128xf32, #tpu.memory_space<hbm>> -> memref<128x128xf32, #tpu.memory_space<hbm>>
        tpu.wait_dma2 semaphore(%arg20 : memref<!tpu.dma_semaphore, #tpu.memory_space<semaphore_mem>>) src(%arg12 : memref<128x128xf32, #tpu.memory_space<vmem>>) dst(%dma_wait3A_103 : memref<128x128xf32, #tpu.memory_space<hbm>>)
        %dma_wait3A_104 = arith.constant 0 : i32
        %dma_wait3A_105 = tpu.memref_slice %arg7[%mul3A_100, %dma_wait3A_104] : memref<1000064x128xf32, #tpu.memory_space<hbm>> -> memref<128x128xf32, #tpu.memory_space<hbm>>
        %dma_wait3A_106 = arith.constant 0 : i32
        %dma_wait3A_107 = tpu.memref_slice %arg7[%mul3A_100, %dma_wait3A_106] : memref<1000064x128xf32, #tpu.memory_space<hbm>> -> memref<128x128xf32, #tpu.memory_space<hbm>>
        tpu.wait_dma2 semaphore(%arg22 : memref<!tpu.dma_semaphore, #tpu.memory_space<semaphore_mem>>) src(%arg14 : memref<128x128xf32, #tpu.memory_space<vmem>>) dst(%dma_wait3A_107 : memref<128x128xf32, #tpu.memory_space<hbm>>)
      } else {
      }
      %lt3A_55 = arith.constant 7812 : i32
      %lt3A_56 = arith.cmpi slt, %add3A_40, %lt3A_55 : i32
      %convert_element_type3A_57 = arith.extui %lt3A_56 : i1 to i32
      %cond3A_58 = arith.constant 0 : i32
      %cond3A_59 = arith.cmpi ne, %convert_element_type3A_57, %cond3A_58 : i32
      scf.if %cond3A_59 {
        %scan3A_99 = arith.constant 0 : i32
        %scan3A_100 = arith.constant 0 : i32
        %scan3A_101 = arith.constant 16 : i32
        %scan3A_102 = arith.addi %scan3A_100, %scan3A_101 : i32
        %scan3A_103 = arith.constant 1 : i32
        scf.for %scan3A_115 = %scan3A_100 to %scan3A_102 step %scan3A_103  : i32 {
          %shift_right_arithmetic3A = arith.constant 1 : i32
          %shift_right_arithmetic3A_116 = arith.shrsi %scan3A_115, %shift_right_arithmetic3A : i32
          %mul3A_117 = arith.constant 16 : i32
          %mul3A_118 = arith.muli %shift_right_arithmetic3A_116, %mul3A_117 : i32
          %and3A_119 = arith.constant 1 : i32
          %and3A_120 = arith.andi %scan3A_115, %and3A_119 : i32
          %mul3A_121 = arith.constant 8 : i32
          %mul3A_122 = arith.muli %and3A_120, %mul3A_121 : i32
          %add3A_123 = arith.constant 0 : i32
          %add3A_124 = vector.broadcast %add3A_123 : i32 to vector<16xi32>
          %add3A_125 = arith.addi %iota3A, %add3A_124 : vector<16xi32>
          %add3A_126 = arith.constant 0 : i32
          %add3A_127 = arith.addi %mul3A_122, %add3A_126 : i32
          %add3A_128 = vector.broadcast %add3A_127 : i32 to vector<16xi32>
          %add3A_129 = arith.addi %iota3A, %add3A_128 : vector<16xi32>
          %and3A_130 = arith.constant 15 : i32
          %and3A_131 = vector.broadcast %and3A_130 : i32 to vector<16xi32>
          %and3A_132 = arith.andi %add3A_129, %and3A_131 : vector<16xi32>
          %add3A_133 = vector.broadcast %mul3A_118 : i32 to vector<16xi32>
          %add3A_134 = arith.addi %add3A_133, %and3A_132 : vector<16xi32>
          %gather3A = tpu.vector_load_idx %arg8[%add3A_125, %add3A_134] : memref<32x128xf32, #tpu.memory_space<vmem>>[vector<16xi32>, vector<16xi32>], vector<16xf32>,
          tpu.vector_store_idx %arg12[%add3A_134, %add3A_125], %gather3A : memref<128x128xf32, #tpu.memory_space<vmem>>[vector<16xi32>, vector<16xi32>], vector<16xf32>,
          %add3A_135 = arith.constant 1 : i32
          %add3A_136 = arith.addi %mul3A_122, %add3A_135 : i32
          %add3A_137 = vector.broadcast %add3A_136 : i32 to vector<16xi32>
          %add3A_138 = arith.addi %iota3A, %add3A_137 : vector<16xi32>
          %and3A_139 = arith.constant 15 : i32
          %and3A_140 = vector.broadcast %and3A_139 : i32 to vector<16xi32>
          %and3A_141 = arith.andi %add3A_138, %and3A_140 : vector<16xi32>
          %add3A_142 = vector.broadcast %mul3A_118 : i32 to vector<16xi32>
          %add3A_143 = arith.addi %add3A_142, %and3A_141 : vector<16xi32>
          %gather3A_144 = tpu.vector_load_idx %arg8[%add3A_125, %add3A_143] : memref<32x128xf32, #tpu.memory_space<vmem>>[vector<16xi32>, vector<16xi32>], vector<16xf32>,
          tpu.vector_store_idx %arg12[%add3A_143, %add3A_125], %gather3A_144 : memref<128x128xf32, #tpu.memory_space<vmem>>[vector<16xi32>, vector<16xi32>], vector<16xf32>,
          %add3A_145 = arith.constant 2 : i32
          %add3A_146 = arith.addi %mul3A_122, %add3A_145 : i32
          %add3A_147 = vector.broadcast %add3A_146 : i32 to vector<16xi32>
          %add3A_148 = arith.addi %iota3A, %add3A_147 : vector<16xi32>
          %and3A_149 = arith.constant 15 : i32
          %and3A_150 = vector.broadcast %and3A_149 : i32 to vector<16xi32>
          %and3A_151 = arith.andi %add3A_148, %and3A_150 : vector<16xi32>
          %add3A_152 = vector.broadcast %mul3A_118 : i32 to vector<16xi32>
          %add3A_153 = arith.addi %add3A_152, %and3A_151 : vector<16xi32>
          %gather3A_154 = tpu.vector_load_idx %arg8[%add3A_125, %add3A_153] : memref<32x128xf32, #tpu.memory_space<vmem>>[vector<16xi32>, vector<16xi32>], vector<16xf32>,
          tpu.vector_store_idx %arg12[%add3A_153, %add3A_125], %gather3A_154 : memref<128x128xf32, #tpu.memory_space<vmem>>[vector<16xi32>, vector<16xi32>], vector<16xf32>,
          %add3A_155 = arith.constant 3 : i32
          %add3A_156 = arith.addi %mul3A_122, %add3A_155 : i32
          %add3A_157 = vector.broadcast %add3A_156 : i32 to vector<16xi32>
          %add3A_158 = arith.addi %iota3A, %add3A_157 : vector<16xi32>
          %and3A_159 = arith.constant 15 : i32
          %and3A_160 = vector.broadcast %and3A_159 : i32 to vector<16xi32>
          %and3A_161 = arith.andi %add3A_158, %and3A_160 : vector<16xi32>
          %add3A_162 = vector.broadcast %mul3A_118 : i32 to vector<16xi32>
          %add3A_163 = arith.addi %add3A_162, %and3A_161 : vector<16xi32>
          %gather3A_164 = tpu.vector_load_idx %arg8[%add3A_125, %add3A_163] : memref<32x128xf32, #tpu.memory_space<vmem>>[vector<16xi32>, vector<16xi32>], vector<16xf32>,
          tpu.vector_store_idx %arg12[%add3A_163, %add3A_125], %gather3A_164 : memref<128x128xf32, #tpu.memory_space<vmem>>[vector<16xi32>, vector<16xi32>], vector<16xf32>,
          %add3A_165 = arith.constant 4 : i32
          %add3A_166 = arith.addi %mul3A_122, %add3A_165 : i32
          %add3A_167 = vector.broadcast %add3A_166 : i32 to vector<16xi32>
          %add3A_168 = arith.addi %iota3A, %add3A_167 : vector<16xi32>
          %and3A_169 = arith.constant 15 : i32
          %and3A_170 = vector.broadcast %and3A_169 : i32 to vector<16xi32>
          %and3A_171 = arith.andi %add3A_168, %and3A_170 : vector<16xi32>
          %add3A_172 = vector.broadcast %mul3A_118 : i32 to vector<16xi32>
          %add3A_173 = arith.addi %add3A_172, %and3A_171 : vector<16xi32>
          %gather3A_174 = tpu.vector_load_idx %arg8[%add3A_125, %add3A_173] : memref<32x128xf32, #tpu.memory_space<vmem>>[vector<16xi32>, vector<16xi32>], vector<16xf32>,
          tpu.vector_store_idx %arg12[%add3A_173, %add3A_125], %gather3A_174 : memref<128x128xf32, #tpu.memory_space<vmem>>[vector<16xi32>, vector<16xi32>], vector<16xf32>,
          %add3A_175 = arith.constant 5 : i32
          %add3A_176 = arith.addi %mul3A_122, %add3A_175 : i32
          %add3A_177 = vector.broadcast %add3A_176 : i32 to vector<16xi32>
          %add3A_178 = arith.addi %iota3A, %add3A_177 : vector<16xi32>
          %and3A_179 = arith.constant 15 : i32
          %and3A_180 = vector.broadcast %and3A_179 : i32 to vector<16xi32>
          %and3A_181 = arith.andi %add3A_178, %and3A_180 : vector<16xi32>
          %add3A_182 = vector.broadcast %mul3A_118 : i32 to vector<16xi32>
          %add3A_183 = arith.addi %add3A_182, %and3A_181 : vector<16xi32>
          %gather3A_184 = tpu.vector_load_idx %arg8[%add3A_125, %add3A_183] : memref<32x128xf32, #tpu.memory_space<vmem>>[vector<16xi32>, vector<16xi32>], vector<16xf32>,
          tpu.vector_store_idx %arg12[%add3A_183, %add3A_125], %gather3A_184 : memref<128x128xf32, #tpu.memory_space<vmem>>[vector<16xi32>, vector<16xi32>], vector<16xf32>,
          %add3A_185 = arith.constant 6 : i32
          %add3A_186 = arith.addi %mul3A_122, %add3A_185 : i32
          %add3A_187 = vector.broadcast %add3A_186 : i32 to vector<16xi32>
          %add3A_188 = arith.addi %iota3A, %add3A_187 : vector<16xi32>
          %and3A_189 = arith.constant 15 : i32
          %and3A_190 = vector.broadcast %and3A_189 : i32 to vector<16xi32>
          %and3A_191 = arith.andi %add3A_188, %and3A_190 : vector<16xi32>
          %add3A_192 = vector.broadcast %mul3A_118 : i32 to vector<16xi32>
          %add3A_193 = arith.addi %add3A_192, %and3A_191 : vector<16xi32>
          %gather3A_194 = tpu.vector_load_idx %arg8[%add3A_125, %add3A_193] : memref<32x128xf32, #tpu.memory_space<vmem>>[vector<16xi32>, vector<16xi32>], vector<16xf32>,
          tpu.vector_store_idx %arg12[%add3A_193, %add3A_125], %gather3A_194 : memref<128x128xf32, #tpu.memory_space<vmem>>[vector<16xi32>, vector<16xi32>], vector<16xf32>,
          %add3A_195 = arith.constant 7 : i32
          %add3A_196 = arith.addi %mul3A_122, %add3A_195 : i32
          %add3A_197 = vector.broadcast %add3A_196 : i32 to vector<16xi32>
          %add3A_198 = arith.addi %iota3A, %add3A_197 : vector<16xi32>
          %and3A_199 = arith.constant 15 : i32
          %and3A_200 = vector.broadcast %and3A_199 : i32 to vector<16xi32>
          %and3A_201 = arith.andi %add3A_198, %and3A_200 : vector<16xi32>
          %add3A_202 = vector.broadcast %mul3A_118 : i32 to vector<16xi32>
          %add3A_203 = arith.addi %add3A_202, %and3A_201 : vector<16xi32>
          %gather3A_204 = tpu.vector_load_idx %arg8[%add3A_125, %add3A_203] : memref<32x128xf32, #tpu.memory_space<vmem>>[vector<16xi32>, vector<16xi32>], vector<16xf32>,
          tpu.vector_store_idx %arg12[%add3A_203, %add3A_125], %gather3A_204 : memref<128x128xf32, #tpu.memory_space<vmem>>[vector<16xi32>, vector<16xi32>], vector<16xf32>,
          %add3A_205 = arith.constant 16 : i32
          %add3A_206 = vector.broadcast %add3A_205 : i32 to vector<16xi32>
          %add3A_207 = arith.addi %iota3A, %add3A_206 : vector<16xi32>
          %add3A_208 = arith.constant 0 : i32
          %add3A_209 = arith.addi %mul3A_122, %add3A_208 : i32
          %add3A_210 = vector.broadcast %add3A_209 : i32 to vector<16xi32>
          %add3A_211 = arith.addi %iota3A, %add3A_210 : vector<16xi32>
          %and3A_212 = arith.constant 15 : i32
          %and3A_213 = vector.broadcast %and3A_212 : i32 to vector<16xi32>
          %and3A_214 = arith.andi %add3A_211, %and3A_213 : vector<16xi32>
          %add3A_215 = vector.broadcast %mul3A_118 : i32 to vector<16xi32>
          %add3A_216 = arith.addi %add3A_215, %and3A_214 : vector<16xi32>
          %gather3A_217 = tpu.vector_load_idx %arg8[%add3A_207, %add3A_216] : memref<32x128xf32, #tpu.memory_space<vmem>>[vector<16xi32>, vector<16xi32>], vector<16xf32>,
          tpu.vector_store_idx %arg12[%add3A_216, %add3A_207], %gather3A_217 : memref<128x128xf32, #tpu.memory_space<vmem>>[vector<16xi32>, vector<16xi32>], vector<16xf32>,
          %add3A_218 = arith.constant 1 : i32
          %add3A_219 = arith.addi %mul3A_122, %add3A_218 : i32
          %add3A_220 = vector.broadcast %add3A_219 : i32 to vector<16xi32>
          %add3A_221 = arith.addi %iota3A, %add3A_220 : vector<16xi32>
          %and3A_222 = arith.constant 15 : i32
          %and3A_223 = vector.broadcast %and3A_222 : i32 to vector<16xi32>
          %and3A_224 = arith.andi %add3A_221, %and3A_223 : vector<16xi32>
          %add3A_225 = vector.broadcast %mul3A_118 : i32 to vector<16xi32>
          %add3A_226 = arith.addi %add3A_225, %and3A_224 : vector<16xi32>
          %gather3A_227 = tpu.vector_load_idx %arg8[%add3A_207, %add3A_226] : memref<32x128xf32, #tpu.memory_space<vmem>>[vector<16xi32>, vector<16xi32>], vector<16xf32>,
          tpu.vector_store_idx %arg12[%add3A_226, %add3A_207], %gather3A_227 : memref<128x128xf32, #tpu.memory_space<vmem>>[vector<16xi32>, vector<16xi32>], vector<16xf32>,
          %add3A_228 = arith.constant 2 : i32
          %add3A_229 = arith.addi %mul3A_122, %add3A_228 : i32
          %add3A_230 = vector.broadcast %add3A_229 : i32 to vector<16xi32>
          %add3A_231 = arith.addi %iota3A, %add3A_230 : vector<16xi32>
          %and3A_232 = arith.constant 15 : i32
          %and3A_233 = vector.broadcast %and3A_232 : i32 to vector<16xi32>
          %and3A_234 = arith.andi %add3A_231, %and3A_233 : vector<16xi32>
          %add3A_235 = vector.broadcast %mul3A_118 : i32 to vector<16xi32>
          %add3A_236 = arith.addi %add3A_235, %and3A_234 : vector<16xi32>
          %gather3A_237 = tpu.vector_load_idx %arg8[%add3A_207, %add3A_236] : memref<32x128xf32, #tpu.memory_space<vmem>>[vector<16xi32>, vector<16xi32>], vector<16xf32>,
          tpu.vector_store_idx %arg12[%add3A_236, %add3A_207], %gather3A_237 : memref<128x128xf32, #tpu.memory_space<vmem>>[vector<16xi32>, vector<16xi32>], vector<16xf32>,
          %add3A_238 = arith.constant 3 : i32
          %add3A_239 = arith.addi %mul3A_122, %add3A_238 : i32
          %add3A_240 = vector.broadcast %add3A_239 : i32 to vector<16xi32>
          %add3A_241 = arith.addi %iota3A, %add3A_240 : vector<16xi32>
          %and3A_242 = arith.constant 15 : i32
          %and3A_243 = vector.broadcast %and3A_242 : i32 to vector<16xi32>
          %and3A_244 = arith.andi %add3A_241, %and3A_243 : vector<16xi32>
          %add3A_245 = vector.broadcast %mul3A_118 : i32 to vector<16xi32>
          %add3A_246 = arith.addi %add3A_245, %and3A_244 : vector<16xi32>
          %gather3A_247 = tpu.vector_load_idx %arg8[%add3A_207, %add3A_246] : memref<32x128xf32, #tpu.memory_space<vmem>>[vector<16xi32>, vector<16xi32>], vector<16xf32>,
          tpu.vector_store_idx %arg12[%add3A_246, %add3A_207], %gather3A_247 : memref<128x128xf32, #tpu.memory_space<vmem>>[vector<16xi32>, vector<16xi32>], vector<16xf32>,
          %add3A_248 = arith.constant 4 : i32
          %add3A_249 = arith.addi %mul3A_122, %add3A_248 : i32
          %add3A_250 = vector.broadcast %add3A_249 : i32 to vector<16xi32>
          %add3A_251 = arith.addi %iota3A, %add3A_250 : vector<16xi32>
          %and3A_252 = arith.constant 15 : i32
          %and3A_253 = vector.broadcast %and3A_252 : i32 to vector<16xi32>
          %and3A_254 = arith.andi %add3A_251, %and3A_253 : vector<16xi32>
          %add3A_255 = vector.broadcast %mul3A_118 : i32 to vector<16xi32>
          %add3A_256 = arith.addi %add3A_255, %and3A_254 : vector<16xi32>
          %gather3A_257 = tpu.vector_load_idx %arg8[%add3A_207, %add3A_256] : memref<32x128xf32, #tpu.memory_space<vmem>>[vector<16xi32>, vector<16xi32>], vector<16xf32>,
          tpu.vector_store_idx %arg12[%add3A_256, %add3A_207], %gather3A_257 : memref<128x128xf32, #tpu.memory_space<vmem>>[vector<16xi32>, vector<16xi32>], vector<16xf32>,
          %add3A_258 = arith.constant 5 : i32
          %add3A_259 = arith.addi %mul3A_122, %add3A_258 : i32
          %add3A_260 = vector.broadcast %add3A_259 : i32 to vector<16xi32>
          %add3A_261 = arith.addi %iota3A, %add3A_260 : vector<16xi32>
          %and3A_262 = arith.constant 15 : i32
          %and3A_263 = vector.broadcast %and3A_262 : i32 to vector<16xi32>
          %and3A_264 = arith.andi %add3A_261, %and3A_263 : vector<16xi32>
          %add3A_265 = vector.broadcast %mul3A_118 : i32 to vector<16xi32>
          %add3A_266 = arith.addi %add3A_265, %and3A_264 : vector<16xi32>
          %gather3A_267 = tpu.vector_load_idx %arg8[%add3A_207, %add3A_266] : memref<32x128xf32, #tpu.memory_space<vmem>>[vector<16xi32>, vector<16xi32>], vector<16xf32>,
          tpu.vector_store_idx %arg12[%add3A_266, %add3A_207], %gather3A_267 : memref<128x128xf32, #tpu.memory_space<vmem>>[vector<16xi32>, vector<16xi32>], vector<16xf32>,
          %add3A_268 = arith.constant 6 : i32
          %add3A_269 = arith.addi %mul3A_122, %add3A_268 : i32
          %add3A_270 = vector.broadcast %add3A_269 : i32 to vector<16xi32>
          %add3A_271 = arith.addi %iota3A, %add3A_270 : vector<16xi32>
          %and3A_272 = arith.constant 15 : i32
          %and3A_273 = vector.broadcast %and3A_272 : i32 to vector<16xi32>
          %and3A_274 = arith.andi %add3A_271, %and3A_273 : vector<16xi32>
          %add3A_275 = vector.broadcast %mul3A_118 : i32 to vector<16xi32>
          %add3A_276 = arith.addi %add3A_275, %and3A_274 : vector<16xi32>
          %gather3A_277 = tpu.vector_load_idx %arg8[%add3A_207, %add3A_276] : memref<32x128xf32, #tpu.memory_space<vmem>>[vector<16xi32>, vector<16xi32>], vector<16xf32>,
          tpu.vector_store_idx %arg12[%add3A_276, %add3A_207], %gather3A_277 : memref<128x128xf32, #tpu.memory_space<vmem>>[vector<16xi32>, vector<16xi32>], vector<16xf32>,
          %add3A_278 = arith.constant 7 : i32
          %add3A_279 = arith.addi %mul3A_122, %add3A_278 : i32
          %add3A_280 = vector.broadcast %add3A_279 : i32 to vector<16xi32>
          %add3A_281 = arith.addi %iota3A, %add3A_280 : vector<16xi32>
          %and3A_282 = arith.constant 15 : i32
          %and3A_283 = vector.broadcast %and3A_282 : i32 to vector<16xi32>
          %and3A_284 = arith.andi %add3A_281, %and3A_283 : vector<16xi32>
          %add3A_285 = vector.broadcast %mul3A_118 : i32 to vector<16xi32>
          %add3A_286 = arith.addi %add3A_285, %and3A_284 : vector<16xi32>
          %gather3A_287 = tpu.vector_load_idx %arg8[%add3A_207, %add3A_286] : memref<32x128xf32, #tpu.memory_space<vmem>>[vector<16xi32>, vector<16xi32>], vector<16xf32>,
          tpu.vector_store_idx %arg12[%add3A_286, %add3A_207], %gather3A_287 : memref<128x128xf32, #tpu.memory_space<vmem>>[vector<16xi32>, vector<16xi32>], vector<16xf32>,
          %add3A_288 = arith.constant 0 : i32
          %add3A_289 = vector.broadcast %add3A_288 : i32 to vector<16xi32>
          %add3A_290 = arith.addi %iota3A, %add3A_289 : vector<16xi32>
          %add3A_291 = arith.constant 0 : i32
          %add3A_292 = arith.addi %mul3A_122, %add3A_291 : i32
          %add3A_293 = vector.broadcast %add3A_292 : i32 to vector<16xi32>
          %add3A_294 = arith.addi %iota3A, %add3A_293 : vector<16xi32>
          %and3A_295 = arith.constant 15 : i32
          %and3A_296 = vector.broadcast %and3A_295 : i32 to vector<16xi32>
          %and3A_297 = arith.andi %add3A_294, %and3A_296 : vector<16xi32>
          %add3A_298 = vector.broadcast %mul3A_118 : i32 to vector<16xi32>
          %add3A_299 = arith.addi %add3A_298, %and3A_297 : vector<16xi32>
          %gather3A_300 = tpu.vector_load_idx %arg10[%add3A_290, %add3A_299] : memref<32x128xf32, #tpu.memory_space<vmem>>[vector<16xi32>, vector<16xi32>], vector<16xf32>,
          tpu.vector_store_idx %arg14[%add3A_299, %add3A_290], %gather3A_300 : memref<128x128xf32, #tpu.memory_space<vmem>>[vector<16xi32>, vector<16xi32>], vector<16xf32>,
          %add3A_301 = arith.constant 1 : i32
          %add3A_302 = arith.addi %mul3A_122, %add3A_301 : i32
          %add3A_303 = vector.broadcast %add3A_302 : i32 to vector<16xi32>
          %add3A_304 = arith.addi %iota3A, %add3A_303 : vector<16xi32>
          %and3A_305 = arith.constant 15 : i32
          %and3A_306 = vector.broadcast %and3A_305 : i32 to vector<16xi32>
          %and3A_307 = arith.andi %add3A_304, %and3A_306 : vector<16xi32>
          %add3A_308 = vector.broadcast %mul3A_118 : i32 to vector<16xi32>
          %add3A_309 = arith.addi %add3A_308, %and3A_307 : vector<16xi32>
          %gather3A_310 = tpu.vector_load_idx %arg10[%add3A_290, %add3A_309] : memref<32x128xf32, #tpu.memory_space<vmem>>[vector<16xi32>, vector<16xi32>], vector<16xf32>,
          tpu.vector_store_idx %arg14[%add3A_309, %add3A_290], %gather3A_310 : memref<128x128xf32, #tpu.memory_space<vmem>>[vector<16xi32>, vector<16xi32>], vector<16xf32>,
          %add3A_311 = arith.constant 2 : i32
          %add3A_312 = arith.addi %mul3A_122, %add3A_311 : i32
          %add3A_313 = vector.broadcast %add3A_312 : i32 to vector<16xi32>
          %add3A_314 = arith.addi %iota3A, %add3A_313 : vector<16xi32>
          %and3A_315 = arith.constant 15 : i32
          %and3A_316 = vector.broadcast %and3A_315 : i32 to vector<16xi32>
          %and3A_317 = arith.andi %add3A_314, %and3A_316 : vector<16xi32>
          %add3A_318 = vector.broadcast %mul3A_118 : i32 to vector<16xi32>
          %add3A_319 = arith.addi %add3A_318, %and3A_317 : vector<16xi32>
          %gather3A_320 = tpu.vector_load_idx %arg10[%add3A_290, %add3A_319] : memref<32x128xf32, #tpu.memory_space<vmem>>[vector<16xi32>, vector<16xi32>], vector<16xf32>,
          tpu.vector_store_idx %arg14[%add3A_319, %add3A_290], %gather3A_320 : memref<128x128xf32, #tpu.memory_space<vmem>>[vector<16xi32>, vector<16xi32>], vector<16xf32>,
          %add3A_321 = arith.constant 3 : i32
          %add3A_322 = arith.addi %mul3A_122, %add3A_321 : i32
          %add3A_323 = vector.broadcast %add3A_322 : i32 to vector<16xi32>
          %add3A_324 = arith.addi %iota3A, %add3A_323 : vector<16xi32>
          %and3A_325 = arith.constant 15 : i32
          %and3A_326 = vector.broadcast %and3A_325 : i32 to vector<16xi32>
          %and3A_327 = arith.andi %add3A_324, %and3A_326 : vector<16xi32>
          %add3A_328 = vector.broadcast %mul3A_118 : i32 to vector<16xi32>
          %add3A_329 = arith.addi %add3A_328, %and3A_327 : vector<16xi32>
          %gather3A_330 = tpu.vector_load_idx %arg10[%add3A_290, %add3A_329] : memref<32x128xf32, #tpu.memory_space<vmem>>[vector<16xi32>, vector<16xi32>], vector<16xf32>,
          tpu.vector_store_idx %arg14[%add3A_329, %add3A_290], %gather3A_330 : memref<128x128xf32, #tpu.memory_space<vmem>>[vector<16xi32>, vector<16xi32>], vector<16xf32>,
          %add3A_331 = arith.constant 4 : i32
          %add3A_332 = arith.addi %mul3A_122, %add3A_331 : i32
          %add3A_333 = vector.broadcast %add3A_332 : i32 to vector<16xi32>
          %add3A_334 = arith.addi %iota3A, %add3A_333 : vector<16xi32>
          %and3A_335 = arith.constant 15 : i32
          %and3A_336 = vector.broadcast %and3A_335 : i32 to vector<16xi32>
          %and3A_337 = arith.andi %add3A_334, %and3A_336 : vector<16xi32>
          %add3A_338 = vector.broadcast %mul3A_118 : i32 to vector<16xi32>
          %add3A_339 = arith.addi %add3A_338, %and3A_337 : vector<16xi32>
          %gather3A_340 = tpu.vector_load_idx %arg10[%add3A_290, %add3A_339] : memref<32x128xf32, #tpu.memory_space<vmem>>[vector<16xi32>, vector<16xi32>], vector<16xf32>,
          tpu.vector_store_idx %arg14[%add3A_339, %add3A_290], %gather3A_340 : memref<128x128xf32, #tpu.memory_space<vmem>>[vector<16xi32>, vector<16xi32>], vector<16xf32>,
          %add3A_341 = arith.constant 5 : i32
          %add3A_342 = arith.addi %mul3A_122, %add3A_341 : i32
          %add3A_343 = vector.broadcast %add3A_342 : i32 to vector<16xi32>
          %add3A_344 = arith.addi %iota3A, %add3A_343 : vector<16xi32>
          %and3A_345 = arith.constant 15 : i32
          %and3A_346 = vector.broadcast %and3A_345 : i32 to vector<16xi32>
          %and3A_347 = arith.andi %add3A_344, %and3A_346 : vector<16xi32>
          %add3A_348 = vector.broadcast %mul3A_118 : i32 to vector<16xi32>
          %add3A_349 = arith.addi %add3A_348, %and3A_347 : vector<16xi32>
          %gather3A_350 = tpu.vector_load_idx %arg10[%add3A_290, %add3A_349] : memref<32x128xf32, #tpu.memory_space<vmem>>[vector<16xi32>, vector<16xi32>], vector<16xf32>,
          tpu.vector_store_idx %arg14[%add3A_349, %add3A_290], %gather3A_350 : memref<128x128xf32, #tpu.memory_space<vmem>>[vector<16xi32>, vector<16xi32>], vector<16xf32>,
          %add3A_351 = arith.constant 6 : i32
          %add3A_352 = arith.addi %mul3A_122, %add3A_351 : i32
          %add3A_353 = vector.broadcast %add3A_352 : i32 to vector<16xi32>
          %add3A_354 = arith.addi %iota3A, %add3A_353 : vector<16xi32>
          %and3A_355 = arith.constant 15 : i32
          %and3A_356 = vector.broadcast %and3A_355 : i32 to vector<16xi32>
          %and3A_357 = arith.andi %add3A_354, %and3A_356 : vector<16xi32>
          %add3A_358 = vector.broadcast %mul3A_118 : i32 to vector<16xi32>
          %add3A_359 = arith.addi %add3A_358, %and3A_357 : vector<16xi32>
          %gather3A_360 = tpu.vector_load_idx %arg10[%add3A_290, %add3A_359] : memref<32x128xf32, #tpu.memory_space<vmem>>[vector<16xi32>, vector<16xi32>], vector<16xf32>,
          tpu.vector_store_idx %arg14[%add3A_359, %add3A_290], %gather3A_360 : memref<128x128xf32, #tpu.memory_space<vmem>>[vector<16xi32>, vector<16xi32>], vector<16xf32>,
          %add3A_361 = arith.constant 7 : i32
          %add3A_362 = arith.addi %mul3A_122, %add3A_361 : i32
          %add3A_363 = vector.broadcast %add3A_362 : i32 to vector<16xi32>
          %add3A_364 = arith.addi %iota3A, %add3A_363 : vector<16xi32>
          %and3A_365 = arith.constant 15 : i32
          %and3A_366 = vector.broadcast %and3A_365 : i32 to vector<16xi32>
          %and3A_367 = arith.andi %add3A_364, %and3A_366 : vector<16xi32>
          %add3A_368 = vector.broadcast %mul3A_118 : i32 to vector<16xi32>
          %add3A_369 = arith.addi %add3A_368, %and3A_367 : vector<16xi32>
          %gather3A_370 = tpu.vector_load_idx %arg10[%add3A_290, %add3A_369] : memref<32x128xf32, #tpu.memory_space<vmem>>[vector<16xi32>, vector<16xi32>], vector<16xf32>,
          tpu.vector_store_idx %arg14[%add3A_369, %add3A_290], %gather3A_370 : memref<128x128xf32, #tpu.memory_space<vmem>>[vector<16xi32>, vector<16xi32>], vector<16xf32>,
          %add3A_371 = arith.constant 16 : i32
          %add3A_372 = vector.broadcast %add3A_371 : i32 to vector<16xi32>
          %add3A_373 = arith.addi %iota3A, %add3A_372 : vector<16xi32>
          %add3A_374 = arith.constant 0 : i32
          %add3A_375 = arith.addi %mul3A_122, %add3A_374 : i32
          %add3A_376 = vector.broadcast %add3A_375 : i32 to vector<16xi32>
          %add3A_377 = arith.addi %iota3A, %add3A_376 : vector<16xi32>
          %and3A_378 = arith.constant 15 : i32
          %and3A_379 = vector.broadcast %and3A_378 : i32 to vector<16xi32>
          %and3A_380 = arith.andi %add3A_377, %and3A_379 : vector<16xi32>
          %add3A_381 = vector.broadcast %mul3A_118 : i32 to vector<16xi32>
          %add3A_382 = arith.addi %add3A_381, %and3A_380 : vector<16xi32>
          %gather3A_383 = tpu.vector_load_idx %arg10[%add3A_373, %add3A_382] : memref<32x128xf32, #tpu.memory_space<vmem>>[vector<16xi32>, vector<16xi32>], vector<16xf32>,
          tpu.vector_store_idx %arg14[%add3A_382, %add3A_373], %gather3A_383 : memref<128x128xf32, #tpu.memory_space<vmem>>[vector<16xi32>, vector<16xi32>], vector<16xf32>,
          %add3A_384 = arith.constant 1 : i32
          %add3A_385 = arith.addi %mul3A_122, %add3A_384 : i32
          %add3A_386 = vector.broadcast %add3A_385 : i32 to vector<16xi32>
          %add3A_387 = arith.addi %iota3A, %add3A_386 : vector<16xi32>
          %and3A_388 = arith.constant 15 : i32
          %and3A_389 = vector.broadcast %and3A_388 : i32 to vector<16xi32>
          %and3A_390 = arith.andi %add3A_387, %and3A_389 : vector<16xi32>
          %add3A_391 = vector.broadcast %mul3A_118 : i32 to vector<16xi32>
          %add3A_392 = arith.addi %add3A_391, %and3A_390 : vector<16xi32>
          %gather3A_393 = tpu.vector_load_idx %arg10[%add3A_373, %add3A_392] : memref<32x128xf32, #tpu.memory_space<vmem>>[vector<16xi32>, vector<16xi32>], vector<16xf32>,
          tpu.vector_store_idx %arg14[%add3A_392, %add3A_373], %gather3A_393 : memref<128x128xf32, #tpu.memory_space<vmem>>[vector<16xi32>, vector<16xi32>], vector<16xf32>,
          %add3A_394 = arith.constant 2 : i32
          %add3A_395 = arith.addi %mul3A_122, %add3A_394 : i32
          %add3A_396 = vector.broadcast %add3A_395 : i32 to vector<16xi32>
          %add3A_397 = arith.addi %iota3A, %add3A_396 : vector<16xi32>
          %and3A_398 = arith.constant 15 : i32
          %and3A_399 = vector.broadcast %and3A_398 : i32 to vector<16xi32>
          %and3A_400 = arith.andi %add3A_397, %and3A_399 : vector<16xi32>
          %add3A_401 = vector.broadcast %mul3A_118 : i32 to vector<16xi32>
          %add3A_402 = arith.addi %add3A_401, %and3A_400 : vector<16xi32>
          %gather3A_403 = tpu.vector_load_idx %arg10[%add3A_373, %add3A_402] : memref<32x128xf32, #tpu.memory_space<vmem>>[vector<16xi32>, vector<16xi32>], vector<16xf32>,
          tpu.vector_store_idx %arg14[%add3A_402, %add3A_373], %gather3A_403 : memref<128x128xf32, #tpu.memory_space<vmem>>[vector<16xi32>, vector<16xi32>], vector<16xf32>,
          %add3A_404 = arith.constant 3 : i32
          %add3A_405 = arith.addi %mul3A_122, %add3A_404 : i32
          %add3A_406 = vector.broadcast %add3A_405 : i32 to vector<16xi32>
          %add3A_407 = arith.addi %iota3A, %add3A_406 : vector<16xi32>
          %and3A_408 = arith.constant 15 : i32
          %and3A_409 = vector.broadcast %and3A_408 : i32 to vector<16xi32>
          %and3A_410 = arith.andi %add3A_407, %and3A_409 : vector<16xi32>
          %add3A_411 = vector.broadcast %mul3A_118 : i32 to vector<16xi32>
          %add3A_412 = arith.addi %add3A_411, %and3A_410 : vector<16xi32>
          %gather3A_413 = tpu.vector_load_idx %arg10[%add3A_373, %add3A_412] : memref<32x128xf32, #tpu.memory_space<vmem>>[vector<16xi32>, vector<16xi32>], vector<16xf32>,
          tpu.vector_store_idx %arg14[%add3A_412, %add3A_373], %gather3A_413 : memref<128x128xf32, #tpu.memory_space<vmem>>[vector<16xi32>, vector<16xi32>], vector<16xf32>,
          %add3A_414 = arith.constant 4 : i32
          %add3A_415 = arith.addi %mul3A_122, %add3A_414 : i32
          %add3A_416 = vector.broadcast %add3A_415 : i32 to vector<16xi32>
          %add3A_417 = arith.addi %iota3A, %add3A_416 : vector<16xi32>
          %and3A_418 = arith.constant 15 : i32
          %and3A_419 = vector.broadcast %and3A_418 : i32 to vector<16xi32>
          %and3A_420 = arith.andi %add3A_417, %and3A_419 : vector<16xi32>
          %add3A_421 = vector.broadcast %mul3A_118 : i32 to vector<16xi32>
          %add3A_422 = arith.addi %add3A_421, %and3A_420 : vector<16xi32>
          %gather3A_423 = tpu.vector_load_idx %arg10[%add3A_373, %add3A_422] : memref<32x128xf32, #tpu.memory_space<vmem>>[vector<16xi32>, vector<16xi32>], vector<16xf32>,
          tpu.vector_store_idx %arg14[%add3A_422, %add3A_373], %gather3A_423 : memref<128x128xf32, #tpu.memory_space<vmem>>[vector<16xi32>, vector<16xi32>], vector<16xf32>,
          %add3A_424 = arith.constant 5 : i32
          %add3A_425 = arith.addi %mul3A_122, %add3A_424 : i32
          %add3A_426 = vector.broadcast %add3A_425 : i32 to vector<16xi32>
          %add3A_427 = arith.addi %iota3A, %add3A_426 : vector<16xi32>
          %and3A_428 = arith.constant 15 : i32
          %and3A_429 = vector.broadcast %and3A_428 : i32 to vector<16xi32>
          %and3A_430 = arith.andi %add3A_427, %and3A_429 : vector<16xi32>
          %add3A_431 = vector.broadcast %mul3A_118 : i32 to vector<16xi32>
          %add3A_432 = arith.addi %add3A_431, %and3A_430 : vector<16xi32>
          %gather3A_433 = tpu.vector_load_idx %arg10[%add3A_373, %add3A_432] : memref<32x128xf32, #tpu.memory_space<vmem>>[vector<16xi32>, vector<16xi32>], vector<16xf32>,
          tpu.vector_store_idx %arg14[%add3A_432, %add3A_373], %gather3A_433 : memref<128x128xf32, #tpu.memory_space<vmem>>[vector<16xi32>, vector<16xi32>], vector<16xf32>,
          %add3A_434 = arith.constant 6 : i32
          %add3A_435 = arith.addi %mul3A_122, %add3A_434 : i32
          %add3A_436 = vector.broadcast %add3A_435 : i32 to vector<16xi32>
          %add3A_437 = arith.addi %iota3A, %add3A_436 : vector<16xi32>
          %and3A_438 = arith.constant 15 : i32
          %and3A_439 = vector.broadcast %and3A_438 : i32 to vector<16xi32>
          %and3A_440 = arith.andi %add3A_437, %and3A_439 : vector<16xi32>
          %add3A_441 = vector.broadcast %mul3A_118 : i32 to vector<16xi32>
          %add3A_442 = arith.addi %add3A_441, %and3A_440 : vector<16xi32>
          %gather3A_443 = tpu.vector_load_idx %arg10[%add3A_373, %add3A_442] : memref<32x128xf32, #tpu.memory_space<vmem>>[vector<16xi32>, vector<16xi32>], vector<16xf32>,
          tpu.vector_store_idx %arg14[%add3A_442, %add3A_373], %gather3A_443 : memref<128x128xf32, #tpu.memory_space<vmem>>[vector<16xi32>, vector<16xi32>], vector<16xf32>,
          %add3A_444 = arith.constant 7 : i32
          %add3A_445 = arith.addi %mul3A_122, %add3A_444 : i32
          %add3A_446 = vector.broadcast %add3A_445 : i32 to vector<16xi32>
          %add3A_447 = arith.addi %iota3A, %add3A_446 : vector<16xi32>
          %and3A_448 = arith.constant 15 : i32
          %and3A_449 = vector.broadcast %and3A_448 : i32 to vector<16xi32>
          %and3A_450 = arith.andi %add3A_447, %and3A_449 : vector<16xi32>
          %add3A_451 = vector.broadcast %mul3A_118 : i32 to vector<16xi32>
          %add3A_452 = arith.addi %add3A_451, %and3A_450 : vector<16xi32>
          %gather3A_453 = tpu.vector_load_idx %arg10[%add3A_373, %add3A_452] : memref<32x128xf32, #tpu.memory_space<vmem>>[vector<16xi32>, vector<16xi32>], vector<16xf32>,
          tpu.vector_store_idx %arg14[%add3A_452, %add3A_373], %gather3A_453 : memref<128x128xf32, #tpu.memory_space<vmem>>[vector<16xi32>, vector<16xi32>], vector<16xf32>,
        }
        %scan3A_104 = arith.constant 16 : i32
        %mul3A_105 = arith.constant 128 : i32
        %mul3A_106 = arith.muli %add3A_40, %mul3A_105 : i32
        %dma_start3A_107 = arith.constant 0 : i32
        %dma_start3A_108 = tpu.memref_slice %arg6[%mul3A_106, %dma_start3A_107] : memref<1000064x128xf32, #tpu.memory_space<hbm>> -> memref<128x128xf32, #tpu.memory_space<hbm>>
        %dma_start3A_109 = arith.constant 0 : i32
        %dma_start3A_110 = tpu.memref_slice %arg6[%mul3A_106, %dma_start3A_109] : memref<1000064x128xf32, #tpu.memory_space<hbm>> -> memref<128x128xf32, #tpu.memory_space<hbm>>
        tpu.enqueue_dma source(%arg12 : memref<128x128xf32, #tpu.memory_space<vmem>>) target(%dma_start3A_110 : memref<128x128xf32, #tpu.memory_space<hbm>>) target_semaphore(%arg20 : memref<!tpu.dma_semaphore, #tpu.memory_space<semaphore_mem>>)
        %dma_start3A_111 = arith.constant 0 : i32
        %dma_start3A_112 = tpu.memref_slice %arg7[%mul3A_106, %dma_start3A_111] : memref<1000064x128xf32, #tpu.memory_space<hbm>> -> memref<128x128xf32, #tpu.memory_space<hbm>>
        %dma_start3A_113 = arith.constant 0 : i32
        %dma_start3A_114 = tpu.memref_slice %arg7[%mul3A_106, %dma_start3A_113] : memref<1000064x128xf32, #tpu.memory_space<hbm>> -> memref<128x128xf32, #tpu.memory_space<hbm>>
        tpu.enqueue_dma source(%arg14 : memref<128x128xf32, #tpu.memory_space<vmem>>) target(%dma_start3A_114 : memref<128x128xf32, #tpu.memory_space<hbm>>) target_semaphore(%arg22 : memref<!tpu.dma_semaphore, #tpu.memory_space<semaphore_mem>>)
      } else {
      }
      %lt3A_60 = arith.constant 7812 : i32
      %lt3A_61 = arith.cmpi slt, %add3A_43, %lt3A_60 : i32
      %convert_element_type3A_62 = arith.extui %lt3A_61 : i1 to i32
      %cond3A_63 = arith.constant 0 : i32
      %cond3A_64 = arith.cmpi ne, %convert_element_type3A_62, %cond3A_63 : i32
      scf.if %cond3A_64 {
        %mul3A_99 = arith.constant 128 : i32
        %mul3A_100 = arith.muli %add3A_43, %mul3A_99 : i32
        %dma_start3A_101 = arith.constant 0 : i32
        %dma_start3A_102 = tpu.memref_slice %arg2[%dma_start3A_101, %mul3A_100] : memref<32x1000000xf32, #tpu.memory_space<hbm>> -> memref<32x128xf32, #tpu.memory_space<hbm>>
        %dma_start3A_103 = arith.constant 0 : i32
        %dma_start3A_104 = tpu.memref_slice %arg2[%dma_start3A_103, %mul3A_100] : memref<32x1000000xf32, #tpu.memory_space<hbm>> -> memref<32x128xf32, #tpu.memory_space<hbm>>
        tpu.enqueue_dma source(%dma_start3A_104 : memref<32x128xf32, #tpu.memory_space<hbm>>) target(%arg8 : memref<32x128xf32, #tpu.memory_space<vmem>>) target_semaphore(%arg16 : memref<!tpu.dma_semaphore, #tpu.memory_space<semaphore_mem>>)
        %dma_start3A_105 = arith.constant 0 : i32
        %dma_start3A_106 = tpu.memref_slice %arg3[%dma_start3A_105, %mul3A_100] : memref<32x1000000xf32, #tpu.memory_space<hbm>> -> memref<32x128xf32, #tpu.memory_space<hbm>>
        %dma_start3A_107 = arith.constant 0 : i32
        %dma_start3A_108 = tpu.memref_slice %arg3[%dma_start3A_107, %mul3A_100] : memref<32x1000000xf32, #tpu.memory_space<hbm>> -> memref<32x128xf32, #tpu.memory_space<hbm>>
        tpu.enqueue_dma source(%dma_start3A_108 : memref<32x128xf32, #tpu.memory_space<hbm>>) target(%arg10 : memref<32x128xf32, #tpu.memory_space<vmem>>) target_semaphore(%arg18 : memref<!tpu.dma_semaphore, #tpu.memory_space<semaphore_mem>>)
      } else {
      }
      %mul3A_65 = arith.constant 2 : i32
      %mul3A_66 = arith.muli %scan3A_35, %mul3A_65 : i32
      %add3A_67 = arith.constant 1 : i32
      %add3A_68 = arith.addi %mul3A_66, %add3A_67 : i32
      %mul3A_69 = arith.constant 32 : i32
      %mul3A_70 = arith.muli %add3A_68, %mul3A_69 : i32
      %add3A_71 = arith.addi %mul3A_70, %add3A : i32
      %sub3A_72 = arith.constant 64 : i32
      %sub3A_73 = arith.subi %add3A_71, %sub3A_72 : i32
      %add3A_74 = arith.constant 64 : i32
      %add3A_75 = arith.addi %add3A_71, %add3A_74 : i32
      %lt3A_76 = arith.constant 7812 : i32
      %lt3A_77 = arith.cmpi slt, %add3A_71, %lt3A_76 : i32
      %convert_element_type3A_78 = arith.extui %lt3A_77 : i1 to i32
      %cond3A_79 = arith.constant 0 : i32
      %cond3A_80 = arith.cmpi ne, %convert_element_type3A_78, %cond3A_79 : i32
      scf.if %cond3A_80 {
        %mul3A_99 = arith.constant 128 : i32
        %mul3A_100 = arith.muli %add3A_71, %mul3A_99 : i32
        %dma_wait3A = arith.constant 0 : i32
        %dma_wait3A_101 = tpu.memref_slice %arg2[%dma_wait3A, %mul3A_100] : memref<32x1000000xf32, #tpu.memory_space<hbm>> -> memref<32x128xf32, #tpu.memory_space<hbm>>
        %dma_wait3A_102 = arith.constant 0 : i32
        %dma_wait3A_103 = tpu.memref_slice %arg2[%dma_wait3A_102, %mul3A_100] : memref<32x1000000xf32, #tpu.memory_space<hbm>> -> memref<32x128xf32, #tpu.memory_space<hbm>>
        tpu.wait_dma2 semaphore(%arg17 : memref<!tpu.dma_semaphore, #tpu.memory_space<semaphore_mem>>) src(%dma_wait3A_103 : memref<32x128xf32, #tpu.memory_space<hbm>>) dst(%arg9 : memref<32x128xf32, #tpu.memory_space<vmem>>)
        %dma_wait3A_104 = arith.constant 0 : i32
        %dma_wait3A_105 = tpu.memref_slice %arg3[%dma_wait3A_104, %mul3A_100] : memref<32x1000000xf32, #tpu.memory_space<hbm>> -> memref<32x128xf32, #tpu.memory_space<hbm>>
        %dma_wait3A_106 = arith.constant 0 : i32
        %dma_wait3A_107 = tpu.memref_slice %arg3[%dma_wait3A_106, %mul3A_100] : memref<32x1000000xf32, #tpu.memory_space<hbm>> -> memref<32x128xf32, #tpu.memory_space<hbm>>
        tpu.wait_dma2 semaphore(%arg19 : memref<!tpu.dma_semaphore, #tpu.memory_space<semaphore_mem>>) src(%dma_wait3A_107 : memref<32x128xf32, #tpu.memory_space<hbm>>) dst(%arg11 : memref<32x128xf32, #tpu.memory_space<vmem>>)
      } else {
      }
      %ge3A_81 = arith.constant 0 : i32
      %ge3A_82 = arith.cmpi sge, %sub3A_73, %ge3A_81 : i32
      %lt3A_83 = arith.constant 7812 : i32
      %lt3A_84 = arith.cmpi slt, %sub3A_73, %lt3A_83 : i32
      %and3A_85 = arith.andi %ge3A_82, %lt3A_84 : i1
      %convert_element_type3A_86 = arith.extui %and3A_85 : i1 to i32
      %cond3A_87 = arith.constant 0 : i32
      %cond3A_88 = arith.cmpi ne, %convert_element_type3A_86, %cond3A_87 : i32
      scf.if %cond3A_88 {
        %mul3A_99 = arith.constant 128 : i32
        %mul3A_100 = arith.muli %sub3A_73, %mul3A_99 : i32
        %dma_wait3A = arith.constant 0 : i32
        %dma_wait3A_101 = tpu.memref_slice %arg6[%mul3A_100, %dma_wait3A] : memref<1000064x128xf32, #tpu.memory_space<hbm>> -> memref<128x128xf32, #tpu.memory_space<hbm>>
        %dma_wait3A_102 = arith.constant 0 : i32
        %dma_wait3A_103 = tpu.memref_slice %arg6[%mul3A_100, %dma_wait3A_102] : memref<1000064x128xf32, #tpu.memory_space<hbm>> -> memref<128x128xf32, #tpu.memory_space<hbm>>
        tpu.wait_dma2 semaphore(%arg21 : memref<!tpu.dma_semaphore, #tpu.memory_space<semaphore_mem>>) src(%arg13 : memref<128x128xf32, #tpu.memory_space<vmem>>) dst(%dma_wait3A_103 : memref<128x128xf32, #tpu.memory_space<hbm>>)
        %dma_wait3A_104 = arith.constant 0 : i32
        %dma_wait3A_105 = tpu.memref_slice %arg7[%mul3A_100, %dma_wait3A_104] : memref<1000064x128xf32, #tpu.memory_space<hbm>> -> memref<128x128xf32, #tpu.memory_space<hbm>>
        %dma_wait3A_106 = arith.constant 0 : i32
        %dma_wait3A_107 = tpu.memref_slice %arg7[%mul3A_100, %dma_wait3A_106] : memref<1000064x128xf32, #tpu.memory_space<hbm>> -> memref<128x128xf32, #tpu.memory_space<hbm>>
        tpu.wait_dma2 semaphore(%arg23 : memref<!tpu.dma_semaphore, #tpu.memory_space<semaphore_mem>>) src(%arg15 : memref<128x128xf32, #tpu.memory_space<vmem>>) dst(%dma_wait3A_107 : memref<128x128xf32, #tpu.memory_space<hbm>>)
      } else {
      }
      %lt3A_89 = arith.constant 7812 : i32
      %lt3A_90 = arith.cmpi slt, %add3A_71, %lt3A_89 : i32
      %convert_element_type3A_91 = arith.extui %lt3A_90 : i1 to i32
      %cond3A_92 = arith.constant 0 : i32
      %cond3A_93 = arith.cmpi ne, %convert_element_type3A_91, %cond3A_92 : i32
      scf.if %cond3A_93 {
        %scan3A_99 = arith.constant 0 : i32
        %scan3A_100 = arith.constant 0 : i32
        %scan3A_101 = arith.constant 16 : i32
        %scan3A_102 = arith.addi %scan3A_100, %scan3A_101 : i32
        %scan3A_103 = arith.constant 1 : i32
        scf.for %scan3A_115 = %scan3A_100 to %scan3A_102 step %scan3A_103  : i32 {
          %shift_right_arithmetic3A = arith.constant 1 : i32
          %shift_right_arithmetic3A_116 = arith.shrsi %scan3A_115, %shift_right_arithmetic3A : i32
          %mul3A_117 = arith.constant 16 : i32
          %mul3A_118 = arith.muli %shift_right_arithmetic3A_116, %mul3A_117 : i32
          %and3A_119 = arith.constant 1 : i32
          %and3A_120 = arith.andi %scan3A_115, %and3A_119 : i32
          %mul3A_121 = arith.constant 8 : i32
          %mul3A_122 = arith.muli %and3A_120, %mul3A_121 : i32
          %add3A_123 = arith.constant 0 : i32
          %add3A_124 = vector.broadcast %add3A_123 : i32 to vector<16xi32>
          %add3A_125 = arith.addi %iota3A, %add3A_124 : vector<16xi32>
          %add3A_126 = arith.constant 0 : i32
          %add3A_127 = arith.addi %mul3A_122, %add3A_126 : i32
          %add3A_128 = vector.broadcast %add3A_127 : i32 to vector<16xi32>
          %add3A_129 = arith.addi %iota3A, %add3A_128 : vector<16xi32>
          %and3A_130 = arith.constant 15 : i32
          %and3A_131 = vector.broadcast %and3A_130 : i32 to vector<16xi32>
          %and3A_132 = arith.andi %add3A_129, %and3A_131 : vector<16xi32>
          %add3A_133 = vector.broadcast %mul3A_118 : i32 to vector<16xi32>
          %add3A_134 = arith.addi %add3A_133, %and3A_132 : vector<16xi32>
          %gather3A = tpu.vector_load_idx %arg9[%add3A_125, %add3A_134] : memref<32x128xf32, #tpu.memory_space<vmem>>[vector<16xi32>, vector<16xi32>], vector<16xf32>,
          tpu.vector_store_idx %arg13[%add3A_134, %add3A_125], %gather3A : memref<128x128xf32, #tpu.memory_space<vmem>>[vector<16xi32>, vector<16xi32>], vector<16xf32>,
          %add3A_135 = arith.constant 1 : i32
          %add3A_136 = arith.addi %mul3A_122, %add3A_135 : i32
          %add3A_137 = vector.broadcast %add3A_136 : i32 to vector<16xi32>
          %add3A_138 = arith.addi %iota3A, %add3A_137 : vector<16xi32>
          %and3A_139 = arith.constant 15 : i32
          %and3A_140 = vector.broadcast %and3A_139 : i32 to vector<16xi32>
          %and3A_141 = arith.andi %add3A_138, %and3A_140 : vector<16xi32>
          %add3A_142 = vector.broadcast %mul3A_118 : i32 to vector<16xi32>
          %add3A_143 = arith.addi %add3A_142, %and3A_141 : vector<16xi32>
          %gather3A_144 = tpu.vector_load_idx %arg9[%add3A_125, %add3A_143] : memref<32x128xf32, #tpu.memory_space<vmem>>[vector<16xi32>, vector<16xi32>], vector<16xf32>,
          tpu.vector_store_idx %arg13[%add3A_143, %add3A_125], %gather3A_144 : memref<128x128xf32, #tpu.memory_space<vmem>>[vector<16xi32>, vector<16xi32>], vector<16xf32>,
          %add3A_145 = arith.constant 2 : i32
          %add3A_146 = arith.addi %mul3A_122, %add3A_145 : i32
          %add3A_147 = vector.broadcast %add3A_146 : i32 to vector<16xi32>
          %add3A_148 = arith.addi %iota3A, %add3A_147 : vector<16xi32>
          %and3A_149 = arith.constant 15 : i32
          %and3A_150 = vector.broadcast %and3A_149 : i32 to vector<16xi32>
          %and3A_151 = arith.andi %add3A_148, %and3A_150 : vector<16xi32>
          %add3A_152 = vector.broadcast %mul3A_118 : i32 to vector<16xi32>
          %add3A_153 = arith.addi %add3A_152, %and3A_151 : vector<16xi32>
          %gather3A_154 = tpu.vector_load_idx %arg9[%add3A_125, %add3A_153] : memref<32x128xf32, #tpu.memory_space<vmem>>[vector<16xi32>, vector<16xi32>], vector<16xf32>,
          tpu.vector_store_idx %arg13[%add3A_153, %add3A_125], %gather3A_154 : memref<128x128xf32, #tpu.memory_space<vmem>>[vector<16xi32>, vector<16xi32>], vector<16xf32>,
          %add3A_155 = arith.constant 3 : i32
          %add3A_156 = arith.addi %mul3A_122, %add3A_155 : i32
          %add3A_157 = vector.broadcast %add3A_156 : i32 to vector<16xi32>
          %add3A_158 = arith.addi %iota3A, %add3A_157 : vector<16xi32>
          %and3A_159 = arith.constant 15 : i32
          %and3A_160 = vector.broadcast %and3A_159 : i32 to vector<16xi32>
          %and3A_161 = arith.andi %add3A_158, %and3A_160 : vector<16xi32>
          %add3A_162 = vector.broadcast %mul3A_118 : i32 to vector<16xi32>
          %add3A_163 = arith.addi %add3A_162, %and3A_161 : vector<16xi32>
          %gather3A_164 = tpu.vector_load_idx %arg9[%add3A_125, %add3A_163] : memref<32x128xf32, #tpu.memory_space<vmem>>[vector<16xi32>, vector<16xi32>], vector<16xf32>,
          tpu.vector_store_idx %arg13[%add3A_163, %add3A_125], %gather3A_164 : memref<128x128xf32, #tpu.memory_space<vmem>>[vector<16xi32>, vector<16xi32>], vector<16xf32>,
          %add3A_165 = arith.constant 4 : i32
          %add3A_166 = arith.addi %mul3A_122, %add3A_165 : i32
          %add3A_167 = vector.broadcast %add3A_166 : i32 to vector<16xi32>
          %add3A_168 = arith.addi %iota3A, %add3A_167 : vector<16xi32>
          %and3A_169 = arith.constant 15 : i32
          %and3A_170 = vector.broadcast %and3A_169 : i32 to vector<16xi32>
          %and3A_171 = arith.andi %add3A_168, %and3A_170 : vector<16xi32>
          %add3A_172 = vector.broadcast %mul3A_118 : i32 to vector<16xi32>
          %add3A_173 = arith.addi %add3A_172, %and3A_171 : vector<16xi32>
          %gather3A_174 = tpu.vector_load_idx %arg9[%add3A_125, %add3A_173] : memref<32x128xf32, #tpu.memory_space<vmem>>[vector<16xi32>, vector<16xi32>], vector<16xf32>,
          tpu.vector_store_idx %arg13[%add3A_173, %add3A_125], %gather3A_174 : memref<128x128xf32, #tpu.memory_space<vmem>>[vector<16xi32>, vector<16xi32>], vector<16xf32>,
          %add3A_175 = arith.constant 5 : i32
          %add3A_176 = arith.addi %mul3A_122, %add3A_175 : i32
          %add3A_177 = vector.broadcast %add3A_176 : i32 to vector<16xi32>
          %add3A_178 = arith.addi %iota3A, %add3A_177 : vector<16xi32>
          %and3A_179 = arith.constant 15 : i32
          %and3A_180 = vector.broadcast %and3A_179 : i32 to vector<16xi32>
          %and3A_181 = arith.andi %add3A_178, %and3A_180 : vector<16xi32>
          %add3A_182 = vector.broadcast %mul3A_118 : i32 to vector<16xi32>
          %add3A_183 = arith.addi %add3A_182, %and3A_181 : vector<16xi32>
          %gather3A_184 = tpu.vector_load_idx %arg9[%add3A_125, %add3A_183] : memref<32x128xf32, #tpu.memory_space<vmem>>[vector<16xi32>, vector<16xi32>], vector<16xf32>,
          tpu.vector_store_idx %arg13[%add3A_183, %add3A_125], %gather3A_184 : memref<128x128xf32, #tpu.memory_space<vmem>>[vector<16xi32>, vector<16xi32>], vector<16xf32>,
          %add3A_185 = arith.constant 6 : i32
          %add3A_186 = arith.addi %mul3A_122, %add3A_185 : i32
          %add3A_187 = vector.broadcast %add3A_186 : i32 to vector<16xi32>
          %add3A_188 = arith.addi %iota3A, %add3A_187 : vector<16xi32>
          %and3A_189 = arith.constant 15 : i32
          %and3A_190 = vector.broadcast %and3A_189 : i32 to vector<16xi32>
          %and3A_191 = arith.andi %add3A_188, %and3A_190 : vector<16xi32>
          %add3A_192 = vector.broadcast %mul3A_118 : i32 to vector<16xi32>
          %add3A_193 = arith.addi %add3A_192, %and3A_191 : vector<16xi32>
          %gather3A_194 = tpu.vector_load_idx %arg9[%add3A_125, %add3A_193] : memref<32x128xf32, #tpu.memory_space<vmem>>[vector<16xi32>, vector<16xi32>], vector<16xf32>,
          tpu.vector_store_idx %arg13[%add3A_193, %add3A_125], %gather3A_194 : memref<128x128xf32, #tpu.memory_space<vmem>>[vector<16xi32>, vector<16xi32>], vector<16xf32>,
          %add3A_195 = arith.constant 7 : i32
          %add3A_196 = arith.addi %mul3A_122, %add3A_195 : i32
          %add3A_197 = vector.broadcast %add3A_196 : i32 to vector<16xi32>
          %add3A_198 = arith.addi %iota3A, %add3A_197 : vector<16xi32>
          %and3A_199 = arith.constant 15 : i32
          %and3A_200 = vector.broadcast %and3A_199 : i32 to vector<16xi32>
          %and3A_201 = arith.andi %add3A_198, %and3A_200 : vector<16xi32>
          %add3A_202 = vector.broadcast %mul3A_118 : i32 to vector<16xi32>
          %add3A_203 = arith.addi %add3A_202, %and3A_201 : vector<16xi32>
          %gather3A_204 = tpu.vector_load_idx %arg9[%add3A_125, %add3A_203] : memref<32x128xf32, #tpu.memory_space<vmem>>[vector<16xi32>, vector<16xi32>], vector<16xf32>,
          tpu.vector_store_idx %arg13[%add3A_203, %add3A_125], %gather3A_204 : memref<128x128xf32, #tpu.memory_space<vmem>>[vector<16xi32>, vector<16xi32>], vector<16xf32>,
          %add3A_205 = arith.constant 16 : i32
          %add3A_206 = vector.broadcast %add3A_205 : i32 to vector<16xi32>
          %add3A_207 = arith.addi %iota3A, %add3A_206 : vector<16xi32>
          %add3A_208 = arith.constant 0 : i32
          %add3A_209 = arith.addi %mul3A_122, %add3A_208 : i32
          %add3A_210 = vector.broadcast %add3A_209 : i32 to vector<16xi32>
          %add3A_211 = arith.addi %iota3A, %add3A_210 : vector<16xi32>
          %and3A_212 = arith.constant 15 : i32
          %and3A_213 = vector.broadcast %and3A_212 : i32 to vector<16xi32>
          %and3A_214 = arith.andi %add3A_211, %and3A_213 : vector<16xi32>
          %add3A_215 = vector.broadcast %mul3A_118 : i32 to vector<16xi32>
          %add3A_216 = arith.addi %add3A_215, %and3A_214 : vector<16xi32>
          %gather3A_217 = tpu.vector_load_idx %arg9[%add3A_207, %add3A_216] : memref<32x128xf32, #tpu.memory_space<vmem>>[vector<16xi32>, vector<16xi32>], vector<16xf32>,
          tpu.vector_store_idx %arg13[%add3A_216, %add3A_207], %gather3A_217 : memref<128x128xf32, #tpu.memory_space<vmem>>[vector<16xi32>, vector<16xi32>], vector<16xf32>,
          %add3A_218 = arith.constant 1 : i32
          %add3A_219 = arith.addi %mul3A_122, %add3A_218 : i32
          %add3A_220 = vector.broadcast %add3A_219 : i32 to vector<16xi32>
          %add3A_221 = arith.addi %iota3A, %add3A_220 : vector<16xi32>
          %and3A_222 = arith.constant 15 : i32
          %and3A_223 = vector.broadcast %and3A_222 : i32 to vector<16xi32>
          %and3A_224 = arith.andi %add3A_221, %and3A_223 : vector<16xi32>
          %add3A_225 = vector.broadcast %mul3A_118 : i32 to vector<16xi32>
          %add3A_226 = arith.addi %add3A_225, %and3A_224 : vector<16xi32>
          %gather3A_227 = tpu.vector_load_idx %arg9[%add3A_207, %add3A_226] : memref<32x128xf32, #tpu.memory_space<vmem>>[vector<16xi32>, vector<16xi32>], vector<16xf32>,
          tpu.vector_store_idx %arg13[%add3A_226, %add3A_207], %gather3A_227 : memref<128x128xf32, #tpu.memory_space<vmem>>[vector<16xi32>, vector<16xi32>], vector<16xf32>,
          %add3A_228 = arith.constant 2 : i32
          %add3A_229 = arith.addi %mul3A_122, %add3A_228 : i32
          %add3A_230 = vector.broadcast %add3A_229 : i32 to vector<16xi32>
          %add3A_231 = arith.addi %iota3A, %add3A_230 : vector<16xi32>
          %and3A_232 = arith.constant 15 : i32
          %and3A_233 = vector.broadcast %and3A_232 : i32 to vector<16xi32>
          %and3A_234 = arith.andi %add3A_231, %and3A_233 : vector<16xi32>
          %add3A_235 = vector.broadcast %mul3A_118 : i32 to vector<16xi32>
          %add3A_236 = arith.addi %add3A_235, %and3A_234 : vector<16xi32>
          %gather3A_237 = tpu.vector_load_idx %arg9[%add3A_207, %add3A_236] : memref<32x128xf32, #tpu.memory_space<vmem>>[vector<16xi32>, vector<16xi32>], vector<16xf32>,
          tpu.vector_store_idx %arg13[%add3A_236, %add3A_207], %gather3A_237 : memref<128x128xf32, #tpu.memory_space<vmem>>[vector<16xi32>, vector<16xi32>], vector<16xf32>,
          %add3A_238 = arith.constant 3 : i32
          %add3A_239 = arith.addi %mul3A_122, %add3A_238 : i32
          %add3A_240 = vector.broadcast %add3A_239 : i32 to vector<16xi32>
          %add3A_241 = arith.addi %iota3A, %add3A_240 : vector<16xi32>
          %and3A_242 = arith.constant 15 : i32
          %and3A_243 = vector.broadcast %and3A_242 : i32 to vector<16xi32>
          %and3A_244 = arith.andi %add3A_241, %and3A_243 : vector<16xi32>
          %add3A_245 = vector.broadcast %mul3A_118 : i32 to vector<16xi32>
          %add3A_246 = arith.addi %add3A_245, %and3A_244 : vector<16xi32>
          %gather3A_247 = tpu.vector_load_idx %arg9[%add3A_207, %add3A_246] : memref<32x128xf32, #tpu.memory_space<vmem>>[vector<16xi32>, vector<16xi32>], vector<16xf32>,
          tpu.vector_store_idx %arg13[%add3A_246, %add3A_207], %gather3A_247 : memref<128x128xf32, #tpu.memory_space<vmem>>[vector<16xi32>, vector<16xi32>], vector<16xf32>,
          %add3A_248 = arith.constant 4 : i32
          %add3A_249 = arith.addi %mul3A_122, %add3A_248 : i32
          %add3A_250 = vector.broadcast %add3A_249 : i32 to vector<16xi32>
          %add3A_251 = arith.addi %iota3A, %add3A_250 : vector<16xi32>
          %and3A_252 = arith.constant 15 : i32
          %and3A_253 = vector.broadcast %and3A_252 : i32 to vector<16xi32>
          %and3A_254 = arith.andi %add3A_251, %and3A_253 : vector<16xi32>
          %add3A_255 = vector.broadcast %mul3A_118 : i32 to vector<16xi32>
          %add3A_256 = arith.addi %add3A_255, %and3A_254 : vector<16xi32>
          %gather3A_257 = tpu.vector_load_idx %arg9[%add3A_207, %add3A_256] : memref<32x128xf32, #tpu.memory_space<vmem>>[vector<16xi32>, vector<16xi32>], vector<16xf32>,
          tpu.vector_store_idx %arg13[%add3A_256, %add3A_207], %gather3A_257 : memref<128x128xf32, #tpu.memory_space<vmem>>[vector<16xi32>, vector<16xi32>], vector<16xf32>,
          %add3A_258 = arith.constant 5 : i32
          %add3A_259 = arith.addi %mul3A_122, %add3A_258 : i32
          %add3A_260 = vector.broadcast %add3A_259 : i32 to vector<16xi32>
          %add3A_261 = arith.addi %iota3A, %add3A_260 : vector<16xi32>
          %and3A_262 = arith.constant 15 : i32
          %and3A_263 = vector.broadcast %and3A_262 : i32 to vector<16xi32>
          %and3A_264 = arith.andi %add3A_261, %and3A_263 : vector<16xi32>
          %add3A_265 = vector.broadcast %mul3A_118 : i32 to vector<16xi32>
          %add3A_266 = arith.addi %add3A_265, %and3A_264 : vector<16xi32>
          %gather3A_267 = tpu.vector_load_idx %arg9[%add3A_207, %add3A_266] : memref<32x128xf32, #tpu.memory_space<vmem>>[vector<16xi32>, vector<16xi32>], vector<16xf32>,
          tpu.vector_store_idx %arg13[%add3A_266, %add3A_207], %gather3A_267 : memref<128x128xf32, #tpu.memory_space<vmem>>[vector<16xi32>, vector<16xi32>], vector<16xf32>,
          %add3A_268 = arith.constant 6 : i32
          %add3A_269 = arith.addi %mul3A_122, %add3A_268 : i32
          %add3A_270 = vector.broadcast %add3A_269 : i32 to vector<16xi32>
          %add3A_271 = arith.addi %iota3A, %add3A_270 : vector<16xi32>
          %and3A_272 = arith.constant 15 : i32
          %and3A_273 = vector.broadcast %and3A_272 : i32 to vector<16xi32>
          %and3A_274 = arith.andi %add3A_271, %and3A_273 : vector<16xi32>
          %add3A_275 = vector.broadcast %mul3A_118 : i32 to vector<16xi32>
          %add3A_276 = arith.addi %add3A_275, %and3A_274 : vector<16xi32>
          %gather3A_277 = tpu.vector_load_idx %arg9[%add3A_207, %add3A_276] : memref<32x128xf32, #tpu.memory_space<vmem>>[vector<16xi32>, vector<16xi32>], vector<16xf32>,
          tpu.vector_store_idx %arg13[%add3A_276, %add3A_207], %gather3A_277 : memref<128x128xf32, #tpu.memory_space<vmem>>[vector<16xi32>, vector<16xi32>], vector<16xf32>,
          %add3A_278 = arith.constant 7 : i32
          %add3A_279 = arith.addi %mul3A_122, %add3A_278 : i32
          %add3A_280 = vector.broadcast %add3A_279 : i32 to vector<16xi32>
          %add3A_281 = arith.addi %iota3A, %add3A_280 : vector<16xi32>
          %and3A_282 = arith.constant 15 : i32
          %and3A_283 = vector.broadcast %and3A_282 : i32 to vector<16xi32>
          %and3A_284 = arith.andi %add3A_281, %and3A_283 : vector<16xi32>
          %add3A_285 = vector.broadcast %mul3A_118 : i32 to vector<16xi32>
          %add3A_286 = arith.addi %add3A_285, %and3A_284 : vector<16xi32>
          %gather3A_287 = tpu.vector_load_idx %arg9[%add3A_207, %add3A_286] : memref<32x128xf32, #tpu.memory_space<vmem>>[vector<16xi32>, vector<16xi32>], vector<16xf32>,
          tpu.vector_store_idx %arg13[%add3A_286, %add3A_207], %gather3A_287 : memref<128x128xf32, #tpu.memory_space<vmem>>[vector<16xi32>, vector<16xi32>], vector<16xf32>,
          %add3A_288 = arith.constant 0 : i32
          %add3A_289 = vector.broadcast %add3A_288 : i32 to vector<16xi32>
          %add3A_290 = arith.addi %iota3A, %add3A_289 : vector<16xi32>
          %add3A_291 = arith.constant 0 : i32
          %add3A_292 = arith.addi %mul3A_122, %add3A_291 : i32
          %add3A_293 = vector.broadcast %add3A_292 : i32 to vector<16xi32>
          %add3A_294 = arith.addi %iota3A, %add3A_293 : vector<16xi32>
          %and3A_295 = arith.constant 15 : i32
          %and3A_296 = vector.broadcast %and3A_295 : i32 to vector<16xi32>
          %and3A_297 = arith.andi %add3A_294, %and3A_296 : vector<16xi32>
          %add3A_298 = vector.broadcast %mul3A_118 : i32 to vector<16xi32>
          %add3A_299 = arith.addi %add3A_298, %and3A_297 : vector<16xi32>
          %gather3A_300 = tpu.vector_load_idx %arg11[%add3A_290, %add3A_299] : memref<32x128xf32, #tpu.memory_space<vmem>>[vector<16xi32>, vector<16xi32>], vector<16xf32>,
          tpu.vector_store_idx %arg15[%add3A_299, %add3A_290], %gather3A_300 : memref<128x128xf32, #tpu.memory_space<vmem>>[vector<16xi32>, vector<16xi32>], vector<16xf32>,
          %add3A_301 = arith.constant 1 : i32
          %add3A_302 = arith.addi %mul3A_122, %add3A_301 : i32
          %add3A_303 = vector.broadcast %add3A_302 : i32 to vector<16xi32>
          %add3A_304 = arith.addi %iota3A, %add3A_303 : vector<16xi32>
          %and3A_305 = arith.constant 15 : i32
          %and3A_306 = vector.broadcast %and3A_305 : i32 to vector<16xi32>
          %and3A_307 = arith.andi %add3A_304, %and3A_306 : vector<16xi32>
          %add3A_308 = vector.broadcast %mul3A_118 : i32 to vector<16xi32>
          %add3A_309 = arith.addi %add3A_308, %and3A_307 : vector<16xi32>
          %gather3A_310 = tpu.vector_load_idx %arg11[%add3A_290, %add3A_309] : memref<32x128xf32, #tpu.memory_space<vmem>>[vector<16xi32>, vector<16xi32>], vector<16xf32>,
          tpu.vector_store_idx %arg15[%add3A_309, %add3A_290], %gather3A_310 : memref<128x128xf32, #tpu.memory_space<vmem>>[vector<16xi32>, vector<16xi32>], vector<16xf32>,
          %add3A_311 = arith.constant 2 : i32
          %add3A_312 = arith.addi %mul3A_122, %add3A_311 : i32
          %add3A_313 = vector.broadcast %add3A_312 : i32 to vector<16xi32>
          %add3A_314 = arith.addi %iota3A, %add3A_313 : vector<16xi32>
          %and3A_315 = arith.constant 15 : i32
          %and3A_316 = vector.broadcast %and3A_315 : i32 to vector<16xi32>
          %and3A_317 = arith.andi %add3A_314, %and3A_316 : vector<16xi32>
          %add3A_318 = vector.broadcast %mul3A_118 : i32 to vector<16xi32>
          %add3A_319 = arith.addi %add3A_318, %and3A_317 : vector<16xi32>
          %gather3A_320 = tpu.vector_load_idx %arg11[%add3A_290, %add3A_319] : memref<32x128xf32, #tpu.memory_space<vmem>>[vector<16xi32>, vector<16xi32>], vector<16xf32>,
          tpu.vector_store_idx %arg15[%add3A_319, %add3A_290], %gather3A_320 : memref<128x128xf32, #tpu.memory_space<vmem>>[vector<16xi32>, vector<16xi32>], vector<16xf32>,
          %add3A_321 = arith.constant 3 : i32
          %add3A_322 = arith.addi %mul3A_122, %add3A_321 : i32
          %add3A_323 = vector.broadcast %add3A_322 : i32 to vector<16xi32>
          %add3A_324 = arith.addi %iota3A, %add3A_323 : vector<16xi32>
          %and3A_325 = arith.constant 15 : i32
          %and3A_326 = vector.broadcast %and3A_325 : i32 to vector<16xi32>
          %and3A_327 = arith.andi %add3A_324, %and3A_326 : vector<16xi32>
          %add3A_328 = vector.broadcast %mul3A_118 : i32 to vector<16xi32>
          %add3A_329 = arith.addi %add3A_328, %and3A_327 : vector<16xi32>
          %gather3A_330 = tpu.vector_load_idx %arg11[%add3A_290, %add3A_329] : memref<32x128xf32, #tpu.memory_space<vmem>>[vector<16xi32>, vector<16xi32>], vector<16xf32>,
          tpu.vector_store_idx %arg15[%add3A_329, %add3A_290], %gather3A_330 : memref<128x128xf32, #tpu.memory_space<vmem>>[vector<16xi32>, vector<16xi32>], vector<16xf32>,
          %add3A_331 = arith.constant 4 : i32
          %add3A_332 = arith.addi %mul3A_122, %add3A_331 : i32
          %add3A_333 = vector.broadcast %add3A_332 : i32 to vector<16xi32>
          %add3A_334 = arith.addi %iota3A, %add3A_333 : vector<16xi32>
          %and3A_335 = arith.constant 15 : i32
          %and3A_336 = vector.broadcast %and3A_335 : i32 to vector<16xi32>
          %and3A_337 = arith.andi %add3A_334, %and3A_336 : vector<16xi32>
          %add3A_338 = vector.broadcast %mul3A_118 : i32 to vector<16xi32>
          %add3A_339 = arith.addi %add3A_338, %and3A_337 : vector<16xi32>
          %gather3A_340 = tpu.vector_load_idx %arg11[%add3A_290, %add3A_339] : memref<32x128xf32, #tpu.memory_space<vmem>>[vector<16xi32>, vector<16xi32>], vector<16xf32>,
          tpu.vector_store_idx %arg15[%add3A_339, %add3A_290], %gather3A_340 : memref<128x128xf32, #tpu.memory_space<vmem>>[vector<16xi32>, vector<16xi32>], vector<16xf32>,
          %add3A_341 = arith.constant 5 : i32
          %add3A_342 = arith.addi %mul3A_122, %add3A_341 : i32
          %add3A_343 = vector.broadcast %add3A_342 : i32 to vector<16xi32>
          %add3A_344 = arith.addi %iota3A, %add3A_343 : vector<16xi32>
          %and3A_345 = arith.constant 15 : i32
          %and3A_346 = vector.broadcast %and3A_345 : i32 to vector<16xi32>
          %and3A_347 = arith.andi %add3A_344, %and3A_346 : vector<16xi32>
          %add3A_348 = vector.broadcast %mul3A_118 : i32 to vector<16xi32>
          %add3A_349 = arith.addi %add3A_348, %and3A_347 : vector<16xi32>
          %gather3A_350 = tpu.vector_load_idx %arg11[%add3A_290, %add3A_349] : memref<32x128xf32, #tpu.memory_space<vmem>>[vector<16xi32>, vector<16xi32>], vector<16xf32>,
          tpu.vector_store_idx %arg15[%add3A_349, %add3A_290], %gather3A_350 : memref<128x128xf32, #tpu.memory_space<vmem>>[vector<16xi32>, vector<16xi32>], vector<16xf32>,
          %add3A_351 = arith.constant 6 : i32
          %add3A_352 = arith.addi %mul3A_122, %add3A_351 : i32
          %add3A_353 = vector.broadcast %add3A_352 : i32 to vector<16xi32>
          %add3A_354 = arith.addi %iota3A, %add3A_353 : vector<16xi32>
          %and3A_355 = arith.constant 15 : i32
          %and3A_356 = vector.broadcast %and3A_355 : i32 to vector<16xi32>
          %and3A_357 = arith.andi %add3A_354, %and3A_356 : vector<16xi32>
          %add3A_358 = vector.broadcast %mul3A_118 : i32 to vector<16xi32>
          %add3A_359 = arith.addi %add3A_358, %and3A_357 : vector<16xi32>
          %gather3A_360 = tpu.vector_load_idx %arg11[%add3A_290, %add3A_359] : memref<32x128xf32, #tpu.memory_space<vmem>>[vector<16xi32>, vector<16xi32>], vector<16xf32>,
          tpu.vector_store_idx %arg15[%add3A_359, %add3A_290], %gather3A_360 : memref<128x128xf32, #tpu.memory_space<vmem>>[vector<16xi32>, vector<16xi32>], vector<16xf32>,
          %add3A_361 = arith.constant 7 : i32
          %add3A_362 = arith.addi %mul3A_122, %add3A_361 : i32
          %add3A_363 = vector.broadcast %add3A_362 : i32 to vector<16xi32>
          %add3A_364 = arith.addi %iota3A, %add3A_363 : vector<16xi32>
          %and3A_365 = arith.constant 15 : i32
          %and3A_366 = vector.broadcast %and3A_365 : i32 to vector<16xi32>
          %and3A_367 = arith.andi %add3A_364, %and3A_366 : vector<16xi32>
          %add3A_368 = vector.broadcast %mul3A_118 : i32 to vector<16xi32>
          %add3A_369 = arith.addi %add3A_368, %and3A_367 : vector<16xi32>
          %gather3A_370 = tpu.vector_load_idx %arg11[%add3A_290, %add3A_369] : memref<32x128xf32, #tpu.memory_space<vmem>>[vector<16xi32>, vector<16xi32>], vector<16xf32>,
          tpu.vector_store_idx %arg15[%add3A_369, %add3A_290], %gather3A_370 : memref<128x128xf32, #tpu.memory_space<vmem>>[vector<16xi32>, vector<16xi32>], vector<16xf32>,
          %add3A_371 = arith.constant 16 : i32
          %add3A_372 = vector.broadcast %add3A_371 : i32 to vector<16xi32>
          %add3A_373 = arith.addi %iota3A, %add3A_372 : vector<16xi32>
          %add3A_374 = arith.constant 0 : i32
          %add3A_375 = arith.addi %mul3A_122, %add3A_374 : i32
          %add3A_376 = vector.broadcast %add3A_375 : i32 to vector<16xi32>
          %add3A_377 = arith.addi %iota3A, %add3A_376 : vector<16xi32>
          %and3A_378 = arith.constant 15 : i32
          %and3A_379 = vector.broadcast %and3A_378 : i32 to vector<16xi32>
          %and3A_380 = arith.andi %add3A_377, %and3A_379 : vector<16xi32>
          %add3A_381 = vector.broadcast %mul3A_118 : i32 to vector<16xi32>
          %add3A_382 = arith.addi %add3A_381, %and3A_380 : vector<16xi32>
          %gather3A_383 = tpu.vector_load_idx %arg11[%add3A_373, %add3A_382] : memref<32x128xf32, #tpu.memory_space<vmem>>[vector<16xi32>, vector<16xi32>], vector<16xf32>,
          tpu.vector_store_idx %arg15[%add3A_382, %add3A_373], %gather3A_383 : memref<128x128xf32, #tpu.memory_space<vmem>>[vector<16xi32>, vector<16xi32>], vector<16xf32>,
          %add3A_384 = arith.constant 1 : i32
          %add3A_385 = arith.addi %mul3A_122, %add3A_384 : i32
          %add3A_386 = vector.broadcast %add3A_385 : i32 to vector<16xi32>
          %add3A_387 = arith.addi %iota3A, %add3A_386 : vector<16xi32>
          %and3A_388 = arith.constant 15 : i32
          %and3A_389 = vector.broadcast %and3A_388 : i32 to vector<16xi32>
          %and3A_390 = arith.andi %add3A_387, %and3A_389 : vector<16xi32>
          %add3A_391 = vector.broadcast %mul3A_118 : i32 to vector<16xi32>
          %add3A_392 = arith.addi %add3A_391, %and3A_390 : vector<16xi32>
          %gather3A_393 = tpu.vector_load_idx %arg11[%add3A_373, %add3A_392] : memref<32x128xf32, #tpu.memory_space<vmem>>[vector<16xi32>, vector<16xi32>], vector<16xf32>,
          tpu.vector_store_idx %arg15[%add3A_392, %add3A_373], %gather3A_393 : memref<128x128xf32, #tpu.memory_space<vmem>>[vector<16xi32>, vector<16xi32>], vector<16xf32>,
          %add3A_394 = arith.constant 2 : i32
          %add3A_395 = arith.addi %mul3A_122, %add3A_394 : i32
          %add3A_396 = vector.broadcast %add3A_395 : i32 to vector<16xi32>
          %add3A_397 = arith.addi %iota3A, %add3A_396 : vector<16xi32>
          %and3A_398 = arith.constant 15 : i32
          %and3A_399 = vector.broadcast %and3A_398 : i32 to vector<16xi32>
          %and3A_400 = arith.andi %add3A_397, %and3A_399 : vector<16xi32>
          %add3A_401 = vector.broadcast %mul3A_118 : i32 to vector<16xi32>
          %add3A_402 = arith.addi %add3A_401, %and3A_400 : vector<16xi32>
          %gather3A_403 = tpu.vector_load_idx %arg11[%add3A_373, %add3A_402] : memref<32x128xf32, #tpu.memory_space<vmem>>[vector<16xi32>, vector<16xi32>], vector<16xf32>,
          tpu.vector_store_idx %arg15[%add3A_402, %add3A_373], %gather3A_403 : memref<128x128xf32, #tpu.memory_space<vmem>>[vector<16xi32>, vector<16xi32>], vector<16xf32>,
          %add3A_404 = arith.constant 3 : i32
          %add3A_405 = arith.addi %mul3A_122, %add3A_404 : i32
          %add3A_406 = vector.broadcast %add3A_405 : i32 to vector<16xi32>
          %add3A_407 = arith.addi %iota3A, %add3A_406 : vector<16xi32>
          %and3A_408 = arith.constant 15 : i32
          %and3A_409 = vector.broadcast %and3A_408 : i32 to vector<16xi32>
          %and3A_410 = arith.andi %add3A_407, %and3A_409 : vector<16xi32>
          %add3A_411 = vector.broadcast %mul3A_118 : i32 to vector<16xi32>
          %add3A_412 = arith.addi %add3A_411, %and3A_410 : vector<16xi32>
          %gather3A_413 = tpu.vector_load_idx %arg11[%add3A_373, %add3A_412] : memref<32x128xf32, #tpu.memory_space<vmem>>[vector<16xi32>, vector<16xi32>], vector<16xf32>,
          tpu.vector_store_idx %arg15[%add3A_412, %add3A_373], %gather3A_413 : memref<128x128xf32, #tpu.memory_space<vmem>>[vector<16xi32>, vector<16xi32>], vector<16xf32>,
          %add3A_414 = arith.constant 4 : i32
          %add3A_415 = arith.addi %mul3A_122, %add3A_414 : i32
          %add3A_416 = vector.broadcast %add3A_415 : i32 to vector<16xi32>
          %add3A_417 = arith.addi %iota3A, %add3A_416 : vector<16xi32>
          %and3A_418 = arith.constant 15 : i32
          %and3A_419 = vector.broadcast %and3A_418 : i32 to vector<16xi32>
          %and3A_420 = arith.andi %add3A_417, %and3A_419 : vector<16xi32>
          %add3A_421 = vector.broadcast %mul3A_118 : i32 to vector<16xi32>
          %add3A_422 = arith.addi %add3A_421, %and3A_420 : vector<16xi32>
          %gather3A_423 = tpu.vector_load_idx %arg11[%add3A_373, %add3A_422] : memref<32x128xf32, #tpu.memory_space<vmem>>[vector<16xi32>, vector<16xi32>], vector<16xf32>,
          tpu.vector_store_idx %arg15[%add3A_422, %add3A_373], %gather3A_423 : memref<128x128xf32, #tpu.memory_space<vmem>>[vector<16xi32>, vector<16xi32>], vector<16xf32>,
          %add3A_424 = arith.constant 5 : i32
          %add3A_425 = arith.addi %mul3A_122, %add3A_424 : i32
          %add3A_426 = vector.broadcast %add3A_425 : i32 to vector<16xi32>
          %add3A_427 = arith.addi %iota3A, %add3A_426 : vector<16xi32>
          %and3A_428 = arith.constant 15 : i32
          %and3A_429 = vector.broadcast %and3A_428 : i32 to vector<16xi32>
          %and3A_430 = arith.andi %add3A_427, %and3A_429 : vector<16xi32>
          %add3A_431 = vector.broadcast %mul3A_118 : i32 to vector<16xi32>
          %add3A_432 = arith.addi %add3A_431, %and3A_430 : vector<16xi32>
          %gather3A_433 = tpu.vector_load_idx %arg11[%add3A_373, %add3A_432] : memref<32x128xf32, #tpu.memory_space<vmem>>[vector<16xi32>, vector<16xi32>], vector<16xf32>,
          tpu.vector_store_idx %arg15[%add3A_432, %add3A_373], %gather3A_433 : memref<128x128xf32, #tpu.memory_space<vmem>>[vector<16xi32>, vector<16xi32>], vector<16xf32>,
          %add3A_434 = arith.constant 6 : i32
          %add3A_435 = arith.addi %mul3A_122, %add3A_434 : i32
          %add3A_436 = vector.broadcast %add3A_435 : i32 to vector<16xi32>
          %add3A_437 = arith.addi %iota3A, %add3A_436 : vector<16xi32>
          %and3A_438 = arith.constant 15 : i32
          %and3A_439 = vector.broadcast %and3A_438 : i32 to vector<16xi32>
          %and3A_440 = arith.andi %add3A_437, %and3A_439 : vector<16xi32>
          %add3A_441 = vector.broadcast %mul3A_118 : i32 to vector<16xi32>
          %add3A_442 = arith.addi %add3A_441, %and3A_440 : vector<16xi32>
          %gather3A_443 = tpu.vector_load_idx %arg11[%add3A_373, %add3A_442] : memref<32x128xf32, #tpu.memory_space<vmem>>[vector<16xi32>, vector<16xi32>], vector<16xf32>,
          tpu.vector_store_idx %arg15[%add3A_442, %add3A_373], %gather3A_443 : memref<128x128xf32, #tpu.memory_space<vmem>>[vector<16xi32>, vector<16xi32>], vector<16xf32>,
          %add3A_444 = arith.constant 7 : i32
          %add3A_445 = arith.addi %mul3A_122, %add3A_444 : i32
          %add3A_446 = vector.broadcast %add3A_445 : i32 to vector<16xi32>
          %add3A_447 = arith.addi %iota3A, %add3A_446 : vector<16xi32>
          %and3A_448 = arith.constant 15 : i32
          %and3A_449 = vector.broadcast %and3A_448 : i32 to vector<16xi32>
          %and3A_450 = arith.andi %add3A_447, %and3A_449 : vector<16xi32>
          %add3A_451 = vector.broadcast %mul3A_118 : i32 to vector<16xi32>
          %add3A_452 = arith.addi %add3A_451, %and3A_450 : vector<16xi32>
          %gather3A_453 = tpu.vector_load_idx %arg11[%add3A_373, %add3A_452] : memref<32x128xf32, #tpu.memory_space<vmem>>[vector<16xi32>, vector<16xi32>], vector<16xf32>,
          tpu.vector_store_idx %arg15[%add3A_452, %add3A_373], %gather3A_453 : memref<128x128xf32, #tpu.memory_space<vmem>>[vector<16xi32>, vector<16xi32>], vector<16xf32>,
        }
        %scan3A_104 = arith.constant 16 : i32
        %mul3A_105 = arith.constant 128 : i32
        %mul3A_106 = arith.muli %add3A_71, %mul3A_105 : i32
        %dma_start3A_107 = arith.constant 0 : i32
        %dma_start3A_108 = tpu.memref_slice %arg6[%mul3A_106, %dma_start3A_107] : memref<1000064x128xf32, #tpu.memory_space<hbm>> -> memref<128x128xf32, #tpu.memory_space<hbm>>
        %dma_start3A_109 = arith.constant 0 : i32
        %dma_start3A_110 = tpu.memref_slice %arg6[%mul3A_106, %dma_start3A_109] : memref<1000064x128xf32, #tpu.memory_space<hbm>> -> memref<128x128xf32, #tpu.memory_space<hbm>>
        tpu.enqueue_dma source(%arg13 : memref<128x128xf32, #tpu.memory_space<vmem>>) target(%dma_start3A_110 : memref<128x128xf32, #tpu.memory_space<hbm>>) target_semaphore(%arg21 : memref<!tpu.dma_semaphore, #tpu.memory_space<semaphore_mem>>)
        %dma_start3A_111 = arith.constant 0 : i32
        %dma_start3A_112 = tpu.memref_slice %arg7[%mul3A_106, %dma_start3A_111] : memref<1000064x128xf32, #tpu.memory_space<hbm>> -> memref<128x128xf32, #tpu.memory_space<hbm>>
        %dma_start3A_113 = arith.constant 0 : i32
        %dma_start3A_114 = tpu.memref_slice %arg7[%mul3A_106, %dma_start3A_113] : memref<1000064x128xf32, #tpu.memory_space<hbm>> -> memref<128x128xf32, #tpu.memory_space<hbm>>
        tpu.enqueue_dma source(%arg15 : memref<128x128xf32, #tpu.memory_space<vmem>>) target(%dma_start3A_114 : memref<128x128xf32, #tpu.memory_space<hbm>>) target_semaphore(%arg23 : memref<!tpu.dma_semaphore, #tpu.memory_space<semaphore_mem>>)
      } else {
      }
      %lt3A_94 = arith.constant 7812 : i32
      %lt3A_95 = arith.cmpi slt, %add3A_75, %lt3A_94 : i32
      %convert_element_type3A_96 = arith.extui %lt3A_95 : i1 to i32
      %cond3A_97 = arith.constant 0 : i32
      %cond3A_98 = arith.cmpi ne, %convert_element_type3A_96, %cond3A_97 : i32
      scf.if %cond3A_98 {
        %mul3A_99 = arith.constant 128 : i32
        %mul3A_100 = arith.muli %add3A_75, %mul3A_99 : i32
        %dma_start3A_101 = arith.constant 0 : i32
        %dma_start3A_102 = tpu.memref_slice %arg2[%dma_start3A_101, %mul3A_100] : memref<32x1000000xf32, #tpu.memory_space<hbm>> -> memref<32x128xf32, #tpu.memory_space<hbm>>
        %dma_start3A_103 = arith.constant 0 : i32
        %dma_start3A_104 = tpu.memref_slice %arg2[%dma_start3A_103, %mul3A_100] : memref<32x1000000xf32, #tpu.memory_space<hbm>> -> memref<32x128xf32, #tpu.memory_space<hbm>>
        tpu.enqueue_dma source(%dma_start3A_104 : memref<32x128xf32, #tpu.memory_space<hbm>>) target(%arg9 : memref<32x128xf32, #tpu.memory_space<vmem>>) target_semaphore(%arg17 : memref<!tpu.dma_semaphore, #tpu.memory_space<semaphore_mem>>)
        %dma_start3A_105 = arith.constant 0 : i32
        %dma_start3A_106 = tpu.memref_slice %arg3[%dma_start3A_105, %mul3A_100] : memref<32x1000000xf32, #tpu.memory_space<hbm>> -> memref<32x128xf32, #tpu.memory_space<hbm>>
        %dma_start3A_107 = arith.constant 0 : i32
        %dma_start3A_108 = tpu.memref_slice %arg3[%dma_start3A_107, %mul3A_100] : memref<32x1000000xf32, #tpu.memory_space<hbm>> -> memref<32x128xf32, #tpu.memory_space<hbm>>
        tpu.enqueue_dma source(%dma_start3A_108 : memref<32x128xf32, #tpu.memory_space<hbm>>) target(%arg11 : memref<32x128xf32, #tpu.memory_space<vmem>>) target_semaphore(%arg19 : memref<!tpu.dma_semaphore, #tpu.memory_space<semaphore_mem>>)
      } else {
      }
    }
    %scan3A_26 = arith.constant 123 : i32
    %add3A_27 = arith.constant 7808 : i32
    %add3A_28 = arith.addi %add3A, %add3A_27 : i32
    %lt3A = arith.constant 7812 : i32
    %lt3A_29 = arith.cmpi slt, %add3A_28, %lt3A : i32
    %convert_element_type3A = arith.extui %lt3A_29 : i1 to i32
    %cond3A = arith.constant 0 : i32
    %cond3A_30 = arith.cmpi ne, %convert_element_type3A, %cond3A : i32
    scf.if %cond3A_30 {
      %add3A_35 = arith.constant 7808 : i32
      %add3A_36 = arith.addi %add3A, %add3A_35 : i32
      %mul3A_37 = arith.constant 128 : i32
      %mul3A_38 = arith.muli %add3A_36, %mul3A_37 : i32
      %dma_wait3A = arith.constant 0 : i32
      %dma_wait3A_39 = tpu.memref_slice %arg6[%mul3A_38, %dma_wait3A] : memref<1000064x128xf32, #tpu.memory_space<hbm>> -> memref<128x128xf32, #tpu.memory_space<hbm>>
      %dma_wait3A_40 = arith.constant 0 : i32
      %dma_wait3A_41 = tpu.memref_slice %arg6[%mul3A_38, %dma_wait3A_40] : memref<1000064x128xf32, #tpu.memory_space<hbm>> -> memref<128x128xf32, #tpu.memory_space<hbm>>
      tpu.wait_dma2 semaphore(%arg20 : memref<!tpu.dma_semaphore, #tpu.memory_space<semaphore_mem>>) src(%arg12 : memref<128x128xf32, #tpu.memory_space<vmem>>) dst(%dma_wait3A_41 : memref<128x128xf32, #tpu.memory_space<hbm>>)
      %dma_wait3A_42 = arith.constant 0 : i32
      %dma_wait3A_43 = tpu.memref_slice %arg7[%mul3A_38, %dma_wait3A_42] : memref<1000064x128xf32, #tpu.memory_space<hbm>> -> memref<128x128xf32, #tpu.memory_space<hbm>>
      %dma_wait3A_44 = arith.constant 0 : i32
      %dma_wait3A_45 = tpu.memref_slice %arg7[%mul3A_38, %dma_wait3A_44] : memref<1000064x128xf32, #tpu.memory_space<hbm>> -> memref<128x128xf32, #tpu.memory_space<hbm>>
      tpu.wait_dma2 semaphore(%arg22 : memref<!tpu.dma_semaphore, #tpu.memory_space<semaphore_mem>>) src(%arg14 : memref<128x128xf32, #tpu.memory_space<vmem>>) dst(%dma_wait3A_45 : memref<128x128xf32, #tpu.memory_space<hbm>>)
    } else {
    }
    %eq3A = arith.constant 31 : i32
    %eq3A_31 = arith.cmpi eq, %add3A, %eq3A : i32
    %convert_element_type3A_32 = arith.extui %eq3A_31 : i1 to i32
    %cond3A_33 = arith.constant 0 : i32
    %cond3A_34 = arith.cmpi ne, %convert_element_type3A_32, %cond3A_33 : i32
    scf.if %cond3A_34 {
      "tpu.region"() ({
        %run_scoped3A = tpu.sem_alloc : memref<!tpu.dma_semaphore, #tpu.memory_space<semaphore_mem>>
        %dma_start3A_35 = arith.constant 999936 : i32
        %dma_start3A_36 = arith.constant 0 : i32
        %dma_start3A_37 = tpu.memref_slice %arg6[%dma_start3A_35, %dma_start3A_36] : memref<1000064x128xf32, #tpu.memory_space<hbm>> -> memref<128x128xf32, #tpu.memory_space<hbm>>
        tpu.enqueue_dma source(%arg4 : memref<128x128xf32, #tpu.memory_space<hbm>>) target(%dma_start3A_37 : memref<128x128xf32, #tpu.memory_space<hbm>>) target_semaphore(%run_scoped3A : memref<!tpu.dma_semaphore, #tpu.memory_space<semaphore_mem>>)
        %dma_wait3A = arith.constant 999936 : i32
        %dma_wait3A_38 = arith.constant 0 : i32
        %dma_wait3A_39 = tpu.memref_slice %arg6[%dma_wait3A, %dma_wait3A_38] : memref<1000064x128xf32, #tpu.memory_space<hbm>> -> memref<128x128xf32, #tpu.memory_space<hbm>>
        tpu.wait_dma2 semaphore(%run_scoped3A : memref<!tpu.dma_semaphore, #tpu.memory_space<semaphore_mem>>) src(%arg4 : memref<128x128xf32, #tpu.memory_space<hbm>>) dst(%dma_wait3A_39 : memref<128x128xf32, #tpu.memory_space<hbm>>)
        tpu.yield
      }) : () -> ()
      "tpu.region"() ({
        %run_scoped3A = tpu.sem_alloc : memref<!tpu.dma_semaphore, #tpu.memory_space<semaphore_mem>>
        %dma_start3A_35 = arith.constant 999936 : i32
        %dma_start3A_36 = arith.constant 0 : i32
        %dma_start3A_37 = tpu.memref_slice %arg7[%dma_start3A_35, %dma_start3A_36] : memref<1000064x128xf32, #tpu.memory_space<hbm>> -> memref<128x128xf32, #tpu.memory_space<hbm>>
        tpu.enqueue_dma source(%arg5 : memref<128x128xf32, #tpu.memory_space<hbm>>) target(%dma_start3A_37 : memref<128x128xf32, #tpu.memory_space<hbm>>) target_semaphore(%run_scoped3A : memref<!tpu.dma_semaphore, #tpu.memory_space<semaphore_mem>>)
        %dma_wait3A = arith.constant 999936 : i32
        %dma_wait3A_38 = arith.constant 0 : i32
        %dma_wait3A_39 = tpu.memref_slice %arg7[%dma_wait3A, %dma_wait3A_38] : memref<1000064x128xf32, #tpu.memory_space<hbm>> -> memref<128x128xf32, #tpu.memory_space<hbm>>
        tpu.wait_dma2 semaphore(%run_scoped3A : memref<!tpu.dma_semaphore, #tpu.memory_space<semaphore_mem>>) src(%arg5 : memref<128x128xf32, #tpu.memory_space<hbm>>) dst(%dma_wait3A_39 : memref<128x128xf32, #tpu.memory_space<hbm>>)
        tpu.yield
      }) : () -> ()
    } else {
    }
    return
  }
}

#map = affine_map<(d0, d1) -> (0, 0)>
#map1 = affine_map<(d0, d1) -> (0, 0, 0)>
module attributes {stable_mosaic.version = 14 : i64} {
  func.func @_gather_sc(%arg0: i32, %arg1: i32, %arg2: memref<20x16384xi32, #tpu.memory_space<hbm>>, %arg3: memref<1000064x128xf32, #tpu.memory_space<hbm>>, %arg4: memref<1000064x128xf32, #tpu.memory_space<hbm>>, %arg5: memref<20x32x16384xf32, #tpu.memory_space<hbm>>, %arg6: memref<20x32x16384xf32, #tpu.memory_space<hbm>>, %arg7: memref<128xi32, #tpu.memory_space<vmem>>, %arg8: memref<128xi32, #tpu.memory_space<vmem>>, %arg9: memref<128x128xf32, #tpu.memory_space<vmem>>, %arg10: memref<128x128xf32, #tpu.memory_space<vmem>>, %arg11: memref<128x128xf32, #tpu.memory_space<vmem>>, %arg12: memref<128x128xf32, #tpu.memory_space<vmem>>, %arg13: memref<32x128xf32, #tpu.memory_space<vmem>>, %arg14: memref<32x128xf32, #tpu.memory_space<vmem>>, %arg15: memref<32x128xf32, #tpu.memory_space<vmem>>, %arg16: memref<32x128xf32, #tpu.memory_space<vmem>>, %arg17: memref<!tpu.dma_semaphore, #tpu.memory_space<semaphore_mem>>, %arg18: memref<!tpu.dma_semaphore, #tpu.memory_space<semaphore_mem>>, %arg19: memref<!tpu.dma_semaphore, #tpu.memory_space<semaphore_mem>>, %arg20: memref<!tpu.dma_semaphore, #tpu.memory_space<semaphore_mem>>, %arg21: memref<!tpu.dma_semaphore, #tpu.memory_space<semaphore_mem>>, %arg22: memref<!tpu.dma_semaphore, #tpu.memory_space<semaphore_mem>>, %arg23: memref<!tpu.dma_semaphore, #tpu.memory_space<semaphore_mem>>, %arg24: memref<!tpu.dma_semaphore, #tpu.memory_space<semaphore_mem>>) attributes {dimension_semantics = [#tpu.dimension_semantics<core_parallel>, #tpu.dimension_semantics<subcore_parallel>], iteration_bounds = array<i64: 2, 16>, scalar_prefetch = 0 : i64, scratch_operands = 18 : i64, tpu.core_type = #tpu.core_type<sc_vector_subcore>, window_params = [{transform_indices = #map}, {transform_indices = #map}, {transform_indices = #map}, {transform_indices = #map1}, {transform_indices = #map1}]} {
    %mul3A = arith.constant 2 : i32
    %mul3A_0 = arith.muli %arg1, %mul3A : i32
    %add3A = arith.addi %mul3A_0, %arg0 : i32
    %mul3A_1 = arith.constant 512 : i32
    %mul3A_2 = arith.muli %add3A, %mul3A_1 : i32
    %iota3A = tpu.iota {dimensions = array<i32: 0>} : vector<16xi32>
    %add3A_3 = arith.constant 0 : i32
    %add3A_4 = arith.addi %mul3A_2, %add3A_3 : i32
    %run_scoped3A = arith.constant 0 : i32
    "tpu.region"() ({
      %run_scoped3A_55 = tpu.sem_alloc : memref<!tpu.dma_semaphore, #tpu.memory_space<semaphore_mem>>
      %dma_start3A_56 = tpu.memref_slice %arg2[%run_scoped3A, %add3A_4] : memref<20x16384xi32, #tpu.memory_space<hbm>> -> memref<1x128xi32, #tpu.memory_space<hbm>>
      %dma_start3A_57 = tpu.memref_squeeze %dma_start3A_56 : memref<1x128xi32, #tpu.memory_space<hbm>> -> memref<128xi32, #tpu.memory_space<hbm>>
      %dma_start3A_58 = tpu.memref_slice %arg2[%run_scoped3A, %add3A_4] : memref<20x16384xi32, #tpu.memory_space<hbm>> -> memref<1x128xi32, #tpu.memory_space<hbm>>
      %dma_start3A_59 = tpu.memref_squeeze %dma_start3A_58 : memref<1x128xi32, #tpu.memory_space<hbm>> -> memref<128xi32, #tpu.memory_space<hbm>>
      tpu.enqueue_dma source(%dma_start3A_59 : memref<128xi32, #tpu.memory_space<hbm>>) target(%arg7 : memref<128xi32, #tpu.memory_space<vmem>>) target_semaphore(%run_scoped3A_55 : memref<!tpu.dma_semaphore, #tpu.memory_space<semaphore_mem>>)
      %dma_wait3A_60 = tpu.memref_slice %arg2[%run_scoped3A, %add3A_4] : memref<20x16384xi32, #tpu.memory_space<hbm>> -> memref<1x128xi32, #tpu.memory_space<hbm>>
      %dma_wait3A_61 = tpu.memref_squeeze %dma_wait3A_60 : memref<1x128xi32, #tpu.memory_space<hbm>> -> memref<128xi32, #tpu.memory_space<hbm>>
      %dma_wait3A_62 = tpu.memref_slice %arg2[%run_scoped3A, %add3A_4] : memref<20x16384xi32, #tpu.memory_space<hbm>> -> memref<1x128xi32, #tpu.memory_space<hbm>>
      %dma_wait3A_63 = tpu.memref_squeeze %dma_wait3A_62 : memref<1x128xi32, #tpu.memory_space<hbm>> -> memref<128xi32, #tpu.memory_space<hbm>>
      tpu.wait_dma2 semaphore(%run_scoped3A_55 : memref<!tpu.dma_semaphore, #tpu.memory_space<semaphore_mem>>) src(%dma_wait3A_63 : memref<128xi32, #tpu.memory_space<hbm>>) dst(%arg7 : memref<128xi32, #tpu.memory_space<vmem>>)
      tpu.yield
    }) : () -> ()
    %dma_start3A = arith.constant 0 : i32
    %dma_start3A_5 = arith.constant 0 : i32
    %dma_start3A_6 = tpu.memref_slice %arg3[%dma_start3A, %dma_start3A_5] : memref<1000064x128xf32, #tpu.memory_space<hbm>> -> memref<1000064x128xf32, #tpu.memory_space<hbm>>
    tpu.enqueue_indirect_dma source(%dma_start3A_6 : memref<1000064x128xf32, #tpu.memory_space<hbm>>) target(%arg9 : memref<128x128xf32, #tpu.memory_space<vmem>>) offsets(%arg7 : memref<128xi32, #tpu.memory_space<vmem>>) semaphore(%arg17 : memref<!tpu.dma_semaphore, #tpu.memory_space<semaphore_mem>>)
    %dma_start3A_7 = arith.constant 0 : i32
    %dma_start3A_8 = arith.constant 0 : i32
    %dma_start3A_9 = tpu.memref_slice %arg4[%dma_start3A_7, %dma_start3A_8] : memref<1000064x128xf32, #tpu.memory_space<hbm>> -> memref<1000064x128xf32, #tpu.memory_space<hbm>>
    tpu.enqueue_indirect_dma source(%dma_start3A_9 : memref<1000064x128xf32, #tpu.memory_space<hbm>>) target(%arg11 : memref<128x128xf32, #tpu.memory_space<vmem>>) offsets(%arg7 : memref<128xi32, #tpu.memory_space<vmem>>) semaphore(%arg19 : memref<!tpu.dma_semaphore, #tpu.memory_space<semaphore_mem>>)
    %add3A_10 = arith.constant 128 : i32
    %add3A_11 = arith.addi %mul3A_2, %add3A_10 : i32
    %run_scoped3A_12 = arith.constant 0 : i32
    "tpu.region"() ({
      %run_scoped3A_55 = tpu.sem_alloc : memref<!tpu.dma_semaphore, #tpu.memory_space<semaphore_mem>>
      %dma_start3A_56 = tpu.memref_slice %arg2[%run_scoped3A_12, %add3A_11] : memref<20x16384xi32, #tpu.memory_space<hbm>> -> memref<1x128xi32, #tpu.memory_space<hbm>>
      %dma_start3A_57 = tpu.memref_squeeze %dma_start3A_56 : memref<1x128xi32, #tpu.memory_space<hbm>> -> memref<128xi32, #tpu.memory_space<hbm>>
      %dma_start3A_58 = tpu.memref_slice %arg2[%run_scoped3A_12, %add3A_11] : memref<20x16384xi32, #tpu.memory_space<hbm>> -> memref<1x128xi32, #tpu.memory_space<hbm>>
      %dma_start3A_59 = tpu.memref_squeeze %dma_start3A_58 : memref<1x128xi32, #tpu.memory_space<hbm>> -> memref<128xi32, #tpu.memory_space<hbm>>
      tpu.enqueue_dma source(%dma_start3A_59 : memref<128xi32, #tpu.memory_space<hbm>>) target(%arg8 : memref<128xi32, #tpu.memory_space<vmem>>) target_semaphore(%run_scoped3A_55 : memref<!tpu.dma_semaphore, #tpu.memory_space<semaphore_mem>>)
      %dma_wait3A_60 = tpu.memref_slice %arg2[%run_scoped3A_12, %add3A_11] : memref<20x16384xi32, #tpu.memory_space<hbm>> -> memref<1x128xi32, #tpu.memory_space<hbm>>
      %dma_wait3A_61 = tpu.memref_squeeze %dma_wait3A_60 : memref<1x128xi32, #tpu.memory_space<hbm>> -> memref<128xi32, #tpu.memory_space<hbm>>
      %dma_wait3A_62 = tpu.memref_slice %arg2[%run_scoped3A_12, %add3A_11] : memref<20x16384xi32, #tpu.memory_space<hbm>> -> memref<1x128xi32, #tpu.memory_space<hbm>>
      %dma_wait3A_63 = tpu.memref_squeeze %dma_wait3A_62 : memref<1x128xi32, #tpu.memory_space<hbm>> -> memref<128xi32, #tpu.memory_space<hbm>>
      tpu.wait_dma2 semaphore(%run_scoped3A_55 : memref<!tpu.dma_semaphore, #tpu.memory_space<semaphore_mem>>) src(%dma_wait3A_63 : memref<128xi32, #tpu.memory_space<hbm>>) dst(%arg8 : memref<128xi32, #tpu.memory_space<vmem>>)
      tpu.yield
    }) : () -> ()
    %dma_start3A_13 = arith.constant 0 : i32
    %dma_start3A_14 = arith.constant 0 : i32
    %dma_start3A_15 = tpu.memref_slice %arg3[%dma_start3A_13, %dma_start3A_14] : memref<1000064x128xf32, #tpu.memory_space<hbm>> -> memref<1000064x128xf32, #tpu.memory_space<hbm>>
    tpu.enqueue_indirect_dma source(%dma_start3A_15 : memref<1000064x128xf32, #tpu.memory_space<hbm>>) target(%arg10 : memref<128x128xf32, #tpu.memory_space<vmem>>) offsets(%arg8 : memref<128xi32, #tpu.memory_space<vmem>>) semaphore(%arg18 : memref<!tpu.dma_semaphore, #tpu.memory_space<semaphore_mem>>)
    %dma_start3A_16 = arith.constant 0 : i32
    %dma_start3A_17 = arith.constant 0 : i32
    %dma_start3A_18 = tpu.memref_slice %arg4[%dma_start3A_16, %dma_start3A_17] : memref<1000064x128xf32, #tpu.memory_space<hbm>> -> memref<1000064x128xf32, #tpu.memory_space<hbm>>
    tpu.enqueue_indirect_dma source(%dma_start3A_18 : memref<1000064x128xf32, #tpu.memory_space<hbm>>) target(%arg12 : memref<128x128xf32, #tpu.memory_space<vmem>>) offsets(%arg8 : memref<128xi32, #tpu.memory_space<vmem>>) semaphore(%arg20 : memref<!tpu.dma_semaphore, #tpu.memory_space<semaphore_mem>>)
    %scan3A = arith.constant 0 : i32
    %scan3A_19 = arith.constant 0 : i32
    %scan3A_20 = arith.constant 40 : i32
    %scan3A_21 = arith.addi %scan3A_19, %scan3A_20 : i32
    %scan3A_22 = arith.constant 1 : i32
    scf.for %scan3A_55 = %scan3A_19 to %scan3A_21 step %scan3A_22  : i32 {
      %mul3A_56 = arith.constant 2 : i32
      %mul3A_57 = arith.muli %scan3A_55, %mul3A_56 : i32
      %dma_wait3A_58 = arith.constant 0 : i32
      %dma_wait3A_59 = arith.constant 0 : i32
      %dma_wait3A_60 = tpu.memref_slice %arg3[%dma_wait3A_58, %dma_wait3A_59] : memref<1000064x128xf32, #tpu.memory_space<hbm>> -> memref<1000064x128xf32, #tpu.memory_space<hbm>>
      tpu.wait_indirect_dma semaphore(%arg17 : memref<!tpu.dma_semaphore, #tpu.memory_space<semaphore_mem>>) src(%dma_wait3A_60 : memref<1000064x128xf32, #tpu.memory_space<hbm>>) dst(%arg9 : memref<128x128xf32, #tpu.memory_space<vmem>>)
      %dma_wait3A_61 = arith.constant 0 : i32
      %dma_wait3A_62 = arith.constant 0 : i32
      %dma_wait3A_63 = tpu.memref_slice %arg4[%dma_wait3A_61, %dma_wait3A_62] : memref<1000064x128xf32, #tpu.memory_space<hbm>> -> memref<1000064x128xf32, #tpu.memory_space<hbm>>
      tpu.wait_indirect_dma semaphore(%arg19 : memref<!tpu.dma_semaphore, #tpu.memory_space<semaphore_mem>>) src(%dma_wait3A_63 : memref<1000064x128xf32, #tpu.memory_space<hbm>>) dst(%arg11 : memref<128x128xf32, #tpu.memory_space<vmem>>)
      %ge3A = arith.constant 2 : i32
      %ge3A_64 = arith.cmpi sge, %mul3A_57, %ge3A : i32
      %convert_element_type3A = arith.extui %ge3A_64 : i1 to i32
      %cond3A = arith.constant 0 : i32
      %cond3A_65 = arith.cmpi ne, %convert_element_type3A, %cond3A : i32
      scf.if %cond3A_65 {
        %sub3A_207 = arith.constant 2 : i32
        %sub3A_208 = arith.subi %mul3A_57, %sub3A_207 : i32
        %jit3A_209 = arith.constant 4 : i32
        %div3A_210 = arith.divsi %sub3A_208, %jit3A_209 : i32
        %sign3A_211 = arith.constant 0 : i32
        %sign3A_212 = arith.cmpi sgt, %sub3A_208, %sign3A_211 : i32
        %sign3A_213 = arith.extui %sign3A_212 : i1 to i32
        %sign3A_214 = arith.constant 0 : i32
        %sign3A_215 = arith.cmpi slt, %sub3A_208, %sign3A_214 : i32
        %sign3A_216 = arith.extui %sign3A_215 : i1 to i32
        %sign3A_217 = arith.subi %sign3A_213, %sign3A_216 : i32
        %sign3A_218 = arith.constant 0 : i32
        %sign3A_219 = arith.cmpi sgt, %jit3A_209, %sign3A_218 : i32
        %sign3A_220 = arith.extui %sign3A_219 : i1 to i32
        %sign3A_221 = arith.constant 0 : i32
        %sign3A_222 = arith.cmpi slt, %jit3A_209, %sign3A_221 : i32
        %sign3A_223 = arith.extui %sign3A_222 : i1 to i32
        %sign3A_224 = arith.subi %sign3A_220, %sign3A_223 : i32
        %ne3A_225 = arith.cmpi ne, %sign3A_217, %sign3A_224 : i32
        %rem3A_226 = arith.remsi %sub3A_208, %jit3A_209 : i32
        %ne3A_227 = arith.constant 0 : i32
        %ne3A_228 = arith.cmpi ne, %rem3A_226, %ne3A_227 : i32
        %and3A_229 = arith.andi %ne3A_225, %ne3A_228 : i1
        %sub3A_230 = arith.constant 1 : i32
        %sub3A_231 = arith.subi %div3A_210, %sub3A_230 : i32
        %select_n3A_232 = arith.select %and3A_229, %sub3A_231, %div3A_210 : i32
        %jit3A_233 = arith.constant 4 : i32
        %eq3A_234 = arith.constant 0 : i32
        %eq3A_235 = arith.cmpi eq, %jit3A_233, %eq3A_234 : i32
        %jit3A_236 = arith.constant 1 : i32
        %select_n3A_237 = arith.select %eq3A_235, %jit3A_236, %jit3A_233 : i32
        %rem3A_238 = arith.remsi %sub3A_208, %select_n3A_237 : i32
        %ne3A_239 = arith.constant 0 : i32
        %ne3A_240 = arith.cmpi ne, %rem3A_238, %ne3A_239 : i32
        %lt3A_241 = arith.constant 0 : i32
        %lt3A_242 = arith.cmpi slt, %rem3A_238, %lt3A_241 : i32
        %lt3A_243 = arith.constant 0 : i32
        %lt3A_244 = arith.cmpi slt, %select_n3A_237, %lt3A_243 : i32
        %ne3A_245 = arith.xori %lt3A_242, %lt3A_244 : i1
        %and3A_246 = arith.andi %ne3A_245, %ne3A_240 : i1
        %add3A_247 = arith.addi %rem3A_238, %select_n3A_237 : i32
        %select_n3A_248 = arith.select %and3A_246, %add3A_247, %rem3A_238 : i32
        %mul3A_249 = arith.constant 128 : i32
        %mul3A_250 = arith.muli %select_n3A_248, %mul3A_249 : i32
        %add3A_251 = arith.addi %mul3A_2, %mul3A_250 : i32
        %dma_wait3A_252 = arith.constant 0 : i32
        %dma_wait3A_253 = tpu.memref_slice %arg5[%select_n3A_232, %dma_wait3A_252, %add3A_251] : memref<20x32x16384xf32, #tpu.memory_space<hbm>> -> memref<1x32x128xf32, #tpu.memory_space<hbm>>
        %dma_wait3A_254 = tpu.memref_squeeze %dma_wait3A_253 : memref<1x32x128xf32, #tpu.memory_space<hbm>> -> memref<32x128xf32, #tpu.memory_space<hbm>>
        %dma_wait3A_255 = arith.constant 0 : i32
        %dma_wait3A_256 = tpu.memref_slice %arg5[%select_n3A_232, %dma_wait3A_255, %add3A_251] : memref<20x32x16384xf32, #tpu.memory_space<hbm>> -> memref<1x32x128xf32, #tpu.memory_space<hbm>>
        %dma_wait3A_257 = tpu.memref_squeeze %dma_wait3A_256 : memref<1x32x128xf32, #tpu.memory_space<hbm>> -> memref<32x128xf32, #tpu.memory_space<hbm>>
        tpu.wait_dma2 semaphore(%arg21 : memref<!tpu.dma_semaphore, #tpu.memory_space<semaphore_mem>>) src(%arg13 : memref<32x128xf32, #tpu.memory_space<vmem>>) dst(%dma_wait3A_257 : memref<32x128xf32, #tpu.memory_space<hbm>>)
        %dma_wait3A_258 = arith.constant 0 : i32
        %dma_wait3A_259 = tpu.memref_slice %arg6[%select_n3A_232, %dma_wait3A_258, %add3A_251] : memref<20x32x16384xf32, #tpu.memory_space<hbm>> -> memref<1x32x128xf32, #tpu.memory_space<hbm>>
        %dma_wait3A_260 = tpu.memref_squeeze %dma_wait3A_259 : memref<1x32x128xf32, #tpu.memory_space<hbm>> -> memref<32x128xf32, #tpu.memory_space<hbm>>
        %dma_wait3A_261 = arith.constant 0 : i32
        %dma_wait3A_262 = tpu.memref_slice %arg6[%select_n3A_232, %dma_wait3A_261, %add3A_251] : memref<20x32x16384xf32, #tpu.memory_space<hbm>> -> memref<1x32x128xf32, #tpu.memory_space<hbm>>
        %dma_wait3A_263 = tpu.memref_squeeze %dma_wait3A_262 : memref<1x32x128xf32, #tpu.memory_space<hbm>> -> memref<32x128xf32, #tpu.memory_space<hbm>>
        tpu.wait_dma2 semaphore(%arg23 : memref<!tpu.dma_semaphore, #tpu.memory_space<semaphore_mem>>) src(%arg15 : memref<32x128xf32, #tpu.memory_space<vmem>>) dst(%dma_wait3A_263 : memref<32x128xf32, #tpu.memory_space<hbm>>)
      } else {
      }
      %scan3A_66 = arith.constant 0 : i32
      %scan3A_67 = arith.constant 0 : i32
      %scan3A_68 = arith.constant 16 : i32
      %scan3A_69 = arith.addi %scan3A_67, %scan3A_68 : i32
      %scan3A_70 = arith.constant 1 : i32
      scf.for %scan3A_207 = %scan3A_67 to %scan3A_69 step %scan3A_70  : i32 {
        %shift_right_arithmetic3A = arith.constant 1 : i32
        %shift_right_arithmetic3A_208 = arith.shrsi %scan3A_207, %shift_right_arithmetic3A : i32
        %mul3A_209 = arith.constant 16 : i32
        %mul3A_210 = arith.muli %shift_right_arithmetic3A_208, %mul3A_209 : i32
        %add3A_211 = vector.broadcast %mul3A_210 : i32 to vector<16xi32>
        %add3A_212 = arith.addi %iota3A, %add3A_211 : vector<16xi32>
        %and3A_213 = arith.constant 1 : i32
        %and3A_214 = arith.andi %scan3A_207, %and3A_213 : i32
        %mul3A_215 = arith.constant 8 : i32
        %mul3A_216 = arith.muli %and3A_214, %mul3A_215 : i32
        %add3A_217 = arith.constant 0 : i32
        %add3A_218 = arith.addi %mul3A_216, %add3A_217 : i32
        %add3A_219 = vector.broadcast %add3A_218 : i32 to vector<16xi32>
        %add3A_220 = arith.addi %iota3A, %add3A_219 : vector<16xi32>
        %and3A_221 = arith.constant 15 : i32
        %and3A_222 = vector.broadcast %and3A_221 : i32 to vector<16xi32>
        %and3A_223 = arith.andi %add3A_220, %and3A_222 : vector<16xi32>
        %add3A_224 = arith.constant 0 : i32
        %add3A_225 = vector.broadcast %add3A_224 : i32 to vector<16xi32>
        %add3A_226 = arith.addi %add3A_225, %and3A_223 : vector<16xi32>
        %gather3A = tpu.vector_load_idx %arg9[%add3A_212, %add3A_226] : memref<128x128xf32, #tpu.memory_space<vmem>>[vector<16xi32>, vector<16xi32>], vector<16xf32>,
        tpu.vector_store_idx %arg13[%add3A_226, %add3A_212], %gather3A : memref<32x128xf32, #tpu.memory_space<vmem>>[vector<16xi32>, vector<16xi32>], vector<16xf32>,
        %add3A_227 = arith.constant 1 : i32
        %add3A_228 = arith.addi %mul3A_216, %add3A_227 : i32
        %add3A_229 = vector.broadcast %add3A_228 : i32 to vector<16xi32>
        %add3A_230 = arith.addi %iota3A, %add3A_229 : vector<16xi32>
        %and3A_231 = arith.constant 15 : i32
        %and3A_232 = vector.broadcast %and3A_231 : i32 to vector<16xi32>
        %and3A_233 = arith.andi %add3A_230, %and3A_232 : vector<16xi32>
        %add3A_234 = arith.constant 0 : i32
        %add3A_235 = vector.broadcast %add3A_234 : i32 to vector<16xi32>
        %add3A_236 = arith.addi %add3A_235, %and3A_233 : vector<16xi32>
        %gather3A_237 = tpu.vector_load_idx %arg9[%add3A_212, %add3A_236] : memref<128x128xf32, #tpu.memory_space<vmem>>[vector<16xi32>, vector<16xi32>], vector<16xf32>,
        tpu.vector_store_idx %arg13[%add3A_236, %add3A_212], %gather3A_237 : memref<32x128xf32, #tpu.memory_space<vmem>>[vector<16xi32>, vector<16xi32>], vector<16xf32>,
        %add3A_238 = arith.constant 2 : i32
        %add3A_239 = arith.addi %mul3A_216, %add3A_238 : i32
        %add3A_240 = vector.broadcast %add3A_239 : i32 to vector<16xi32>
        %add3A_241 = arith.addi %iota3A, %add3A_240 : vector<16xi32>
        %and3A_242 = arith.constant 15 : i32
        %and3A_243 = vector.broadcast %and3A_242 : i32 to vector<16xi32>
        %and3A_244 = arith.andi %add3A_241, %and3A_243 : vector<16xi32>
        %add3A_245 = arith.constant 0 : i32
        %add3A_246 = vector.broadcast %add3A_245 : i32 to vector<16xi32>
        %add3A_247 = arith.addi %add3A_246, %and3A_244 : vector<16xi32>
        %gather3A_248 = tpu.vector_load_idx %arg9[%add3A_212, %add3A_247] : memref<128x128xf32, #tpu.memory_space<vmem>>[vector<16xi32>, vector<16xi32>], vector<16xf32>,
        tpu.vector_store_idx %arg13[%add3A_247, %add3A_212], %gather3A_248 : memref<32x128xf32, #tpu.memory_space<vmem>>[vector<16xi32>, vector<16xi32>], vector<16xf32>,
        %add3A_249 = arith.constant 3 : i32
        %add3A_250 = arith.addi %mul3A_216, %add3A_249 : i32
        %add3A_251 = vector.broadcast %add3A_250 : i32 to vector<16xi32>
        %add3A_252 = arith.addi %iota3A, %add3A_251 : vector<16xi32>
        %and3A_253 = arith.constant 15 : i32
        %and3A_254 = vector.broadcast %and3A_253 : i32 to vector<16xi32>
        %and3A_255 = arith.andi %add3A_252, %and3A_254 : vector<16xi32>
        %add3A_256 = arith.constant 0 : i32
        %add3A_257 = vector.broadcast %add3A_256 : i32 to vector<16xi32>
        %add3A_258 = arith.addi %add3A_257, %and3A_255 : vector<16xi32>
        %gather3A_259 = tpu.vector_load_idx %arg9[%add3A_212, %add3A_258] : memref<128x128xf32, #tpu.memory_space<vmem>>[vector<16xi32>, vector<16xi32>], vector<16xf32>,
        tpu.vector_store_idx %arg13[%add3A_258, %add3A_212], %gather3A_259 : memref<32x128xf32, #tpu.memory_space<vmem>>[vector<16xi32>, vector<16xi32>], vector<16xf32>,
        %add3A_260 = arith.constant 4 : i32
        %add3A_261 = arith.addi %mul3A_216, %add3A_260 : i32
        %add3A_262 = vector.broadcast %add3A_261 : i32 to vector<16xi32>
        %add3A_263 = arith.addi %iota3A, %add3A_262 : vector<16xi32>
        %and3A_264 = arith.constant 15 : i32
        %and3A_265 = vector.broadcast %and3A_264 : i32 to vector<16xi32>
        %and3A_266 = arith.andi %add3A_263, %and3A_265 : vector<16xi32>
        %add3A_267 = arith.constant 0 : i32
        %add3A_268 = vector.broadcast %add3A_267 : i32 to vector<16xi32>
        %add3A_269 = arith.addi %add3A_268, %and3A_266 : vector<16xi32>
        %gather3A_270 = tpu.vector_load_idx %arg9[%add3A_212, %add3A_269] : memref<128x128xf32, #tpu.memory_space<vmem>>[vector<16xi32>, vector<16xi32>], vector<16xf32>,
        tpu.vector_store_idx %arg13[%add3A_269, %add3A_212], %gather3A_270 : memref<32x128xf32, #tpu.memory_space<vmem>>[vector<16xi32>, vector<16xi32>], vector<16xf32>,
        %add3A_271 = arith.constant 5 : i32
        %add3A_272 = arith.addi %mul3A_216, %add3A_271 : i32
        %add3A_273 = vector.broadcast %add3A_272 : i32 to vector<16xi32>
        %add3A_274 = arith.addi %iota3A, %add3A_273 : vector<16xi32>
        %and3A_275 = arith.constant 15 : i32
        %and3A_276 = vector.broadcast %and3A_275 : i32 to vector<16xi32>
        %and3A_277 = arith.andi %add3A_274, %and3A_276 : vector<16xi32>
        %add3A_278 = arith.constant 0 : i32
        %add3A_279 = vector.broadcast %add3A_278 : i32 to vector<16xi32>
        %add3A_280 = arith.addi %add3A_279, %and3A_277 : vector<16xi32>
        %gather3A_281 = tpu.vector_load_idx %arg9[%add3A_212, %add3A_280] : memref<128x128xf32, #tpu.memory_space<vmem>>[vector<16xi32>, vector<16xi32>], vector<16xf32>,
        tpu.vector_store_idx %arg13[%add3A_280, %add3A_212], %gather3A_281 : memref<32x128xf32, #tpu.memory_space<vmem>>[vector<16xi32>, vector<16xi32>], vector<16xf32>,
        %add3A_282 = arith.constant 6 : i32
        %add3A_283 = arith.addi %mul3A_216, %add3A_282 : i32
        %add3A_284 = vector.broadcast %add3A_283 : i32 to vector<16xi32>
        %add3A_285 = arith.addi %iota3A, %add3A_284 : vector<16xi32>
        %and3A_286 = arith.constant 15 : i32
        %and3A_287 = vector.broadcast %and3A_286 : i32 to vector<16xi32>
        %and3A_288 = arith.andi %add3A_285, %and3A_287 : vector<16xi32>
        %add3A_289 = arith.constant 0 : i32
        %add3A_290 = vector.broadcast %add3A_289 : i32 to vector<16xi32>
        %add3A_291 = arith.addi %add3A_290, %and3A_288 : vector<16xi32>
        %gather3A_292 = tpu.vector_load_idx %arg9[%add3A_212, %add3A_291] : memref<128x128xf32, #tpu.memory_space<vmem>>[vector<16xi32>, vector<16xi32>], vector<16xf32>,
        tpu.vector_store_idx %arg13[%add3A_291, %add3A_212], %gather3A_292 : memref<32x128xf32, #tpu.memory_space<vmem>>[vector<16xi32>, vector<16xi32>], vector<16xf32>,
        %add3A_293 = arith.constant 7 : i32
        %add3A_294 = arith.addi %mul3A_216, %add3A_293 : i32
        %add3A_295 = vector.broadcast %add3A_294 : i32 to vector<16xi32>
        %add3A_296 = arith.addi %iota3A, %add3A_295 : vector<16xi32>
        %and3A_297 = arith.constant 15 : i32
        %and3A_298 = vector.broadcast %and3A_297 : i32 to vector<16xi32>
        %and3A_299 = arith.andi %add3A_296, %and3A_298 : vector<16xi32>
        %add3A_300 = arith.constant 0 : i32
        %add3A_301 = vector.broadcast %add3A_300 : i32 to vector<16xi32>
        %add3A_302 = arith.addi %add3A_301, %and3A_299 : vector<16xi32>
        %gather3A_303 = tpu.vector_load_idx %arg9[%add3A_212, %add3A_302] : memref<128x128xf32, #tpu.memory_space<vmem>>[vector<16xi32>, vector<16xi32>], vector<16xf32>,
        tpu.vector_store_idx %arg13[%add3A_302, %add3A_212], %gather3A_303 : memref<32x128xf32, #tpu.memory_space<vmem>>[vector<16xi32>, vector<16xi32>], vector<16xf32>,
        %add3A_304 = arith.constant 0 : i32
        %add3A_305 = arith.addi %mul3A_216, %add3A_304 : i32
        %add3A_306 = vector.broadcast %add3A_305 : i32 to vector<16xi32>
        %add3A_307 = arith.addi %iota3A, %add3A_306 : vector<16xi32>
        %and3A_308 = arith.constant 15 : i32
        %and3A_309 = vector.broadcast %and3A_308 : i32 to vector<16xi32>
        %and3A_310 = arith.andi %add3A_307, %and3A_309 : vector<16xi32>
        %add3A_311 = arith.constant 16 : i32
        %add3A_312 = vector.broadcast %add3A_311 : i32 to vector<16xi32>
        %add3A_313 = arith.addi %add3A_312, %and3A_310 : vector<16xi32>
        %gather3A_314 = tpu.vector_load_idx %arg9[%add3A_212, %add3A_313] : memref<128x128xf32, #tpu.memory_space<vmem>>[vector<16xi32>, vector<16xi32>], vector<16xf32>,
        tpu.vector_store_idx %arg13[%add3A_313, %add3A_212], %gather3A_314 : memref<32x128xf32, #tpu.memory_space<vmem>>[vector<16xi32>, vector<16xi32>], vector<16xf32>,
        %add3A_315 = arith.constant 1 : i32
        %add3A_316 = arith.addi %mul3A_216, %add3A_315 : i32
        %add3A_317 = vector.broadcast %add3A_316 : i32 to vector<16xi32>
        %add3A_318 = arith.addi %iota3A, %add3A_317 : vector<16xi32>
        %and3A_319 = arith.constant 15 : i32
        %and3A_320 = vector.broadcast %and3A_319 : i32 to vector<16xi32>
        %and3A_321 = arith.andi %add3A_318, %and3A_320 : vector<16xi32>
        %add3A_322 = arith.constant 16 : i32
        %add3A_323 = vector.broadcast %add3A_322 : i32 to vector<16xi32>
        %add3A_324 = arith.addi %add3A_323, %and3A_321 : vector<16xi32>
        %gather3A_325 = tpu.vector_load_idx %arg9[%add3A_212, %add3A_324] : memref<128x128xf32, #tpu.memory_space<vmem>>[vector<16xi32>, vector<16xi32>], vector<16xf32>,
        tpu.vector_store_idx %arg13[%add3A_324, %add3A_212], %gather3A_325 : memref<32x128xf32, #tpu.memory_space<vmem>>[vector<16xi32>, vector<16xi32>], vector<16xf32>,
        %add3A_326 = arith.constant 2 : i32
        %add3A_327 = arith.addi %mul3A_216, %add3A_326 : i32
        %add3A_328 = vector.broadcast %add3A_327 : i32 to vector<16xi32>
        %add3A_329 = arith.addi %iota3A, %add3A_328 : vector<16xi32>
        %and3A_330 = arith.constant 15 : i32
        %and3A_331 = vector.broadcast %and3A_330 : i32 to vector<16xi32>
        %and3A_332 = arith.andi %add3A_329, %and3A_331 : vector<16xi32>
        %add3A_333 = arith.constant 16 : i32
        %add3A_334 = vector.broadcast %add3A_333 : i32 to vector<16xi32>
        %add3A_335 = arith.addi %add3A_334, %and3A_332 : vector<16xi32>
        %gather3A_336 = tpu.vector_load_idx %arg9[%add3A_212, %add3A_335] : memref<128x128xf32, #tpu.memory_space<vmem>>[vector<16xi32>, vector<16xi32>], vector<16xf32>,
        tpu.vector_store_idx %arg13[%add3A_335, %add3A_212], %gather3A_336 : memref<32x128xf32, #tpu.memory_space<vmem>>[vector<16xi32>, vector<16xi32>], vector<16xf32>,
        %add3A_337 = arith.constant 3 : i32
        %add3A_338 = arith.addi %mul3A_216, %add3A_337 : i32
        %add3A_339 = vector.broadcast %add3A_338 : i32 to vector<16xi32>
        %add3A_340 = arith.addi %iota3A, %add3A_339 : vector<16xi32>
        %and3A_341 = arith.constant 15 : i32
        %and3A_342 = vector.broadcast %and3A_341 : i32 to vector<16xi32>
        %and3A_343 = arith.andi %add3A_340, %and3A_342 : vector<16xi32>
        %add3A_344 = arith.constant 16 : i32
        %add3A_345 = vector.broadcast %add3A_344 : i32 to vector<16xi32>
        %add3A_346 = arith.addi %add3A_345, %and3A_343 : vector<16xi32>
        %gather3A_347 = tpu.vector_load_idx %arg9[%add3A_212, %add3A_346] : memref<128x128xf32, #tpu.memory_space<vmem>>[vector<16xi32>, vector<16xi32>], vector<16xf32>,
        tpu.vector_store_idx %arg13[%add3A_346, %add3A_212], %gather3A_347 : memref<32x128xf32, #tpu.memory_space<vmem>>[vector<16xi32>, vector<16xi32>], vector<16xf32>,
        %add3A_348 = arith.constant 4 : i32
        %add3A_349 = arith.addi %mul3A_216, %add3A_348 : i32
        %add3A_350 = vector.broadcast %add3A_349 : i32 to vector<16xi32>
        %add3A_351 = arith.addi %iota3A, %add3A_350 : vector<16xi32>
        %and3A_352 = arith.constant 15 : i32
        %and3A_353 = vector.broadcast %and3A_352 : i32 to vector<16xi32>
        %and3A_354 = arith.andi %add3A_351, %and3A_353 : vector<16xi32>
        %add3A_355 = arith.constant 16 : i32
        %add3A_356 = vector.broadcast %add3A_355 : i32 to vector<16xi32>
        %add3A_357 = arith.addi %add3A_356, %and3A_354 : vector<16xi32>
        %gather3A_358 = tpu.vector_load_idx %arg9[%add3A_212, %add3A_357] : memref<128x128xf32, #tpu.memory_space<vmem>>[vector<16xi32>, vector<16xi32>], vector<16xf32>,
        tpu.vector_store_idx %arg13[%add3A_357, %add3A_212], %gather3A_358 : memref<32x128xf32, #tpu.memory_space<vmem>>[vector<16xi32>, vector<16xi32>], vector<16xf32>,
        %add3A_359 = arith.constant 5 : i32
        %add3A_360 = arith.addi %mul3A_216, %add3A_359 : i32
        %add3A_361 = vector.broadcast %add3A_360 : i32 to vector<16xi32>
        %add3A_362 = arith.addi %iota3A, %add3A_361 : vector<16xi32>
        %and3A_363 = arith.constant 15 : i32
        %and3A_364 = vector.broadcast %and3A_363 : i32 to vector<16xi32>
        %and3A_365 = arith.andi %add3A_362, %and3A_364 : vector<16xi32>
        %add3A_366 = arith.constant 16 : i32
        %add3A_367 = vector.broadcast %add3A_366 : i32 to vector<16xi32>
        %add3A_368 = arith.addi %add3A_367, %and3A_365 : vector<16xi32>
        %gather3A_369 = tpu.vector_load_idx %arg9[%add3A_212, %add3A_368] : memref<128x128xf32, #tpu.memory_space<vmem>>[vector<16xi32>, vector<16xi32>], vector<16xf32>,
        tpu.vector_store_idx %arg13[%add3A_368, %add3A_212], %gather3A_369 : memref<32x128xf32, #tpu.memory_space<vmem>>[vector<16xi32>, vector<16xi32>], vector<16xf32>,
        %add3A_370 = arith.constant 6 : i32
        %add3A_371 = arith.addi %mul3A_216, %add3A_370 : i32
        %add3A_372 = vector.broadcast %add3A_371 : i32 to vector<16xi32>
        %add3A_373 = arith.addi %iota3A, %add3A_372 : vector<16xi32>
        %and3A_374 = arith.constant 15 : i32
        %and3A_375 = vector.broadcast %and3A_374 : i32 to vector<16xi32>
        %and3A_376 = arith.andi %add3A_373, %and3A_375 : vector<16xi32>
        %add3A_377 = arith.constant 16 : i32
        %add3A_378 = vector.broadcast %add3A_377 : i32 to vector<16xi32>
        %add3A_379 = arith.addi %add3A_378, %and3A_376 : vector<16xi32>
        %gather3A_380 = tpu.vector_load_idx %arg9[%add3A_212, %add3A_379] : memref<128x128xf32, #tpu.memory_space<vmem>>[vector<16xi32>, vector<16xi32>], vector<16xf32>,
        tpu.vector_store_idx %arg13[%add3A_379, %add3A_212], %gather3A_380 : memref<32x128xf32, #tpu.memory_space<vmem>>[vector<16xi32>, vector<16xi32>], vector<16xf32>,
        %add3A_381 = arith.constant 7 : i32
        %add3A_382 = arith.addi %mul3A_216, %add3A_381 : i32
        %add3A_383 = vector.broadcast %add3A_382 : i32 to vector<16xi32>
        %add3A_384 = arith.addi %iota3A, %add3A_383 : vector<16xi32>
        %and3A_385 = arith.constant 15 : i32
        %and3A_386 = vector.broadcast %and3A_385 : i32 to vector<16xi32>
        %and3A_387 = arith.andi %add3A_384, %and3A_386 : vector<16xi32>
        %add3A_388 = arith.constant 16 : i32
        %add3A_389 = vector.broadcast %add3A_388 : i32 to vector<16xi32>
        %add3A_390 = arith.addi %add3A_389, %and3A_387 : vector<16xi32>
        %gather3A_391 = tpu.vector_load_idx %arg9[%add3A_212, %add3A_390] : memref<128x128xf32, #tpu.memory_space<vmem>>[vector<16xi32>, vector<16xi32>], vector<16xf32>,
        tpu.vector_store_idx %arg13[%add3A_390, %add3A_212], %gather3A_391 : memref<32x128xf32, #tpu.memory_space<vmem>>[vector<16xi32>, vector<16xi32>], vector<16xf32>,
        %add3A_392 = arith.constant 0 : i32
        %add3A_393 = arith.addi %mul3A_216, %add3A_392 : i32
        %add3A_394 = vector.broadcast %add3A_393 : i32 to vector<16xi32>
        %add3A_395 = arith.addi %iota3A, %add3A_394 : vector<16xi32>
        %and3A_396 = arith.constant 15 : i32
        %and3A_397 = vector.broadcast %and3A_396 : i32 to vector<16xi32>
        %and3A_398 = arith.andi %add3A_395, %and3A_397 : vector<16xi32>
        %add3A_399 = arith.constant 0 : i32
        %add3A_400 = vector.broadcast %add3A_399 : i32 to vector<16xi32>
        %add3A_401 = arith.addi %add3A_400, %and3A_398 : vector<16xi32>
        %gather3A_402 = tpu.vector_load_idx %arg11[%add3A_212, %add3A_401] : memref<128x128xf32, #tpu.memory_space<vmem>>[vector<16xi32>, vector<16xi32>], vector<16xf32>,
        tpu.vector_store_idx %arg15[%add3A_401, %add3A_212], %gather3A_402 : memref<32x128xf32, #tpu.memory_space<vmem>>[vector<16xi32>, vector<16xi32>], vector<16xf32>,
        %add3A_403 = arith.constant 1 : i32
        %add3A_404 = arith.addi %mul3A_216, %add3A_403 : i32
        %add3A_405 = vector.broadcast %add3A_404 : i32 to vector<16xi32>
        %add3A_406 = arith.addi %iota3A, %add3A_405 : vector<16xi32>
        %and3A_407 = arith.constant 15 : i32
        %and3A_408 = vector.broadcast %and3A_407 : i32 to vector<16xi32>
        %and3A_409 = arith.andi %add3A_406, %and3A_408 : vector<16xi32>
        %add3A_410 = arith.constant 0 : i32
        %add3A_411 = vector.broadcast %add3A_410 : i32 to vector<16xi32>
        %add3A_412 = arith.addi %add3A_411, %and3A_409 : vector<16xi32>
        %gather3A_413 = tpu.vector_load_idx %arg11[%add3A_212, %add3A_412] : memref<128x128xf32, #tpu.memory_space<vmem>>[vector<16xi32>, vector<16xi32>], vector<16xf32>,
        tpu.vector_store_idx %arg15[%add3A_412, %add3A_212], %gather3A_413 : memref<32x128xf32, #tpu.memory_space<vmem>>[vector<16xi32>, vector<16xi32>], vector<16xf32>,
        %add3A_414 = arith.constant 2 : i32
        %add3A_415 = arith.addi %mul3A_216, %add3A_414 : i32
        %add3A_416 = vector.broadcast %add3A_415 : i32 to vector<16xi32>
        %add3A_417 = arith.addi %iota3A, %add3A_416 : vector<16xi32>
        %and3A_418 = arith.constant 15 : i32
        %and3A_419 = vector.broadcast %and3A_418 : i32 to vector<16xi32>
        %and3A_420 = arith.andi %add3A_417, %and3A_419 : vector<16xi32>
        %add3A_421 = arith.constant 0 : i32
        %add3A_422 = vector.broadcast %add3A_421 : i32 to vector<16xi32>
        %add3A_423 = arith.addi %add3A_422, %and3A_420 : vector<16xi32>
        %gather3A_424 = tpu.vector_load_idx %arg11[%add3A_212, %add3A_423] : memref<128x128xf32, #tpu.memory_space<vmem>>[vector<16xi32>, vector<16xi32>], vector<16xf32>,
        tpu.vector_store_idx %arg15[%add3A_423, %add3A_212], %gather3A_424 : memref<32x128xf32, #tpu.memory_space<vmem>>[vector<16xi32>, vector<16xi32>], vector<16xf32>,
        %add3A_425 = arith.constant 3 : i32
        %add3A_426 = arith.addi %mul3A_216, %add3A_425 : i32
        %add3A_427 = vector.broadcast %add3A_426 : i32 to vector<16xi32>
        %add3A_428 = arith.addi %iota3A, %add3A_427 : vector<16xi32>
        %and3A_429 = arith.constant 15 : i32
        %and3A_430 = vector.broadcast %and3A_429 : i32 to vector<16xi32>
        %and3A_431 = arith.andi %add3A_428, %and3A_430 : vector<16xi32>
        %add3A_432 = arith.constant 0 : i32
        %add3A_433 = vector.broadcast %add3A_432 : i32 to vector<16xi32>
        %add3A_434 = arith.addi %add3A_433, %and3A_431 : vector<16xi32>
        %gather3A_435 = tpu.vector_load_idx %arg11[%add3A_212, %add3A_434] : memref<128x128xf32, #tpu.memory_space<vmem>>[vector<16xi32>, vector<16xi32>], vector<16xf32>,
        tpu.vector_store_idx %arg15[%add3A_434, %add3A_212], %gather3A_435 : memref<32x128xf32, #tpu.memory_space<vmem>>[vector<16xi32>, vector<16xi32>], vector<16xf32>,
        %add3A_436 = arith.constant 4 : i32
        %add3A_437 = arith.addi %mul3A_216, %add3A_436 : i32
        %add3A_438 = vector.broadcast %add3A_437 : i32 to vector<16xi32>
        %add3A_439 = arith.addi %iota3A, %add3A_438 : vector<16xi32>
        %and3A_440 = arith.constant 15 : i32
        %and3A_441 = vector.broadcast %and3A_440 : i32 to vector<16xi32>
        %and3A_442 = arith.andi %add3A_439, %and3A_441 : vector<16xi32>
        %add3A_443 = arith.constant 0 : i32
        %add3A_444 = vector.broadcast %add3A_443 : i32 to vector<16xi32>
        %add3A_445 = arith.addi %add3A_444, %and3A_442 : vector<16xi32>
        %gather3A_446 = tpu.vector_load_idx %arg11[%add3A_212, %add3A_445] : memref<128x128xf32, #tpu.memory_space<vmem>>[vector<16xi32>, vector<16xi32>], vector<16xf32>,
        tpu.vector_store_idx %arg15[%add3A_445, %add3A_212], %gather3A_446 : memref<32x128xf32, #tpu.memory_space<vmem>>[vector<16xi32>, vector<16xi32>], vector<16xf32>,
        %add3A_447 = arith.constant 5 : i32
        %add3A_448 = arith.addi %mul3A_216, %add3A_447 : i32
        %add3A_449 = vector.broadcast %add3A_448 : i32 to vector<16xi32>
        %add3A_450 = arith.addi %iota3A, %add3A_449 : vector<16xi32>
        %and3A_451 = arith.constant 15 : i32
        %and3A_452 = vector.broadcast %and3A_451 : i32 to vector<16xi32>
        %and3A_453 = arith.andi %add3A_450, %and3A_452 : vector<16xi32>
        %add3A_454 = arith.constant 0 : i32
        %add3A_455 = vector.broadcast %add3A_454 : i32 to vector<16xi32>
        %add3A_456 = arith.addi %add3A_455, %and3A_453 : vector<16xi32>
        %gather3A_457 = tpu.vector_load_idx %arg11[%add3A_212, %add3A_456] : memref<128x128xf32, #tpu.memory_space<vmem>>[vector<16xi32>, vector<16xi32>], vector<16xf32>,
        tpu.vector_store_idx %arg15[%add3A_456, %add3A_212], %gather3A_457 : memref<32x128xf32, #tpu.memory_space<vmem>>[vector<16xi32>, vector<16xi32>], vector<16xf32>,
        %add3A_458 = arith.constant 6 : i32
        %add3A_459 = arith.addi %mul3A_216, %add3A_458 : i32
        %add3A_460 = vector.broadcast %add3A_459 : i32 to vector<16xi32>
        %add3A_461 = arith.addi %iota3A, %add3A_460 : vector<16xi32>
        %and3A_462 = arith.constant 15 : i32
        %and3A_463 = vector.broadcast %and3A_462 : i32 to vector<16xi32>
        %and3A_464 = arith.andi %add3A_461, %and3A_463 : vector<16xi32>
        %add3A_465 = arith.constant 0 : i32
        %add3A_466 = vector.broadcast %add3A_465 : i32 to vector<16xi32>
        %add3A_467 = arith.addi %add3A_466, %and3A_464 : vector<16xi32>
        %gather3A_468 = tpu.vector_load_idx %arg11[%add3A_212, %add3A_467] : memref<128x128xf32, #tpu.memory_space<vmem>>[vector<16xi32>, vector<16xi32>], vector<16xf32>,
        tpu.vector_store_idx %arg15[%add3A_467, %add3A_212], %gather3A_468 : memref<32x128xf32, #tpu.memory_space<vmem>>[vector<16xi32>, vector<16xi32>], vector<16xf32>,
        %add3A_469 = arith.constant 7 : i32
        %add3A_470 = arith.addi %mul3A_216, %add3A_469 : i32
        %add3A_471 = vector.broadcast %add3A_470 : i32 to vector<16xi32>
        %add3A_472 = arith.addi %iota3A, %add3A_471 : vector<16xi32>
        %and3A_473 = arith.constant 15 : i32
        %and3A_474 = vector.broadcast %and3A_473 : i32 to vector<16xi32>
        %and3A_475 = arith.andi %add3A_472, %and3A_474 : vector<16xi32>
        %add3A_476 = arith.constant 0 : i32
        %add3A_477 = vector.broadcast %add3A_476 : i32 to vector<16xi32>
        %add3A_478 = arith.addi %add3A_477, %and3A_475 : vector<16xi32>
        %gather3A_479 = tpu.vector_load_idx %arg11[%add3A_212, %add3A_478] : memref<128x128xf32, #tpu.memory_space<vmem>>[vector<16xi32>, vector<16xi32>], vector<16xf32>,
        tpu.vector_store_idx %arg15[%add3A_478, %add3A_212], %gather3A_479 : memref<32x128xf32, #tpu.memory_space<vmem>>[vector<16xi32>, vector<16xi32>], vector<16xf32>,
        %add3A_480 = arith.constant 0 : i32
        %add3A_481 = arith.addi %mul3A_216, %add3A_480 : i32
        %add3A_482 = vector.broadcast %add3A_481 : i32 to vector<16xi32>
        %add3A_483 = arith.addi %iota3A, %add3A_482 : vector<16xi32>
        %and3A_484 = arith.constant 15 : i32
        %and3A_485 = vector.broadcast %and3A_484 : i32 to vector<16xi32>
        %and3A_486 = arith.andi %add3A_483, %and3A_485 : vector<16xi32>
        %add3A_487 = arith.constant 16 : i32
        %add3A_488 = vector.broadcast %add3A_487 : i32 to vector<16xi32>
        %add3A_489 = arith.addi %add3A_488, %and3A_486 : vector<16xi32>
        %gather3A_490 = tpu.vector_load_idx %arg11[%add3A_212, %add3A_489] : memref<128x128xf32, #tpu.memory_space<vmem>>[vector<16xi32>, vector<16xi32>], vector<16xf32>,
        tpu.vector_store_idx %arg15[%add3A_489, %add3A_212], %gather3A_490 : memref<32x128xf32, #tpu.memory_space<vmem>>[vector<16xi32>, vector<16xi32>], vector<16xf32>,
        %add3A_491 = arith.constant 1 : i32
        %add3A_492 = arith.addi %mul3A_216, %add3A_491 : i32
        %add3A_493 = vector.broadcast %add3A_492 : i32 to vector<16xi32>
        %add3A_494 = arith.addi %iota3A, %add3A_493 : vector<16xi32>
        %and3A_495 = arith.constant 15 : i32
        %and3A_496 = vector.broadcast %and3A_495 : i32 to vector<16xi32>
        %and3A_497 = arith.andi %add3A_494, %and3A_496 : vector<16xi32>
        %add3A_498 = arith.constant 16 : i32
        %add3A_499 = vector.broadcast %add3A_498 : i32 to vector<16xi32>
        %add3A_500 = arith.addi %add3A_499, %and3A_497 : vector<16xi32>
        %gather3A_501 = tpu.vector_load_idx %arg11[%add3A_212, %add3A_500] : memref<128x128xf32, #tpu.memory_space<vmem>>[vector<16xi32>, vector<16xi32>], vector<16xf32>,
        tpu.vector_store_idx %arg15[%add3A_500, %add3A_212], %gather3A_501 : memref<32x128xf32, #tpu.memory_space<vmem>>[vector<16xi32>, vector<16xi32>], vector<16xf32>,
        %add3A_502 = arith.constant 2 : i32
        %add3A_503 = arith.addi %mul3A_216, %add3A_502 : i32
        %add3A_504 = vector.broadcast %add3A_503 : i32 to vector<16xi32>
        %add3A_505 = arith.addi %iota3A, %add3A_504 : vector<16xi32>
        %and3A_506 = arith.constant 15 : i32
        %and3A_507 = vector.broadcast %and3A_506 : i32 to vector<16xi32>
        %and3A_508 = arith.andi %add3A_505, %and3A_507 : vector<16xi32>
        %add3A_509 = arith.constant 16 : i32
        %add3A_510 = vector.broadcast %add3A_509 : i32 to vector<16xi32>
        %add3A_511 = arith.addi %add3A_510, %and3A_508 : vector<16xi32>
        %gather3A_512 = tpu.vector_load_idx %arg11[%add3A_212, %add3A_511] : memref<128x128xf32, #tpu.memory_space<vmem>>[vector<16xi32>, vector<16xi32>], vector<16xf32>,
        tpu.vector_store_idx %arg15[%add3A_511, %add3A_212], %gather3A_512 : memref<32x128xf32, #tpu.memory_space<vmem>>[vector<16xi32>, vector<16xi32>], vector<16xf32>,
        %add3A_513 = arith.constant 3 : i32
        %add3A_514 = arith.addi %mul3A_216, %add3A_513 : i32
        %add3A_515 = vector.broadcast %add3A_514 : i32 to vector<16xi32>
        %add3A_516 = arith.addi %iota3A, %add3A_515 : vector<16xi32>
        %and3A_517 = arith.constant 15 : i32
        %and3A_518 = vector.broadcast %and3A_517 : i32 to vector<16xi32>
        %and3A_519 = arith.andi %add3A_516, %and3A_518 : vector<16xi32>
        %add3A_520 = arith.constant 16 : i32
        %add3A_521 = vector.broadcast %add3A_520 : i32 to vector<16xi32>
        %add3A_522 = arith.addi %add3A_521, %and3A_519 : vector<16xi32>
        %gather3A_523 = tpu.vector_load_idx %arg11[%add3A_212, %add3A_522] : memref<128x128xf32, #tpu.memory_space<vmem>>[vector<16xi32>, vector<16xi32>], vector<16xf32>,
        tpu.vector_store_idx %arg15[%add3A_522, %add3A_212], %gather3A_523 : memref<32x128xf32, #tpu.memory_space<vmem>>[vector<16xi32>, vector<16xi32>], vector<16xf32>,
        %add3A_524 = arith.constant 4 : i32
        %add3A_525 = arith.addi %mul3A_216, %add3A_524 : i32
        %add3A_526 = vector.broadcast %add3A_525 : i32 to vector<16xi32>
        %add3A_527 = arith.addi %iota3A, %add3A_526 : vector<16xi32>
        %and3A_528 = arith.constant 15 : i32
        %and3A_529 = vector.broadcast %and3A_528 : i32 to vector<16xi32>
        %and3A_530 = arith.andi %add3A_527, %and3A_529 : vector<16xi32>
        %add3A_531 = arith.constant 16 : i32
        %add3A_532 = vector.broadcast %add3A_531 : i32 to vector<16xi32>
        %add3A_533 = arith.addi %add3A_532, %and3A_530 : vector<16xi32>
        %gather3A_534 = tpu.vector_load_idx %arg11[%add3A_212, %add3A_533] : memref<128x128xf32, #tpu.memory_space<vmem>>[vector<16xi32>, vector<16xi32>], vector<16xf32>,
        tpu.vector_store_idx %arg15[%add3A_533, %add3A_212], %gather3A_534 : memref<32x128xf32, #tpu.memory_space<vmem>>[vector<16xi32>, vector<16xi32>], vector<16xf32>,
        %add3A_535 = arith.constant 5 : i32
        %add3A_536 = arith.addi %mul3A_216, %add3A_535 : i32
        %add3A_537 = vector.broadcast %add3A_536 : i32 to vector<16xi32>
        %add3A_538 = arith.addi %iota3A, %add3A_537 : vector<16xi32>
        %and3A_539 = arith.constant 15 : i32
        %and3A_540 = vector.broadcast %and3A_539 : i32 to vector<16xi32>
        %and3A_541 = arith.andi %add3A_538, %and3A_540 : vector<16xi32>
        %add3A_542 = arith.constant 16 : i32
        %add3A_543 = vector.broadcast %add3A_542 : i32 to vector<16xi32>
        %add3A_544 = arith.addi %add3A_543, %and3A_541 : vector<16xi32>
        %gather3A_545 = tpu.vector_load_idx %arg11[%add3A_212, %add3A_544] : memref<128x128xf32, #tpu.memory_space<vmem>>[vector<16xi32>, vector<16xi32>], vector<16xf32>,
        tpu.vector_store_idx %arg15[%add3A_544, %add3A_212], %gather3A_545 : memref<32x128xf32, #tpu.memory_space<vmem>>[vector<16xi32>, vector<16xi32>], vector<16xf32>,
        %add3A_546 = arith.constant 6 : i32
        %add3A_547 = arith.addi %mul3A_216, %add3A_546 : i32
        %add3A_548 = vector.broadcast %add3A_547 : i32 to vector<16xi32>
        %add3A_549 = arith.addi %iota3A, %add3A_548 : vector<16xi32>
        %and3A_550 = arith.constant 15 : i32
        %and3A_551 = vector.broadcast %and3A_550 : i32 to vector<16xi32>
        %and3A_552 = arith.andi %add3A_549, %and3A_551 : vector<16xi32>
        %add3A_553 = arith.constant 16 : i32
        %add3A_554 = vector.broadcast %add3A_553 : i32 to vector<16xi32>
        %add3A_555 = arith.addi %add3A_554, %and3A_552 : vector<16xi32>
        %gather3A_556 = tpu.vector_load_idx %arg11[%add3A_212, %add3A_555] : memref<128x128xf32, #tpu.memory_space<vmem>>[vector<16xi32>, vector<16xi32>], vector<16xf32>,
        tpu.vector_store_idx %arg15[%add3A_555, %add3A_212], %gather3A_556 : memref<32x128xf32, #tpu.memory_space<vmem>>[vector<16xi32>, vector<16xi32>], vector<16xf32>,
        %add3A_557 = arith.constant 7 : i32
        %add3A_558 = arith.addi %mul3A_216, %add3A_557 : i32
        %add3A_559 = vector.broadcast %add3A_558 : i32 to vector<16xi32>
        %add3A_560 = arith.addi %iota3A, %add3A_559 : vector<16xi32>
        %and3A_561 = arith.constant 15 : i32
        %and3A_562 = vector.broadcast %and3A_561 : i32 to vector<16xi32>
        %and3A_563 = arith.andi %add3A_560, %and3A_562 : vector<16xi32>
        %add3A_564 = arith.constant 16 : i32
        %add3A_565 = vector.broadcast %add3A_564 : i32 to vector<16xi32>
        %add3A_566 = arith.addi %add3A_565, %and3A_563 : vector<16xi32>
        %gather3A_567 = tpu.vector_load_idx %arg11[%add3A_212, %add3A_566] : memref<128x128xf32, #tpu.memory_space<vmem>>[vector<16xi32>, vector<16xi32>], vector<16xf32>,
        tpu.vector_store_idx %arg15[%add3A_566, %add3A_212], %gather3A_567 : memref<32x128xf32, #tpu.memory_space<vmem>>[vector<16xi32>, vector<16xi32>], vector<16xf32>,
      }
      %scan3A_71 = arith.constant 16 : i32
      %jit3A = arith.constant 4 : i32
      %div3A = arith.divsi %mul3A_57, %jit3A : i32
      %sign3A = arith.constant 0 : i32
      %sign3A_72 = arith.cmpi sgt, %mul3A_57, %sign3A : i32
      %sign3A_73 = arith.extui %sign3A_72 : i1 to i32
      %sign3A_74 = arith.constant 0 : i32
      %sign3A_75 = arith.cmpi slt, %mul3A_57, %sign3A_74 : i32
      %sign3A_76 = arith.extui %sign3A_75 : i1 to i32
      %sign3A_77 = arith.subi %sign3A_73, %sign3A_76 : i32
      %sign3A_78 = arith.constant 0 : i32
      %sign3A_79 = arith.cmpi sgt, %jit3A, %sign3A_78 : i32
      %sign3A_80 = arith.extui %sign3A_79 : i1 to i32
      %sign3A_81 = arith.constant 0 : i32
      %sign3A_82 = arith.cmpi slt, %jit3A, %sign3A_81 : i32
      %sign3A_83 = arith.extui %sign3A_82 : i1 to i32
      %sign3A_84 = arith.subi %sign3A_80, %sign3A_83 : i32
      %ne3A = arith.cmpi ne, %sign3A_77, %sign3A_84 : i32
      %rem3A = arith.remsi %mul3A_57, %jit3A : i32
      %ne3A_85 = arith.constant 0 : i32
      %ne3A_86 = arith.cmpi ne, %rem3A, %ne3A_85 : i32
      %and3A = arith.andi %ne3A, %ne3A_86 : i1
      %sub3A = arith.constant 1 : i32
      %sub3A_87 = arith.subi %div3A, %sub3A : i32
      %select_n3A = arith.select %and3A, %sub3A_87, %div3A : i32
      %jit3A_88 = arith.constant 4 : i32
      %eq3A = arith.constant 0 : i32
      %eq3A_89 = arith.cmpi eq, %jit3A_88, %eq3A : i32
      %jit3A_90 = arith.constant 1 : i32
      %select_n3A_91 = arith.select %eq3A_89, %jit3A_90, %jit3A_88 : i32
      %rem3A_92 = arith.remsi %mul3A_57, %select_n3A_91 : i32
      %ne3A_93 = arith.constant 0 : i32
      %ne3A_94 = arith.cmpi ne, %rem3A_92, %ne3A_93 : i32
      %lt3A = arith.constant 0 : i32
      %lt3A_95 = arith.cmpi slt, %rem3A_92, %lt3A : i32
      %lt3A_96 = arith.constant 0 : i32
      %lt3A_97 = arith.cmpi slt, %select_n3A_91, %lt3A_96 : i32
      %ne3A_98 = arith.xori %lt3A_95, %lt3A_97 : i1
      %and3A_99 = arith.andi %ne3A_98, %ne3A_94 : i1
      %add3A_100 = arith.addi %rem3A_92, %select_n3A_91 : i32
      %select_n3A_101 = arith.select %and3A_99, %add3A_100, %rem3A_92 : i32
      %mul3A_102 = arith.constant 128 : i32
      %mul3A_103 = arith.muli %select_n3A_101, %mul3A_102 : i32
      %add3A_104 = arith.addi %mul3A_2, %mul3A_103 : i32
      %dma_start3A_105 = arith.constant 0 : i32
      %dma_start3A_106 = tpu.memref_slice %arg5[%select_n3A, %dma_start3A_105, %add3A_104] : memref<20x32x16384xf32, #tpu.memory_space<hbm>> -> memref<1x32x128xf32, #tpu.memory_space<hbm>>
      %dma_start3A_107 = tpu.memref_squeeze %dma_start3A_106 : memref<1x32x128xf32, #tpu.memory_space<hbm>> -> memref<32x128xf32, #tpu.memory_space<hbm>>
      %dma_start3A_108 = arith.constant 0 : i32
      %dma_start3A_109 = tpu.memref_slice %arg5[%select_n3A, %dma_start3A_108, %add3A_104] : memref<20x32x16384xf32, #tpu.memory_space<hbm>> -> memref<1x32x128xf32, #tpu.memory_space<hbm>>
      %dma_start3A_110 = tpu.memref_squeeze %dma_start3A_109 : memref<1x32x128xf32, #tpu.memory_space<hbm>> -> memref<32x128xf32, #tpu.memory_space<hbm>>
      tpu.enqueue_dma source(%arg13 : memref<32x128xf32, #tpu.memory_space<vmem>>) target(%dma_start3A_110 : memref<32x128xf32, #tpu.memory_space<hbm>>) target_semaphore(%arg21 : memref<!tpu.dma_semaphore, #tpu.memory_space<semaphore_mem>>)
      %dma_start3A_111 = arith.constant 0 : i32
      %dma_start3A_112 = tpu.memref_slice %arg6[%select_n3A, %dma_start3A_111, %add3A_104] : memref<20x32x16384xf32, #tpu.memory_space<hbm>> -> memref<1x32x128xf32, #tpu.memory_space<hbm>>
      %dma_start3A_113 = tpu.memref_squeeze %dma_start3A_112 : memref<1x32x128xf32, #tpu.memory_space<hbm>> -> memref<32x128xf32, #tpu.memory_space<hbm>>
      %dma_start3A_114 = arith.constant 0 : i32
      %dma_start3A_115 = tpu.memref_slice %arg6[%select_n3A, %dma_start3A_114, %add3A_104] : memref<20x32x16384xf32, #tpu.memory_space<hbm>> -> memref<1x32x128xf32, #tpu.memory_space<hbm>>
      %dma_start3A_116 = tpu.memref_squeeze %dma_start3A_115 : memref<1x32x128xf32, #tpu.memory_space<hbm>> -> memref<32x128xf32, #tpu.memory_space<hbm>>
      tpu.enqueue_dma source(%arg15 : memref<32x128xf32, #tpu.memory_space<vmem>>) target(%dma_start3A_116 : memref<32x128xf32, #tpu.memory_space<hbm>>) target_semaphore(%arg23 : memref<!tpu.dma_semaphore, #tpu.memory_space<semaphore_mem>>)
      %add3A_117 = arith.constant 2 : i32
      %add3A_118 = arith.addi %mul3A_57, %add3A_117 : i32
      %lt3A_119 = arith.constant 80 : i32
      %lt3A_120 = arith.cmpi slt, %add3A_118, %lt3A_119 : i32
      %convert_element_type3A_121 = arith.extui %lt3A_120 : i1 to i32
      %cond3A_122 = arith.constant 0 : i32
      %cond3A_123 = arith.cmpi ne, %convert_element_type3A_121, %cond3A_122 : i32
      scf.if %cond3A_123 {
        %add3A_207 = arith.constant 2 : i32
        %add3A_208 = arith.addi %mul3A_57, %add3A_207 : i32
        %jit3A_209 = arith.constant 4 : i32
        %div3A_210 = arith.divsi %add3A_208, %jit3A_209 : i32
        %sign3A_211 = arith.constant 0 : i32
        %sign3A_212 = arith.cmpi sgt, %add3A_208, %sign3A_211 : i32
        %sign3A_213 = arith.extui %sign3A_212 : i1 to i32
        %sign3A_214 = arith.constant 0 : i32
        %sign3A_215 = arith.cmpi slt, %add3A_208, %sign3A_214 : i32
        %sign3A_216 = arith.extui %sign3A_215 : i1 to i32
        %sign3A_217 = arith.subi %sign3A_213, %sign3A_216 : i32
        %sign3A_218 = arith.constant 0 : i32
        %sign3A_219 = arith.cmpi sgt, %jit3A_209, %sign3A_218 : i32
        %sign3A_220 = arith.extui %sign3A_219 : i1 to i32
        %sign3A_221 = arith.constant 0 : i32
        %sign3A_222 = arith.cmpi slt, %jit3A_209, %sign3A_221 : i32
        %sign3A_223 = arith.extui %sign3A_222 : i1 to i32
        %sign3A_224 = arith.subi %sign3A_220, %sign3A_223 : i32
        %ne3A_225 = arith.cmpi ne, %sign3A_217, %sign3A_224 : i32
        %rem3A_226 = arith.remsi %add3A_208, %jit3A_209 : i32
        %ne3A_227 = arith.constant 0 : i32
        %ne3A_228 = arith.cmpi ne, %rem3A_226, %ne3A_227 : i32
        %and3A_229 = arith.andi %ne3A_225, %ne3A_228 : i1
        %sub3A_230 = arith.constant 1 : i32
        %sub3A_231 = arith.subi %div3A_210, %sub3A_230 : i32
        %select_n3A_232 = arith.select %and3A_229, %sub3A_231, %div3A_210 : i32
        %jit3A_233 = arith.constant 4 : i32
        %eq3A_234 = arith.constant 0 : i32
        %eq3A_235 = arith.cmpi eq, %jit3A_233, %eq3A_234 : i32
        %jit3A_236 = arith.constant 1 : i32
        %select_n3A_237 = arith.select %eq3A_235, %jit3A_236, %jit3A_233 : i32
        %rem3A_238 = arith.remsi %add3A_208, %select_n3A_237 : i32
        %ne3A_239 = arith.constant 0 : i32
        %ne3A_240 = arith.cmpi ne, %rem3A_238, %ne3A_239 : i32
        %lt3A_241 = arith.constant 0 : i32
        %lt3A_242 = arith.cmpi slt, %rem3A_238, %lt3A_241 : i32
        %lt3A_243 = arith.constant 0 : i32
        %lt3A_244 = arith.cmpi slt, %select_n3A_237, %lt3A_243 : i32
        %ne3A_245 = arith.xori %lt3A_242, %lt3A_244 : i1
        %and3A_246 = arith.andi %ne3A_245, %ne3A_240 : i1
        %add3A_247 = arith.addi %rem3A_238, %select_n3A_237 : i32
        %select_n3A_248 = arith.select %and3A_246, %add3A_247, %rem3A_238 : i32
        %mul3A_249 = arith.constant 128 : i32
        %mul3A_250 = arith.muli %select_n3A_248, %mul3A_249 : i32
        %add3A_251 = arith.addi %mul3A_2, %mul3A_250 : i32
        "tpu.region"() ({
          %run_scoped3A_258 = tpu.sem_alloc : memref<!tpu.dma_semaphore, #tpu.memory_space<semaphore_mem>>
          %dma_start3A_259 = tpu.memref_slice %arg2[%select_n3A_232, %add3A_251] : memref<20x16384xi32, #tpu.memory_space<hbm>> -> memref<1x128xi32, #tpu.memory_space<hbm>>
          %dma_start3A_260 = tpu.memref_squeeze %dma_start3A_259 : memref<1x128xi32, #tpu.memory_space<hbm>> -> memref<128xi32, #tpu.memory_space<hbm>>
          %dma_start3A_261 = tpu.memref_slice %arg2[%select_n3A_232, %add3A_251] : memref<20x16384xi32, #tpu.memory_space<hbm>> -> memref<1x128xi32, #tpu.memory_space<hbm>>
          %dma_start3A_262 = tpu.memref_squeeze %dma_start3A_261 : memref<1x128xi32, #tpu.memory_space<hbm>> -> memref<128xi32, #tpu.memory_space<hbm>>
          tpu.enqueue_dma source(%dma_start3A_262 : memref<128xi32, #tpu.memory_space<hbm>>) target(%arg7 : memref<128xi32, #tpu.memory_space<vmem>>) target_semaphore(%run_scoped3A_258 : memref<!tpu.dma_semaphore, #tpu.memory_space<semaphore_mem>>)
          %dma_wait3A_263 = tpu.memref_slice %arg2[%select_n3A_232, %add3A_251] : memref<20x16384xi32, #tpu.memory_space<hbm>> -> memref<1x128xi32, #tpu.memory_space<hbm>>
          %dma_wait3A_264 = tpu.memref_squeeze %dma_wait3A_263 : memref<1x128xi32, #tpu.memory_space<hbm>> -> memref<128xi32, #tpu.memory_space<hbm>>
          %dma_wait3A_265 = tpu.memref_slice %arg2[%select_n3A_232, %add3A_251] : memref<20x16384xi32, #tpu.memory_space<hbm>> -> memref<1x128xi32, #tpu.memory_space<hbm>>
          %dma_wait3A_266 = tpu.memref_squeeze %dma_wait3A_265 : memref<1x128xi32, #tpu.memory_space<hbm>> -> memref<128xi32, #tpu.memory_space<hbm>>
          tpu.wait_dma2 semaphore(%run_scoped3A_258 : memref<!tpu.dma_semaphore, #tpu.memory_space<semaphore_mem>>) src(%dma_wait3A_266 : memref<128xi32, #tpu.memory_space<hbm>>) dst(%arg7 : memref<128xi32, #tpu.memory_space<vmem>>)
          tpu.yield
        }) : () -> ()
        %dma_start3A_252 = arith.constant 0 : i32
        %dma_start3A_253 = arith.constant 0 : i32
        %dma_start3A_254 = tpu.memref_slice %arg3[%dma_start3A_252, %dma_start3A_253] : memref<1000064x128xf32, #tpu.memory_space<hbm>> -> memref<1000064x128xf32, #tpu.memory_space<hbm>>
        tpu.enqueue_indirect_dma source(%dma_start3A_254 : memref<1000064x128xf32, #tpu.memory_space<hbm>>) target(%arg9 : memref<128x128xf32, #tpu.memory_space<vmem>>) offsets(%arg7 : memref<128xi32, #tpu.memory_space<vmem>>) semaphore(%arg17 : memref<!tpu.dma_semaphore, #tpu.memory_space<semaphore_mem>>)
        %dma_start3A_255 = arith.constant 0 : i32
        %dma_start3A_256 = arith.constant 0 : i32
        %dma_start3A_257 = tpu.memref_slice %arg4[%dma_start3A_255, %dma_start3A_256] : memref<1000064x128xf32, #tpu.memory_space<hbm>> -> memref<1000064x128xf32, #tpu.memory_space<hbm>>
        tpu.enqueue_indirect_dma source(%dma_start3A_257 : memref<1000064x128xf32, #tpu.memory_space<hbm>>) target(%arg11 : memref<128x128xf32, #tpu.memory_space<vmem>>) offsets(%arg7 : memref<128xi32, #tpu.memory_space<vmem>>) semaphore(%arg19 : memref<!tpu.dma_semaphore, #tpu.memory_space<semaphore_mem>>)
      } else {
      }
      %mul3A_124 = arith.constant 2 : i32
      %mul3A_125 = arith.muli %scan3A_55, %mul3A_124 : i32
      %add3A_126 = arith.constant 1 : i32
      %add3A_127 = arith.addi %mul3A_125, %add3A_126 : i32
      %dma_wait3A_128 = arith.constant 0 : i32
      %dma_wait3A_129 = arith.constant 0 : i32
      %dma_wait3A_130 = tpu.memref_slice %arg3[%dma_wait3A_128, %dma_wait3A_129] : memref<1000064x128xf32, #tpu.memory_space<hbm>> -> memref<1000064x128xf32, #tpu.memory_space<hbm>>
      tpu.wait_indirect_dma semaphore(%arg18 : memref<!tpu.dma_semaphore, #tpu.memory_space<semaphore_mem>>) src(%dma_wait3A_130 : memref<1000064x128xf32, #tpu.memory_space<hbm>>) dst(%arg10 : memref<128x128xf32, #tpu.memory_space<vmem>>)
      %dma_wait3A_131 = arith.constant 0 : i32
      %dma_wait3A_132 = arith.constant 0 : i32
      %dma_wait3A_133 = tpu.memref_slice %arg4[%dma_wait3A_131, %dma_wait3A_132] : memref<1000064x128xf32, #tpu.memory_space<hbm>> -> memref<1000064x128xf32, #tpu.memory_space<hbm>>
      tpu.wait_indirect_dma semaphore(%arg20 : memref<!tpu.dma_semaphore, #tpu.memory_space<semaphore_mem>>) src(%dma_wait3A_133 : memref<1000064x128xf32, #tpu.memory_space<hbm>>) dst(%arg12 : memref<128x128xf32, #tpu.memory_space<vmem>>)
      %ge3A_134 = arith.constant 2 : i32
      %ge3A_135 = arith.cmpi sge, %add3A_127, %ge3A_134 : i32
      %convert_element_type3A_136 = arith.extui %ge3A_135 : i1 to i32
      %cond3A_137 = arith.constant 0 : i32
      %cond3A_138 = arith.cmpi ne, %convert_element_type3A_136, %cond3A_137 : i32
      scf.if %cond3A_138 {
        %sub3A_207 = arith.constant 2 : i32
        %sub3A_208 = arith.subi %add3A_127, %sub3A_207 : i32
        %jit3A_209 = arith.constant 4 : i32
        %div3A_210 = arith.divsi %sub3A_208, %jit3A_209 : i32
        %sign3A_211 = arith.constant 0 : i32
        %sign3A_212 = arith.cmpi sgt, %sub3A_208, %sign3A_211 : i32
        %sign3A_213 = arith.extui %sign3A_212 : i1 to i32
        %sign3A_214 = arith.constant 0 : i32
        %sign3A_215 = arith.cmpi slt, %sub3A_208, %sign3A_214 : i32
        %sign3A_216 = arith.extui %sign3A_215 : i1 to i32
        %sign3A_217 = arith.subi %sign3A_213, %sign3A_216 : i32
        %sign3A_218 = arith.constant 0 : i32
        %sign3A_219 = arith.cmpi sgt, %jit3A_209, %sign3A_218 : i32
        %sign3A_220 = arith.extui %sign3A_219 : i1 to i32
        %sign3A_221 = arith.constant 0 : i32
        %sign3A_222 = arith.cmpi slt, %jit3A_209, %sign3A_221 : i32
        %sign3A_223 = arith.extui %sign3A_222 : i1 to i32
        %sign3A_224 = arith.subi %sign3A_220, %sign3A_223 : i32
        %ne3A_225 = arith.cmpi ne, %sign3A_217, %sign3A_224 : i32
        %rem3A_226 = arith.remsi %sub3A_208, %jit3A_209 : i32
        %ne3A_227 = arith.constant 0 : i32
        %ne3A_228 = arith.cmpi ne, %rem3A_226, %ne3A_227 : i32
        %and3A_229 = arith.andi %ne3A_225, %ne3A_228 : i1
        %sub3A_230 = arith.constant 1 : i32
        %sub3A_231 = arith.subi %div3A_210, %sub3A_230 : i32
        %select_n3A_232 = arith.select %and3A_229, %sub3A_231, %div3A_210 : i32
        %jit3A_233 = arith.constant 4 : i32
        %eq3A_234 = arith.constant 0 : i32
        %eq3A_235 = arith.cmpi eq, %jit3A_233, %eq3A_234 : i32
        %jit3A_236 = arith.constant 1 : i32
        %select_n3A_237 = arith.select %eq3A_235, %jit3A_236, %jit3A_233 : i32
        %rem3A_238 = arith.remsi %sub3A_208, %select_n3A_237 : i32
        %ne3A_239 = arith.constant 0 : i32
        %ne3A_240 = arith.cmpi ne, %rem3A_238, %ne3A_239 : i32
        %lt3A_241 = arith.constant 0 : i32
        %lt3A_242 = arith.cmpi slt, %rem3A_238, %lt3A_241 : i32
        %lt3A_243 = arith.constant 0 : i32
        %lt3A_244 = arith.cmpi slt, %select_n3A_237, %lt3A_243 : i32
        %ne3A_245 = arith.xori %lt3A_242, %lt3A_244 : i1
        %and3A_246 = arith.andi %ne3A_245, %ne3A_240 : i1
        %add3A_247 = arith.addi %rem3A_238, %select_n3A_237 : i32
        %select_n3A_248 = arith.select %and3A_246, %add3A_247, %rem3A_238 : i32
        %mul3A_249 = arith.constant 128 : i32
        %mul3A_250 = arith.muli %select_n3A_248, %mul3A_249 : i32
        %add3A_251 = arith.addi %mul3A_2, %mul3A_250 : i32
        %dma_wait3A_252 = arith.constant 0 : i32
        %dma_wait3A_253 = tpu.memref_slice %arg5[%select_n3A_232, %dma_wait3A_252, %add3A_251] : memref<20x32x16384xf32, #tpu.memory_space<hbm>> -> memref<1x32x128xf32, #tpu.memory_space<hbm>>
        %dma_wait3A_254 = tpu.memref_squeeze %dma_wait3A_253 : memref<1x32x128xf32, #tpu.memory_space<hbm>> -> memref<32x128xf32, #tpu.memory_space<hbm>>
        %dma_wait3A_255 = arith.constant 0 : i32
        %dma_wait3A_256 = tpu.memref_slice %arg5[%select_n3A_232, %dma_wait3A_255, %add3A_251] : memref<20x32x16384xf32, #tpu.memory_space<hbm>> -> memref<1x32x128xf32, #tpu.memory_space<hbm>>
        %dma_wait3A_257 = tpu.memref_squeeze %dma_wait3A_256 : memref<1x32x128xf32, #tpu.memory_space<hbm>> -> memref<32x128xf32, #tpu.memory_space<hbm>>
        tpu.wait_dma2 semaphore(%arg22 : memref<!tpu.dma_semaphore, #tpu.memory_space<semaphore_mem>>) src(%arg14 : memref<32x128xf32, #tpu.memory_space<vmem>>) dst(%dma_wait3A_257 : memref<32x128xf32, #tpu.memory_space<hbm>>)
        %dma_wait3A_258 = arith.constant 0 : i32
        %dma_wait3A_259 = tpu.memref_slice %arg6[%select_n3A_232, %dma_wait3A_258, %add3A_251] : memref<20x32x16384xf32, #tpu.memory_space<hbm>> -> memref<1x32x128xf32, #tpu.memory_space<hbm>>
        %dma_wait3A_260 = tpu.memref_squeeze %dma_wait3A_259 : memref<1x32x128xf32, #tpu.memory_space<hbm>> -> memref<32x128xf32, #tpu.memory_space<hbm>>
        %dma_wait3A_261 = arith.constant 0 : i32
        %dma_wait3A_262 = tpu.memref_slice %arg6[%select_n3A_232, %dma_wait3A_261, %add3A_251] : memref<20x32x16384xf32, #tpu.memory_space<hbm>> -> memref<1x32x128xf32, #tpu.memory_space<hbm>>
        %dma_wait3A_263 = tpu.memref_squeeze %dma_wait3A_262 : memref<1x32x128xf32, #tpu.memory_space<hbm>> -> memref<32x128xf32, #tpu.memory_space<hbm>>
        tpu.wait_dma2 semaphore(%arg24 : memref<!tpu.dma_semaphore, #tpu.memory_space<semaphore_mem>>) src(%arg16 : memref<32x128xf32, #tpu.memory_space<vmem>>) dst(%dma_wait3A_263 : memref<32x128xf32, #tpu.memory_space<hbm>>)
      } else {
      }
      %scan3A_139 = arith.constant 0 : i32
      %scan3A_140 = arith.constant 0 : i32
      %scan3A_141 = arith.constant 16 : i32
      %scan3A_142 = arith.addi %scan3A_140, %scan3A_141 : i32
      %scan3A_143 = arith.constant 1 : i32
      scf.for %scan3A_207 = %scan3A_140 to %scan3A_142 step %scan3A_143  : i32 {
        %shift_right_arithmetic3A = arith.constant 1 : i32
        %shift_right_arithmetic3A_208 = arith.shrsi %scan3A_207, %shift_right_arithmetic3A : i32
        %mul3A_209 = arith.constant 16 : i32
        %mul3A_210 = arith.muli %shift_right_arithmetic3A_208, %mul3A_209 : i32
        %add3A_211 = vector.broadcast %mul3A_210 : i32 to vector<16xi32>
        %add3A_212 = arith.addi %iota3A, %add3A_211 : vector<16xi32>
        %and3A_213 = arith.constant 1 : i32
        %and3A_214 = arith.andi %scan3A_207, %and3A_213 : i32
        %mul3A_215 = arith.constant 8 : i32
        %mul3A_216 = arith.muli %and3A_214, %mul3A_215 : i32
        %add3A_217 = arith.constant 0 : i32
        %add3A_218 = arith.addi %mul3A_216, %add3A_217 : i32
        %add3A_219 = vector.broadcast %add3A_218 : i32 to vector<16xi32>
        %add3A_220 = arith.addi %iota3A, %add3A_219 : vector<16xi32>
        %and3A_221 = arith.constant 15 : i32
        %and3A_222 = vector.broadcast %and3A_221 : i32 to vector<16xi32>
        %and3A_223 = arith.andi %add3A_220, %and3A_222 : vector<16xi32>
        %add3A_224 = arith.constant 0 : i32
        %add3A_225 = vector.broadcast %add3A_224 : i32 to vector<16xi32>
        %add3A_226 = arith.addi %add3A_225, %and3A_223 : vector<16xi32>
        %gather3A = tpu.vector_load_idx %arg10[%add3A_212, %add3A_226] : memref<128x128xf32, #tpu.memory_space<vmem>>[vector<16xi32>, vector<16xi32>], vector<16xf32>,
        tpu.vector_store_idx %arg14[%add3A_226, %add3A_212], %gather3A : memref<32x128xf32, #tpu.memory_space<vmem>>[vector<16xi32>, vector<16xi32>], vector<16xf32>,
        %add3A_227 = arith.constant 1 : i32
        %add3A_228 = arith.addi %mul3A_216, %add3A_227 : i32
        %add3A_229 = vector.broadcast %add3A_228 : i32 to vector<16xi32>
        %add3A_230 = arith.addi %iota3A, %add3A_229 : vector<16xi32>
        %and3A_231 = arith.constant 15 : i32
        %and3A_232 = vector.broadcast %and3A_231 : i32 to vector<16xi32>
        %and3A_233 = arith.andi %add3A_230, %and3A_232 : vector<16xi32>
        %add3A_234 = arith.constant 0 : i32
        %add3A_235 = vector.broadcast %add3A_234 : i32 to vector<16xi32>
        %add3A_236 = arith.addi %add3A_235, %and3A_233 : vector<16xi32>
        %gather3A_237 = tpu.vector_load_idx %arg10[%add3A_212, %add3A_236] : memref<128x128xf32, #tpu.memory_space<vmem>>[vector<16xi32>, vector<16xi32>], vector<16xf32>,
        tpu.vector_store_idx %arg14[%add3A_236, %add3A_212], %gather3A_237 : memref<32x128xf32, #tpu.memory_space<vmem>>[vector<16xi32>, vector<16xi32>], vector<16xf32>,
        %add3A_238 = arith.constant 2 : i32
        %add3A_239 = arith.addi %mul3A_216, %add3A_238 : i32
        %add3A_240 = vector.broadcast %add3A_239 : i32 to vector<16xi32>
        %add3A_241 = arith.addi %iota3A, %add3A_240 : vector<16xi32>
        %and3A_242 = arith.constant 15 : i32
        %and3A_243 = vector.broadcast %and3A_242 : i32 to vector<16xi32>
        %and3A_244 = arith.andi %add3A_241, %and3A_243 : vector<16xi32>
        %add3A_245 = arith.constant 0 : i32
        %add3A_246 = vector.broadcast %add3A_245 : i32 to vector<16xi32>
        %add3A_247 = arith.addi %add3A_246, %and3A_244 : vector<16xi32>
        %gather3A_248 = tpu.vector_load_idx %arg10[%add3A_212, %add3A_247] : memref<128x128xf32, #tpu.memory_space<vmem>>[vector<16xi32>, vector<16xi32>], vector<16xf32>,
        tpu.vector_store_idx %arg14[%add3A_247, %add3A_212], %gather3A_248 : memref<32x128xf32, #tpu.memory_space<vmem>>[vector<16xi32>, vector<16xi32>], vector<16xf32>,
        %add3A_249 = arith.constant 3 : i32
        %add3A_250 = arith.addi %mul3A_216, %add3A_249 : i32
        %add3A_251 = vector.broadcast %add3A_250 : i32 to vector<16xi32>
        %add3A_252 = arith.addi %iota3A, %add3A_251 : vector<16xi32>
        %and3A_253 = arith.constant 15 : i32
        %and3A_254 = vector.broadcast %and3A_253 : i32 to vector<16xi32>
        %and3A_255 = arith.andi %add3A_252, %and3A_254 : vector<16xi32>
        %add3A_256 = arith.constant 0 : i32
        %add3A_257 = vector.broadcast %add3A_256 : i32 to vector<16xi32>
        %add3A_258 = arith.addi %add3A_257, %and3A_255 : vector<16xi32>
        %gather3A_259 = tpu.vector_load_idx %arg10[%add3A_212, %add3A_258] : memref<128x128xf32, #tpu.memory_space<vmem>>[vector<16xi32>, vector<16xi32>], vector<16xf32>,
        tpu.vector_store_idx %arg14[%add3A_258, %add3A_212], %gather3A_259 : memref<32x128xf32, #tpu.memory_space<vmem>>[vector<16xi32>, vector<16xi32>], vector<16xf32>,
        %add3A_260 = arith.constant 4 : i32
        %add3A_261 = arith.addi %mul3A_216, %add3A_260 : i32
        %add3A_262 = vector.broadcast %add3A_261 : i32 to vector<16xi32>
        %add3A_263 = arith.addi %iota3A, %add3A_262 : vector<16xi32>
        %and3A_264 = arith.constant 15 : i32
        %and3A_265 = vector.broadcast %and3A_264 : i32 to vector<16xi32>
        %and3A_266 = arith.andi %add3A_263, %and3A_265 : vector<16xi32>
        %add3A_267 = arith.constant 0 : i32
        %add3A_268 = vector.broadcast %add3A_267 : i32 to vector<16xi32>
        %add3A_269 = arith.addi %add3A_268, %and3A_266 : vector<16xi32>
        %gather3A_270 = tpu.vector_load_idx %arg10[%add3A_212, %add3A_269] : memref<128x128xf32, #tpu.memory_space<vmem>>[vector<16xi32>, vector<16xi32>], vector<16xf32>,
        tpu.vector_store_idx %arg14[%add3A_269, %add3A_212], %gather3A_270 : memref<32x128xf32, #tpu.memory_space<vmem>>[vector<16xi32>, vector<16xi32>], vector<16xf32>,
        %add3A_271 = arith.constant 5 : i32
        %add3A_272 = arith.addi %mul3A_216, %add3A_271 : i32
        %add3A_273 = vector.broadcast %add3A_272 : i32 to vector<16xi32>
        %add3A_274 = arith.addi %iota3A, %add3A_273 : vector<16xi32>
        %and3A_275 = arith.constant 15 : i32
        %and3A_276 = vector.broadcast %and3A_275 : i32 to vector<16xi32>
        %and3A_277 = arith.andi %add3A_274, %and3A_276 : vector<16xi32>
        %add3A_278 = arith.constant 0 : i32
        %add3A_279 = vector.broadcast %add3A_278 : i32 to vector<16xi32>
        %add3A_280 = arith.addi %add3A_279, %and3A_277 : vector<16xi32>
        %gather3A_281 = tpu.vector_load_idx %arg10[%add3A_212, %add3A_280] : memref<128x128xf32, #tpu.memory_space<vmem>>[vector<16xi32>, vector<16xi32>], vector<16xf32>,
        tpu.vector_store_idx %arg14[%add3A_280, %add3A_212], %gather3A_281 : memref<32x128xf32, #tpu.memory_space<vmem>>[vector<16xi32>, vector<16xi32>], vector<16xf32>,
        %add3A_282 = arith.constant 6 : i32
        %add3A_283 = arith.addi %mul3A_216, %add3A_282 : i32
        %add3A_284 = vector.broadcast %add3A_283 : i32 to vector<16xi32>
        %add3A_285 = arith.addi %iota3A, %add3A_284 : vector<16xi32>
        %and3A_286 = arith.constant 15 : i32
        %and3A_287 = vector.broadcast %and3A_286 : i32 to vector<16xi32>
        %and3A_288 = arith.andi %add3A_285, %and3A_287 : vector<16xi32>
        %add3A_289 = arith.constant 0 : i32
        %add3A_290 = vector.broadcast %add3A_289 : i32 to vector<16xi32>
        %add3A_291 = arith.addi %add3A_290, %and3A_288 : vector<16xi32>
        %gather3A_292 = tpu.vector_load_idx %arg10[%add3A_212, %add3A_291] : memref<128x128xf32, #tpu.memory_space<vmem>>[vector<16xi32>, vector<16xi32>], vector<16xf32>,
        tpu.vector_store_idx %arg14[%add3A_291, %add3A_212], %gather3A_292 : memref<32x128xf32, #tpu.memory_space<vmem>>[vector<16xi32>, vector<16xi32>], vector<16xf32>,
        %add3A_293 = arith.constant 7 : i32
        %add3A_294 = arith.addi %mul3A_216, %add3A_293 : i32
        %add3A_295 = vector.broadcast %add3A_294 : i32 to vector<16xi32>
        %add3A_296 = arith.addi %iota3A, %add3A_295 : vector<16xi32>
        %and3A_297 = arith.constant 15 : i32
        %and3A_298 = vector.broadcast %and3A_297 : i32 to vector<16xi32>
        %and3A_299 = arith.andi %add3A_296, %and3A_298 : vector<16xi32>
        %add3A_300 = arith.constant 0 : i32
        %add3A_301 = vector.broadcast %add3A_300 : i32 to vector<16xi32>
        %add3A_302 = arith.addi %add3A_301, %and3A_299 : vector<16xi32>
        %gather3A_303 = tpu.vector_load_idx %arg10[%add3A_212, %add3A_302] : memref<128x128xf32, #tpu.memory_space<vmem>>[vector<16xi32>, vector<16xi32>], vector<16xf32>,
        tpu.vector_store_idx %arg14[%add3A_302, %add3A_212], %gather3A_303 : memref<32x128xf32, #tpu.memory_space<vmem>>[vector<16xi32>, vector<16xi32>], vector<16xf32>,
        %add3A_304 = arith.constant 0 : i32
        %add3A_305 = arith.addi %mul3A_216, %add3A_304 : i32
        %add3A_306 = vector.broadcast %add3A_305 : i32 to vector<16xi32>
        %add3A_307 = arith.addi %iota3A, %add3A_306 : vector<16xi32>
        %and3A_308 = arith.constant 15 : i32
        %and3A_309 = vector.broadcast %and3A_308 : i32 to vector<16xi32>
        %and3A_310 = arith.andi %add3A_307, %and3A_309 : vector<16xi32>
        %add3A_311 = arith.constant 16 : i32
        %add3A_312 = vector.broadcast %add3A_311 : i32 to vector<16xi32>
        %add3A_313 = arith.addi %add3A_312, %and3A_310 : vector<16xi32>
        %gather3A_314 = tpu.vector_load_idx %arg10[%add3A_212, %add3A_313] : memref<128x128xf32, #tpu.memory_space<vmem>>[vector<16xi32>, vector<16xi32>], vector<16xf32>,
        tpu.vector_store_idx %arg14[%add3A_313, %add3A_212], %gather3A_314 : memref<32x128xf32, #tpu.memory_space<vmem>>[vector<16xi32>, vector<16xi32>], vector<16xf32>,
        %add3A_315 = arith.constant 1 : i32
        %add3A_316 = arith.addi %mul3A_216, %add3A_315 : i32
        %add3A_317 = vector.broadcast %add3A_316 : i32 to vector<16xi32>
        %add3A_318 = arith.addi %iota3A, %add3A_317 : vector<16xi32>
        %and3A_319 = arith.constant 15 : i32
        %and3A_320 = vector.broadcast %and3A_319 : i32 to vector<16xi32>
        %and3A_321 = arith.andi %add3A_318, %and3A_320 : vector<16xi32>
        %add3A_322 = arith.constant 16 : i32
        %add3A_323 = vector.broadcast %add3A_322 : i32 to vector<16xi32>
        %add3A_324 = arith.addi %add3A_323, %and3A_321 : vector<16xi32>
        %gather3A_325 = tpu.vector_load_idx %arg10[%add3A_212, %add3A_324] : memref<128x128xf32, #tpu.memory_space<vmem>>[vector<16xi32>, vector<16xi32>], vector<16xf32>,
        tpu.vector_store_idx %arg14[%add3A_324, %add3A_212], %gather3A_325 : memref<32x128xf32, #tpu.memory_space<vmem>>[vector<16xi32>, vector<16xi32>], vector<16xf32>,
        %add3A_326 = arith.constant 2 : i32
        %add3A_327 = arith.addi %mul3A_216, %add3A_326 : i32
        %add3A_328 = vector.broadcast %add3A_327 : i32 to vector<16xi32>
        %add3A_329 = arith.addi %iota3A, %add3A_328 : vector<16xi32>
        %and3A_330 = arith.constant 15 : i32
        %and3A_331 = vector.broadcast %and3A_330 : i32 to vector<16xi32>
        %and3A_332 = arith.andi %add3A_329, %and3A_331 : vector<16xi32>
        %add3A_333 = arith.constant 16 : i32
        %add3A_334 = vector.broadcast %add3A_333 : i32 to vector<16xi32>
        %add3A_335 = arith.addi %add3A_334, %and3A_332 : vector<16xi32>
        %gather3A_336 = tpu.vector_load_idx %arg10[%add3A_212, %add3A_335] : memref<128x128xf32, #tpu.memory_space<vmem>>[vector<16xi32>, vector<16xi32>], vector<16xf32>,
        tpu.vector_store_idx %arg14[%add3A_335, %add3A_212], %gather3A_336 : memref<32x128xf32, #tpu.memory_space<vmem>>[vector<16xi32>, vector<16xi32>], vector<16xf32>,
        %add3A_337 = arith.constant 3 : i32
        %add3A_338 = arith.addi %mul3A_216, %add3A_337 : i32
        %add3A_339 = vector.broadcast %add3A_338 : i32 to vector<16xi32>
        %add3A_340 = arith.addi %iota3A, %add3A_339 : vector<16xi32>
        %and3A_341 = arith.constant 15 : i32
        %and3A_342 = vector.broadcast %and3A_341 : i32 to vector<16xi32>
        %and3A_343 = arith.andi %add3A_340, %and3A_342 : vector<16xi32>
        %add3A_344 = arith.constant 16 : i32
        %add3A_345 = vector.broadcast %add3A_344 : i32 to vector<16xi32>
        %add3A_346 = arith.addi %add3A_345, %and3A_343 : vector<16xi32>
        %gather3A_347 = tpu.vector_load_idx %arg10[%add3A_212, %add3A_346] : memref<128x128xf32, #tpu.memory_space<vmem>>[vector<16xi32>, vector<16xi32>], vector<16xf32>,
        tpu.vector_store_idx %arg14[%add3A_346, %add3A_212], %gather3A_347 : memref<32x128xf32, #tpu.memory_space<vmem>>[vector<16xi32>, vector<16xi32>], vector<16xf32>,
        %add3A_348 = arith.constant 4 : i32
        %add3A_349 = arith.addi %mul3A_216, %add3A_348 : i32
        %add3A_350 = vector.broadcast %add3A_349 : i32 to vector<16xi32>
        %add3A_351 = arith.addi %iota3A, %add3A_350 : vector<16xi32>
        %and3A_352 = arith.constant 15 : i32
        %and3A_353 = vector.broadcast %and3A_352 : i32 to vector<16xi32>
        %and3A_354 = arith.andi %add3A_351, %and3A_353 : vector<16xi32>
        %add3A_355 = arith.constant 16 : i32
        %add3A_356 = vector.broadcast %add3A_355 : i32 to vector<16xi32>
        %add3A_357 = arith.addi %add3A_356, %and3A_354 : vector<16xi32>
        %gather3A_358 = tpu.vector_load_idx %arg10[%add3A_212, %add3A_357] : memref<128x128xf32, #tpu.memory_space<vmem>>[vector<16xi32>, vector<16xi32>], vector<16xf32>,
        tpu.vector_store_idx %arg14[%add3A_357, %add3A_212], %gather3A_358 : memref<32x128xf32, #tpu.memory_space<vmem>>[vector<16xi32>, vector<16xi32>], vector<16xf32>,
        %add3A_359 = arith.constant 5 : i32
        %add3A_360 = arith.addi %mul3A_216, %add3A_359 : i32
        %add3A_361 = vector.broadcast %add3A_360 : i32 to vector<16xi32>
        %add3A_362 = arith.addi %iota3A, %add3A_361 : vector<16xi32>
        %and3A_363 = arith.constant 15 : i32
        %and3A_364 = vector.broadcast %and3A_363 : i32 to vector<16xi32>
        %and3A_365 = arith.andi %add3A_362, %and3A_364 : vector<16xi32>
        %add3A_366 = arith.constant 16 : i32
        %add3A_367 = vector.broadcast %add3A_366 : i32 to vector<16xi32>
        %add3A_368 = arith.addi %add3A_367, %and3A_365 : vector<16xi32>
        %gather3A_369 = tpu.vector_load_idx %arg10[%add3A_212, %add3A_368] : memref<128x128xf32, #tpu.memory_space<vmem>>[vector<16xi32>, vector<16xi32>], vector<16xf32>,
        tpu.vector_store_idx %arg14[%add3A_368, %add3A_212], %gather3A_369 : memref<32x128xf32, #tpu.memory_space<vmem>>[vector<16xi32>, vector<16xi32>], vector<16xf32>,
        %add3A_370 = arith.constant 6 : i32
        %add3A_371 = arith.addi %mul3A_216, %add3A_370 : i32
        %add3A_372 = vector.broadcast %add3A_371 : i32 to vector<16xi32>
        %add3A_373 = arith.addi %iota3A, %add3A_372 : vector<16xi32>
        %and3A_374 = arith.constant 15 : i32
        %and3A_375 = vector.broadcast %and3A_374 : i32 to vector<16xi32>
        %and3A_376 = arith.andi %add3A_373, %and3A_375 : vector<16xi32>
        %add3A_377 = arith.constant 16 : i32
        %add3A_378 = vector.broadcast %add3A_377 : i32 to vector<16xi32>
        %add3A_379 = arith.addi %add3A_378, %and3A_376 : vector<16xi32>
        %gather3A_380 = tpu.vector_load_idx %arg10[%add3A_212, %add3A_379] : memref<128x128xf32, #tpu.memory_space<vmem>>[vector<16xi32>, vector<16xi32>], vector<16xf32>,
        tpu.vector_store_idx %arg14[%add3A_379, %add3A_212], %gather3A_380 : memref<32x128xf32, #tpu.memory_space<vmem>>[vector<16xi32>, vector<16xi32>], vector<16xf32>,
        %add3A_381 = arith.constant 7 : i32
        %add3A_382 = arith.addi %mul3A_216, %add3A_381 : i32
        %add3A_383 = vector.broadcast %add3A_382 : i32 to vector<16xi32>
        %add3A_384 = arith.addi %iota3A, %add3A_383 : vector<16xi32>
        %and3A_385 = arith.constant 15 : i32
        %and3A_386 = vector.broadcast %and3A_385 : i32 to vector<16xi32>
        %and3A_387 = arith.andi %add3A_384, %and3A_386 : vector<16xi32>
        %add3A_388 = arith.constant 16 : i32
        %add3A_389 = vector.broadcast %add3A_388 : i32 to vector<16xi32>
        %add3A_390 = arith.addi %add3A_389, %and3A_387 : vector<16xi32>
        %gather3A_391 = tpu.vector_load_idx %arg10[%add3A_212, %add3A_390] : memref<128x128xf32, #tpu.memory_space<vmem>>[vector<16xi32>, vector<16xi32>], vector<16xf32>,
        tpu.vector_store_idx %arg14[%add3A_390, %add3A_212], %gather3A_391 : memref<32x128xf32, #tpu.memory_space<vmem>>[vector<16xi32>, vector<16xi32>], vector<16xf32>,
        %add3A_392 = arith.constant 0 : i32
        %add3A_393 = arith.addi %mul3A_216, %add3A_392 : i32
        %add3A_394 = vector.broadcast %add3A_393 : i32 to vector<16xi32>
        %add3A_395 = arith.addi %iota3A, %add3A_394 : vector<16xi32>
        %and3A_396 = arith.constant 15 : i32
        %and3A_397 = vector.broadcast %and3A_396 : i32 to vector<16xi32>
        %and3A_398 = arith.andi %add3A_395, %and3A_397 : vector<16xi32>
        %add3A_399 = arith.constant 0 : i32
        %add3A_400 = vector.broadcast %add3A_399 : i32 to vector<16xi32>
        %add3A_401 = arith.addi %add3A_400, %and3A_398 : vector<16xi32>
        %gather3A_402 = tpu.vector_load_idx %arg12[%add3A_212, %add3A_401] : memref<128x128xf32, #tpu.memory_space<vmem>>[vector<16xi32>, vector<16xi32>], vector<16xf32>,
        tpu.vector_store_idx %arg16[%add3A_401, %add3A_212], %gather3A_402 : memref<32x128xf32, #tpu.memory_space<vmem>>[vector<16xi32>, vector<16xi32>], vector<16xf32>,
        %add3A_403 = arith.constant 1 : i32
        %add3A_404 = arith.addi %mul3A_216, %add3A_403 : i32
        %add3A_405 = vector.broadcast %add3A_404 : i32 to vector<16xi32>
        %add3A_406 = arith.addi %iota3A, %add3A_405 : vector<16xi32>
        %and3A_407 = arith.constant 15 : i32
        %and3A_408 = vector.broadcast %and3A_407 : i32 to vector<16xi32>
        %and3A_409 = arith.andi %add3A_406, %and3A_408 : vector<16xi32>
        %add3A_410 = arith.constant 0 : i32
        %add3A_411 = vector.broadcast %add3A_410 : i32 to vector<16xi32>
        %add3A_412 = arith.addi %add3A_411, %and3A_409 : vector<16xi32>
        %gather3A_413 = tpu.vector_load_idx %arg12[%add3A_212, %add3A_412] : memref<128x128xf32, #tpu.memory_space<vmem>>[vector<16xi32>, vector<16xi32>], vector<16xf32>,
        tpu.vector_store_idx %arg16[%add3A_412, %add3A_212], %gather3A_413 : memref<32x128xf32, #tpu.memory_space<vmem>>[vector<16xi32>, vector<16xi32>], vector<16xf32>,
        %add3A_414 = arith.constant 2 : i32
        %add3A_415 = arith.addi %mul3A_216, %add3A_414 : i32
        %add3A_416 = vector.broadcast %add3A_415 : i32 to vector<16xi32>
        %add3A_417 = arith.addi %iota3A, %add3A_416 : vector<16xi32>
        %and3A_418 = arith.constant 15 : i32
        %and3A_419 = vector.broadcast %and3A_418 : i32 to vector<16xi32>
        %and3A_420 = arith.andi %add3A_417, %and3A_419 : vector<16xi32>
        %add3A_421 = arith.constant 0 : i32
        %add3A_422 = vector.broadcast %add3A_421 : i32 to vector<16xi32>
        %add3A_423 = arith.addi %add3A_422, %and3A_420 : vector<16xi32>
        %gather3A_424 = tpu.vector_load_idx %arg12[%add3A_212, %add3A_423] : memref<128x128xf32, #tpu.memory_space<vmem>>[vector<16xi32>, vector<16xi32>], vector<16xf32>,
        tpu.vector_store_idx %arg16[%add3A_423, %add3A_212], %gather3A_424 : memref<32x128xf32, #tpu.memory_space<vmem>>[vector<16xi32>, vector<16xi32>], vector<16xf32>,
        %add3A_425 = arith.constant 3 : i32
        %add3A_426 = arith.addi %mul3A_216, %add3A_425 : i32
        %add3A_427 = vector.broadcast %add3A_426 : i32 to vector<16xi32>
        %add3A_428 = arith.addi %iota3A, %add3A_427 : vector<16xi32>
        %and3A_429 = arith.constant 15 : i32
        %and3A_430 = vector.broadcast %and3A_429 : i32 to vector<16xi32>
        %and3A_431 = arith.andi %add3A_428, %and3A_430 : vector<16xi32>
        %add3A_432 = arith.constant 0 : i32
        %add3A_433 = vector.broadcast %add3A_432 : i32 to vector<16xi32>
        %add3A_434 = arith.addi %add3A_433, %and3A_431 : vector<16xi32>
        %gather3A_435 = tpu.vector_load_idx %arg12[%add3A_212, %add3A_434] : memref<128x128xf32, #tpu.memory_space<vmem>>[vector<16xi32>, vector<16xi32>], vector<16xf32>,
        tpu.vector_store_idx %arg16[%add3A_434, %add3A_212], %gather3A_435 : memref<32x128xf32, #tpu.memory_space<vmem>>[vector<16xi32>, vector<16xi32>], vector<16xf32>,
        %add3A_436 = arith.constant 4 : i32
        %add3A_437 = arith.addi %mul3A_216, %add3A_436 : i32
        %add3A_438 = vector.broadcast %add3A_437 : i32 to vector<16xi32>
        %add3A_439 = arith.addi %iota3A, %add3A_438 : vector<16xi32>
        %and3A_440 = arith.constant 15 : i32
        %and3A_441 = vector.broadcast %and3A_440 : i32 to vector<16xi32>
        %and3A_442 = arith.andi %add3A_439, %and3A_441 : vector<16xi32>
        %add3A_443 = arith.constant 0 : i32
        %add3A_444 = vector.broadcast %add3A_443 : i32 to vector<16xi32>
        %add3A_445 = arith.addi %add3A_444, %and3A_442 : vector<16xi32>
        %gather3A_446 = tpu.vector_load_idx %arg12[%add3A_212, %add3A_445] : memref<128x128xf32, #tpu.memory_space<vmem>>[vector<16xi32>, vector<16xi32>], vector<16xf32>,
        tpu.vector_store_idx %arg16[%add3A_445, %add3A_212], %gather3A_446 : memref<32x128xf32, #tpu.memory_space<vmem>>[vector<16xi32>, vector<16xi32>], vector<16xf32>,
        %add3A_447 = arith.constant 5 : i32
        %add3A_448 = arith.addi %mul3A_216, %add3A_447 : i32
        %add3A_449 = vector.broadcast %add3A_448 : i32 to vector<16xi32>
        %add3A_450 = arith.addi %iota3A, %add3A_449 : vector<16xi32>
        %and3A_451 = arith.constant 15 : i32
        %and3A_452 = vector.broadcast %and3A_451 : i32 to vector<16xi32>
        %and3A_453 = arith.andi %add3A_450, %and3A_452 : vector<16xi32>
        %add3A_454 = arith.constant 0 : i32
        %add3A_455 = vector.broadcast %add3A_454 : i32 to vector<16xi32>
        %add3A_456 = arith.addi %add3A_455, %and3A_453 : vector<16xi32>
        %gather3A_457 = tpu.vector_load_idx %arg12[%add3A_212, %add3A_456] : memref<128x128xf32, #tpu.memory_space<vmem>>[vector<16xi32>, vector<16xi32>], vector<16xf32>,
        tpu.vector_store_idx %arg16[%add3A_456, %add3A_212], %gather3A_457 : memref<32x128xf32, #tpu.memory_space<vmem>>[vector<16xi32>, vector<16xi32>], vector<16xf32>,
        %add3A_458 = arith.constant 6 : i32
        %add3A_459 = arith.addi %mul3A_216, %add3A_458 : i32
        %add3A_460 = vector.broadcast %add3A_459 : i32 to vector<16xi32>
        %add3A_461 = arith.addi %iota3A, %add3A_460 : vector<16xi32>
        %and3A_462 = arith.constant 15 : i32
        %and3A_463 = vector.broadcast %and3A_462 : i32 to vector<16xi32>
        %and3A_464 = arith.andi %add3A_461, %and3A_463 : vector<16xi32>
        %add3A_465 = arith.constant 0 : i32
        %add3A_466 = vector.broadcast %add3A_465 : i32 to vector<16xi32>
        %add3A_467 = arith.addi %add3A_466, %and3A_464 : vector<16xi32>
        %gather3A_468 = tpu.vector_load_idx %arg12[%add3A_212, %add3A_467] : memref<128x128xf32, #tpu.memory_space<vmem>>[vector<16xi32>, vector<16xi32>], vector<16xf32>,
        tpu.vector_store_idx %arg16[%add3A_467, %add3A_212], %gather3A_468 : memref<32x128xf32, #tpu.memory_space<vmem>>[vector<16xi32>, vector<16xi32>], vector<16xf32>,
        %add3A_469 = arith.constant 7 : i32
        %add3A_470 = arith.addi %mul3A_216, %add3A_469 : i32
        %add3A_471 = vector.broadcast %add3A_470 : i32 to vector<16xi32>
        %add3A_472 = arith.addi %iota3A, %add3A_471 : vector<16xi32>
        %and3A_473 = arith.constant 15 : i32
        %and3A_474 = vector.broadcast %and3A_473 : i32 to vector<16xi32>
        %and3A_475 = arith.andi %add3A_472, %and3A_474 : vector<16xi32>
        %add3A_476 = arith.constant 0 : i32
        %add3A_477 = vector.broadcast %add3A_476 : i32 to vector<16xi32>
        %add3A_478 = arith.addi %add3A_477, %and3A_475 : vector<16xi32>
        %gather3A_479 = tpu.vector_load_idx %arg12[%add3A_212, %add3A_478] : memref<128x128xf32, #tpu.memory_space<vmem>>[vector<16xi32>, vector<16xi32>], vector<16xf32>,
        tpu.vector_store_idx %arg16[%add3A_478, %add3A_212], %gather3A_479 : memref<32x128xf32, #tpu.memory_space<vmem>>[vector<16xi32>, vector<16xi32>], vector<16xf32>,
        %add3A_480 = arith.constant 0 : i32
        %add3A_481 = arith.addi %mul3A_216, %add3A_480 : i32
        %add3A_482 = vector.broadcast %add3A_481 : i32 to vector<16xi32>
        %add3A_483 = arith.addi %iota3A, %add3A_482 : vector<16xi32>
        %and3A_484 = arith.constant 15 : i32
        %and3A_485 = vector.broadcast %and3A_484 : i32 to vector<16xi32>
        %and3A_486 = arith.andi %add3A_483, %and3A_485 : vector<16xi32>
        %add3A_487 = arith.constant 16 : i32
        %add3A_488 = vector.broadcast %add3A_487 : i32 to vector<16xi32>
        %add3A_489 = arith.addi %add3A_488, %and3A_486 : vector<16xi32>
        %gather3A_490 = tpu.vector_load_idx %arg12[%add3A_212, %add3A_489] : memref<128x128xf32, #tpu.memory_space<vmem>>[vector<16xi32>, vector<16xi32>], vector<16xf32>,
        tpu.vector_store_idx %arg16[%add3A_489, %add3A_212], %gather3A_490 : memref<32x128xf32, #tpu.memory_space<vmem>>[vector<16xi32>, vector<16xi32>], vector<16xf32>,
        %add3A_491 = arith.constant 1 : i32
        %add3A_492 = arith.addi %mul3A_216, %add3A_491 : i32
        %add3A_493 = vector.broadcast %add3A_492 : i32 to vector<16xi32>
        %add3A_494 = arith.addi %iota3A, %add3A_493 : vector<16xi32>
        %and3A_495 = arith.constant 15 : i32
        %and3A_496 = vector.broadcast %and3A_495 : i32 to vector<16xi32>
        %and3A_497 = arith.andi %add3A_494, %and3A_496 : vector<16xi32>
        %add3A_498 = arith.constant 16 : i32
        %add3A_499 = vector.broadcast %add3A_498 : i32 to vector<16xi32>
        %add3A_500 = arith.addi %add3A_499, %and3A_497 : vector<16xi32>
        %gather3A_501 = tpu.vector_load_idx %arg12[%add3A_212, %add3A_500] : memref<128x128xf32, #tpu.memory_space<vmem>>[vector<16xi32>, vector<16xi32>], vector<16xf32>,
        tpu.vector_store_idx %arg16[%add3A_500, %add3A_212], %gather3A_501 : memref<32x128xf32, #tpu.memory_space<vmem>>[vector<16xi32>, vector<16xi32>], vector<16xf32>,
        %add3A_502 = arith.constant 2 : i32
        %add3A_503 = arith.addi %mul3A_216, %add3A_502 : i32
        %add3A_504 = vector.broadcast %add3A_503 : i32 to vector<16xi32>
        %add3A_505 = arith.addi %iota3A, %add3A_504 : vector<16xi32>
        %and3A_506 = arith.constant 15 : i32
        %and3A_507 = vector.broadcast %and3A_506 : i32 to vector<16xi32>
        %and3A_508 = arith.andi %add3A_505, %and3A_507 : vector<16xi32>
        %add3A_509 = arith.constant 16 : i32
        %add3A_510 = vector.broadcast %add3A_509 : i32 to vector<16xi32>
        %add3A_511 = arith.addi %add3A_510, %and3A_508 : vector<16xi32>
        %gather3A_512 = tpu.vector_load_idx %arg12[%add3A_212, %add3A_511] : memref<128x128xf32, #tpu.memory_space<vmem>>[vector<16xi32>, vector<16xi32>], vector<16xf32>,
        tpu.vector_store_idx %arg16[%add3A_511, %add3A_212], %gather3A_512 : memref<32x128xf32, #tpu.memory_space<vmem>>[vector<16xi32>, vector<16xi32>], vector<16xf32>,
        %add3A_513 = arith.constant 3 : i32
        %add3A_514 = arith.addi %mul3A_216, %add3A_513 : i32
        %add3A_515 = vector.broadcast %add3A_514 : i32 to vector<16xi32>
        %add3A_516 = arith.addi %iota3A, %add3A_515 : vector<16xi32>
        %and3A_517 = arith.constant 15 : i32
        %and3A_518 = vector.broadcast %and3A_517 : i32 to vector<16xi32>
        %and3A_519 = arith.andi %add3A_516, %and3A_518 : vector<16xi32>
        %add3A_520 = arith.constant 16 : i32
        %add3A_521 = vector.broadcast %add3A_520 : i32 to vector<16xi32>
        %add3A_522 = arith.addi %add3A_521, %and3A_519 : vector<16xi32>
        %gather3A_523 = tpu.vector_load_idx %arg12[%add3A_212, %add3A_522] : memref<128x128xf32, #tpu.memory_space<vmem>>[vector<16xi32>, vector<16xi32>], vector<16xf32>,
        tpu.vector_store_idx %arg16[%add3A_522, %add3A_212], %gather3A_523 : memref<32x128xf32, #tpu.memory_space<vmem>>[vector<16xi32>, vector<16xi32>], vector<16xf32>,
        %add3A_524 = arith.constant 4 : i32
        %add3A_525 = arith.addi %mul3A_216, %add3A_524 : i32
        %add3A_526 = vector.broadcast %add3A_525 : i32 to vector<16xi32>
        %add3A_527 = arith.addi %iota3A, %add3A_526 : vector<16xi32>
        %and3A_528 = arith.constant 15 : i32
        %and3A_529 = vector.broadcast %and3A_528 : i32 to vector<16xi32>
        %and3A_530 = arith.andi %add3A_527, %and3A_529 : vector<16xi32>
        %add3A_531 = arith.constant 16 : i32
        %add3A_532 = vector.broadcast %add3A_531 : i32 to vector<16xi32>
        %add3A_533 = arith.addi %add3A_532, %and3A_530 : vector<16xi32>
        %gather3A_534 = tpu.vector_load_idx %arg12[%add3A_212, %add3A_533] : memref<128x128xf32, #tpu.memory_space<vmem>>[vector<16xi32>, vector<16xi32>], vector<16xf32>,
        tpu.vector_store_idx %arg16[%add3A_533, %add3A_212], %gather3A_534 : memref<32x128xf32, #tpu.memory_space<vmem>>[vector<16xi32>, vector<16xi32>], vector<16xf32>,
        %add3A_535 = arith.constant 5 : i32
        %add3A_536 = arith.addi %mul3A_216, %add3A_535 : i32
        %add3A_537 = vector.broadcast %add3A_536 : i32 to vector<16xi32>
        %add3A_538 = arith.addi %iota3A, %add3A_537 : vector<16xi32>
        %and3A_539 = arith.constant 15 : i32
        %and3A_540 = vector.broadcast %and3A_539 : i32 to vector<16xi32>
        %and3A_541 = arith.andi %add3A_538, %and3A_540 : vector<16xi32>
        %add3A_542 = arith.constant 16 : i32
        %add3A_543 = vector.broadcast %add3A_542 : i32 to vector<16xi32>
        %add3A_544 = arith.addi %add3A_543, %and3A_541 : vector<16xi32>
        %gather3A_545 = tpu.vector_load_idx %arg12[%add3A_212, %add3A_544] : memref<128x128xf32, #tpu.memory_space<vmem>>[vector<16xi32>, vector<16xi32>], vector<16xf32>,
        tpu.vector_store_idx %arg16[%add3A_544, %add3A_212], %gather3A_545 : memref<32x128xf32, #tpu.memory_space<vmem>>[vector<16xi32>, vector<16xi32>], vector<16xf32>,
        %add3A_546 = arith.constant 6 : i32
        %add3A_547 = arith.addi %mul3A_216, %add3A_546 : i32
        %add3A_548 = vector.broadcast %add3A_547 : i32 to vector<16xi32>
        %add3A_549 = arith.addi %iota3A, %add3A_548 : vector<16xi32>
        %and3A_550 = arith.constant 15 : i32
        %and3A_551 = vector.broadcast %and3A_550 : i32 to vector<16xi32>
        %and3A_552 = arith.andi %add3A_549, %and3A_551 : vector<16xi32>
        %add3A_553 = arith.constant 16 : i32
        %add3A_554 = vector.broadcast %add3A_553 : i32 to vector<16xi32>
        %add3A_555 = arith.addi %add3A_554, %and3A_552 : vector<16xi32>
        %gather3A_556 = tpu.vector_load_idx %arg12[%add3A_212, %add3A_555] : memref<128x128xf32, #tpu.memory_space<vmem>>[vector<16xi32>, vector<16xi32>], vector<16xf32>,
        tpu.vector_store_idx %arg16[%add3A_555, %add3A_212], %gather3A_556 : memref<32x128xf32, #tpu.memory_space<vmem>>[vector<16xi32>, vector<16xi32>], vector<16xf32>,
        %add3A_557 = arith.constant 7 : i32
        %add3A_558 = arith.addi %mul3A_216, %add3A_557 : i32
        %add3A_559 = vector.broadcast %add3A_558 : i32 to vector<16xi32>
        %add3A_560 = arith.addi %iota3A, %add3A_559 : vector<16xi32>
        %and3A_561 = arith.constant 15 : i32
        %and3A_562 = vector.broadcast %and3A_561 : i32 to vector<16xi32>
        %and3A_563 = arith.andi %add3A_560, %and3A_562 : vector<16xi32>
        %add3A_564 = arith.constant 16 : i32
        %add3A_565 = vector.broadcast %add3A_564 : i32 to vector<16xi32>
        %add3A_566 = arith.addi %add3A_565, %and3A_563 : vector<16xi32>
        %gather3A_567 = tpu.vector_load_idx %arg12[%add3A_212, %add3A_566] : memref<128x128xf32, #tpu.memory_space<vmem>>[vector<16xi32>, vector<16xi32>], vector<16xf32>,
        tpu.vector_store_idx %arg16[%add3A_566, %add3A_212], %gather3A_567 : memref<32x128xf32, #tpu.memory_space<vmem>>[vector<16xi32>, vector<16xi32>], vector<16xf32>,
      }
      %scan3A_144 = arith.constant 16 : i32
      %jit3A_145 = arith.constant 4 : i32
      %div3A_146 = arith.divsi %add3A_127, %jit3A_145 : i32
      %sign3A_147 = arith.constant 0 : i32
      %sign3A_148 = arith.cmpi sgt, %add3A_127, %sign3A_147 : i32
      %sign3A_149 = arith.extui %sign3A_148 : i1 to i32
      %sign3A_150 = arith.constant 0 : i32
      %sign3A_151 = arith.cmpi slt, %add3A_127, %sign3A_150 : i32
      %sign3A_152 = arith.extui %sign3A_151 : i1 to i32
      %sign3A_153 = arith.subi %sign3A_149, %sign3A_152 : i32
      %sign3A_154 = arith.constant 0 : i32
      %sign3A_155 = arith.cmpi sgt, %jit3A_145, %sign3A_154 : i32
      %sign3A_156 = arith.extui %sign3A_155 : i1 to i32
      %sign3A_157 = arith.constant 0 : i32
      %sign3A_158 = arith.cmpi slt, %jit3A_145, %sign3A_157 : i32
      %sign3A_159 = arith.extui %sign3A_158 : i1 to i32
      %sign3A_160 = arith.subi %sign3A_156, %sign3A_159 : i32
      %ne3A_161 = arith.cmpi ne, %sign3A_153, %sign3A_160 : i32
      %rem3A_162 = arith.remsi %add3A_127, %jit3A_145 : i32
      %ne3A_163 = arith.constant 0 : i32
      %ne3A_164 = arith.cmpi ne, %rem3A_162, %ne3A_163 : i32
      %and3A_165 = arith.andi %ne3A_161, %ne3A_164 : i1
      %sub3A_166 = arith.constant 1 : i32
      %sub3A_167 = arith.subi %div3A_146, %sub3A_166 : i32
      %select_n3A_168 = arith.select %and3A_165, %sub3A_167, %div3A_146 : i32
      %jit3A_169 = arith.constant 4 : i32
      %eq3A_170 = arith.constant 0 : i32
      %eq3A_171 = arith.cmpi eq, %jit3A_169, %eq3A_170 : i32
      %jit3A_172 = arith.constant 1 : i32
      %select_n3A_173 = arith.select %eq3A_171, %jit3A_172, %jit3A_169 : i32
      %rem3A_174 = arith.remsi %add3A_127, %select_n3A_173 : i32
      %ne3A_175 = arith.constant 0 : i32
      %ne3A_176 = arith.cmpi ne, %rem3A_174, %ne3A_175 : i32
      %lt3A_177 = arith.constant 0 : i32
      %lt3A_178 = arith.cmpi slt, %rem3A_174, %lt3A_177 : i32
      %lt3A_179 = arith.constant 0 : i32
      %lt3A_180 = arith.cmpi slt, %select_n3A_173, %lt3A_179 : i32
      %ne3A_181 = arith.xori %lt3A_178, %lt3A_180 : i1
      %and3A_182 = arith.andi %ne3A_181, %ne3A_176 : i1
      %add3A_183 = arith.addi %rem3A_174, %select_n3A_173 : i32
      %select_n3A_184 = arith.select %and3A_182, %add3A_183, %rem3A_174 : i32
      %mul3A_185 = arith.constant 128 : i32
      %mul3A_186 = arith.muli %select_n3A_184, %mul3A_185 : i32
      %add3A_187 = arith.addi %mul3A_2, %mul3A_186 : i32
      %dma_start3A_188 = arith.constant 0 : i32
      %dma_start3A_189 = tpu.memref_slice %arg5[%select_n3A_168, %dma_start3A_188, %add3A_187] : memref<20x32x16384xf32, #tpu.memory_space<hbm>> -> memref<1x32x128xf32, #tpu.memory_space<hbm>>
      %dma_start3A_190 = tpu.memref_squeeze %dma_start3A_189 : memref<1x32x128xf32, #tpu.memory_space<hbm>> -> memref<32x128xf32, #tpu.memory_space<hbm>>
      %dma_start3A_191 = arith.constant 0 : i32
      %dma_start3A_192 = tpu.memref_slice %arg5[%select_n3A_168, %dma_start3A_191, %add3A_187] : memref<20x32x16384xf32, #tpu.memory_space<hbm>> -> memref<1x32x128xf32, #tpu.memory_space<hbm>>
      %dma_start3A_193 = tpu.memref_squeeze %dma_start3A_192 : memref<1x32x128xf32, #tpu.memory_space<hbm>> -> memref<32x128xf32, #tpu.memory_space<hbm>>
      tpu.enqueue_dma source(%arg14 : memref<32x128xf32, #tpu.memory_space<vmem>>) target(%dma_start3A_193 : memref<32x128xf32, #tpu.memory_space<hbm>>) target_semaphore(%arg22 : memref<!tpu.dma_semaphore, #tpu.memory_space<semaphore_mem>>)
      %dma_start3A_194 = arith.constant 0 : i32
      %dma_start3A_195 = tpu.memref_slice %arg6[%select_n3A_168, %dma_start3A_194, %add3A_187] : memref<20x32x16384xf32, #tpu.memory_space<hbm>> -> memref<1x32x128xf32, #tpu.memory_space<hbm>>
      %dma_start3A_196 = tpu.memref_squeeze %dma_start3A_195 : memref<1x32x128xf32, #tpu.memory_space<hbm>> -> memref<32x128xf32, #tpu.memory_space<hbm>>
      %dma_start3A_197 = arith.constant 0 : i32
      %dma_start3A_198 = tpu.memref_slice %arg6[%select_n3A_168, %dma_start3A_197, %add3A_187] : memref<20x32x16384xf32, #tpu.memory_space<hbm>> -> memref<1x32x128xf32, #tpu.memory_space<hbm>>
      %dma_start3A_199 = tpu.memref_squeeze %dma_start3A_198 : memref<1x32x128xf32, #tpu.memory_space<hbm>> -> memref<32x128xf32, #tpu.memory_space<hbm>>
      tpu.enqueue_dma source(%arg16 : memref<32x128xf32, #tpu.memory_space<vmem>>) target(%dma_start3A_199 : memref<32x128xf32, #tpu.memory_space<hbm>>) target_semaphore(%arg24 : memref<!tpu.dma_semaphore, #tpu.memory_space<semaphore_mem>>)
      %add3A_200 = arith.constant 2 : i32
      %add3A_201 = arith.addi %add3A_127, %add3A_200 : i32
      %lt3A_202 = arith.constant 80 : i32
      %lt3A_203 = arith.cmpi slt, %add3A_201, %lt3A_202 : i32
      %convert_element_type3A_204 = arith.extui %lt3A_203 : i1 to i32
      %cond3A_205 = arith.constant 0 : i32
      %cond3A_206 = arith.cmpi ne, %convert_element_type3A_204, %cond3A_205 : i32
      scf.if %cond3A_206 {
        %add3A_207 = arith.constant 2 : i32
        %add3A_208 = arith.addi %add3A_127, %add3A_207 : i32
        %jit3A_209 = arith.constant 4 : i32
        %div3A_210 = arith.divsi %add3A_208, %jit3A_209 : i32
        %sign3A_211 = arith.constant 0 : i32
        %sign3A_212 = arith.cmpi sgt, %add3A_208, %sign3A_211 : i32
        %sign3A_213 = arith.extui %sign3A_212 : i1 to i32
        %sign3A_214 = arith.constant 0 : i32
        %sign3A_215 = arith.cmpi slt, %add3A_208, %sign3A_214 : i32
        %sign3A_216 = arith.extui %sign3A_215 : i1 to i32
        %sign3A_217 = arith.subi %sign3A_213, %sign3A_216 : i32
        %sign3A_218 = arith.constant 0 : i32
        %sign3A_219 = arith.cmpi sgt, %jit3A_209, %sign3A_218 : i32
        %sign3A_220 = arith.extui %sign3A_219 : i1 to i32
        %sign3A_221 = arith.constant 0 : i32
        %sign3A_222 = arith.cmpi slt, %jit3A_209, %sign3A_221 : i32
        %sign3A_223 = arith.extui %sign3A_222 : i1 to i32
        %sign3A_224 = arith.subi %sign3A_220, %sign3A_223 : i32
        %ne3A_225 = arith.cmpi ne, %sign3A_217, %sign3A_224 : i32
        %rem3A_226 = arith.remsi %add3A_208, %jit3A_209 : i32
        %ne3A_227 = arith.constant 0 : i32
        %ne3A_228 = arith.cmpi ne, %rem3A_226, %ne3A_227 : i32
        %and3A_229 = arith.andi %ne3A_225, %ne3A_228 : i1
        %sub3A_230 = arith.constant 1 : i32
        %sub3A_231 = arith.subi %div3A_210, %sub3A_230 : i32
        %select_n3A_232 = arith.select %and3A_229, %sub3A_231, %div3A_210 : i32
        %jit3A_233 = arith.constant 4 : i32
        %eq3A_234 = arith.constant 0 : i32
        %eq3A_235 = arith.cmpi eq, %jit3A_233, %eq3A_234 : i32
        %jit3A_236 = arith.constant 1 : i32
        %select_n3A_237 = arith.select %eq3A_235, %jit3A_236, %jit3A_233 : i32
        %rem3A_238 = arith.remsi %add3A_208, %select_n3A_237 : i32
        %ne3A_239 = arith.constant 0 : i32
        %ne3A_240 = arith.cmpi ne, %rem3A_238, %ne3A_239 : i32
        %lt3A_241 = arith.constant 0 : i32
        %lt3A_242 = arith.cmpi slt, %rem3A_238, %lt3A_241 : i32
        %lt3A_243 = arith.constant 0 : i32
        %lt3A_244 = arith.cmpi slt, %select_n3A_237, %lt3A_243 : i32
        %ne3A_245 = arith.xori %lt3A_242, %lt3A_244 : i1
        %and3A_246 = arith.andi %ne3A_245, %ne3A_240 : i1
        %add3A_247 = arith.addi %rem3A_238, %select_n3A_237 : i32
        %select_n3A_248 = arith.select %and3A_246, %add3A_247, %rem3A_238 : i32
        %mul3A_249 = arith.constant 128 : i32
        %mul3A_250 = arith.muli %select_n3A_248, %mul3A_249 : i32
        %add3A_251 = arith.addi %mul3A_2, %mul3A_250 : i32
        "tpu.region"() ({
          %run_scoped3A_258 = tpu.sem_alloc : memref<!tpu.dma_semaphore, #tpu.memory_space<semaphore_mem>>
          %dma_start3A_259 = tpu.memref_slice %arg2[%select_n3A_232, %add3A_251] : memref<20x16384xi32, #tpu.memory_space<hbm>> -> memref<1x128xi32, #tpu.memory_space<hbm>>
          %dma_start3A_260 = tpu.memref_squeeze %dma_start3A_259 : memref<1x128xi32, #tpu.memory_space<hbm>> -> memref<128xi32, #tpu.memory_space<hbm>>
          %dma_start3A_261 = tpu.memref_slice %arg2[%select_n3A_232, %add3A_251] : memref<20x16384xi32, #tpu.memory_space<hbm>> -> memref<1x128xi32, #tpu.memory_space<hbm>>
          %dma_start3A_262 = tpu.memref_squeeze %dma_start3A_261 : memref<1x128xi32, #tpu.memory_space<hbm>> -> memref<128xi32, #tpu.memory_space<hbm>>
          tpu.enqueue_dma source(%dma_start3A_262 : memref<128xi32, #tpu.memory_space<hbm>>) target(%arg8 : memref<128xi32, #tpu.memory_space<vmem>>) target_semaphore(%run_scoped3A_258 : memref<!tpu.dma_semaphore, #tpu.memory_space<semaphore_mem>>)
          %dma_wait3A_263 = tpu.memref_slice %arg2[%select_n3A_232, %add3A_251] : memref<20x16384xi32, #tpu.memory_space<hbm>> -> memref<1x128xi32, #tpu.memory_space<hbm>>
          %dma_wait3A_264 = tpu.memref_squeeze %dma_wait3A_263 : memref<1x128xi32, #tpu.memory_space<hbm>> -> memref<128xi32, #tpu.memory_space<hbm>>
          %dma_wait3A_265 = tpu.memref_slice %arg2[%select_n3A_232, %add3A_251] : memref<20x16384xi32, #tpu.memory_space<hbm>> -> memref<1x128xi32, #tpu.memory_space<hbm>>
          %dma_wait3A_266 = tpu.memref_squeeze %dma_wait3A_265 : memref<1x128xi32, #tpu.memory_space<hbm>> -> memref<128xi32, #tpu.memory_space<hbm>>
          tpu.wait_dma2 semaphore(%run_scoped3A_258 : memref<!tpu.dma_semaphore, #tpu.memory_space<semaphore_mem>>) src(%dma_wait3A_266 : memref<128xi32, #tpu.memory_space<hbm>>) dst(%arg8 : memref<128xi32, #tpu.memory_space<vmem>>)
          tpu.yield
        }) : () -> ()
        %dma_start3A_252 = arith.constant 0 : i32
        %dma_start3A_253 = arith.constant 0 : i32
        %dma_start3A_254 = tpu.memref_slice %arg3[%dma_start3A_252, %dma_start3A_253] : memref<1000064x128xf32, #tpu.memory_space<hbm>> -> memref<1000064x128xf32, #tpu.memory_space<hbm>>
        tpu.enqueue_indirect_dma source(%dma_start3A_254 : memref<1000064x128xf32, #tpu.memory_space<hbm>>) target(%arg10 : memref<128x128xf32, #tpu.memory_space<vmem>>) offsets(%arg8 : memref<128xi32, #tpu.memory_space<vmem>>) semaphore(%arg18 : memref<!tpu.dma_semaphore, #tpu.memory_space<semaphore_mem>>)
        %dma_start3A_255 = arith.constant 0 : i32
        %dma_start3A_256 = arith.constant 0 : i32
        %dma_start3A_257 = tpu.memref_slice %arg4[%dma_start3A_255, %dma_start3A_256] : memref<1000064x128xf32, #tpu.memory_space<hbm>> -> memref<1000064x128xf32, #tpu.memory_space<hbm>>
        tpu.enqueue_indirect_dma source(%dma_start3A_257 : memref<1000064x128xf32, #tpu.memory_space<hbm>>) target(%arg12 : memref<128x128xf32, #tpu.memory_space<vmem>>) offsets(%arg8 : memref<128xi32, #tpu.memory_space<vmem>>) semaphore(%arg20 : memref<!tpu.dma_semaphore, #tpu.memory_space<semaphore_mem>>)
      } else {
      }
    }
    %scan3A_23 = arith.constant 40 : i32
    %add3A_24 = arith.constant 256 : i32
    %add3A_25 = arith.addi %mul3A_2, %add3A_24 : i32
    %dma_wait3A = arith.constant 19 : i32
    %dma_wait3A_26 = arith.constant 0 : i32
    %dma_wait3A_27 = tpu.memref_slice %arg5[%dma_wait3A, %dma_wait3A_26, %add3A_25] : memref<20x32x16384xf32, #tpu.memory_space<hbm>> -> memref<1x32x128xf32, #tpu.memory_space<hbm>>
    %dma_wait3A_28 = tpu.memref_squeeze %dma_wait3A_27 : memref<1x32x128xf32, #tpu.memory_space<hbm>> -> memref<32x128xf32, #tpu.memory_space<hbm>>
    %dma_wait3A_29 = arith.constant 0 : i32
    %dma_wait3A_30 = tpu.memref_slice %arg5[%dma_wait3A, %dma_wait3A_29, %add3A_25] : memref<20x32x16384xf32, #tpu.memory_space<hbm>> -> memref<1x32x128xf32, #tpu.memory_space<hbm>>
    %dma_wait3A_31 = tpu.memref_squeeze %dma_wait3A_30 : memref<1x32x128xf32, #tpu.memory_space<hbm>> -> memref<32x128xf32, #tpu.memory_space<hbm>>
    tpu.wait_dma2 semaphore(%arg21 : memref<!tpu.dma_semaphore, #tpu.memory_space<semaphore_mem>>) src(%arg13 : memref<32x128xf32, #tpu.memory_space<vmem>>) dst(%dma_wait3A_31 : memref<32x128xf32, #tpu.memory_space<hbm>>)
    %dma_wait3A_32 = arith.constant 19 : i32
    %dma_wait3A_33 = arith.constant 0 : i32
    %dma_wait3A_34 = tpu.memref_slice %arg6[%dma_wait3A_32, %dma_wait3A_33, %add3A_25] : memref<20x32x16384xf32, #tpu.memory_space<hbm>> -> memref<1x32x128xf32, #tpu.memory_space<hbm>>
    %dma_wait3A_35 = tpu.memref_squeeze %dma_wait3A_34 : memref<1x32x128xf32, #tpu.memory_space<hbm>> -> memref<32x128xf32, #tpu.memory_space<hbm>>
    %dma_wait3A_36 = arith.constant 0 : i32
    %dma_wait3A_37 = tpu.memref_slice %arg6[%dma_wait3A_32, %dma_wait3A_36, %add3A_25] : memref<20x32x16384xf32, #tpu.memory_space<hbm>> -> memref<1x32x128xf32, #tpu.memory_space<hbm>>
    %dma_wait3A_38 = tpu.memref_squeeze %dma_wait3A_37 : memref<1x32x128xf32, #tpu.memory_space<hbm>> -> memref<32x128xf32, #tpu.memory_space<hbm>>
    tpu.wait_dma2 semaphore(%arg23 : memref<!tpu.dma_semaphore, #tpu.memory_space<semaphore_mem>>) src(%arg15 : memref<32x128xf32, #tpu.memory_space<vmem>>) dst(%dma_wait3A_38 : memref<32x128xf32, #tpu.memory_space<hbm>>)
    %add3A_39 = arith.constant 384 : i32
    %add3A_40 = arith.addi %mul3A_2, %add3A_39 : i32
    %dma_wait3A_41 = arith.constant 19 : i32
    %dma_wait3A_42 = arith.constant 0 : i32
    %dma_wait3A_43 = tpu.memref_slice %arg5[%dma_wait3A_41, %dma_wait3A_42, %add3A_40] : memref<20x32x16384xf32, #tpu.memory_space<hbm>> -> memref<1x32x128xf32, #tpu.memory_space<hbm>>
    %dma_wait3A_44 = tpu.memref_squeeze %dma_wait3A_43 : memref<1x32x128xf32, #tpu.memory_space<hbm>> -> memref<32x128xf32, #tpu.memory_space<hbm>>
    %dma_wait3A_45 = arith.constant 0 : i32
    %dma_wait3A_46 = tpu.memref_slice %arg5[%dma_wait3A_41, %dma_wait3A_45, %add3A_40] : memref<20x32x16384xf32, #tpu.memory_space<hbm>> -> memref<1x32x128xf32, #tpu.memory_space<hbm>>
    %dma_wait3A_47 = tpu.memref_squeeze %dma_wait3A_46 : memref<1x32x128xf32, #tpu.memory_space<hbm>> -> memref<32x128xf32, #tpu.memory_space<hbm>>
    tpu.wait_dma2 semaphore(%arg22 : memref<!tpu.dma_semaphore, #tpu.memory_space<semaphore_mem>>) src(%arg14 : memref<32x128xf32, #tpu.memory_space<vmem>>) dst(%dma_wait3A_47 : memref<32x128xf32, #tpu.memory_space<hbm>>)
    %dma_wait3A_48 = arith.constant 19 : i32
    %dma_wait3A_49 = arith.constant 0 : i32
    %dma_wait3A_50 = tpu.memref_slice %arg6[%dma_wait3A_48, %dma_wait3A_49, %add3A_40] : memref<20x32x16384xf32, #tpu.memory_space<hbm>> -> memref<1x32x128xf32, #tpu.memory_space<hbm>>
    %dma_wait3A_51 = tpu.memref_squeeze %dma_wait3A_50 : memref<1x32x128xf32, #tpu.memory_space<hbm>> -> memref<32x128xf32, #tpu.memory_space<hbm>>
    %dma_wait3A_52 = arith.constant 0 : i32
    %dma_wait3A_53 = tpu.memref_slice %arg6[%dma_wait3A_48, %dma_wait3A_52, %add3A_40] : memref<20x32x16384xf32, #tpu.memory_space<hbm>> -> memref<1x32x128xf32, #tpu.memory_space<hbm>>
    %dma_wait3A_54 = tpu.memref_squeeze %dma_wait3A_53 : memref<1x32x128xf32, #tpu.memory_space<hbm>> -> memref<32x128xf32, #tpu.memory_space<hbm>>
    tpu.wait_dma2 semaphore(%arg24 : memref<!tpu.dma_semaphore, #tpu.memory_space<semaphore_mem>>) src(%arg16 : memref<32x128xf32, #tpu.memory_space<vmem>>) dst(%dma_wait3A_54 : memref<32x128xf32, #tpu.memory_space<hbm>>)
    return
  }
}

</mosaic_0001>

<sc_bundles>
// kernel: kernel.4.cloned.1.call-start
scs
__scs_entry_jumppad:
0x0: {  	(pc) =	sbr.rel $0x88, $3  }
0x1: {  	(tag) =	ssettag $0x0;
	lr =	simm.s32 $0x1  }
0x2: {  	[smem:$0x3F9E] =	sst lr;
	_ =	strace $0xD0000000  }
0x3: {  	_ = 	snop  }
0x4: {  	_ = 	snop  }
0x5: {  	_ = 	snop  }
0x6: {  	_ = 	snop  }
0x7: {  	_ = 	snop  }
__scs_overlays_trampoline_lowered:
0x8: {  	[smem:$0x3FAD] =	sst s0  }
0x9: {  	[smem:$0x3FAE] =	sst s1  }
0xa: {  	[smem:$0x3FAF] =	sst s2  }
0xb: {  	[smem:$0x3FB0] =	sst s3  }
0xc: {  	[smem:$0x3FB1] =	sst s4  }
0xd: {  	[smem:$0x3FB2] =	sst s5  }
0xe: {  	[smem:$0x3FB3] =	sst s6  }
0xf: {  	[smem:$0x3FB4] =	sst s7  }
0x10: {  	[smem:$0x3FB5] =	sst s8  }
0x11: {  	[smem:$0x3FB6] =	sst s9;
	s0 =	simm.s32 @!p0 $0x0  }
0x12: {  	s1 =	sld [smem:$0x3F9C];
	s0 =	simm.s32 @p0 $0x1  }
0x13: {  	[smem:$0x3FB7] =	sst s0;
	s0 =	simm.s32 @!p1 $0x0  }
0x14: {  	s2 =	sld [smem:$0x3F9B];
	s0 =	simm.s32 @p1 $0x1  }
0x15: {  	[smem:$0x3FB8] =	sst s0;
	s0 =	simm.s32 @!p2 $0x0  }
0x16: {  	s3 =	sld [smem:$0x3FDB];
	s0 =	simm.s32 @p2 $0x1  }
0x17: {  	s4 =	simm.s32 $0x1BF5;
	[smem:$0x3FBA] =	sst s0  }
0x18: {  	s0 =	sld [smem:$0x3F9D];
	_ =	swait.ge [sflag:s4], $0x0  }
0x19: {  	s7 =	sld [smem:$0x3F9E]  }
0x1a: {  	s8 =	sadd.s32 $0xFFFFE003, lr  }
0x1b: {  	s9 =	sadd.s32 $0xFFFFFEF7, lr;
	s5 =	simm.s32 $0xFFFFFFFF;
	p2 =	slt.u32 s8, $0xFFFFF086  }
0x1c: {  	p1 =	slt.u32 s9, $0xF7A;
	s5 =	simm.s32 @!p2 $0x0  }
0x1d: {  	s5 =	simm.s32 @p1 $0x1;
	p0 =	seq.s32 s7, s2  }
0x1e: {  	s7 =	smul.u32 @!p0 $0xF7A, s2;
	p2 =	seq.s32 @!p0 s5, $0x0  }
0x1f: {  	s9 =	smul.u32 $0xF7A, s1;
	s8 =	simm.s32 @!p0 $0x1BF5;
	p2 =	por !p2, p0  }
0x20: {  	[sflag:s8] =	ssyncset.s32 @!p0 $0xFFFFF086;
	s6 =	sadd.s32 @!p0 s3, s7;
	s7 =	simm.s32 @!p0 $0x108  }
0x21: {  	s3 =	sadd.s32 s3, s9;
	s6 =	sadd.s32 @!p0 $0x88, s6;
	s7 =	simm.s32 @p2 $0x1082  }
0x22: {  	[simem:s7], [sflag:s8] =	dma.local @!p0 [hbm:s6], $0xF7A  }
0x23: {  	s9 =	sor.u32 $0xD0000000, s2;
	s6 =	simm.s32 $0x108;
	_ =	swait.ge @!p0 [sflag:s8], $0x0  }
0x24: {  	s3 =	sadd.s32 $0x88, s3;
	s6 =	simm.s32 @!p1 $0x1082;
	[sflag:s4] =	ssyncset.s32 $0xFFFFF086  }
0x25: {  	[simem:s6], [sflag:s4] =	dma.local [hbm:s3], $0xF7A  }
0x26: {  	[smem:$0x3F9E] =	sst s1;
	(tag) =	ssettag s2;
	_ =	strace s9  }
0x27: {  	s1 =	sld [smem:$0x3FAE]  }
0x28: {  	s2 =	sld [smem:$0x3FAF]  }
0x29: {  	s4 =	sld [smem:$0x3FB1]  }
0x2a: {  	p0 =	seq.s32 s5, $0x0;
	s5 =	sld [smem:$0x3FB2]  }
0x2b: {  	s6 =	sld [smem:$0x3FB3]  }
0x2c: {  	s7 =	sld [smem:$0x3FB4]  }
0x2d: {  	s3 =	simm.s32 $0x108;
	s8 =	sld [smem:$0x3FB5]  }
0x2e: {  	s3 =	simm.s32 @!p0 $0x1082;
	s9 =	sld [smem:$0x3FB6]  }
0x2f: {  	lr =	sadd.s32 s0, s3;
	s0 =	sld [smem:$0x3FAD]  }
0x30: {  	s3 =	sld [smem:$0x3FB0]  }
0x31: {  	[smem:$0x3FB9] =	sst s10  }
0x32: {  	s10 =	sld [smem:$0x3FB7];
	_ =	sdelay $0x3  }
0x33: {  	p0 =	seq.s32 s10, $0x1;
	s10 =	sld [smem:$0x3FB9];
	_ =	sdelay $0x3  }
0x34: {  	[smem:$0x3FB9] =	sst s10  }
0x35: {  	s10 =	sld [smem:$0x3FB8];
	_ =	sdelay $0x3  }
0x36: {  	p1 =	seq.s32 s10, $0x1;
	s10 =	sld [smem:$0x3FB9];
	_ =	sdelay $0x3  }
0x37: {  	[smem:$0x3FB9] =	sst s10  }
0x38: {  	s10 =	sld [smem:$0x3FBA]  }
0x39: {  	_ = 	snop;
	(pc) =	sbr.ind lr, $3  }
0x3a: {  	_ = 	snop  }
0x3b: {  	_ = 	snop  }
0x3c: {  	p2 =	seq.s32 s10, $0x1;
	s10 =	sld [smem:$0x3FB9]  }
0x3d: {  	_ =	shalt  }
0x3e: {  	_ =	shalt  }
0x3f: {  	_ =	shalt  }
0x40: {  	_ =	shalt  }
0x41: {  	_ =	shalt  }
0x42: {  	_ =	shalt  }
0x43: {  	_ =	shalt  }
0x44: {  	_ =	shalt  }
0x45: {  	_ =	shalt  }
0x46: {  	_ =	shalt  }
0x47: {  	_ =	shalt  }
0x48: {  	_ =	shalt  }
0x49: {  	_ =	shalt  }
0x4a: {  	_ =	shalt  }
0x4b: {  	_ =	shalt  }
0x4c: {  	_ =	shalt  }
0x4d: {  	_ =	shalt  }
0x4e: {  	_ =	shalt  }
0x4f: {  	_ =	shalt  }
0x50: {  	_ =	shalt  }
0x51: {  	_ =	shalt  }
0x52: {  	_ =	shalt  }
0x53: {  	_ =	shalt  }
0x54: {  	_ =	shalt  }
0x55: {  	_ =	shalt  }
0x56: {  	_ =	shalt  }
0x57: {  	_ =	shalt  }
0x58: {  	_ =	shalt  }
0x59: {  	_ =	shalt  }
0x5a: {  	_ =	shalt  }
0x5b: {  	_ =	shalt  }
0x5c: {  	_ =	shalt  }
0x5d: {  	_ =	shalt  }
0x5e: {  	_ =	shalt  }
0x5f: {  	_ =	shalt  }
0x60: {  	_ =	shalt  }
0x61: {  	_ =	shalt  }
0x62: {  	_ =	shalt  }
0x63: {  	_ =	shalt  }
0x64: {  	_ =	shalt  }
0x65: {  	_ =	shalt  }
0x66: {  	_ =	shalt  }
0x67: {  	_ =	shalt  }
0x68: {  	_ =	shalt  }
0x69: {  	_ =	shalt  }
0x6a: {  	_ =	shalt  }
0x6b: {  	_ =	shalt  }
0x6c: {  	_ =	shalt  }
0x6d: {  	_ =	shalt  }
0x6e: {  	_ =	shalt  }
0x6f: {  	_ =	shalt  }
0x70: {  	_ =	shalt  }
0x71: {  	_ =	shalt  }
0x72: {  	_ =	shalt  }
0x73: {  	_ =	shalt  }
0x74: {  	_ =	shalt  }
0x75: {  	_ =	shalt  }
0x76: {  	_ =	shalt  }
0x77: {  	_ =	shalt  }
0x78: {  	_ =	shalt  }
0x79: {  	_ =	shalt  }
0x7a: {  	_ =	shalt  }
0x7b: {  	_ =	shalt  }
0x7c: {  	_ =	shalt  }
0x7d: {  	_ =	shalt  }
0x7e: {  	_ =	shalt  }
0x7f: {  	_ =	shalt  }
0x80: {  	_ =	shalt  }
0x81: {  	_ =	shalt  }
0x82: {  	_ =	shalt  }
0x83: {  	_ =	shalt  }
0x84: {  	_ =	shalt  }
0x85: {  	_ =	shalt  }
0x86: {  	_ =	shalt  }
0x87: {  	_ =	shalt  }
.Lfunc_end0:
.L_simem_size_0:
called_computation_lowered:
.L_overlay_start_0:
0x88: {  	s2 =	sld [smem:$0x3FD9]  }
0x89: {  	s3 =	sld [smem:$0x3FFE];
	_ =	sdelay $0x1  }
0x8a: {  	s1 =	srdreg.scid  }
0x8b: {  	s0 =	sand.u32 $0x1, s1  }
0x8c: {  	s14 =	sshll.u32 s0, $0xA;
	s2 =	sadd.s32 s3, s2  }
0x8d: {  	s2 =	sadd.s32 s2, s14  }
0x8e: {  	[smem:$0x3FC5] =	sst s2  }
0x8f: {  	_ = 	snop  }
0x90: {  	s2 =	sld [smem:$0x3FD0];
	_ =	sdelay $0x1  }
0x91: {  	s15 =	sld [smem:$0x3FC8]  }
0x92: {  	s5 =	simm.s32 $0xA;
	s6 =	simm.s32 $0x10;
	s4 =	sld [smem:$0x3FC7]  }
0x93: {  	[smem:s6], [sflag:s5] =	dma.local [hbm:s2], $0x1  }
0x94: {  	_ =	swait.eq [sflag:s5], $0x1  }
0x95: {  	[sflag:s5] =	ssyncset.done $0x0  }
0x96: {  	s16 =	sld [smem:$0x10];
	[sflag:s5] =	ssyncadd.s32 $0xFFFFFFFF  }
0x97: {  	s17 =	sld [smem:$0x11];
	(tm) =	ssettm $0x1  }
0x98: {  	s18 =	sld [smem:$0x3FFB];
	_ =	sdelay $0x3  }
0x99: {  	_ =	strace s18  }
0x9a: {  	s6 =	sld [smem:$0x3FFC];
	_ =	sdelay $0x3  }
0x9b: {  	_ =	strace s6  }
0x9c: {  	s6 =	sld [smem:$0x3FFD];
	_ =	sdelay $0x3  }
0x9d: {  	_ =	strace s6  }
0x9e: {  	_ =	strace $0x8FFFFFFF  }
0x9f: {  	s19 =	sld [smem:$0x3FDB];
	_ =	sdelay $0x1  }
0xa0: {  	s7 =	simm.s32 $_scs_section_size  }
0xa1: {  	s8 =	simm.s32 $_size__tile_overlayer_lowered;
	s9 =	simm.s32 $_tile_overlayer_lowered  }
0xa2: {  	s22 =	simm.s32 $0x1BFF;
	s21 =	sshll.u32 s9, $0x1;
	s6 =	sadd.s32 s7, s19  }
0xa3: {  	s10 =	simm.s32 $0x0;
	s20 =	sshll.u32 s8, $0x1;
	s8 =	sadd.s32 s21, s6  }
0xa4: {  	[timem:s10], [sflag:s22] =	dma.local [hbm:s8], s20  }
0xa5: {  	_ =	swait.ge [sflag:s22], s20  }
0xa6: {  	s7 =	ssub.s32 $0x0, s20;
	[sflag:s22] =	ssyncset.done $0x0  }
0xa7: {  	[sflag:s22] =	ssyncadd.s32 s7;
	_ =	sdelay $0x1  }
0xa8: {  	s23 =	simm.s32 $0x1B8B  }
0xa9: {  	_ =	swait.ge [sflag:s23], $0x1  }
0xaa: {  	[sflag:s23] =	ssyncset.done $0x0  }
0xab: {  	s25 =	simm.s32 $0x1B8E;
	s24 =	sld [smem:$0x3FFE];
	[sflag:s23] =	ssyncadd.s32 $0xFFFFFFFF  }
0xac: {  	s26 =	simm.s32 $execute0_lowered;
	[smem:$0x3FD2] =	sst s25  }
0xad: {  	s8 =	sshll.u32 s26, $0x1;
	_ =	strace $0x80000046;
	[dreg:$0x1] =	wrdreg $0xFFFFFFFF  }
0xae: {  	s28 =	simm.s32 $_size_execute0_lowered;
	s6 =	sadd.s32 s6, s8;
	[dreg:$0x0] =	wrdreg $0x0  }
0xaf: {  	s8 =	sshll.u32 s28, $0x1;
	[dreg:$0x2] =	wrdreg s6  }
0xb0: {  	[dreg:$0x3] =	wrdreg s8  }
0xb1: {  	[dreg:$0x4] =	wrdreg $0xC0  }
0xb2: {  	_ =	task [dreg:s10], $0x5FFFF  }
0xb3: {  	[dreg:$0x1] =	wrdreg $0xFFFFFFFF  }
0xb4: {  	[dreg:$0x0] =	wrdreg $0x60  }
0xb5: {  	[dreg:$0x2] =	wrdreg s15  }
0xb6: {  	[dreg:$0x3] =	wrdreg s4  }
0xb7: {  	[dreg:$0x4] =	wrdreg s17  }
0xb8: {  	[dreg:$0x5] =	wrdreg s16  }
0xb9: {  	[dreg:$0x6] =	wrdreg s24  }
0xba: {  	[dreg:$0x7] =	wrdreg $0x9  }
0xbb: {  	_ =	task.clear_ibuf [dreg:s10], $0x8FFFF;
	_ =	strace $0x90000046  }
0xbc: {  	s29 =	simm.s32 $0x9;
	_ =	strace $0x80000048  }
0xbd: {  	_ =	swait.ge [sflag:s29], $0x1  }
0xbe: {  	[sflag:s29] =	ssyncadd.s32 $0xFFFFFFFF  }
0xbf: {  	_ =	strace $0x90000048  }
0xc0: {  	_ =	sfence  }
0xc1: {  	s30 =	sld [smem:$0x0];
	_ =	sdelay $0x2  }
0xc2: {  	s31 =	sshll.u32 s1, $0xD;
	s1 =	sshrl.u32 s1, $0x2  }
0xc3: {  	s3 =	sand.u32 $0x4000, s31;
	s1 =	sadd.s32 s1, s30  }
0xc4: {  	s0 =	sor.u32 s3, s0;
	s1 =	sshll.u32 s1, $0x11  }
0xc5: {  	s0 =	sor.u32 s1, s0  }
0xc6: {  	s0 =	sadd.s32 $0x8F2B, s0  }
0xc7: {  	[sflag:s0] =	ssyncadd.remote.s32 $0x1  }
0xc8: {  	_ =	sfence.sel $0xFFFF  }
0xc9: {  	[dreg:$0x0] =	wrdreg $0xFFFFFFFF;
	(pc) =	sbr.abs _section_cstart, $3  }
0xca: {  	[dreg:$0x1] =	wrdreg $0xFFFFFFFF  }
0xcb: {  	_ =	task.clear_ibuf [dreg:s10], $0x2FFFF;
	_ =	strace $0x9FFFFFFF  }
0xcc: {  	(tm) =	ssettm $0x7FFFFFFF  }
0xcd: {  	_ =	shalt  }
tec
execute0_lowered:
.L_overlay_start_1:
0x0: {  	(tag) =	ssettag $0x1  }
0x1: {  	s1 =	rddreg [dreg:$0x0]  }
0x2: {  	s2 =	rddreg [dreg:$0x1]  }
0x3: {  	s0 =	rddreg [dreg:$0x4];
	s6 =	simm.s32 $0x0;
	s3 =	srdreg.scid  }
0x4: {  	s5 =	stileid.u32;
	s17 =	simm.s32 $0x400;
	s18 =	simm.s32 $0x7A1400  }
0x5: {  	s19 =	simm.s32 $0x2000;
	s20 =	simm.s32 $0x1000;
	s21 =	simm.s32 $0x3000  }
0x6: {  	s22 =	simm.s32 $0x4000;
	s23 =	simm.s32 $0xC000;
	s24 =	simm.s32 $0x8000  }
0x7: {  	s25 =	simm.s32 $0x10000;
	s26 =	simm.s32 $0x0;
	[smem:$0x7FF] =	sst s6  }
0x8: {  	s3 =	sand.u32 $0x1, s3;
	s4 =	sshll.u32 s5, $0x1;
	s9 =	sadd.s32 $0xF43800, s0  }
0x9: {  	s7 =	sadd.s32 $0x1000, s0;
	s14 =	sadd.s32 $0xF43000, s0;
	s15 =	sadd.s32 $0x1E85800, s0  }
.Ltmp0:
0xa: {  	p0 =	sgt.u32 s5, $0x1;
	s10 =	ssub.s32 $0x2, s3;
	(pc) =	sbr.rel .LBB2_1-.Ltmp0, $4  }
0xb: {  	v0 =	vlaneseq.u32;
	_ =	strace $0x80000047;
	s8 =	sor.u32 s3, s4;
	s31 =	sshrl.u32 s10, $0x1  }
0xc: {  	v1 =	vmul.u32 $0x80, v0;
	s4 =	sshll.u32 s8, $0x7;
	p1 =	sne.s32 s8, $0x1F;
	s3 =	ssub.s32 s10, s31  }
0xd: {  	s10 =	sadd.s32 s1, s4;
	s13 =	sor.u32 $0x1000, s4;
	s11 =	sadd.s32 s2, s4  }
0xe: {  	v3 =	vor.u32 $0x10, v0;
	v2 =	vor.u32 $0x800, v1;
	s12 =	sadd.s32 s1, s13;
	s13 =	sadd.s32 s2, s13;
	s16 =	smax.u32 s3, $0x1  }
.LBB2_11:
0xf: {  	s0 =	simm.s32 @!p0 $0x5  }
0x10: {  	_ =	swait.ge @!p0 [sflag:s0], $0x4000  }
0x11: {  	[sflag:s0] =	ssyncset.done @!p0 $0x0  }
0x12: {  	[sflag:s0] =	ssyncadd.s32 @!p0 $0xFFFFC000;
	s0 =	simm.s32 @!p0 $0x7  }
0x13: {  	_ =	swait.ge @!p0 [sflag:s0], $0x4000  }
0x14: {  	s3 =	stileid.u32;
	[sflag:s0] =	ssyncset.done @!p0 $0x0  }
0x15: {  	s3 =	sshll.u32 @!p1 s3, $0x6;
	[sflag:s0] =	ssyncadd.s32 @!p0 $0xFFFFC000  }
0x16: {  	s0 =	sor.u32 @!p1 $0x1C09, s3;
	s3 =	rddreg [dreg:$0x2]  }
0x17: {  	[hbm:s14], [sflag:s0] =	dma.local @!p1 [hbm:s3], $0x800  }
0x18: {  	s3 =	simm.s32 @!p1 $0x9  }
0x19: {  	_ =	swait.ge @!p1 [sflag:s3], $0x800  }
0x1a: {  	s26 =	sadd.s32 $0x1, s26;
	[sflag:s3] =	ssyncset.done @!p1 $0x0  }
0x1b: {  	p2 =	sne.s32 s26, s16;
	[sflag:s3] =	ssyncadd.s32 @!p1 $0xFFFFF800  }
.Ltmp1:
0x1c: {  	s4 =	rddreg [dreg:$0x3];
	(pc) =	sbr.rel @!p2 .LBB2_12-.Ltmp1, $4  }
0x1d: {  	[hbm:s15], [sflag:s0] =	dma.local @!p1 [hbm:s4], $0x800  }
0x1e: {  	_ =	swait.ge @!p1 [sflag:s3], $0x800  }
0x1f: {  	[sflag:s3] =	ssyncset.done @!p1 $0x0  }
0x20: {  	[sflag:s3] =	ssyncadd.s32 @!p1 $0xFFFFF800  }
.LBB2_1:
0x21: {  	[tilespmem:s6], [sflag:$0x1] =	stream.strided.gather [hbm4b:s10+s17], $0x1000, s18, s17, $0x38;
	[tilespmem:$0x14000] =	vst v63  }
0x22: {  	_ = 	snop  }
0x23: {  	[tilespmem:s19], [sflag:$0x3] =	stream.strided.gather [hbm4b:s11+s17], $0x1000, s18, s17, $0x38;
	[tilespmem:$0x14000] =	vst v63  }
.Ltmp2:
0x24: {  	_ = 	snop;
	(pc) =	sbr.rel .LBB2_2-.Ltmp2, $4  }
0x25: {  	_ = 	snop  }
0x26: {  	[tilespmem:s20], [sflag:$0x2] =	stream.strided.gather [hbm4b:s12+s17], $0x1000, s18, s17, $0x38;
	[tilespmem:$0x14000] =	vst v63  }
0x27: {  	s28 =	simm.s32 $0x0  }
0x28: {  	[tilespmem:s21], [sflag:$0x4] =	stream.strided.gather [hbm4b:s13+s17], $0x1000, s18, s17, $0x38;
	[tilespmem:$0x14000] =	vst v63  }
.LBB2_10:
0x29: {  	s28 =	sadd.s32 $0x1, s28  }
0x2a: {  	p2 =	sne.s32 s28, $0x7B  }
.Ltmp3:
0x2b: {  	_ = 	snop;
	(pc) =	sbr.rel @!p2 .LBB2_11-.Ltmp3, $1  }
0x2c: {  	_ =	sdelay $0x3  }
.LBB2_2:
0x2d: {  	s0 =	sshll.u32 s28, $0x6  }
0x2e: {  	s29 =	sor.u32 s8, s0  }
0x2f: {  	p2 =	sgt.u32 s29, $0x1E83  }
0x30: {  	s0 =	simm.s32 @!p2 $0x1  }
0x31: {  	_ =	swait.ge @!p2 [sflag:s0], $0x1000  }
0x32: {  	[sflag:s0] =	ssyncset.done @!p2 $0x0  }
0x33: {  	[sflag:s0] =	ssyncadd.s32 @!p2 $0xFFFFF000;
	s0 =	simm.s32 @!p2 $0x3  }
0x34: {  	s3 =	sadd.s32 $0xFFFFFFC0, s29;
	_ =	swait.ge @!p2 [sflag:s0], $0x1000  }
0x35: {  	p3 =	sgt.u32 s3, $0x1E83;
	[sflag:s0] =	ssyncset.done @!p2 $0x0  }
0x36: {  	[sflag:s0] =	ssyncadd.s32 @!p2 $0xFFFFF000;
	s0 =	simm.s32 @!p3 $0x5  }
0x37: {  	_ =	swait.ge @!p3 [sflag:s0], $0x4000  }
.Ltmp4:
0x38: {  	[sflag:s0] =	ssyncset.done @!p3 $0x0;
	(pc) =	sbr.rel @p2 .LBB2_6-.Ltmp4, $4  }
0x39: {  	[sflag:s0] =	ssyncadd.s32 @!p3 $0xFFFFC000;
	s0 =	simm.s32 @!p3 $0x7  }
0x3a: {  	_ =	swait.ge @!p3 [sflag:s0], $0x4000  }
0x3b: {  	[sflag:s0] =	ssyncset.done @!p3 $0x0  }
0x3c: {  	s30 =	simm.s32 $0x0;
	[sflag:s0] =	ssyncadd.s32 @!p3 $0xFFFFC000  }
0x3d: {  	s3 =	sand.u32 $0x8, s30  }
0x3e: {  	v4 =	vadd.s32 s3, v0  }
0x3f: {  	s0 =	sand.u32 $0x70, s30;
	v4 =	vand.u32 $0xF, v4  }
0x40: {  	v4 =	vor.u32 s0, v4  }
0x41: {  	v5 =	vor.u32 v1, v4;
	_ =	sdelay $0x1  }
0x42: {  	s4 =	sor.u32 $0x1, s3  }
0x43: {  	v6 =	vadd.s32 s4, v0  }
0x44: {  	v6 =	vand.u32 $0xF, v6;
	v7 =	vshll.u32 v4, $0x7  }
0x45: {  	v6 =	vor.u32 s0, v6;
	v9 =	vor.u32 v0, v7;
	v8 =	vld.idx.msk [tilespmem:v5+s6+$0x0], $0xffff  }
0x46: {  	v12 =	vor.u32 v1, v6;
	_ =	sdelay $0x1  }
0x47: {  	s5 =	sor.u32 $0x2, s3  }
0x48: {  	v10 =	vadd.s32 s5, v0  }
0x49: {  	v10 =	vand.u32 $0xF, v10;
	[tilespmem:v9+s22+$0x0] =	vst.idx.msk $0xffff, v8;
	v8 =	vshll.u32 v6, $0x7  }
0x4a: {  	v10 =	vor.u32 s0, v10;
	v11 =	vld.idx.msk [tilespmem:v12+s6+$0x0], $0xffff;
	v13 =	vor.u32 v0, v8  }
0x4b: {  	v14 =	vor.u32 v1, v10;
	_ =	sdelay $0x1  }
0x4c: {  	s5 =	sor.u32 $0x3, s3  }
0x4d: {  	v15 =	vadd.s32 s5, v0  }
0x4e: {  	v15 =	vand.u32 $0xF, v15;
	[tilespmem:v13+s22+$0x0] =	vst.idx.msk $0xffff, v11;
	v11 =	vshll.u32 v10, $0x7  }
0x4f: {  	v15 =	vor.u32 s0, v15;
	v16 =	vld.idx.msk [tilespmem:v14+s6+$0x0], $0xffff;
	v17 =	vor.u32 v0, v11  }
0x50: {  	v18 =	vor.u32 v1, v15;
	_ =	sdelay $0x1  }
0x51: {  	s5 =	sor.u32 $0x4, s3  }
0x52: {  	v19 =	vadd.s32 s5, v0  }
0x53: {  	v19 =	vand.u32 $0xF, v19;
	v57 =	vshll.u32 v15, $0x7;
	[tilespmem:v17+s22+$0x0] =	vst.idx.msk $0xffff, v16  }
0x54: {  	v19 =	vor.u32 s0, v19;
	v21 =	vor.u32 v0, v57;
	v20 =	vld.idx.msk [tilespmem:v18+s6+$0x0], $0xffff  }
0x55: {  	v22 =	vor.u32 v1, v19;
	_ =	sdelay $0x1  }
0x56: {  	s5 =	sor.u32 $0x5, s3  }
0x57: {  	v23 =	vadd.s32 s5, v0  }
0x58: {  	v23 =	vand.u32 $0xF, v23;
	v58 =	vshll.u32 v19, $0x7;
	[tilespmem:v21+s22+$0x0] =	vst.idx.msk $0xffff, v20  }
0x59: {  	v23 =	vor.u32 s0, v23;
	v25 =	vor.u32 v0, v58;
	v24 =	vld.idx.msk [tilespmem:v22+s6+$0x0], $0xffff  }
0x5a: {  	v26 =	vor.u32 v1, v23;
	_ =	sdelay $0x1  }
0x5b: {  	s5 =	sor.u32 $0x6, s3  }
0x5c: {  	v27 =	vadd.s32 s5, v0  }
0x5d: {  	v27 =	vand.u32 $0xF, v27;
	v59 =	vshll.u32 v23, $0x7;
	[tilespmem:v25+s22+$0x0] =	vst.idx.msk $0xffff, v24  }
0x5e: {  	v27 =	vor.u32 s0, v27;
	v29 =	vor.u32 v0, v59;
	v28 =	vld.idx.msk [tilespmem:v26+s6+$0x0], $0xffff  }
0x5f: {  	v30 =	vor.u32 v1, v27;
	_ =	sdelay $0x1  }
0x60: {  	s3 =	sor.u32 $0x7, s3  }
0x61: {  	v31 =	vadd.s32 s3, v0  }
0x62: {  	v31 =	vand.u32 $0xF, v31;
	v60 =	vshll.u32 v27, $0x7;
	[tilespmem:v29+s22+$0x0] =	vst.idx.msk $0xffff, v28  }
0x63: {  	v31 =	vor.u32 s0, v31;
	v33 =	vor.u32 v0, v60;
	v32 =	vld.idx.msk [tilespmem:v30+s6+$0x0], $0xffff  }
0x64: {  	v34 =	vor.u32 v1, v31;
	_ =	sdelay $0x3  }
0x65: {  	v61 =	vshll.u32 v31, $0x7;
	[tilespmem:v33+s22+$0x0] =	vst.idx.msk $0xffff, v32  }
0x66: {  	v36 =	vor.u32 v0, v61;
	v35 =	vld.idx.msk [tilespmem:v34+s6+$0x0], $0xffff  }
0x67: {  	v4 =	vor.u32 v2, v4;
	_ =	sdelay $0x3  }
0x68: {  	[tilespmem:v36+s22+$0x0] =	vst.idx.msk $0xffff, v35  }
0x69: {  	v37 =	vor.u32 v3, v7;
	v35 =	vld.idx.msk [tilespmem:v4+s6+$0x0], $0xffff  }
0x6a: {  	v6 =	vor.u32 v2, v6;
	_ =	sdelay $0x3  }
0x6b: {  	[tilespmem:v37+s22+$0x0] =	vst.idx.msk $0xffff, v35  }
0x6c: {  	v8 =	vor.u32 v3, v8;
	v7 =	vld.idx.msk [tilespmem:v6+s6+$0x0], $0xffff  }
0x6d: {  	v62 =	vor.u32 v2, v10;
	_ =	sdelay $0x3  }
0x6e: {  	[tilespmem:v8+s22+$0x0] =	vst.idx.msk $0xffff, v7  }
0x6f: {  	v38 =	vor.u32 v3, v11;
	v7 =	vld.idx.msk [tilespmem:v62+s6+$0x0], $0xffff  }
0x70: {  	v15 =	vor.u32 v2, v15;
	_ =	sdelay $0x3  }
0x71: {  	[tilespmem:v38+s22+$0x0] =	vst.idx.msk $0xffff, v7  }
0x72: {  	v16 =	vor.u32 v3, v57;
	v7 =	vld.idx.msk [tilespmem:v15+s6+$0x0], $0xffff  }
0x73: {  	v19 =	vor.u32 v2, v19;
	_ =	sdelay $0x3  }
0x74: {  	[tilespmem:v16+s22+$0x0] =	vst.idx.msk $0xffff, v7  }
0x75: {  	v20 =	vor.u32 v3, v58;
	v7 =	vld.idx.msk [tilespmem:v19+s6+$0x0], $0xffff  }
0x76: {  	v23 =	vor.u32 v2, v23;
	_ =	sdelay $0x3  }
0x77: {  	[tilespmem:v20+s22+$0x0] =	vst.idx.msk $0xffff, v7  }
0x78: {  	v24 =	vor.u32 v3, v59;
	v7 =	vld.idx.msk [tilespmem:v23+s6+$0x0], $0xffff  }
0x79: {  	v27 =	vor.u32 v2, v27;
	_ =	sdelay $0x3  }
0x7a: {  	[tilespmem:v24+s22+$0x0] =	vst.idx.msk $0xffff, v7  }
0x7b: {  	v11 =	vor.u32 v3, v60;
	v7 =	vld.idx.msk [tilespmem:v27+s6+$0x0], $0xffff  }
0x7c: {  	v10 =	vor.u32 v2, v31;
	_ =	sdelay $0x3  }
0x7d: {  	[tilespmem:v11+s22+$0x0] =	vst.idx.msk $0xffff, v7  }
0x7e: {  	v7 =	vor.u32 v3, v61;
	v63 =	vld.idx.msk [tilespmem:v10+s6+$0x0], $0xffff;
	_ =	sdelay $0x4  }
0x7f: {  	[tilespmem:v7+s22+$0x0] =	vst.idx.msk $0xffff, v63  }
0x80: {  	v5 =	vld.idx.msk [tilespmem:v5+s19+$0x0], $0xffff;
	_ =	sdelay $0x4  }
0x81: {  	[tilespmem:v9+s23+$0x0] =	vst.idx.msk $0xffff, v5  }
0x82: {  	v5 =	vld.idx.msk [tilespmem:v12+s19+$0x0], $0xffff;
	_ =	sdelay $0x4  }
0x83: {  	[tilespmem:v13+s23+$0x0] =	vst.idx.msk $0xffff, v5  }
0x84: {  	v5 =	vld.idx.msk [tilespmem:v14+s19+$0x0], $0xffff;
	_ =	sdelay $0x4  }
0x85: {  	[tilespmem:v17+s23+$0x0] =	vst.idx.msk $0xffff, v5  }
0x86: {  	v5 =	vld.idx.msk [tilespmem:v18+s19+$0x0], $0xffff;
	_ =	sdelay $0x4  }
0x87: {  	[tilespmem:v21+s23+$0x0] =	vst.idx.msk $0xffff, v5  }
0x88: {  	v5 =	vld.idx.msk [tilespmem:v22+s19+$0x0], $0xffff;
	_ =	sdelay $0x4  }
0x89: {  	[tilespmem:v25+s23+$0x0] =	vst.idx.msk $0xffff, v5  }
0x8a: {  	v5 =	vld.idx.msk [tilespmem:v26+s19+$0x0], $0xffff;
	_ =	sdelay $0x4  }
0x8b: {  	[tilespmem:v29+s23+$0x0] =	vst.idx.msk $0xffff, v5  }
0x8c: {  	v5 =	vld.idx.msk [tilespmem:v30+s19+$0x0], $0xffff;
	_ =	sdelay $0x4  }
0x8d: {  	[tilespmem:v33+s23+$0x0] =	vst.idx.msk $0xffff, v5  }
0x8e: {  	v5 =	vld.idx.msk [tilespmem:v34+s19+$0x0], $0xffff;
	_ =	sdelay $0x4  }
0x8f: {  	[tilespmem:v36+s23+$0x0] =	vst.idx.msk $0xffff, v5  }
0x90: {  	v4 =	vld.idx.msk [tilespmem:v4+s19+$0x0], $0xffff;
	_ =	sdelay $0x4  }
0x91: {  	[tilespmem:v37+s23+$0x0] =	vst.idx.msk $0xffff, v4  }
0x92: {  	v4 =	vld.idx.msk [tilespmem:v6+s19+$0x0], $0xffff;
	_ =	sdelay $0x4  }
0x93: {  	[tilespmem:v8+s23+$0x0] =	vst.idx.msk $0xffff, v4  }
0x94: {  	v4 =	vld.idx.msk [tilespmem:v62+s19+$0x0], $0xffff;
	_ =	sdelay $0x4  }
0x95: {  	[tilespmem:v38+s23+$0x0] =	vst.idx.msk $0xffff, v4  }
0x96: {  	v4 =	vld.idx.msk [tilespmem:v15+s19+$0x0], $0xffff;
	_ =	sdelay $0x4  }
0x97: {  	[tilespmem:v16+s23+$0x0] =	vst.idx.msk $0xffff, v4  }
0x98: {  	v4 =	vld.idx.msk [tilespmem:v19+s19+$0x0], $0xffff;
	_ =	sdelay $0x4  }
0x99: {  	[tilespmem:v20+s23+$0x0] =	vst.idx.msk $0xffff, v4  }
0x9a: {  	v4 =	vld.idx.msk [tilespmem:v23+s19+$0x0], $0xffff;
	_ =	sdelay $0x4  }
0x9b: {  	[tilespmem:v24+s23+$0x0] =	vst.idx.msk $0xffff, v4  }
0x9c: {  	v4 =	vld.idx.msk [tilespmem:v27+s19+$0x0], $0xffff;
	_ =	sdelay $0x2  }
0x9d: {  	s31 =	simm.s32 $0x8  }
0x9e: {  	s3 =	sand.u32 $0x8, s31;
	s0 =	simm.s32 $0x10  }
.LBB2_4:
0x9f: {  	p2 =	sne.s32 s0, $0x78;
	v5 =	vadd.s32 s3, v0;
	[tilespmem:v11+s23+$0x0] =	vst.idx.msk $0xffff, v4  }
0xa0: {  	s4 =	sand.u32 $0x70, s31;
	s31 =	smov.u32 s0;
	v4 =	vand.u32 $0xF, v5;
	v5 =	vld.idx.msk [tilespmem:v10+s19+$0x0], $0xffff  }
0xa1: {  	v10 =	vor.u32 s4, v4  }
0xa2: {  	v4 =	vor.u32 v1, v10;
	_ =	sdelay $0x2  }
0xa3: {  	s5 =	sor.u32 $0x1, s3  }
0xa4: {  	v6 =	vadd.s32 s5, v0;
	[tilespmem:v7+s23+$0x0] =	vst.idx.msk $0xffff, v5  }
0xa5: {  	v6 =	vand.u32 $0xF, v6;
	v11 =	vshll.u32 v10, $0x7;
	v7 =	vld.idx.msk [tilespmem:v4+s6+$0x0], $0xffff  }
0xa6: {  	v25 =	vor.u32 s4, v6;
	v5 =	vor.u32 v0, v11  }
0xa7: {  	v6 =	vor.u32 v1, v25;
	_ =	sdelay $0x2  }
0xa8: {  	s5 =	sor.u32 $0x2, s3  }
0xa9: {  	[tilespmem:v5+s22+$0x0] =	vst.idx.msk $0xffff, v7;
	v7 =	vadd.s32 s5, v0  }
0xaa: {  	v26 =	vshll.u32 v25, $0x7;
	v12 =	vld.idx.msk [tilespmem:v6+s6+$0x0], $0xffff;
	v7 =	vand.u32 $0xF, v7  }
0xab: {  	v8 =	vor.u32 v0, v26;
	v7 =	vor.u32 s4, v7  }
0xac: {  	v9 =	vor.u32 v1, v7;
	_ =	sdelay $0x2  }
0xad: {  	s5 =	sor.u32 $0x3, s3  }
0xae: {  	[tilespmem:v8+s22+$0x0] =	vst.idx.msk $0xffff, v12;
	v12 =	vadd.s32 s5, v0  }
0xaf: {  	v28 =	vshll.u32 v7, $0x7;
	v14 =	vld.idx.msk [tilespmem:v9+s6+$0x0], $0xffff;
	v13 =	vand.u32 $0xF, v12  }
0xb0: {  	v12 =	vor.u32 v0, v28;
	v29 =	vor.u32 s4, v13  }
0xb1: {  	v13 =	vor.u32 v1, v29;
	_ =	sdelay $0x2  }
0xb2: {  	s5 =	sor.u32 $0x4, s3  }
0xb3: {  	[tilespmem:v12+s22+$0x0] =	vst.idx.msk $0xffff, v14;
	v14 =	vadd.s32 s5, v0  }
0xb4: {  	v30 =	vshll.u32 v29, $0x7;
	v16 =	vld.idx.msk [tilespmem:v13+s6+$0x0], $0xffff;
	v15 =	vand.u32 $0xF, v14  }
0xb5: {  	v14 =	vor.u32 v0, v30;
	v31 =	vor.u32 s4, v15  }
0xb6: {  	v15 =	vor.u32 v1, v31;
	_ =	sdelay $0x2  }
0xb7: {  	s5 =	sor.u32 $0x5, s3  }
0xb8: {  	[tilespmem:v14+s22+$0x0] =	vst.idx.msk $0xffff, v16;
	v16 =	vadd.s32 s5, v0  }
0xb9: {  	v32 =	vshll.u32 v31, $0x7;
	v18 =	vld.idx.msk [tilespmem:v15+s6+$0x0], $0xffff;
	v17 =	vand.u32 $0xF, v16  }
0xba: {  	v16 =	vor.u32 v0, v32;
	v33 =	vor.u32 s4, v17  }
0xbb: {  	v17 =	vor.u32 v1, v33;
	_ =	sdelay $0x2  }
0xbc: {  	s5 =	sor.u32 $0x6, s3  }
0xbd: {  	[tilespmem:v16+s22+$0x0] =	vst.idx.msk $0xffff, v18;
	v18 =	vadd.s32 s5, v0  }
0xbe: {  	v34 =	vshll.u32 v33, $0x7;
	v20 =	vld.idx.msk [tilespmem:v17+s6+$0x0], $0xffff;
	v19 =	vand.u32 $0xF, v18  }
0xbf: {  	v18 =	vor.u32 v0, v34;
	v35 =	vor.u32 s4, v19  }
0xc0: {  	v19 =	vor.u32 v1, v35;
	_ =	sdelay $0x2  }
0xc1: {  	s3 =	sor.u32 $0x7, s3  }
0xc2: {  	[tilespmem:v18+s22+$0x0] =	vst.idx.msk $0xffff, v20;
	v20 =	vadd.s32 s3, v0  }
0xc3: {  	v36 =	vshll.u32 v35, $0x7;
	v22 =	vld.idx.msk [tilespmem:v19+s6+$0x0], $0xffff;
	v21 =	vand.u32 $0xF, v20  }
0xc4: {  	v20 =	vor.u32 v0, v36;
	v37 =	vor.u32 s4, v21  }
0xc5: {  	v21 =	vor.u32 v1, v37;
	_ =	sdelay $0x3  }
0xc6: {  	[tilespmem:v20+s22+$0x0] =	vst.idx.msk $0xffff, v22  }
0xc7: {  	v38 =	vshll.u32 v37, $0x7;
	v24 =	vld.idx.msk [tilespmem:v21+s6+$0x0], $0xffff  }
0xc8: {  	v22 =	vor.u32 v0, v38  }
0xc9: {  	v23 =	vor.u32 v2, v10;
	_ =	sdelay $0x3  }
0xca: {  	[tilespmem:v22+s22+$0x0] =	vst.idx.msk $0xffff, v24  }
0xcb: {  	v10 =	vld.idx.msk [tilespmem:v23+s6+$0x0], $0xffff  }
0xcc: {  	v24 =	vor.u32 v3, v11  }
0xcd: {  	v25 =	vor.u32 v2, v25;
	_ =	sdelay $0x3  }
0xce: {  	[tilespmem:v24+s22+$0x0] =	vst.idx.msk $0xffff, v10  }
0xcf: {  	v10 =	vld.idx.msk [tilespmem:v25+s6+$0x0], $0xffff  }
0xd0: {  	v26 =	vor.u32 v3, v26  }
0xd1: {  	v27 =	vor.u32 v2, v7;
	_ =	sdelay $0x3  }
0xd2: {  	[tilespmem:v26+s22+$0x0] =	vst.idx.msk $0xffff, v10  }
0xd3: {  	v7 =	vld.idx.msk [tilespmem:v27+s6+$0x0], $0xffff  }
0xd4: {  	v28 =	vor.u32 v3, v28  }
0xd5: {  	v29 =	vor.u32 v2, v29;
	_ =	sdelay $0x3  }
0xd6: {  	[tilespmem:v28+s22+$0x0] =	vst.idx.msk $0xffff, v7  }
0xd7: {  	v7 =	vld.idx.msk [tilespmem:v29+s6+$0x0], $0xffff  }
0xd8: {  	v30 =	vor.u32 v3, v30  }
0xd9: {  	v31 =	vor.u32 v2, v31;
	_ =	sdelay $0x3  }
0xda: {  	[tilespmem:v30+s22+$0x0] =	vst.idx.msk $0xffff, v7  }
0xdb: {  	v7 =	vld.idx.msk [tilespmem:v31+s6+$0x0], $0xffff  }
0xdc: {  	v32 =	vor.u32 v3, v32  }
0xdd: {  	v33 =	vor.u32 v2, v33;
	_ =	sdelay $0x3  }
0xde: {  	[tilespmem:v32+s22+$0x0] =	vst.idx.msk $0xffff, v7  }
0xdf: {  	v7 =	vld.idx.msk [tilespmem:v33+s6+$0x0], $0xffff  }
0xe0: {  	v34 =	vor.u32 v3, v34  }
0xe1: {  	v35 =	vor.u32 v2, v35;
	_ =	sdelay $0x3  }
0xe2: {  	[tilespmem:v34+s22+$0x0] =	vst.idx.msk $0xffff, v7  }
0xe3: {  	v7 =	vld.idx.msk [tilespmem:v35+s6+$0x0], $0xffff  }
0xe4: {  	v11 =	vor.u32 v3, v36  }
0xe5: {  	v10 =	vor.u32 v2, v37;
	_ =	sdelay $0x3  }
0xe6: {  	[tilespmem:v11+s22+$0x0] =	vst.idx.msk $0xffff, v7  }
0xe7: {  	v36 =	vld.idx.msk [tilespmem:v10+s6+$0x0], $0xffff  }
0xe8: {  	v7 =	vor.u32 v3, v38;
	_ =	sdelay $0x4  }
0xe9: {  	[tilespmem:v7+s22+$0x0] =	vst.idx.msk $0xffff, v36  }
0xea: {  	v4 =	vld.idx.msk [tilespmem:v4+s19+$0x0], $0xffff;
	_ =	sdelay $0x5  }
0xeb: {  	[tilespmem:v5+s23+$0x0] =	vst.idx.msk $0xffff, v4  }
0xec: {  	v4 =	vld.idx.msk [tilespmem:v6+s19+$0x0], $0xffff;
	_ =	sdelay $0x5  }
0xed: {  	[tilespmem:v8+s23+$0x0] =	vst.idx.msk $0xffff, v4  }
0xee: {  	v4 =	vld.idx.msk [tilespmem:v9+s19+$0x0], $0xffff;
	_ =	sdelay $0x5  }
0xef: {  	[tilespmem:v12+s23+$0x0] =	vst.idx.msk $0xffff, v4  }
0xf0: {  	v4 =	vld.idx.msk [tilespmem:v13+s19+$0x0], $0xffff;
	_ =	sdelay $0x5  }
0xf1: {  	[tilespmem:v14+s23+$0x0] =	vst.idx.msk $0xffff, v4  }
0xf2: {  	v4 =	vld.idx.msk [tilespmem:v15+s19+$0x0], $0xffff;
	_ =	sdelay $0x5  }
0xf3: {  	[tilespmem:v16+s23+$0x0] =	vst.idx.msk $0xffff, v4  }
0xf4: {  	v4 =	vld.idx.msk [tilespmem:v17+s19+$0x0], $0xffff;
	_ =	sdelay $0x5  }
0xf5: {  	[tilespmem:v18+s23+$0x0] =	vst.idx.msk $0xffff, v4  }
0xf6: {  	v4 =	vld.idx.msk [tilespmem:v19+s19+$0x0], $0xffff;
	_ =	sdelay $0x5  }
0xf7: {  	[tilespmem:v20+s23+$0x0] =	vst.idx.msk $0xffff, v4  }
0xf8: {  	v4 =	vld.idx.msk [tilespmem:v21+s19+$0x0], $0xffff;
	_ =	sdelay $0x5  }
0xf9: {  	[tilespmem:v22+s23+$0x0] =	vst.idx.msk $0xffff, v4  }
0xfa: {  	v4 =	vld.idx.msk [tilespmem:v23+s19+$0x0], $0xffff;
	_ =	sdelay $0x5  }
0xfb: {  	[tilespmem:v24+s23+$0x0] =	vst.idx.msk $0xffff, v4  }
0xfc: {  	v4 =	vld.idx.msk [tilespmem:v25+s19+$0x0], $0xffff;
	_ =	sdelay $0x5  }
0xfd: {  	[tilespmem:v26+s23+$0x0] =	vst.idx.msk $0xffff, v4  }
0xfe: {  	v4 =	vld.idx.msk [tilespmem:v27+s19+$0x0], $0xffff;
	_ =	sdelay $0x5  }
0xff: {  	[tilespmem:v28+s23+$0x0] =	vst.idx.msk $0xffff, v4  }
0x100: {  	v4 =	vld.idx.msk [tilespmem:v29+s19+$0x0], $0xffff;
	_ =	sdelay $0x5  }
0x101: {  	[tilespmem:v30+s23+$0x0] =	vst.idx.msk $0xffff, v4  }
0x102: {  	v4 =	vld.idx.msk [tilespmem:v31+s19+$0x0], $0xffff;
	_ =	sdelay $0x5  }
0x103: {  	[tilespmem:v32+s23+$0x0] =	vst.idx.msk $0xffff, v4  }
0x104: {  	v4 =	vld.idx.msk [tilespmem:v33+s19+$0x0], $0xffff;
	_ =	sdelay $0x5  }
0x105: {  	[tilespmem:v34+s23+$0x0] =	vst.idx.msk $0xffff, v4  }
0x106: {  	v4 =	vld.idx.msk [tilespmem:v35+s19+$0x0], $0xffff  }
.Ltmp5:
0x107: {  	(pc) =	sbr.rel @p2 .LBB2_4-.Ltmp5, $2  }
0x108: {  	_ =	sdelay $0x2  }
0x109: {  	s0 =	sadd.s32 $0x8, s0;
	s3 =	sand.u32 $0x8, s31  }
0x10a: {  	_ =	sdelay $0x2  }
0x10b: {  	v5 =	vadd.s32 s3, v0  }
0x10c: {  	[tilespmem:v11+s23+$0x0] =	vst.idx.msk $0xffff, v4;
	s0 =	sand.u32 $0x70, s31;
	v4 =	vand.u32 $0xF, v5  }
0x10d: {  	v5 =	vld.idx.msk [tilespmem:v10+s19+$0x0], $0xffff;
	v4 =	vor.u32 s0, v4  }
0x10e: {  	v6 =	vor.u32 v1, v4;
	_ =	sdelay $0x1  }
0x10f: {  	s4 =	sor.u32 $0x1, s3  }
0x110: {  	v8 =	vadd.s32 s4, v0  }
0x111: {  	v53 =	vand.u32 $0xF, v8;
	[tilespmem:v7+s23+$0x0] =	vst.idx.msk $0xffff, v5;
	v5 =	vshll.u32 v4, $0x7  }
0x112: {  	v7 =	vor.u32 s0, v53;
	v9 =	vor.u32 v0, v5;
	v54 =	vld.idx.msk [tilespmem:v6+s6+$0x0], $0xffff  }
0x113: {  	v55 =	vor.u32 v1, v7;
	_ =	sdelay $0x1  }
0x114: {  	s31 =	sor.u32 $0x2, s3  }
0x115: {  	v56 =	vadd.s32 s31, v0  }
0x116: {  	v11 =	vand.u32 $0xF, v56;
	v57 =	vshll.u32 v7, $0x7;
	[tilespmem:v9+s22+$0x0] =	vst.idx.msk $0xffff, v54  }
0x117: {  	v11 =	vor.u32 s0, v11;
	v13 =	vor.u32 v0, v57;
	v12 =	vld.idx.msk [tilespmem:v55+s6+$0x0], $0xffff  }
0x118: {  	v14 =	vor.u32 v1, v11;
	_ =	sdelay $0x1  }
0x119: {  	s5 =	sor.u32 $0x3, s3  }
0x11a: {  	v15 =	vadd.s32 s5, v0  }
0x11b: {  	v15 =	vand.u32 $0xF, v15;
	v58 =	vshll.u32 v11, $0x7;
	[tilespmem:v13+s22+$0x0] =	vst.idx.msk $0xffff, v12  }
0x11c: {  	v15 =	vor.u32 s0, v15;
	v17 =	vor.u32 v0, v58;
	v16 =	vld.idx.msk [tilespmem:v14+s6+$0x0], $0xffff  }
0x11d: {  	v18 =	vor.u32 v1, v15;
	_ =	sdelay $0x1  }
0x11e: {  	s31 =	sor.u32 $0x4, s3  }
0x11f: {  	v19 =	vadd.s32 s31, v0  }
0x120: {  	v19 =	vand.u32 $0xF, v19;
	v59 =	vshll.u32 v15, $0x7;
	[tilespmem:v17+s22+$0x0] =	vst.idx.msk $0xffff, v16  }
0x121: {  	v19 =	vor.u32 s0, v19;
	v21 =	vor.u32 v0, v59;
	v20 =	vld.idx.msk [tilespmem:v18+s6+$0x0], $0xffff  }
0x122: {  	v22 =	vor.u32 v1, v19;
	_ =	sdelay $0x1  }
0x123: {  	s5 =	sor.u32 $0x5, s3  }
0x124: {  	v23 =	vadd.s32 s5, v0  }
0x125: {  	v23 =	vand.u32 $0xF, v23;
	v60 =	vshll.u32 v19, $0x7;
	[tilespmem:v21+s22+$0x0] =	vst.idx.msk $0xffff, v20  }
0x126: {  	v23 =	vor.u32 s0, v23;
	v25 =	vor.u32 v0, v60;
	v24 =	vld.idx.msk [tilespmem:v22+s6+$0x0], $0xffff  }
0x127: {  	v26 =	vor.u32 v1, v23;
	_ =	sdelay $0x1  }
0x128: {  	s31 =	sor.u32 $0x6, s3  }
0x129: {  	v27 =	vadd.s32 s31, v0  }
0x12a: {  	v27 =	vand.u32 $0xF, v27;
	v61 =	vshll.u32 v23, $0x7;
	[tilespmem:v25+s22+$0x0] =	vst.idx.msk $0xffff, v24  }
0x12b: {  	v27 =	vor.u32 s0, v27;
	v29 =	vor.u32 v0, v61;
	v28 =	vld.idx.msk [tilespmem:v26+s6+$0x0], $0xffff  }
0x12c: {  	v30 =	vor.u32 v1, v27;
	_ =	sdelay $0x1  }
0x12d: {  	s4 =	sor.u32 $0x7, s3  }
0x12e: {  	v31 =	vadd.s32 s4, v0  }
0x12f: {  	v31 =	vand.u32 $0xF, v31;
	v62 =	vshll.u32 v27, $0x7;
	[tilespmem:v29+s22+$0x0] =	vst.idx.msk $0xffff, v28  }
0x130: {  	v31 =	vor.u32 s0, v31;
	v33 =	vor.u32 v0, v62;
	v32 =	vld.idx.msk [tilespmem:v30+s6+$0x0], $0xffff  }
0x131: {  	v34 =	vor.u32 v1, v31;
	_ =	sdelay $0x3  }
0x132: {  	v63 =	vshll.u32 v31, $0x7;
	[tilespmem:v33+s22+$0x0] =	vst.idx.msk $0xffff, v32  }
0x133: {  	v36 =	vor.u32 v0, v63;
	v35 =	vld.idx.msk [tilespmem:v34+s6+$0x0], $0xffff  }
0x134: {  	v4 =	vor.u32 v2, v4;
	_ =	sdelay $0x3  }
0x135: {  	[tilespmem:v36+s22+$0x0] =	vst.idx.msk $0xffff, v35  }
0x136: {  	v5 =	vor.u32 v3, v5;
	v35 =	vld.idx.msk [tilespmem:v4+s6+$0x0], $0xffff  }
0x137: {  	v7 =	vor.u32 v2, v7;
	_ =	sdelay $0x3  }
0x138: {  	[tilespmem:v5+s22+$0x0] =	vst.idx.msk $0xffff, v35  }
0x139: {  	v8 =	vor.u32 v3, v57;
	v35 =	vld.idx.msk [tilespmem:v7+s6+$0x0], $0xffff  }
0x13a: {  	v11 =	vor.u32 v2, v11;
	_ =	sdelay $0x3  }
0x13b: {  	[tilespmem:v8+s22+$0x0] =	vst.idx.msk $0xffff, v35  }
0x13c: {  	v12 =	vor.u32 v3, v58;
	v35 =	vld.idx.msk [tilespmem:v11+s6+$0x0], $0xffff  }
0x13d: {  	v15 =	vor.u32 v2, v15;
	_ =	sdelay $0x3  }
0x13e: {  	[tilespmem:v12+s22+$0x0] =	vst.idx.msk $0xffff, v35  }
0x13f: {  	v16 =	vor.u32 v3, v59;
	v35 =	vld.idx.msk [tilespmem:v15+s6+$0x0], $0xffff  }
0x140: {  	v19 =	vor.u32 v2, v19;
	_ =	sdelay $0x3  }
0x141: {  	[tilespmem:v16+s22+$0x0] =	vst.idx.msk $0xffff, v35  }
0x142: {  	v20 =	vor.u32 v3, v60;
	v35 =	vld.idx.msk [tilespmem:v19+s6+$0x0], $0xffff  }
0x143: {  	v23 =	vor.u32 v2, v23;
	_ =	sdelay $0x3  }
0x144: {  	[tilespmem:v20+s22+$0x0] =	vst.idx.msk $0xffff, v35  }
0x145: {  	v24 =	vor.u32 v3, v61;
	v35 =	vld.idx.msk [tilespmem:v23+s6+$0x0], $0xffff  }
0x146: {  	v27 =	vor.u32 v2, v27;
	_ =	sdelay $0x3  }
0x147: {  	[tilespmem:v24+s22+$0x0] =	vst.idx.msk $0xffff, v35  }
0x148: {  	v28 =	vor.u32 v3, v62;
	v35 =	vld.idx.msk [tilespmem:v27+s6+$0x0], $0xffff  }
0x149: {  	v31 =	vor.u32 v2, v31;
	_ =	sdelay $0x3  }
0x14a: {  	[tilespmem:v28+s22+$0x0] =	vst.idx.msk $0xffff, v35  }
0x14b: {  	v32 =	vor.u32 v3, v63;
	v35 =	vld.idx.msk [tilespmem:v31+s6+$0x0], $0xffff;
	_ =	sdelay $0x4  }
0x14c: {  	[tilespmem:v32+s22+$0x0] =	vst.idx.msk $0xffff, v35  }
0x14d: {  	v6 =	vld.idx.msk [tilespmem:v6+s19+$0x0], $0xffff;
	_ =	sdelay $0x4  }
0x14e: {  	[tilespmem:v9+s23+$0x0] =	vst.idx.msk $0xffff, v6  }
0x14f: {  	v6 =	vld.idx.msk [tilespmem:v55+s19+$0x0], $0xffff;
	_ =	sdelay $0x4  }
0x150: {  	[tilespmem:v13+s23+$0x0] =	vst.idx.msk $0xffff, v6  }
0x151: {  	v6 =	vld.idx.msk [tilespmem:v14+s19+$0x0], $0xffff;
	_ =	sdelay $0x4  }
0x152: {  	[tilespmem:v17+s23+$0x0] =	vst.idx.msk $0xffff, v6  }
0x153: {  	v6 =	vld.idx.msk [tilespmem:v18+s19+$0x0], $0xffff;
	_ =	sdelay $0x4  }
0x154: {  	[tilespmem:v21+s23+$0x0] =	vst.idx.msk $0xffff, v6  }
0x155: {  	v6 =	vld.idx.msk [tilespmem:v22+s19+$0x0], $0xffff;
	_ =	sdelay $0x4  }
0x156: {  	[tilespmem:v25+s23+$0x0] =	vst.idx.msk $0xffff, v6  }
0x157: {  	v6 =	vld.idx.msk [tilespmem:v26+s19+$0x0], $0xffff;
	_ =	sdelay $0x4  }
0x158: {  	[tilespmem:v29+s23+$0x0] =	vst.idx.msk $0xffff, v6  }
0x159: {  	v6 =	vld.idx.msk [tilespmem:v30+s19+$0x0], $0xffff;
	_ =	sdelay $0x4  }
0x15a: {  	[tilespmem:v33+s23+$0x0] =	vst.idx.msk $0xffff, v6  }
0x15b: {  	v6 =	vld.idx.msk [tilespmem:v34+s19+$0x0], $0xffff;
	_ =	sdelay $0x4  }
0x15c: {  	[tilespmem:v36+s23+$0x0] =	vst.idx.msk $0xffff, v6  }
0x15d: {  	v4 =	vld.idx.msk [tilespmem:v4+s19+$0x0], $0xffff;
	_ =	sdelay $0x4  }
0x15e: {  	[tilespmem:v5+s23+$0x0] =	vst.idx.msk $0xffff, v4  }
0x15f: {  	v4 =	vld.idx.msk [tilespmem:v7+s19+$0x0], $0xffff;
	_ =	sdelay $0x4  }
0x160: {  	[tilespmem:v8+s23+$0x0] =	vst.idx.msk $0xffff, v4  }
0x161: {  	v4 =	vld.idx.msk [tilespmem:v11+s19+$0x0], $0xffff;
	_ =	sdelay $0x4  }
0x162: {  	[tilespmem:v12+s23+$0x0] =	vst.idx.msk $0xffff, v4  }
0x163: {  	v4 =	vld.idx.msk [tilespmem:v15+s19+$0x0], $0xffff;
	_ =	sdelay $0x4  }
0x164: {  	[tilespmem:v16+s23+$0x0] =	vst.idx.msk $0xffff, v4  }
0x165: {  	v4 =	vld.idx.msk [tilespmem:v19+s19+$0x0], $0xffff;
	_ =	sdelay $0x4  }
0x166: {  	[tilespmem:v20+s23+$0x0] =	vst.idx.msk $0xffff, v4  }
0x167: {  	v4 =	vld.idx.msk [tilespmem:v23+s19+$0x0], $0xffff;
	_ =	sdelay $0x4  }
0x168: {  	[tilespmem:v24+s23+$0x0] =	vst.idx.msk $0xffff, v4  }
0x169: {  	v4 =	vld.idx.msk [tilespmem:v27+s19+$0x0], $0xffff;
	_ =	sdelay $0x4  }
0x16a: {  	[tilespmem:v28+s23+$0x0] =	vst.idx.msk $0xffff, v4  }
0x16b: {  	v4 =	vld.idx.msk [tilespmem:v31+s19+$0x0], $0xffff;
	_ =	sdelay $0x3  }
0x16c: {  	s5 =	sshll.u32 s29, $0xB  }
0x16d: {  	s31 =	sadd.s32 s7, s5;
	[tilespmem:v32+s23+$0x0] =	vst.idx.msk $0xffff, v4  }
0x16e: {  	[hbm4b:s31+s6] =	stream.linear.scatter [tilespmem:s22], [sflag:$0x5], $0x4000, $0x38;
	[tilespmem:$0x14000] =	vst v63  }
0x16f: {  	p2 =	sgt.u32 s29, $0x1E43;
	s0 =	sadd.s32 s9, s5  }
0x170: {  	[hbm4b:s0+s6] =	stream.linear.scatter [tilespmem:s23], [sflag:$0x7], $0x4000, $0x38;
	[tilespmem:$0x14000] =	vst v63  }
0x171: {  	s0 =	sshll.u32 @!p2 s29, $0x7  }
0x172: {  	s4 =	simm.s32 @!p2 $0x400;
	s0 =	sadd.s32 @!p2 $0x2000, s0  }
0x173: {  	s5 =	simm.s32 @!p2 $0x7A1400;
	s31 =	simm.s32 @!p2 $0x0;
	s3 =	sadd.s32 @!p2 s1, s0  }
0x174: {  	[tilespmem:s31], [sflag:$0x1] =	stream.strided.gather @!p2 [hbm4b:s3+s4], $0x1000, s5, s4, $0x38;
	[tilespmem:$0x14000] =	vst v63  }
0x175: {  	s0 =	sadd.s32 @!p2 s2, s0;
	s3 =	simm.s32 @!p2 $0x2000  }
0x176: {  	[tilespmem:s3], [sflag:$0x3] =	stream.strided.gather @!p2 [hbm4b:s0+s4], $0x1000, s5, s4, $0x38;
	[tilespmem:$0x14000] =	vst v63  }
.LBB2_6:
0x177: {  	s31 =	sor.u32 $0x20, s29  }
0x178: {  	p2 =	sgt.u32 s31, $0x1E83  }
0x179: {  	s0 =	simm.s32 @!p2 $0x2  }
0x17a: {  	_ =	swait.ge @!p2 [sflag:s0], $0x1000  }
0x17b: {  	[sflag:s0] =	ssyncset.done @!p2 $0x0  }
0x17c: {  	[sflag:s0] =	ssyncadd.s32 @!p2 $0xFFFFF000;
	s0 =	simm.s32 @!p2 $0x4  }
0x17d: {  	s3 =	sadd.s32 $0xFFFFFFE0, s29;
	_ =	swait.ge @!p2 [sflag:s0], $0x1000  }
0x17e: {  	p3 =	sgt.u32 s3, $0x1E83;
	[sflag:s0] =	ssyncset.done @!p2 $0x0  }
0x17f: {  	[sflag:s0] =	ssyncadd.s32 @!p2 $0xFFFFF000;
	s0 =	simm.s32 @!p3 $0x6  }
0x180: {  	_ =	swait.ge @!p3 [sflag:s0], $0x4000  }
.Ltmp6:
0x181: {  	[sflag:s0] =	ssyncset.done @!p3 $0x0;
	(pc) =	sbr.rel @p2 .LBB2_10-.Ltmp6, $4  }
0x182: {  	[sflag:s0] =	ssyncadd.s32 @!p3 $0xFFFFC000;
	s0 =	simm.s32 @!p3 $0x8  }
0x183: {  	_ =	swait.ge @!p3 [sflag:s0], $0x4000  }
0x184: {  	[sflag:s0] =	ssyncset.done @!p3 $0x0  }
0x185: {  	[sflag:s0] =	ssyncadd.s32 @!p3 $0xFFFFC000  }
0x186: {  	s3 =	sand.u32 $0x8, s30  }
0x187: {  	v4 =	vadd.s32 s3, v0  }
0x188: {  	s0 =	sand.u32 $0x70, s30;
	v4 =	vand.u32 $0xF, v4  }
0x189: {  	v4 =	vor.u32 s0, v4  }
0x18a: {  	v5 =	vor.u32 v1, v4;
	_ =	sdelay $0x1  }
0x18b: {  	s4 =	sor.u32 $0x1, s3  }
0x18c: {  	v6 =	vadd.s32 s4, v0  }
0x18d: {  	v6 =	vand.u32 $0xF, v6;
	v7 =	vshll.u32 v4, $0x7  }
0x18e: {  	v6 =	vor.u32 s0, v6;
	v9 =	vor.u32 v0, v7;
	v8 =	vld.idx.msk [tilespmem:v5+s20+$0x0], $0xffff  }
0x18f: {  	v12 =	vor.u32 v1, v6;
	_ =	sdelay $0x1  }
0x190: {  	s5 =	sor.u32 $0x2, s3  }
0x191: {  	v10 =	vadd.s32 s5, v0  }
0x192: {  	v10 =	vand.u32 $0xF, v10;
	[tilespmem:v9+s24+$0x0] =	vst.idx.msk $0xffff, v8;
	v8 =	vshll.u32 v6, $0x7  }
0x193: {  	v10 =	vor.u32 s0, v10;
	v11 =	vld.idx.msk [tilespmem:v12+s20+$0x0], $0xffff;
	v13 =	vor.u32 v0, v8  }
0x194: {  	v14 =	vor.u32 v1, v10;
	_ =	sdelay $0x1  }
0x195: {  	s5 =	sor.u32 $0x3, s3  }
0x196: {  	v15 =	vadd.s32 s5, v0  }
0x197: {  	v15 =	vand.u32 $0xF, v15;
	[tilespmem:v13+s24+$0x0] =	vst.idx.msk $0xffff, v11;
	v11 =	vshll.u32 v10, $0x7  }
0x198: {  	v15 =	vor.u32 s0, v15;
	v16 =	vld.idx.msk [tilespmem:v14+s20+$0x0], $0xffff;
	v17 =	vor.u32 v0, v11  }
0x199: {  	v18 =	vor.u32 v1, v15;
	_ =	sdelay $0x1  }
0x19a: {  	s5 =	sor.u32 $0x4, s3  }
0x19b: {  	v19 =	vadd.s32 s5, v0  }
0x19c: {  	v19 =	vand.u32 $0xF, v19;
	v57 =	vshll.u32 v15, $0x7;
	[tilespmem:v17+s24+$0x0] =	vst.idx.msk $0xffff, v16  }
0x19d: {  	v19 =	vor.u32 s0, v19;
	v21 =	vor.u32 v0, v57;
	v20 =	vld.idx.msk [tilespmem:v18+s20+$0x0], $0xffff  }
0x19e: {  	v22 =	vor.u32 v1, v19;
	_ =	sdelay $0x1  }
0x19f: {  	s5 =	sor.u32 $0x5, s3  }
0x1a0: {  	v23 =	vadd.s32 s5, v0  }
0x1a1: {  	v23 =	vand.u32 $0xF, v23;
	v58 =	vshll.u32 v19, $0x7;
	[tilespmem:v21+s24+$0x0] =	vst.idx.msk $0xffff, v20  }
0x1a2: {  	v23 =	vor.u32 s0, v23;
	v25 =	vor.u32 v0, v58;
	v24 =	vld.idx.msk [tilespmem:v22+s20+$0x0], $0xffff  }
0x1a3: {  	v26 =	vor.u32 v1, v23;
	_ =	sdelay $0x1  }
0x1a4: {  	s5 =	sor.u32 $0x6, s3  }
0x1a5: {  	v27 =	vadd.s32 s5, v0  }
0x1a6: {  	v27 =	vand.u32 $0xF, v27;
	v59 =	vshll.u32 v23, $0x7;
	[tilespmem:v25+s24+$0x0] =	vst.idx.msk $0xffff, v24  }
0x1a7: {  	v27 =	vor.u32 s0, v27;
	v29 =	vor.u32 v0, v59;
	v28 =	vld.idx.msk [tilespmem:v26+s20+$0x0], $0xffff  }
0x1a8: {  	v30 =	vor.u32 v1, v27;
	_ =	sdelay $0x1  }
0x1a9: {  	s3 =	sor.u32 $0x7, s3  }
0x1aa: {  	v31 =	vadd.s32 s3, v0  }
0x1ab: {  	v31 =	vand.u32 $0xF, v31;
	v60 =	vshll.u32 v27, $0x7;
	[tilespmem:v29+s24+$0x0] =	vst.idx.msk $0xffff, v28  }
0x1ac: {  	v31 =	vor.u32 s0, v31;
	v33 =	vor.u32 v0, v60;
	v32 =	vld.idx.msk [tilespmem:v30+s20+$0x0], $0xffff  }
0x1ad: {  	v34 =	vor.u32 v1, v31;
	_ =	sdelay $0x3  }
0x1ae: {  	v61 =	vshll.u32 v31, $0x7;
	[tilespmem:v33+s24+$0x0] =	vst.idx.msk $0xffff, v32  }
0x1af: {  	v36 =	vor.u32 v0, v61;
	v35 =	vld.idx.msk [tilespmem:v34+s20+$0x0], $0xffff  }
0x1b0: {  	v4 =	vor.u32 v2, v4;
	_ =	sdelay $0x3  }
0x1b1: {  	[tilespmem:v36+s24+$0x0] =	vst.idx.msk $0xffff, v35  }
0x1b2: {  	v37 =	vor.u32 v3, v7;
	v35 =	vld.idx.msk [tilespmem:v4+s20+$0x0], $0xffff  }
0x1b3: {  	v6 =	vor.u32 v2, v6;
	_ =	sdelay $0x3  }
0x1b4: {  	[tilespmem:v37+s24+$0x0] =	vst.idx.msk $0xffff, v35  }
0x1b5: {  	v8 =	vor.u32 v3, v8;
	v7 =	vld.idx.msk [tilespmem:v6+s20+$0x0], $0xffff  }
0x1b6: {  	v62 =	vor.u32 v2, v10;
	_ =	sdelay $0x3  }
0x1b7: {  	[tilespmem:v8+s24+$0x0] =	vst.idx.msk $0xffff, v7  }
0x1b8: {  	v38 =	vor.u32 v3, v11;
	v7 =	vld.idx.msk [tilespmem:v62+s20+$0x0], $0xffff  }
0x1b9: {  	v15 =	vor.u32 v2, v15;
	_ =	sdelay $0x3  }
0x1ba: {  	[tilespmem:v38+s24+$0x0] =	vst.idx.msk $0xffff, v7  }
0x1bb: {  	v16 =	vor.u32 v3, v57;
	v7 =	vld.idx.msk [tilespmem:v15+s20+$0x0], $0xffff  }
0x1bc: {  	v19 =	vor.u32 v2, v19;
	_ =	sdelay $0x3  }
0x1bd: {  	[tilespmem:v16+s24+$0x0] =	vst.idx.msk $0xffff, v7  }
0x1be: {  	v20 =	vor.u32 v3, v58;
	v7 =	vld.idx.msk [tilespmem:v19+s20+$0x0], $0xffff  }
0x1bf: {  	v23 =	vor.u32 v2, v23;
	_ =	sdelay $0x3  }
0x1c0: {  	[tilespmem:v20+s24+$0x0] =	vst.idx.msk $0xffff, v7  }
0x1c1: {  	v24 =	vor.u32 v3, v59;
	v7 =	vld.idx.msk [tilespmem:v23+s20+$0x0], $0xffff  }
0x1c2: {  	v27 =	vor.u32 v2, v27;
	_ =	sdelay $0x3  }
0x1c3: {  	[tilespmem:v24+s24+$0x0] =	vst.idx.msk $0xffff, v7  }
0x1c4: {  	v11 =	vor.u32 v3, v60;
	v7 =	vld.idx.msk [tilespmem:v27+s20+$0x0], $0xffff  }
0x1c5: {  	v10 =	vor.u32 v2, v31;
	_ =	sdelay $0x3  }
0x1c6: {  	[tilespmem:v11+s24+$0x0] =	vst.idx.msk $0xffff, v7  }
0x1c7: {  	v7 =	vor.u32 v3, v61;
	v63 =	vld.idx.msk [tilespmem:v10+s20+$0x0], $0xffff;
	_ =	sdelay $0x4  }
0x1c8: {  	[tilespmem:v7+s24+$0x0] =	vst.idx.msk $0xffff, v63  }
0x1c9: {  	v5 =	vld.idx.msk [tilespmem:v5+s21+$0x0], $0xffff;
	_ =	sdelay $0x4  }
0x1ca: {  	[tilespmem:v9+s25+$0x0] =	vst.idx.msk $0xffff, v5  }
0x1cb: {  	v5 =	vld.idx.msk [tilespmem:v12+s21+$0x0], $0xffff;
	_ =	sdelay $0x4  }
0x1cc: {  	[tilespmem:v13+s25+$0x0] =	vst.idx.msk $0xffff, v5  }
0x1cd: {  	v5 =	vld.idx.msk [tilespmem:v14+s21+$0x0], $0xffff;
	_ =	sdelay $0x4  }
0x1ce: {  	[tilespmem:v17+s25+$0x0] =	vst.idx.msk $0xffff, v5  }
0x1cf: {  	v5 =	vld.idx.msk [tilespmem:v18+s21+$0x0], $0xffff;
	_ =	sdelay $0x4  }
0x1d0: {  	[tilespmem:v21+s25+$0x0] =	vst.idx.msk $0xffff, v5  }
0x1d1: {  	v5 =	vld.idx.msk [tilespmem:v22+s21+$0x0], $0xffff;
	_ =	sdelay $0x4  }
0x1d2: {  	[tilespmem:v25+s25+$0x0] =	vst.idx.msk $0xffff, v5  }
0x1d3: {  	v5 =	vld.idx.msk [tilespmem:v26+s21+$0x0], $0xffff;
	_ =	sdelay $0x4  }
0x1d4: {  	[tilespmem:v29+s25+$0x0] =	vst.idx.msk $0xffff, v5  }
0x1d5: {  	v5 =	vld.idx.msk [tilespmem:v30+s21+$0x0], $0xffff;
	_ =	sdelay $0x4  }
0x1d6: {  	[tilespmem:v33+s25+$0x0] =	vst.idx.msk $0xffff, v5  }
0x1d7: {  	v5 =	vld.idx.msk [tilespmem:v34+s21+$0x0], $0xffff;
	_ =	sdelay $0x4  }
0x1d8: {  	[tilespmem:v36+s25+$0x0] =	vst.idx.msk $0xffff, v5  }
0x1d9: {  	v4 =	vld.idx.msk [tilespmem:v4+s21+$0x0], $0xffff;
	_ =	sdelay $0x4  }
0x1da: {  	[tilespmem:v37+s25+$0x0] =	vst.idx.msk $0xffff, v4  }
0x1db: {  	v4 =	vld.idx.msk [tilespmem:v6+s21+$0x0], $0xffff;
	_ =	sdelay $0x4  }
0x1dc: {  	[tilespmem:v8+s25+$0x0] =	vst.idx.msk $0xffff, v4  }
0x1dd: {  	v4 =	vld.idx.msk [tilespmem:v62+s21+$0x0], $0xffff;
	_ =	sdelay $0x4  }
0x1de: {  	[tilespmem:v38+s25+$0x0] =	vst.idx.msk $0xffff, v4  }
0x1df: {  	v4 =	vld.idx.msk [tilespmem:v15+s21+$0x0], $0xffff;
	_ =	sdelay $0x4  }
0x1e0: {  	[tilespmem:v16+s25+$0x0] =	vst.idx.msk $0xffff, v4  }
0x1e1: {  	v4 =	vld.idx.msk [tilespmem:v19+s21+$0x0], $0xffff;
	_ =	sdelay $0x4  }
0x1e2: {  	[tilespmem:v20+s25+$0x0] =	vst.idx.msk $0xffff, v4  }
0x1e3: {  	v4 =	vld.idx.msk [tilespmem:v23+s21+$0x0], $0xffff;
	_ =	sdelay $0x4  }
0x1e4: {  	[tilespmem:v24+s25+$0x0] =	vst.idx.msk $0xffff, v4  }
0x1e5: {  	v4 =	vld.idx.msk [tilespmem:v27+s21+$0x0], $0xffff;
	_ =	sdelay $0x2  }
0x1e6: {  	s30 =	simm.s32 $0x8  }
0x1e7: {  	s3 =	sand.u32 $0x8, s30;
	s0 =	simm.s32 $0x10  }
.LBB2_8:
0x1e8: {  	p2 =	sne.s32 s0, $0x78;
	v5 =	vadd.s32 s3, v0;
	[tilespmem:v11+s25+$0x0] =	vst.idx.msk $0xffff, v4  }
0x1e9: {  	s4 =	sand.u32 $0x70, s30;
	s30 =	smov.u32 s0;
	v4 =	vand.u32 $0xF, v5;
	v5 =	vld.idx.msk [tilespmem:v10+s21+$0x0], $0xffff  }
0x1ea: {  	v10 =	vor.u32 s4, v4  }
0x1eb: {  	v4 =	vor.u32 v1, v10;
	_ =	sdelay $0x2  }
0x1ec: {  	s5 =	sor.u32 $0x1, s3  }
0x1ed: {  	v6 =	vadd.s32 s5, v0;
	[tilespmem:v7+s25+$0x0] =	vst.idx.msk $0xffff, v5  }
0x1ee: {  	v6 =	vand.u32 $0xF, v6;
	v11 =	vshll.u32 v10, $0x7;
	v7 =	vld.idx.msk [tilespmem:v4+s20+$0x0], $0xffff  }
0x1ef: {  	v25 =	vor.u32 s4, v6;
	v5 =	vor.u32 v0, v11  }
0x1f0: {  	v6 =	vor.u32 v1, v25;
	_ =	sdelay $0x2  }
0x1f1: {  	s5 =	sor.u32 $0x2, s3  }
0x1f2: {  	[tilespmem:v5+s24+$0x0] =	vst.idx.msk $0xffff, v7;
	v7 =	vadd.s32 s5, v0  }
0x1f3: {  	v26 =	vshll.u32 v25, $0x7;
	v12 =	vld.idx.msk [tilespmem:v6+s20+$0x0], $0xffff;
	v7 =	vand.u32 $0xF, v7  }
0x1f4: {  	v8 =	vor.u32 v0, v26;
	v7 =	vor.u32 s4, v7  }
0x1f5: {  	v9 =	vor.u32 v1, v7;
	_ =	sdelay $0x2  }
0x1f6: {  	s5 =	sor.u32 $0x3, s3  }
0x1f7: {  	[tilespmem:v8+s24+$0x0] =	vst.idx.msk $0xffff, v12;
	v12 =	vadd.s32 s5, v0  }
0x1f8: {  	v28 =	vshll.u32 v7, $0x7;
	v14 =	vld.idx.msk [tilespmem:v9+s20+$0x0], $0xffff;
	v13 =	vand.u32 $0xF, v12  }
0x1f9: {  	v12 =	vor.u32 v0, v28;
	v29 =	vor.u32 s4, v13  }
0x1fa: {  	v13 =	vor.u32 v1, v29;
	_ =	sdelay $0x2  }
0x1fb: {  	s5 =	sor.u32 $0x4, s3  }
0x1fc: {  	[tilespmem:v12+s24+$0x0] =	vst.idx.msk $0xffff, v14;
	v14 =	vadd.s32 s5, v0  }
0x1fd: {  	v30 =	vshll.u32 v29, $0x7;
	v16 =	vld.idx.msk [tilespmem:v13+s20+$0x0], $0xffff;
	v15 =	vand.u32 $0xF, v14  }
0x1fe: {  	v14 =	vor.u32 v0, v30;
	v31 =	vor.u32 s4, v15  }
0x1ff: {  	v15 =	vor.u32 v1, v31;
	_ =	sdelay $0x2  }
0x200: {  	s5 =	sor.u32 $0x5, s3  }
0x201: {  	[tilespmem:v14+s24+$0x0] =	vst.idx.msk $0xffff, v16;
	v16 =	vadd.s32 s5, v0  }
0x202: {  	v32 =	vshll.u32 v31, $0x7;
	v18 =	vld.idx.msk [tilespmem:v15+s20+$0x0], $0xffff;
	v17 =	vand.u32 $0xF, v16  }
0x203: {  	v16 =	vor.u32 v0, v32;
	v33 =	vor.u32 s4, v17  }
0x204: {  	v17 =	vor.u32 v1, v33;
	_ =	sdelay $0x2  }
0x205: {  	s5 =	sor.u32 $0x6, s3  }
0x206: {  	[tilespmem:v16+s24+$0x0] =	vst.idx.msk $0xffff, v18;
	v18 =	vadd.s32 s5, v0  }
0x207: {  	v34 =	vshll.u32 v33, $0x7;
	v20 =	vld.idx.msk [tilespmem:v17+s20+$0x0], $0xffff;
	v19 =	vand.u32 $0xF, v18  }
0x208: {  	v18 =	vor.u32 v0, v34;
	v35 =	vor.u32 s4, v19  }
0x209: {  	v19 =	vor.u32 v1, v35;
	_ =	sdelay $0x2  }
0x20a: {  	s3 =	sor.u32 $0x7, s3  }
0x20b: {  	[tilespmem:v18+s24+$0x0] =	vst.idx.msk $0xffff, v20;
	v20 =	vadd.s32 s3, v0  }
0x20c: {  	v36 =	vshll.u32 v35, $0x7;
	v22 =	vld.idx.msk [tilespmem:v19+s20+$0x0], $0xffff;
	v21 =	vand.u32 $0xF, v20  }
0x20d: {  	v20 =	vor.u32 v0, v36;
	v37 =	vor.u32 s4, v21  }
0x20e: {  	v21 =	vor.u32 v1, v37;
	_ =	sdelay $0x3  }
0x20f: {  	[tilespmem:v20+s24+$0x0] =	vst.idx.msk $0xffff, v22  }
0x210: {  	v38 =	vshll.u32 v37, $0x7;
	v24 =	vld.idx.msk [tilespmem:v21+s20+$0x0], $0xffff  }
0x211: {  	v22 =	vor.u32 v0, v38  }
0x212: {  	v23 =	vor.u32 v2, v10;
	_ =	sdelay $0x3  }
0x213: {  	[tilespmem:v22+s24+$0x0] =	vst.idx.msk $0xffff, v24  }
0x214: {  	v10 =	vld.idx.msk [tilespmem:v23+s20+$0x0], $0xffff  }
0x215: {  	v24 =	vor.u32 v3, v11  }
0x216: {  	v25 =	vor.u32 v2, v25;
	_ =	sdelay $0x3  }
0x217: {  	[tilespmem:v24+s24+$0x0] =	vst.idx.msk $0xffff, v10  }
0x218: {  	v10 =	vld.idx.msk [tilespmem:v25+s20+$0x0], $0xffff  }
0x219: {  	v26 =	vor.u32 v3, v26  }
0x21a: {  	v27 =	vor.u32 v2, v7;
	_ =	sdelay $0x3  }
0x21b: {  	[tilespmem:v26+s24+$0x0] =	vst.idx.msk $0xffff, v10  }
0x21c: {  	v7 =	vld.idx.msk [tilespmem:v27+s20+$0x0], $0xffff  }
0x21d: {  	v28 =	vor.u32 v3, v28  }
0x21e: {  	v29 =	vor.u32 v2, v29;
	_ =	sdelay $0x3  }
0x21f: {  	[tilespmem:v28+s24+$0x0] =	vst.idx.msk $0xffff, v7  }
0x220: {  	v7 =	vld.idx.msk [tilespmem:v29+s20+$0x0], $0xffff  }
0x221: {  	v30 =	vor.u32 v3, v30  }
0x222: {  	v31 =	vor.u32 v2, v31;
	_ =	sdelay $0x3  }
0x223: {  	[tilespmem:v30+s24+$0x0] =	vst.idx.msk $0xffff, v7  }
0x224: {  	v7 =	vld.idx.msk [tilespmem:v31+s20+$0x0], $0xffff  }
0x225: {  	v32 =	vor.u32 v3, v32  }
0x226: {  	v33 =	vor.u32 v2, v33;
	_ =	sdelay $0x3  }
0x227: {  	[tilespmem:v32+s24+$0x0] =	vst.idx.msk $0xffff, v7  }
0x228: {  	v7 =	vld.idx.msk [tilespmem:v33+s20+$0x0], $0xffff  }
0x229: {  	v34 =	vor.u32 v3, v34  }
0x22a: {  	v35 =	vor.u32 v2, v35;
	_ =	sdelay $0x3  }
0x22b: {  	[tilespmem:v34+s24+$0x0] =	vst.idx.msk $0xffff, v7  }
0x22c: {  	v7 =	vld.idx.msk [tilespmem:v35+s20+$0x0], $0xffff  }
0x22d: {  	v11 =	vor.u32 v3, v36  }
0x22e: {  	v10 =	vor.u32 v2, v37;
	_ =	sdelay $0x3  }
0x22f: {  	[tilespmem:v11+s24+$0x0] =	vst.idx.msk $0xffff, v7  }
0x230: {  	v36 =	vld.idx.msk [tilespmem:v10+s20+$0x0], $0xffff  }
0x231: {  	v7 =	vor.u32 v3, v38;
	_ =	sdelay $0x4  }
0x232: {  	[tilespmem:v7+s24+$0x0] =	vst.idx.msk $0xffff, v36  }
0x233: {  	v4 =	vld.idx.msk [tilespmem:v4+s21+$0x0], $0xffff;
	_ =	sdelay $0x5  }
0x234: {  	[tilespmem:v5+s25+$0x0] =	vst.idx.msk $0xffff, v4  }
0x235: {  	v4 =	vld.idx.msk [tilespmem:v6+s21+$0x0], $0xffff;
	_ =	sdelay $0x5  }
0x236: {  	[tilespmem:v8+s25+$0x0] =	vst.idx.msk $0xffff, v4  }
0x237: {  	v4 =	vld.idx.msk [tilespmem:v9+s21+$0x0], $0xffff;
	_ =	sdelay $0x5  }
0x238: {  	[tilespmem:v12+s25+$0x0] =	vst.idx.msk $0xffff, v4  }
0x239: {  	v4 =	vld.idx.msk [tilespmem:v13+s21+$0x0], $0xffff;
	_ =	sdelay $0x5  }
0x23a: {  	[tilespmem:v14+s25+$0x0] =	vst.idx.msk $0xffff, v4  }
0x23b: {  	v4 =	vld.idx.msk [tilespmem:v15+s21+$0x0], $0xffff;
	_ =	sdelay $0x5  }
0x23c: {  	[tilespmem:v16+s25+$0x0] =	vst.idx.msk $0xffff, v4  }
0x23d: {  	v4 =	vld.idx.msk [tilespmem:v17+s21+$0x0], $0xffff;
	_ =	sdelay $0x5  }
0x23e: {  	[tilespmem:v18+s25+$0x0] =	vst.idx.msk $0xffff, v4  }
0x23f: {  	v4 =	vld.idx.msk [tilespmem:v19+s21+$0x0], $0xffff;
	_ =	sdelay $0x5  }
0x240: {  	[tilespmem:v20+s25+$0x0] =	vst.idx.msk $0xffff, v4  }
0x241: {  	v4 =	vld.idx.msk [tilespmem:v21+s21+$0x0], $0xffff;
	_ =	sdelay $0x5  }
0x242: {  	[tilespmem:v22+s25+$0x0] =	vst.idx.msk $0xffff, v4  }
0x243: {  	v4 =	vld.idx.msk [tilespmem:v23+s21+$0x0], $0xffff;
	_ =	sdelay $0x5  }
0x244: {  	[tilespmem:v24+s25+$0x0] =	vst.idx.msk $0xffff, v4  }
0x245: {  	v4 =	vld.idx.msk [tilespmem:v25+s21+$0x0], $0xffff;
	_ =	sdelay $0x5  }
0x246: {  	[tilespmem:v26+s25+$0x0] =	vst.idx.msk $0xffff, v4  }
0x247: {  	v4 =	vld.idx.msk [tilespmem:v27+s21+$0x0], $0xffff;
	_ =	sdelay $0x5  }
0x248: {  	[tilespmem:v28+s25+$0x0] =	vst.idx.msk $0xffff, v4  }
0x249: {  	v4 =	vld.idx.msk [tilespmem:v29+s21+$0x0], $0xffff;
	_ =	sdelay $0x5  }
0x24a: {  	[tilespmem:v30+s25+$0x0] =	vst.idx.msk $0xffff, v4  }
0x24b: {  	v4 =	vld.idx.msk [tilespmem:v31+s21+$0x0], $0xffff;
	_ =	sdelay $0x5  }
0x24c: {  	[tilespmem:v32+s25+$0x0] =	vst.idx.msk $0xffff, v4  }
0x24d: {  	v4 =	vld.idx.msk [tilespmem:v33+s21+$0x0], $0xffff;
	_ =	sdelay $0x5  }
0x24e: {  	[tilespmem:v34+s25+$0x0] =	vst.idx.msk $0xffff, v4  }
0x24f: {  	v4 =	vld.idx.msk [tilespmem:v35+s21+$0x0], $0xffff  }
.Ltmp7:
0x250: {  	(pc) =	sbr.rel @p2 .LBB2_8-.Ltmp7, $2  }
0x251: {  	_ =	sdelay $0x2  }
0x252: {  	s0 =	sadd.s32 $0x8, s0;
	s3 =	sand.u32 $0x8, s30  }
0x253: {  	_ =	sdelay $0x2  }
0x254: {  	v5 =	vadd.s32 s3, v0  }
0x255: {  	[tilespmem:v11+s25+$0x0] =	vst.idx.msk $0xffff, v4;
	s0 =	sand.u32 $0x70, s30;
	v4 =	vand.u32 $0xF, v5  }
0x256: {  	v5 =	vld.idx.msk [tilespmem:v10+s21+$0x0], $0xffff;
	v4 =	vor.u32 s0, v4  }
0x257: {  	v6 =	vor.u32 v1, v4;
	_ =	sdelay $0x1  }
0x258: {  	s4 =	sor.u32 $0x1, s3  }
0x259: {  	v8 =	vadd.s32 s4, v0  }
0x25a: {  	v53 =	vand.u32 $0xF, v8;
	[tilespmem:v7+s25+$0x0] =	vst.idx.msk $0xffff, v5;
	v5 =	vshll.u32 v4, $0x7  }
0x25b: {  	v7 =	vor.u32 s0, v53;
	v9 =	vor.u32 v0, v5;
	v54 =	vld.idx.msk [tilespmem:v6+s20+$0x0], $0xffff  }
0x25c: {  	v55 =	vor.u32 v1, v7;
	_ =	sdelay $0x1  }
0x25d: {  	s30 =	sor.u32 $0x2, s3  }
0x25e: {  	v56 =	vadd.s32 s30, v0  }
0x25f: {  	v11 =	vand.u32 $0xF, v56;
	v57 =	vshll.u32 v7, $0x7;
	[tilespmem:v9+s24+$0x0] =	vst.idx.msk $0xffff, v54  }
0x260: {  	v11 =	vor.u32 s0, v11;
	v13 =	vor.u32 v0, v57;
	v12 =	vld.idx.msk [tilespmem:v55+s20+$0x0], $0xffff  }
0x261: {  	v14 =	vor.u32 v1, v11;
	_ =	sdelay $0x1  }
0x262: {  	s5 =	sor.u32 $0x3, s3  }
0x263: {  	v15 =	vadd.s32 s5, v0  }
0x264: {  	v15 =	vand.u32 $0xF, v15;
	v58 =	vshll.u32 v11, $0x7;
	[tilespmem:v13+s24+$0x0] =	vst.idx.msk $0xffff, v12  }
0x265: {  	v15 =	vor.u32 s0, v15;
	v17 =	vor.u32 v0, v58;
	v16 =	vld.idx.msk [tilespmem:v14+s20+$0x0], $0xffff  }
0x266: {  	v18 =	vor.u32 v1, v15;
	_ =	sdelay $0x1  }
0x267: {  	s30 =	sor.u32 $0x4, s3  }
0x268: {  	v19 =	vadd.s32 s30, v0  }
0x269: {  	v19 =	vand.u32 $0xF, v19;
	v59 =	vshll.u32 v15, $0x7;
	[tilespmem:v17+s24+$0x0] =	vst.idx.msk $0xffff, v16  }
0x26a: {  	v19 =	vor.u32 s0, v19;
	v21 =	vor.u32 v0, v59;
	v20 =	vld.idx.msk [tilespmem:v18+s20+$0x0], $0xffff  }
0x26b: {  	v22 =	vor.u32 v1, v19;
	_ =	sdelay $0x1  }
0x26c: {  	s5 =	sor.u32 $0x5, s3  }
0x26d: {  	v23 =	vadd.s32 s5, v0  }
0x26e: {  	v23 =	vand.u32 $0xF, v23;
	v60 =	vshll.u32 v19, $0x7;
	[tilespmem:v21+s24+$0x0] =	vst.idx.msk $0xffff, v20  }
0x26f: {  	v23 =	vor.u32 s0, v23;
	v25 =	vor.u32 v0, v60;
	v24 =	vld.idx.msk [tilespmem:v22+s20+$0x0], $0xffff  }
0x270: {  	v26 =	vor.u32 v1, v23;
	_ =	sdelay $0x1  }
0x271: {  	s30 =	sor.u32 $0x6, s3  }
0x272: {  	v27 =	vadd.s32 s30, v0  }
0x273: {  	v27 =	vand.u32 $0xF, v27;
	v61 =	vshll.u32 v23, $0x7;
	[tilespmem:v25+s24+$0x0] =	vst.idx.msk $0xffff, v24  }
0x274: {  	v27 =	vor.u32 s0, v27;
	v29 =	vor.u32 v0, v61;
	v28 =	vld.idx.msk [tilespmem:v26+s20+$0x0], $0xffff  }
0x275: {  	v30 =	vor.u32 v1, v27;
	_ =	sdelay $0x1  }
0x276: {  	s5 =	sor.u32 $0x7, s3  }
0x277: {  	v31 =	vadd.s32 s5, v0  }
0x278: {  	v31 =	vand.u32 $0xF, v31;
	v62 =	vshll.u32 v27, $0x7;
	[tilespmem:v29+s24+$0x0] =	vst.idx.msk $0xffff, v28  }
0x279: {  	v31 =	vor.u32 s0, v31;
	v33 =	vor.u32 v0, v62;
	v32 =	vld.idx.msk [tilespmem:v30+s20+$0x0], $0xffff  }
0x27a: {  	v34 =	vor.u32 v1, v31;
	_ =	sdelay $0x3  }
0x27b: {  	v63 =	vshll.u32 v31, $0x7;
	[tilespmem:v33+s24+$0x0] =	vst.idx.msk $0xffff, v32  }
0x27c: {  	v36 =	vor.u32 v0, v63;
	v35 =	vld.idx.msk [tilespmem:v34+s20+$0x0], $0xffff  }
0x27d: {  	v4 =	vor.u32 v2, v4;
	_ =	sdelay $0x3  }
0x27e: {  	[tilespmem:v36+s24+$0x0] =	vst.idx.msk $0xffff, v35  }
0x27f: {  	v5 =	vor.u32 v3, v5;
	v35 =	vld.idx.msk [tilespmem:v4+s20+$0x0], $0xffff  }
0x280: {  	v7 =	vor.u32 v2, v7;
	_ =	sdelay $0x3  }
0x281: {  	[tilespmem:v5+s24+$0x0] =	vst.idx.msk $0xffff, v35  }
0x282: {  	v8 =	vor.u32 v3, v57;
	v35 =	vld.idx.msk [tilespmem:v7+s20+$0x0], $0xffff  }
0x283: {  	v11 =	vor.u32 v2, v11;
	_ =	sdelay $0x3  }
0x284: {  	[tilespmem:v8+s24+$0x0] =	vst.idx.msk $0xffff, v35  }
0x285: {  	v12 =	vor.u32 v3, v58;
	v35 =	vld.idx.msk [tilespmem:v11+s20+$0x0], $0xffff  }
0x286: {  	v15 =	vor.u32 v2, v15;
	_ =	sdelay $0x3  }
0x287: {  	[tilespmem:v12+s24+$0x0] =	vst.idx.msk $0xffff, v35  }
0x288: {  	v16 =	vor.u32 v3, v59;
	v35 =	vld.idx.msk [tilespmem:v15+s20+$0x0], $0xffff  }
0x289: {  	v19 =	vor.u32 v2, v19;
	_ =	sdelay $0x3  }
0x28a: {  	[tilespmem:v16+s24+$0x0] =	vst.idx.msk $0xffff, v35  }
0x28b: {  	v20 =	vor.u32 v3, v60;
	v35 =	vld.idx.msk [tilespmem:v19+s20+$0x0], $0xffff  }
0x28c: {  	v23 =	vor.u32 v2, v23;
	_ =	sdelay $0x3  }
0x28d: {  	[tilespmem:v20+s24+$0x0] =	vst.idx.msk $0xffff, v35  }
0x28e: {  	v24 =	vor.u32 v3, v61;
	v35 =	vld.idx.msk [tilespmem:v23+s20+$0x0], $0xffff  }
0x28f: {  	v27 =	vor.u32 v2, v27;
	_ =	sdelay $0x3  }
0x290: {  	[tilespmem:v24+s24+$0x0] =	vst.idx.msk $0xffff, v35  }
0x291: {  	v28 =	vor.u32 v3, v62;
	v35 =	vld.idx.msk [tilespmem:v27+s20+$0x0], $0xffff  }
0x292: {  	v31 =	vor.u32 v2, v31;
	_ =	sdelay $0x3  }
0x293: {  	[tilespmem:v28+s24+$0x0] =	vst.idx.msk $0xffff, v35  }
0x294: {  	v32 =	vor.u32 v3, v63;
	v35 =	vld.idx.msk [tilespmem:v31+s20+$0x0], $0xffff;
	_ =	sdelay $0x4  }
0x295: {  	[tilespmem:v32+s24+$0x0] =	vst.idx.msk $0xffff, v35  }
0x296: {  	v6 =	vld.idx.msk [tilespmem:v6+s21+$0x0], $0xffff;
	_ =	sdelay $0x4  }
0x297: {  	[tilespmem:v9+s25+$0x0] =	vst.idx.msk $0xffff, v6  }
0x298: {  	v6 =	vld.idx.msk [tilespmem:v55+s21+$0x0], $0xffff;
	_ =	sdelay $0x4  }
0x299: {  	[tilespmem:v13+s25+$0x0] =	vst.idx.msk $0xffff, v6  }
0x29a: {  	v6 =	vld.idx.msk [tilespmem:v14+s21+$0x0], $0xffff;
	_ =	sdelay $0x4  }
0x29b: {  	[tilespmem:v17+s25+$0x0] =	vst.idx.msk $0xffff, v6  }
0x29c: {  	v6 =	vld.idx.msk [tilespmem:v18+s21+$0x0], $0xffff;
	_ =	sdelay $0x4  }
0x29d: {  	[tilespmem:v21+s25+$0x0] =	vst.idx.msk $0xffff, v6  }
0x29e: {  	v6 =	vld.idx.msk [tilespmem:v22+s21+$0x0], $0xffff;
	_ =	sdelay $0x4  }
0x29f: {  	[tilespmem:v25+s25+$0x0] =	vst.idx.msk $0xffff, v6  }
0x2a0: {  	v6 =	vld.idx.msk [tilespmem:v26+s21+$0x0], $0xffff;
	_ =	sdelay $0x4  }
0x2a1: {  	[tilespmem:v29+s25+$0x0] =	vst.idx.msk $0xffff, v6  }
0x2a2: {  	v6 =	vld.idx.msk [tilespmem:v30+s21+$0x0], $0xffff;
	_ =	sdelay $0x4  }
0x2a3: {  	[tilespmem:v33+s25+$0x0] =	vst.idx.msk $0xffff, v6  }
0x2a4: {  	v6 =	vld.idx.msk [tilespmem:v34+s21+$0x0], $0xffff;
	_ =	sdelay $0x4  }
0x2a5: {  	[tilespmem:v36+s25+$0x0] =	vst.idx.msk $0xffff, v6  }
0x2a6: {  	v4 =	vld.idx.msk [tilespmem:v4+s21+$0x0], $0xffff;
	_ =	sdelay $0x4  }
0x2a7: {  	[tilespmem:v5+s25+$0x0] =	vst.idx.msk $0xffff, v4  }
0x2a8: {  	v4 =	vld.idx.msk [tilespmem:v7+s21+$0x0], $0xffff;
	_ =	sdelay $0x4  }
0x2a9: {  	[tilespmem:v8+s25+$0x0] =	vst.idx.msk $0xffff, v4  }
0x2aa: {  	v4 =	vld.idx.msk [tilespmem:v11+s21+$0x0], $0xffff;
	_ =	sdelay $0x4  }
0x2ab: {  	[tilespmem:v12+s25+$0x0] =	vst.idx.msk $0xffff, v4  }
0x2ac: {  	v4 =	vld.idx.msk [tilespmem:v15+s21+$0x0], $0xffff;
	_ =	sdelay $0x4  }
0x2ad: {  	[tilespmem:v16+s25+$0x0] =	vst.idx.msk $0xffff, v4  }
0x2ae: {  	v4 =	vld.idx.msk [tilespmem:v19+s21+$0x0], $0xffff;
	_ =	sdelay $0x4  }
0x2af: {  	[tilespmem:v20+s25+$0x0] =	vst.idx.msk $0xffff, v4  }
0x2b0: {  	v4 =	vld.idx.msk [tilespmem:v23+s21+$0x0], $0xffff;
	_ =	sdelay $0x4  }
0x2b1: {  	[tilespmem:v24+s25+$0x0] =	vst.idx.msk $0xffff, v4  }
0x2b2: {  	v4 =	vld.idx.msk [tilespmem:v27+s21+$0x0], $0xffff;
	_ =	sdelay $0x4  }
0x2b3: {  	[tilespmem:v28+s25+$0x0] =	vst.idx.msk $0xffff, v4  }
0x2b4: {  	v4 =	vld.idx.msk [tilespmem:v31+s21+$0x0], $0xffff;
	_ =	sdelay $0x3  }
0x2b5: {  	s30 =	sshll.u32 s31, $0xB  }
0x2b6: {  	s31 =	sadd.s32 s7, s30;
	[tilespmem:v32+s25+$0x0] =	vst.idx.msk $0xffff, v4  }
0x2b7: {  	[hbm4b:s31+s6] =	stream.linear.scatter [tilespmem:s24], [sflag:$0x6], $0x4000, $0x38;
	[tilespmem:$0x14000] =	vst v63  }
0x2b8: {  	p2 =	sgt.u32 s29, $0x1E23;
	s0 =	sadd.s32 s9, s30  }
0x2b9: {  	[hbm4b:s0+s6] =	stream.linear.scatter [tilespmem:s25], [sflag:$0x8], $0x4000, $0x38;
	[tilespmem:$0x14000] =	vst v63  }
0x2ba: {  	s0 =	sshll.u32 @!p2 s29, $0x7  }
.Ltmp8:
0x2bb: {  	s4 =	simm.s32 @!p2 $0x400;
	s0 =	sadd.s32 @!p2 $0x3000, s0;
	(pc) =	sbr.rel .LBB2_10-.Ltmp8, $4  }
0x2bc: {  	s5 =	simm.s32 @!p2 $0x7A1400;
	s29 =	simm.s32 @!p2 $0x1000;
	s3 =	sadd.s32 @!p2 s1, s0  }
0x2bd: {  	[tilespmem:s29], [sflag:$0x2] =	stream.strided.gather @!p2 [hbm4b:s3+s4], $0x1000, s5, s4, $0x38;
	[tilespmem:$0x14000] =	vst v63  }
0x2be: {  	s0 =	sadd.s32 @!p2 s2, s0;
	s3 =	simm.s32 @!p2 $0x3000  }
0x2bf: {  	[tilespmem:s3], [sflag:$0x4] =	stream.strided.gather @!p2 [hbm4b:s0+s4], $0x1000, s5, s4, $0x38;
	[tilespmem:$0x14000] =	vst v63  }
.LBB2_12:
0x2c0: {  	_ =	sfence.sel $0x180000  }
0x2c1: {  	[bflag:$0x0] =	sbarrier.arrive $0xFFFF  }
0x2c2: {  	_ =	strace $0x90000047  }
0x2c3: {  	s0 =	stileid.u32;
	[bflag:$0x2] =	sbarrier.arrive $0xFFFF  }
0x2c4: {  	p0 =	sne.s32 s0, $0x0;
	s0 =	rddreg [dreg:$0x5]  }
0x2c5: {  	s0 =	sadd.s32 @!p0 $0x100000, s0  }
0x2c6: {  	[sflag:s0] =	ssyncadd.tile.s32 @!p0 $0x1;
	_ =	shalt  }
.Lfunc_end2:
_tile_overlayer_lowered:
.L_overlay_start_2:
0x2c7: {  	(tag) =	ssettag $0x2  }
0x2c8: {  	s0 =	rddreg [dreg:$0x0];
	s2 =	stileid.u32  }
0x2c9: {  	s1 =	rddreg [dreg:$0x1];
	p0 =	sne.s32 s2, $0x0  }
0x2ca: {  	s3 =	rddreg [dreg:$0x2];
	[bflag:$0x3] =	sbarrier.arrive $0xFFFF;
	s2 =	simm.s32 @!p0 $0x1C09  }
0x2cb: {  	[timem:s3], [sflag:s2] =	dma.local @!p0 [hbm:s0], s1  }
0x2cc: {  	s0 =	simm.s32 @!p0 $0x9  }
0x2cd: {  	_ =	swait.ge @!p0 [sflag:s0], s1  }
0x2ce: {  	s1 =	ssub.s32 @!p0 $0x0, s1;
	[sflag:s0] =	ssyncset.done @!p0 $0x0  }
0x2cf: {  	[sflag:s0] =	ssyncadd.s32 @!p0 s1  }
0x2d0: {  	[bflag:$0x3] =	sbarrier.arrive $0xFFFF  }
0x2d1: {  	_ =	shalt  }

// kernel: kernel.7.cloned.1.call-start
scs
__scs_entry_jumppad:
0x0: {  	(pc) =	sbr.rel $0x88, $3  }
0x1: {  	(tag) =	ssettag $0x0;
	lr =	simm.s32 $0x1  }
0x2: {  	[smem:$0x3F9E] =	sst lr;
	_ =	strace $0xD0000000  }
0x3: {  	_ = 	snop  }
0x4: {  	_ = 	snop  }
0x5: {  	_ = 	snop  }
0x6: {  	_ = 	snop  }
0x7: {  	_ = 	snop  }
__scs_overlays_trampoline_lowered:
0x8: {  	[smem:$0x3FAD] =	sst s0  }
0x9: {  	[smem:$0x3FAE] =	sst s1  }
0xa: {  	[smem:$0x3FAF] =	sst s2  }
0xb: {  	[smem:$0x3FB0] =	sst s3  }
0xc: {  	[smem:$0x3FB1] =	sst s4  }
0xd: {  	[smem:$0x3FB2] =	sst s5  }
0xe: {  	[smem:$0x3FB3] =	sst s6  }
0xf: {  	[smem:$0x3FB4] =	sst s7  }
0x10: {  	[smem:$0x3FB5] =	sst s8  }
0x11: {  	[smem:$0x3FB6] =	sst s9;
	s0 =	simm.s32 @!p0 $0x0  }
0x12: {  	s1 =	sld [smem:$0x3F9C];
	s0 =	simm.s32 @p0 $0x1  }
0x13: {  	[smem:$0x3FB7] =	sst s0;
	s0 =	simm.s32 @!p1 $0x0  }
0x14: {  	s2 =	sld [smem:$0x3F9B];
	s0 =	simm.s32 @p1 $0x1  }
0x15: {  	[smem:$0x3FB8] =	sst s0;
	s0 =	simm.s32 @!p2 $0x0  }
0x16: {  	s3 =	sld [smem:$0x3FDB];
	s0 =	simm.s32 @p2 $0x1  }
0x17: {  	s4 =	simm.s32 $0x1BF5;
	[smem:$0x3FBA] =	sst s0  }
0x18: {  	s0 =	sld [smem:$0x3F9D];
	_ =	swait.ge [sflag:s4], $0x0  }
0x19: {  	s7 =	sld [smem:$0x3F9E]  }
0x1a: {  	s8 =	sadd.s32 $0xFFFFE003, lr  }
0x1b: {  	s9 =	sadd.s32 $0xFFFFFEF7, lr;
	s5 =	simm.s32 $0xFFFFFFFF;
	p2 =	slt.u32 s8, $0xFFFFF086  }
0x1c: {  	p1 =	slt.u32 s9, $0xF7A;
	s5 =	simm.s32 @!p2 $0x0  }
0x1d: {  	s5 =	simm.s32 @p1 $0x1;
	p0 =	seq.s32 s7, s2  }
0x1e: {  	s7 =	smul.u32 @!p0 $0xF7A, s2;
	p2 =	seq.s32 @!p0 s5, $0x0  }
0x1f: {  	s9 =	smul.u32 $0xF7A, s1;
	s8 =	simm.s32 @!p0 $0x1BF5;
	p2 =	por !p2, p0  }
0x20: {  	[sflag:s8] =	ssyncset.s32 @!p0 $0xFFFFF086;
	s6 =	sadd.s32 @!p0 s3, s7;
	s7 =	simm.s32 @!p0 $0x108  }
0x21: {  	s3 =	sadd.s32 s3, s9;
	s6 =	sadd.s32 @!p0 $0x88, s6;
	s7 =	simm.s32 @p2 $0x1082  }
0x22: {  	[simem:s7], [sflag:s8] =	dma.local @!p0 [hbm:s6], $0xF7A  }
0x23: {  	s9 =	sor.u32 $0xD0000000, s2;
	s6 =	simm.s32 $0x108;
	_ =	swait.ge @!p0 [sflag:s8], $0x0  }
0x24: {  	s3 =	sadd.s32 $0x88, s3;
	s6 =	simm.s32 @!p1 $0x1082;
	[sflag:s4] =	ssyncset.s32 $0xFFFFF086  }
0x25: {  	[simem:s6], [sflag:s4] =	dma.local [hbm:s3], $0xF7A  }
0x26: {  	[smem:$0x3F9E] =	sst s1;
	(tag) =	ssettag s2;
	_ =	strace s9  }
0x27: {  	s1 =	sld [smem:$0x3FAE]  }
0x28: {  	s2 =	sld [smem:$0x3FAF]  }
0x29: {  	s4 =	sld [smem:$0x3FB1]  }
0x2a: {  	p0 =	seq.s32 s5, $0x0;
	s5 =	sld [smem:$0x3FB2]  }
0x2b: {  	s6 =	sld [smem:$0x3FB3]  }
0x2c: {  	s7 =	sld [smem:$0x3FB4]  }
0x2d: {  	s3 =	simm.s32 $0x108;
	s8 =	sld [smem:$0x3FB5]  }
0x2e: {  	s3 =	simm.s32 @!p0 $0x1082;
	s9 =	sld [smem:$0x3FB6]  }
0x2f: {  	lr =	sadd.s32 s0, s3;
	s0 =	sld [smem:$0x3FAD]  }
0x30: {  	s3 =	sld [smem:$0x3FB0]  }
0x31: {  	[smem:$0x3FB9] =	sst s10  }
0x32: {  	s10 =	sld [smem:$0x3FB7];
	_ =	sdelay $0x3  }
0x33: {  	p0 =	seq.s32 s10, $0x1;
	s10 =	sld [smem:$0x3FB9];
	_ =	sdelay $0x3  }
0x34: {  	[smem:$0x3FB9] =	sst s10  }
0x35: {  	s10 =	sld [smem:$0x3FB8];
	_ =	sdelay $0x3  }
0x36: {  	p1 =	seq.s32 s10, $0x1;
	s10 =	sld [smem:$0x3FB9];
	_ =	sdelay $0x3  }
0x37: {  	[smem:$0x3FB9] =	sst s10  }
0x38: {  	s10 =	sld [smem:$0x3FBA]  }
0x39: {  	_ = 	snop;
	(pc) =	sbr.ind lr, $3  }
0x3a: {  	_ = 	snop  }
0x3b: {  	_ = 	snop  }
0x3c: {  	p2 =	seq.s32 s10, $0x1;
	s10 =	sld [smem:$0x3FB9]  }
0x3d: {  	_ =	shalt  }
0x3e: {  	_ =	shalt  }
0x3f: {  	_ =	shalt  }
0x40: {  	_ =	shalt  }
0x41: {  	_ =	shalt  }
0x42: {  	_ =	shalt  }
0x43: {  	_ =	shalt  }
0x44: {  	_ =	shalt  }
0x45: {  	_ =	shalt  }
0x46: {  	_ =	shalt  }
0x47: {  	_ =	shalt  }
0x48: {  	_ =	shalt  }
0x49: {  	_ =	shalt  }
0x4a: {  	_ =	shalt  }
0x4b: {  	_ =	shalt  }
0x4c: {  	_ =	shalt  }
0x4d: {  	_ =	shalt  }
0x4e: {  	_ =	shalt  }
0x4f: {  	_ =	shalt  }
0x50: {  	_ =	shalt  }
0x51: {  	_ =	shalt  }
0x52: {  	_ =	shalt  }
0x53: {  	_ =	shalt  }
0x54: {  	_ =	shalt  }
0x55: {  	_ =	shalt  }
0x56: {  	_ =	shalt  }
0x57: {  	_ =	shalt  }
0x58: {  	_ =	shalt  }
0x59: {  	_ =	shalt  }
0x5a: {  	_ =	shalt  }
0x5b: {  	_ =	shalt  }
0x5c: {  	_ =	shalt  }
0x5d: {  	_ =	shalt  }
0x5e: {  	_ =	shalt  }
0x5f: {  	_ =	shalt  }
0x60: {  	_ =	shalt  }
0x61: {  	_ =	shalt  }
0x62: {  	_ =	shalt  }
0x63: {  	_ =	shalt  }
0x64: {  	_ =	shalt  }
0x65: {  	_ =	shalt  }
0x66: {  	_ =	shalt  }
0x67: {  	_ =	shalt  }
0x68: {  	_ =	shalt  }
0x69: {  	_ =	shalt  }
0x6a: {  	_ =	shalt  }
0x6b: {  	_ =	shalt  }
0x6c: {  	_ =	shalt  }
0x6d: {  	_ =	shalt  }
0x6e: {  	_ =	shalt  }
0x6f: {  	_ =	shalt  }
0x70: {  	_ =	shalt  }
0x71: {  	_ =	shalt  }
0x72: {  	_ =	shalt  }
0x73: {  	_ =	shalt  }
0x74: {  	_ =	shalt  }
0x75: {  	_ =	shalt  }
0x76: {  	_ =	shalt  }
0x77: {  	_ =	shalt  }
0x78: {  	_ =	shalt  }
0x79: {  	_ =	shalt  }
0x7a: {  	_ =	shalt  }
0x7b: {  	_ =	shalt  }
0x7c: {  	_ =	shalt  }
0x7d: {  	_ =	shalt  }
0x7e: {  	_ =	shalt  }
0x7f: {  	_ =	shalt  }
0x80: {  	_ =	shalt  }
0x81: {  	_ =	shalt  }
0x82: {  	_ =	shalt  }
0x83: {  	_ =	shalt  }
0x84: {  	_ =	shalt  }
0x85: {  	_ =	shalt  }
0x86: {  	_ =	shalt  }
0x87: {  	_ =	shalt  }
.Lfunc_end0:
.L_simem_size_0:
called_computation.1_lowered:
.L_overlay_start_0:
0x88: {  	s2 =	sld [smem:$0x3FD9]  }
0x89: {  	s3 =	sld [smem:$0x3FFE];
	_ =	sdelay $0x1  }
0x8a: {  	s1 =	srdreg.scid  }
0x8b: {  	s0 =	sand.u32 $0x1, s1  }
0x8c: {  	s14 =	sshll.u32 s0, $0xA;
	s2 =	sadd.s32 s3, s2  }
0x8d: {  	s2 =	sadd.s32 s2, s14  }
0x8e: {  	[smem:$0x3FC5] =	sst s2  }
0x8f: {  	_ = 	snop  }
0x90: {  	s2 =	sld [smem:$0x3FD0];
	_ =	sdelay $0x2  }
0x91: {  	s4 =	simm.s32 $0xA;
	s5 =	simm.s32 $0x10;
	s15 =	sld [smem:$0x3FC9]  }
0x92: {  	[smem:s5], [sflag:s4] =	dma.local [hbm:s2], $0x1  }
0x93: {  	_ =	swait.eq [sflag:s4], $0x1  }
0x94: {  	[sflag:s4] =	ssyncset.done $0x0  }
0x95: {  	s16 =	sld [smem:$0x10];
	[sflag:s4] =	ssyncadd.s32 $0xFFFFFFFF  }
0x96: {  	s17 =	sld [smem:$0x11];
	(tm) =	ssettm $0x1  }
0x97: {  	s18 =	sld [smem:$0x3FFB];
	_ =	sdelay $0x3  }
0x98: {  	_ =	strace s18  }
0x99: {  	s5 =	sld [smem:$0x3FFC];
	_ =	sdelay $0x3  }
0x9a: {  	_ =	strace s5  }
0x9b: {  	s5 =	sld [smem:$0x3FFD];
	_ =	sdelay $0x3  }
0x9c: {  	_ =	strace s5  }
0x9d: {  	_ =	strace $0x8FFFFFFF  }
0x9e: {  	s19 =	sld [smem:$0x3FDB];
	_ =	sdelay $0x1  }
0x9f: {  	s6 =	simm.s32 $_scs_section_size  }
0xa0: {  	s7 =	simm.s32 $_size__tile_overlayer_lowered;
	s8 =	simm.s32 $_tile_overlayer_lowered  }
0xa1: {  	s22 =	simm.s32 $0x1BFF;
	s21 =	sshll.u32 s8, $0x1;
	s5 =	sadd.s32 s6, s19  }
0xa2: {  	s9 =	simm.s32 $0x0;
	s20 =	sshll.u32 s7, $0x1;
	s7 =	sadd.s32 s21, s5  }
0xa3: {  	[timem:s9], [sflag:s22] =	dma.local [hbm:s7], s20  }
0xa4: {  	_ =	swait.ge [sflag:s22], s20  }
0xa5: {  	s6 =	ssub.s32 $0x0, s20;
	[sflag:s22] =	ssyncset.done $0x0  }
0xa6: {  	[sflag:s22] =	ssyncadd.s32 s6;
	_ =	sdelay $0x1  }
0xa7: {  	s23 =	simm.s32 $0x1B8B  }
0xa8: {  	_ =	swait.ge [sflag:s23], $0x1  }
0xa9: {  	[sflag:s23] =	ssyncset.done $0x0  }
0xaa: {  	s25 =	simm.s32 $0x1B8E;
	s24 =	sld [smem:$0x3FFE];
	[sflag:s23] =	ssyncadd.s32 $0xFFFFFFFF  }
0xab: {  	s26 =	simm.s32 $execute0_lowered;
	[smem:$0x3FD2] =	sst s25  }
0xac: {  	s7 =	sshll.u32 s26, $0x1;
	_ =	strace $0x80000049;
	[dreg:$0x1] =	wrdreg $0xFFFFFFFF  }
0xad: {  	s28 =	simm.s32 $_size_execute0_lowered;
	s5 =	sadd.s32 s5, s7;
	[dreg:$0x0] =	wrdreg $0x0  }
0xae: {  	s7 =	sshll.u32 s28, $0x1;
	[dreg:$0x2] =	wrdreg s5  }
0xaf: {  	[dreg:$0x3] =	wrdreg s7  }
0xb0: {  	[dreg:$0x4] =	wrdreg $0xC0  }
0xb1: {  	_ =	task [dreg:s9], $0x5FFFF  }
0xb2: {  	[dreg:$0x1] =	wrdreg $0xFFFFFFFF  }
0xb3: {  	[dreg:$0x0] =	wrdreg $0x60  }
0xb4: {  	[dreg:$0x2] =	wrdreg s15  }
0xb5: {  	[dreg:$0x3] =	wrdreg s24  }
0xb6: {  	[dreg:$0x4] =	wrdreg s16  }
0xb7: {  	[dreg:$0x5] =	wrdreg s17  }
0xb8: {  	[dreg:$0x6] =	wrdreg $0x9  }
0xb9: {  	_ =	task.clear_ibuf [dreg:s9], $0x7FFFF;
	_ =	strace $0x90000049  }
0xba: {  	s29 =	simm.s32 $0x9;
	_ =	strace $0x8000004B  }
0xbb: {  	_ =	swait.ge [sflag:s29], $0x1  }
0xbc: {  	[sflag:s29] =	ssyncadd.s32 $0xFFFFFFFF  }
0xbd: {  	_ =	strace $0x9000004B  }
0xbe: {  	_ =	sfence  }
0xbf: {  	s30 =	sld [smem:$0x0];
	_ =	sdelay $0x2  }
0xc0: {  	s31 =	sshll.u32 s1, $0xD;
	s1 =	sshrl.u32 s1, $0x2  }
0xc1: {  	s3 =	sand.u32 $0x4000, s31;
	s1 =	sadd.s32 s1, s30  }
0xc2: {  	s0 =	sor.u32 s3, s0;
	s1 =	sshll.u32 s1, $0x11  }
0xc3: {  	s0 =	sor.u32 s1, s0  }
0xc4: {  	s0 =	sadd.s32 $0x8F2B, s0  }
0xc5: {  	[sflag:s0] =	ssyncadd.remote.s32 $0x1  }
0xc6: {  	_ =	sfence.sel $0xFFFF  }
0xc7: {  	[dreg:$0x0] =	wrdreg $0xFFFFFFFF;
	(pc) =	sbr.abs _section_cstart, $3  }
0xc8: {  	[dreg:$0x1] =	wrdreg $0xFFFFFFFF  }
0xc9: {  	_ =	task.clear_ibuf [dreg:s9], $0x2FFFF;
	_ =	strace $0x9FFFFFFF  }
0xca: {  	(tm) =	ssettm $0x7FFFFFFF  }
0xcb: {  	_ =	shalt  }
tec
execute0_lowered:
.L_overlay_start_1:
0x0: {  	(tag) =	ssettag $0x1  }
0x1: {  	s0 =	rddreg [dreg:$0x0]  }
0x2: {  	s3 =	rddreg [dreg:$0x1]  }
0x3: {  	s1 =	rddreg [dreg:$0x2]  }
0x4: {  	s2 =	rddreg [dreg:$0x3];
	s4 =	simm.s32 $0x0;
	s5 =	srdreg.scid  }
0x5: {  	s6 =	stileid.u32;
	s11 =	simm.s32 $0x9;
	s12 =	simm.s32 $0x80  }
0x6: {  	s13 =	simm.s32 $0x100;
	s14 =	simm.s32 $0x8100;
	s15 =	simm.s32 $0x4100  }
0x7: {  	s16 =	simm.s32 $0xC100;
	s17 =	simm.s32 $0x1;
	s18 =	simm.s32 $0x3  }
0x8: {  	s19 =	simm.s32 $0x10100;
	s20 =	simm.s32 $0x12100;
	s21 =	simm.s32 $0x400  }
0x9: {  	s22 =	simm.s32 $0x20000;
	s23 =	simm.s32 $0x2;
	s24 =	simm.s32 $0x4  }
0xa: {  	s25 =	simm.s32 $0x11100;
	s26 =	simm.s32 $0x13100;
	s5 =	sand.u32 $0x1, s5  }
0xb: {  	s6 =	sshll.u32 s6, $0xA;
	s7 =	ssub.s32 $0x2, s5;
	s5 =	sshll.u32 s5, $0x9  }
.Ltmp0:
0xc: {  	s8 =	sshrl.u32 s7, $0x1;
	s5 =	sor.u32 s5, s6;
	(pc) =	sbr.rel .LBB2_1-.Ltmp0, $4  }
0xd: {  	[smem:$0x7FF] =	sst s4;
	s9 =	ssub.s32 s7, s8;
	s7 =	sadd.s32 s0, s5  }
0xe: {  	s31 =	simm.s32 $0x8;
	_ =	strace $0x8000004A;
	s0 =	sadd.s32 $0x80, s7  }
0xf: {  	s6 =	sadd.s32 $0x1000, s3;
	s30 =	smax.u32 s9, $0x1;
	[dreg:$0x5] =	wrdreg s0  }
0x10: {  	v0 =	vlaneseq.u32;
	s8 =	sadd.s32 $0xF43800, s3;
	[dreg:$0x6] =	wrdreg s30;
	s0 =	simm.s32 $0x0  }
.LBB2_8:
0x11: {  	s3 =	simm.s32 $0x5  }
0x12: {  	_ =	swait.ge [sflag:s3], $0x1000  }
0x13: {  	[sflag:s3] =	ssyncset.done $0x0  }
0x14: {  	s28 =	simm.s32 $0x7;
	[sflag:s3] =	ssyncadd.s32 $0xFFFFF000  }
0x15: {  	_ =	swait.ge [sflag:s28], $0x1000  }
0x16: {  	[sflag:s28] =	ssyncset.done $0x0  }
0x17: {  	s29 =	simm.s32 $0x6;
	[sflag:s28] =	ssyncadd.s32 $0xFFFFF000  }
0x18: {  	_ =	swait.ge [sflag:s29], $0x1000  }
0x19: {  	[sflag:s29] =	ssyncset.done $0x0  }
0x1a: {  	[sflag:s29] =	ssyncadd.s32 $0xFFFFF000  }
0x1b: {  	_ =	swait.ge [sflag:s31], $0x1000  }
0x1c: {  	s0 =	sadd.s32 $0x1, s0;
	s30 =	rddreg [dreg:$0x6]  }
0x1d: {  	p0 =	sne.s32 s0, s30  }
.Ltmp1:
0x1e: {  	_ = 	snop;
	(pc) =	sbr.rel @!p0 .LBB2_9-.Ltmp1, $3  }
0x1f: {  	_ =	sdelay $0x1  }
0x20: {  	[sflag:s31] =	ssyncset.done $0x0  }
0x21: {  	[sflag:s31] =	ssyncadd.s32 $0xFFFFF000  }
.LBB2_1:
0x22: {  	[tilespmem:s4], [sflag:$0x9] =	stream.linear.gather [hbm4b:s7+s4], $0x80, $0x38;
	[tilespmem:$0x14100] =	vst v63  }
0x23: {  	_ =	swait.ge [sflag:s11], $0x80  }
0x24: {  	[sflag:s11] =	ssyncset.done $0x0  }
0x25: {  	[sflag:s11] =	ssyncadd.s32 $0xFFFFFF80  }
0x26: {  	[tilespmem:s13], [sflag:$0x1] =	stream.indirect.gather [hbm4b:s6+s12], $0x80, s4, s12, $0xb8;
	[tilespmem:$0x14100] =	vst v63  }
0x27: {  	_ = 	snop  }
0x28: {  	[tilespmem:s14], [sflag:$0x3] =	stream.indirect.gather [hbm4b:s8+s12], $0x80, s4, s12, $0xb8;
	[tilespmem:$0x14100] =	vst v63  }
0x29: {  	s3 =	rddreg [dreg:$0x5]  }
0x2a: {  	[tilespmem:s12], [sflag:$0x9] =	stream.linear.gather [hbm4b:s3+s4], $0x80, $0x38;
	[tilespmem:$0x14100] =	vst v63  }
0x2b: {  	_ =	swait.ge [sflag:s11], $0x80  }
0x2c: {  	[sflag:s11] =	ssyncset.done $0x0  }
0x2d: {  	[sflag:s11] =	ssyncadd.s32 $0xFFFFFF80  }
0x2e: {  	[tilespmem:s15], [sflag:$0x2] =	stream.indirect.gather [hbm4b:s6+s12], $0x80, s12, s12, $0xb8;
	[tilespmem:$0x14100] =	vst v63  }
0x2f: {  	s3 =	simm.s32 $0x0  }
0x30: {  	[tilespmem:s16], [sflag:$0x4] =	stream.indirect.gather [hbm4b:s8+s12], $0x80, s12, s12, $0xb8;
	[tilespmem:$0x14100] =	vst v63  }
.LBB2_2:
0x31: {  	_ =	swait.ge [sflag:s17], $0x4000  }
0x32: {  	[sflag:s17] =	ssyncset.done $0x0  }
0x33: {  	[sflag:s17] =	ssyncadd.s32 $0xFFFFC000  }
0x34: {  	s9 =	simm.s32 $0x0;
	p0 =	seq.s32 s3, $0x0;
	_ =	swait.ge [sflag:s18], $0x4000  }
0x35: {  	s10 =	sand.u32 $0x70, s9;
	s9 =	sand.u32 $0x8, s9;
	[sflag:s18] =	ssyncset.done $0x0  }
0x36: {  	s28 =	simm.s32 @!p0 $0x5;
	v1 =	vor.u32 s10, v0;
	v2 =	vadd.s32 s9, v0;
	[sflag:s18] =	ssyncadd.s32 $0xFFFFC000  }
0x37: {  	v3 =	vand.u32 $0xF, v2;
	v4 =	vshll.u32 v1, $0x7;
	_ =	swait.ge @!p0 [sflag:s28], $0x1000  }
0x38: {  	v5 =	vor.u32 v3, v4;
	[sflag:s28] =	ssyncset.done @!p0 $0x0  }
0x39: {  	s10 =	simm.s32 @!p0 $0x7;
	[sflag:s28] =	ssyncadd.s32 @!p0 $0xFFFFF000  }
0x3a: {  	_ =	swait.ge @!p0 [sflag:s10], $0x1000  }
0x3b: {  	s28 =	sor.u32 $0x1, s9;
	[sflag:s10] =	ssyncset.done @!p0 $0x0  }
0x3c: {  	v3 =	vshll.u32 v3, $0x7;
	v6 =	vadd.s32 s28, v0;
	[sflag:s10] =	ssyncadd.s32 @!p0 $0xFFFFF000  }
0x3d: {  	v3 =	vor.u32 v1, v3;
	v8 =	vand.u32 $0xF, v6;
	v7 =	vld.idx.msk [tilespmem:v5+s13+$0x0], $0xffff  }
0x3e: {  	v9 =	vor.u32 v4, v8;
	_ =	sdelay $0x2  }
0x3f: {  	s30 =	sor.u32 $0x2, s9  }
0x40: {  	[tilespmem:v3+s19+$0x0] =	vst.idx.msk $0xffff, v7;
	v7 =	vshll.u32 v8, $0x7;
	v8 =	vadd.s32 s30, v0  }
0x41: {  	v10 =	vld.idx.msk [tilespmem:v9+s13+$0x0], $0xffff;
	v11 =	vor.u32 v1, v7;
	v7 =	vand.u32 $0xF, v8  }
0x42: {  	v12 =	vor.u32 v4, v7;
	_ =	sdelay $0x2  }
0x43: {  	s30 =	sor.u32 $0x3, s9  }
0x44: {  	v7 =	vshll.u32 v7, $0x7;
	[tilespmem:v11+s19+$0x0] =	vst.idx.msk $0xffff, v10;
	v10 =	vadd.s32 s30, v0  }
0x45: {  	v14 =	vor.u32 v1, v7;
	v13 =	vld.idx.msk [tilespmem:v12+s13+$0x0], $0xffff;
	v7 =	vand.u32 $0xF, v10  }
0x46: {  	v15 =	vor.u32 v4, v7;
	_ =	sdelay $0x2  }
0x47: {  	s30 =	sor.u32 $0x4, s9  }
0x48: {  	v59 =	vadd.s32 s30, v0;
	v7 =	vshll.u32 v7, $0x7;
	[tilespmem:v14+s19+$0x0] =	vst.idx.msk $0xffff, v13  }
0x49: {  	v17 =	vor.u32 v1, v7;
	v7 =	vand.u32 $0xF, v59;
	v16 =	vld.idx.msk [tilespmem:v15+s13+$0x0], $0xffff  }
0x4a: {  	v18 =	vor.u32 v4, v7;
	_ =	sdelay $0x2  }
0x4b: {  	s30 =	sor.u32 $0x5, s9  }
0x4c: {  	v60 =	vadd.s32 s30, v0;
	v7 =	vshll.u32 v7, $0x7;
	[tilespmem:v17+s19+$0x0] =	vst.idx.msk $0xffff, v16  }
0x4d: {  	v20 =	vor.u32 v1, v7;
	v7 =	vand.u32 $0xF, v60;
	v19 =	vld.idx.msk [tilespmem:v18+s13+$0x0], $0xffff  }
0x4e: {  	v21 =	vor.u32 v4, v7;
	_ =	sdelay $0x2  }
0x4f: {  	s30 =	sor.u32 $0x6, s9  }
0x50: {  	v61 =	vadd.s32 s30, v0;
	v7 =	vshll.u32 v7, $0x7;
	[tilespmem:v20+s19+$0x0] =	vst.idx.msk $0xffff, v19  }
0x51: {  	v23 =	vor.u32 v1, v7;
	v7 =	vand.u32 $0xF, v61;
	v22 =	vld.idx.msk [tilespmem:v21+s13+$0x0], $0xffff  }
0x52: {  	v24 =	vor.u32 v4, v7;
	_ =	sdelay $0x2  }
0x53: {  	s9 =	sor.u32 $0x7, s9  }
0x54: {  	v62 =	vadd.s32 s9, v0;
	v7 =	vshll.u32 v7, $0x7;
	[tilespmem:v23+s19+$0x0] =	vst.idx.msk $0xffff, v22  }
0x55: {  	v26 =	vor.u32 v1, v7;
	v7 =	vand.u32 $0xF, v62;
	v25 =	vld.idx.msk [tilespmem:v24+s13+$0x0], $0xffff  }
0x56: {  	v27 =	vor.u32 v4, v7;
	_ =	sdelay $0x3  }
0x57: {  	v7 =	vshll.u32 v7, $0x7;
	[tilespmem:v26+s19+$0x0] =	vst.idx.msk $0xffff, v25  }
0x58: {  	v2 =	vor.u32 $0x10, v2;
	v28 =	vor.u32 v1, v7;
	v25 =	vld.idx.msk [tilespmem:v27+s13+$0x0], $0xffff  }
0x59: {  	v29 =	vor.u32 v2, v4;
	_ =	sdelay $0x3  }
0x5a: {  	v2 =	vshll.u32 v2, $0x7;
	[tilespmem:v28+s19+$0x0] =	vst.idx.msk $0xffff, v25  }
0x5b: {  	v2 =	vor.u32 v1, v2;
	v6 =	vor.u32 $0x10, v6;
	v7 =	vld.idx.msk [tilespmem:v29+s13+$0x0], $0xffff  }
0x5c: {  	v63 =	vor.u32 v4, v6;
	_ =	sdelay $0x3  }
0x5d: {  	v6 =	vshll.u32 v6, $0x7;
	[tilespmem:v2+s19+$0x0] =	vst.idx.msk $0xffff, v7  }
0x5e: {  	v6 =	vor.u32 v1, v6;
	v8 =	vor.u32 $0x10, v8;
	v7 =	vld.idx.msk [tilespmem:v63+s13+$0x0], $0xffff  }
0x5f: {  	v30 =	vor.u32 v4, v8;
	_ =	sdelay $0x3  }
0x60: {  	[tilespmem:v6+s19+$0x0] =	vst.idx.msk $0xffff, v7;
	v7 =	vshll.u32 v8, $0x7  }
0x61: {  	v8 =	vld.idx.msk [tilespmem:v30+s13+$0x0], $0xffff;
	v31 =	vor.u32 v1, v7;
	v7 =	vor.u32 $0x10, v10  }
0x62: {  	v32 =	vor.u32 v4, v7;
	_ =	sdelay $0x3  }
0x63: {  	v7 =	vshll.u32 v7, $0x7;
	[tilespmem:v31+s19+$0x0] =	vst.idx.msk $0xffff, v8  }
0x64: {  	v33 =	vor.u32 v1, v7;
	v7 =	vor.u32 $0x10, v59;
	v8 =	vld.idx.msk [tilespmem:v32+s13+$0x0], $0xffff  }
0x65: {  	v13 =	vor.u32 v4, v7;
	_ =	sdelay $0x3  }
0x66: {  	v7 =	vshll.u32 v7, $0x7;
	[tilespmem:v33+s19+$0x0] =	vst.idx.msk $0xffff, v8  }
0x67: {  	v34 =	vor.u32 v1, v7;
	v7 =	vor.u32 $0x10, v60;
	v8 =	vld.idx.msk [tilespmem:v13+s13+$0x0], $0xffff  }
0x68: {  	v16 =	vor.u32 v4, v7;
	_ =	sdelay $0x3  }
0x69: {  	v7 =	vshll.u32 v7, $0x7;
	[tilespmem:v34+s19+$0x0] =	vst.idx.msk $0xffff, v8  }
0x6a: {  	v35 =	vor.u32 v1, v7;
	v7 =	vor.u32 $0x10, v61;
	v8 =	vld.idx.msk [tilespmem:v16+s13+$0x0], $0xffff  }
0x6b: {  	v19 =	vor.u32 v4, v7;
	_ =	sdelay $0x3  }
0x6c: {  	v7 =	vshll.u32 v7, $0x7;
	[tilespmem:v35+s19+$0x0] =	vst.idx.msk $0xffff, v8  }
0x6d: {  	v10 =	vor.u32 $0x10, v62;
	v36 =	vor.u32 v1, v7;
	v8 =	vld.idx.msk [tilespmem:v19+s13+$0x0], $0xffff  }
0x6e: {  	v7 =	vor.u32 v4, v10;
	_ =	sdelay $0x3  }
0x6f: {  	v4 =	vshll.u32 v10, $0x7;
	[tilespmem:v36+s19+$0x0] =	vst.idx.msk $0xffff, v8  }
0x70: {  	v10 =	vor.u32 v1, v4;
	v8 =	vld.idx.msk [tilespmem:v7+s13+$0x0], $0xffff;
	_ =	sdelay $0x4  }
0x71: {  	[tilespmem:v10+s19+$0x0] =	vst.idx.msk $0xffff, v8  }
0x72: {  	v1 =	vld.idx.msk [tilespmem:v5+s14+$0x0], $0xffff;
	_ =	sdelay $0x4  }
0x73: {  	[tilespmem:v3+s20+$0x0] =	vst.idx.msk $0xffff, v1  }
0x74: {  	v1 =	vld.idx.msk [tilespmem:v9+s14+$0x0], $0xffff;
	_ =	sdelay $0x4  }
0x75: {  	[tilespmem:v11+s20+$0x0] =	vst.idx.msk $0xffff, v1  }
0x76: {  	v1 =	vld.idx.msk [tilespmem:v12+s14+$0x0], $0xffff;
	_ =	sdelay $0x4  }
0x77: {  	[tilespmem:v14+s20+$0x0] =	vst.idx.msk $0xffff, v1  }
0x78: {  	v1 =	vld.idx.msk [tilespmem:v15+s14+$0x0], $0xffff;
	_ =	sdelay $0x4  }
0x79: {  	[tilespmem:v17+s20+$0x0] =	vst.idx.msk $0xffff, v1  }
0x7a: {  	v1 =	vld.idx.msk [tilespmem:v18+s14+$0x0], $0xffff;
	_ =	sdelay $0x4  }
0x7b: {  	[tilespmem:v20+s20+$0x0] =	vst.idx.msk $0xffff, v1  }
0x7c: {  	v1 =	vld.idx.msk [tilespmem:v21+s14+$0x0], $0xffff;
	_ =	sdelay $0x4  }
0x7d: {  	[tilespmem:v23+s20+$0x0] =	vst.idx.msk $0xffff, v1  }
0x7e: {  	v1 =	vld.idx.msk [tilespmem:v24+s14+$0x0], $0xffff;
	_ =	sdelay $0x4  }
0x7f: {  	[tilespmem:v26+s20+$0x0] =	vst.idx.msk $0xffff, v1  }
0x80: {  	v1 =	vld.idx.msk [tilespmem:v27+s14+$0x0], $0xffff;
	_ =	sdelay $0x4  }
0x81: {  	[tilespmem:v28+s20+$0x0] =	vst.idx.msk $0xffff, v1  }
0x82: {  	v1 =	vld.idx.msk [tilespmem:v29+s14+$0x0], $0xffff;
	_ =	sdelay $0x4  }
0x83: {  	[tilespmem:v2+s20+$0x0] =	vst.idx.msk $0xffff, v1  }
0x84: {  	v1 =	vld.idx.msk [tilespmem:v63+s14+$0x0], $0xffff;
	_ =	sdelay $0x4  }
0x85: {  	[tilespmem:v6+s20+$0x0] =	vst.idx.msk $0xffff, v1  }
0x86: {  	v1 =	vld.idx.msk [tilespmem:v30+s14+$0x0], $0xffff;
	_ =	sdelay $0x4  }
0x87: {  	[tilespmem:v31+s20+$0x0] =	vst.idx.msk $0xffff, v1  }
0x88: {  	v1 =	vld.idx.msk [tilespmem:v32+s14+$0x0], $0xffff;
	_ =	sdelay $0x4  }
0x89: {  	[tilespmem:v33+s20+$0x0] =	vst.idx.msk $0xffff, v1  }
0x8a: {  	v1 =	vld.idx.msk [tilespmem:v13+s14+$0x0], $0xffff;
	_ =	sdelay $0x4  }
0x8b: {  	[tilespmem:v34+s20+$0x0] =	vst.idx.msk $0xffff, v1  }
0x8c: {  	v1 =	vld.idx.msk [tilespmem:v16+s14+$0x0], $0xffff;
	_ =	sdelay $0x4  }
0x8d: {  	[tilespmem:v35+s20+$0x0] =	vst.idx.msk $0xffff, v1  }
0x8e: {  	v1 =	vld.idx.msk [tilespmem:v19+s14+$0x0], $0xffff;
	_ =	sdelay $0x3  }
0x8f: {  	s10 =	simm.s32 $0x10;
	s30 =	simm.s32 $0x8  }
0x90: {  	s9 =	sshll.u32 s3, $0x1;
	s29 =	sand.u32 $0x70, s30;
	s28 =	sand.u32 $0x8, s30;
	[tilespmem:v36+s20+$0x0] =	vst.idx.msk $0xffff, v1  }
.LBB2_3:
0x91: {  	p1 =	sne.s32 s10, $0x78;
	v2 =	vor.u32 s29, v0;
	v20 =	vadd.s32 s28, v0;
	v3 =	vld.idx.msk [tilespmem:v7+s14+$0x0], $0xffff  }
0x92: {  	v4 =	vand.u32 $0xF, v20;
	v7 =	vshll.u32 v2, $0x7  }
0x93: {  	v1 =	vor.u32 v4, v7;
	_ =	sdelay $0x3  }
0x94: {  	s29 =	sor.u32 $0x1, s28;
	[tilespmem:v10+s20+$0x0] =	vst.idx.msk $0xffff, v3  }
0x95: {  	v3 =	vshll.u32 v4, $0x7;
	v10 =	vadd.s32 s29, v0;
	v5 =	vld.idx.msk [tilespmem:v1+s13+$0x0], $0xffff  }
0x96: {  	v3 =	vor.u32 v2, v3;
	v6 =	vand.u32 $0xF, v10  }
0x97: {  	v4 =	vor.u32 v7, v6;
	_ =	sdelay $0x3  }
0x98: {  	s29 =	sor.u32 $0x2, s28;
	[tilespmem:v3+s19+$0x0] =	vst.idx.msk $0xffff, v5  }
0x99: {  	v24 =	vadd.s32 s29, v0;
	v5 =	vshll.u32 v6, $0x7;
	v8 =	vld.idx.msk [tilespmem:v4+s13+$0x0], $0xffff  }
0x9a: {  	v9 =	vand.u32 $0xF, v24;
	v5 =	vor.u32 v2, v5  }
0x9b: {  	v6 =	vor.u32 v7, v9;
	_ =	sdelay $0x3  }
0x9c: {  	s29 =	sor.u32 $0x3, s28;
	[tilespmem:v5+s19+$0x0] =	vst.idx.msk $0xffff, v8  }
0x9d: {  	v26 =	vadd.s32 s29, v0;
	v8 =	vshll.u32 v9, $0x7;
	v11 =	vld.idx.msk [tilespmem:v6+s13+$0x0], $0xffff  }
0x9e: {  	v12 =	vand.u32 $0xF, v26;
	v8 =	vor.u32 v2, v8  }
0x9f: {  	v9 =	vor.u32 v7, v12;
	_ =	sdelay $0x3  }
0xa0: {  	s29 =	sor.u32 $0x4, s28;
	[tilespmem:v8+s19+$0x0] =	vst.idx.msk $0xffff, v11  }
0xa1: {  	v28 =	vadd.s32 s29, v0;
	v11 =	vshll.u32 v12, $0x7;
	v13 =	vld.idx.msk [tilespmem:v9+s13+$0x0], $0xffff  }
0xa2: {  	v14 =	vand.u32 $0xF, v28;
	v11 =	vor.u32 v2, v11  }
0xa3: {  	v12 =	vor.u32 v7, v14;
	_ =	sdelay $0x3  }
0xa4: {  	s29 =	sor.u32 $0x5, s28;
	[tilespmem:v11+s19+$0x0] =	vst.idx.msk $0xffff, v13  }
0xa5: {  	v30 =	vadd.s32 s29, v0;
	v13 =	vshll.u32 v14, $0x7;
	v15 =	vld.idx.msk [tilespmem:v12+s13+$0x0], $0xffff  }
0xa6: {  	v16 =	vand.u32 $0xF, v30;
	v13 =	vor.u32 v2, v13  }
0xa7: {  	v14 =	vor.u32 v7, v16;
	_ =	sdelay $0x3  }
0xa8: {  	s29 =	sor.u32 $0x6, s28;
	[tilespmem:v13+s19+$0x0] =	vst.idx.msk $0xffff, v15  }
0xa9: {  	v32 =	vadd.s32 s29, v0;
	v15 =	vshll.u32 v16, $0x7;
	v17 =	vld.idx.msk [tilespmem:v14+s13+$0x0], $0xffff  }
0xaa: {  	v18 =	vand.u32 $0xF, v32;
	v15 =	vor.u32 v2, v15  }
0xab: {  	v16 =	vor.u32 v7, v18;
	_ =	sdelay $0x3  }
0xac: {  	s28 =	sor.u32 $0x7, s28;
	[tilespmem:v15+s19+$0x0] =	vst.idx.msk $0xffff, v17  }
0xad: {  	v34 =	vadd.s32 s28, v0;
	v17 =	vshll.u32 v18, $0x7;
	v19 =	vld.idx.msk [tilespmem:v16+s13+$0x0], $0xffff  }
0xae: {  	v21 =	vand.u32 $0xF, v34;
	v17 =	vor.u32 v2, v17  }
0xaf: {  	v18 =	vor.u32 v7, v21;
	_ =	sdelay $0x3  }
0xb0: {  	[tilespmem:v17+s19+$0x0] =	vst.idx.msk $0xffff, v19  }
0xb1: {  	v19 =	vshll.u32 v21, $0x7;
	v22 =	vld.idx.msk [tilespmem:v18+s13+$0x0], $0xffff  }
0xb2: {  	v21 =	vor.u32 $0x10, v20;
	v19 =	vor.u32 v2, v19  }
0xb3: {  	v20 =	vor.u32 v21, v7;
	_ =	sdelay $0x3  }
0xb4: {  	[tilespmem:v19+s19+$0x0] =	vst.idx.msk $0xffff, v22  }
0xb5: {  	v21 =	vshll.u32 v21, $0x7;
	v23 =	vld.idx.msk [tilespmem:v20+s13+$0x0], $0xffff  }
0xb6: {  	v10 =	vor.u32 $0x10, v10;
	v21 =	vor.u32 v2, v21  }
0xb7: {  	v22 =	vor.u32 v7, v10;
	_ =	sdelay $0x3  }
0xb8: {  	[tilespmem:v21+s19+$0x0] =	vst.idx.msk $0xffff, v23  }
0xb9: {  	v10 =	vshll.u32 v10, $0x7;
	v25 =	vld.idx.msk [tilespmem:v22+s13+$0x0], $0xffff  }
0xba: {  	v23 =	vor.u32 v2, v10;
	v10 =	vor.u32 $0x10, v24  }
0xbb: {  	v24 =	vor.u32 v7, v10;
	_ =	sdelay $0x3  }
0xbc: {  	[tilespmem:v23+s19+$0x0] =	vst.idx.msk $0xffff, v25  }
0xbd: {  	v10 =	vshll.u32 v10, $0x7;
	v27 =	vld.idx.msk [tilespmem:v24+s13+$0x0], $0xffff  }
0xbe: {  	v25 =	vor.u32 v2, v10;
	v10 =	vor.u32 $0x10, v26  }
0xbf: {  	v26 =	vor.u32 v7, v10;
	_ =	sdelay $0x3  }
0xc0: {  	[tilespmem:v25+s19+$0x0] =	vst.idx.msk $0xffff, v27  }
0xc1: {  	v10 =	vshll.u32 v10, $0x7;
	v29 =	vld.idx.msk [tilespmem:v26+s13+$0x0], $0xffff  }
0xc2: {  	v27 =	vor.u32 v2, v10;
	v10 =	vor.u32 $0x10, v28  }
0xc3: {  	v28 =	vor.u32 v7, v10;
	_ =	sdelay $0x3  }
0xc4: {  	[tilespmem:v27+s19+$0x0] =	vst.idx.msk $0xffff, v29  }
0xc5: {  	v10 =	vshll.u32 v10, $0x7;
	v31 =	vld.idx.msk [tilespmem:v28+s13+$0x0], $0xffff  }
0xc6: {  	v29 =	vor.u32 v2, v10;
	v10 =	vor.u32 $0x10, v30  }
0xc7: {  	v30 =	vor.u32 v7, v10;
	_ =	sdelay $0x3  }
0xc8: {  	[tilespmem:v29+s19+$0x0] =	vst.idx.msk $0xffff, v31  }
0xc9: {  	v10 =	vshll.u32 v10, $0x7;
	v33 =	vld.idx.msk [tilespmem:v30+s13+$0x0], $0xffff  }
0xca: {  	v31 =	vor.u32 v2, v10;
	v10 =	vor.u32 $0x10, v32  }
0xcb: {  	v32 =	vor.u32 v7, v10;
	_ =	sdelay $0x3  }
0xcc: {  	[tilespmem:v31+s19+$0x0] =	vst.idx.msk $0xffff, v33  }
0xcd: {  	v10 =	vshll.u32 v10, $0x7;
	v35 =	vld.idx.msk [tilespmem:v32+s13+$0x0], $0xffff  }
0xce: {  	v33 =	vor.u32 v2, v10;
	v10 =	vor.u32 $0x10, v34  }
0xcf: {  	v7 =	vor.u32 v7, v10;
	_ =	sdelay $0x3  }
0xd0: {  	[tilespmem:v33+s19+$0x0] =	vst.idx.msk $0xffff, v35  }
0xd1: {  	v10 =	vshll.u32 v10, $0x7;
	v34 =	vld.idx.msk [tilespmem:v7+s13+$0x0], $0xffff  }
0xd2: {  	v10 =	vor.u32 v2, v10;
	_ =	sdelay $0x4  }
0xd3: {  	[tilespmem:v10+s19+$0x0] =	vst.idx.msk $0xffff, v34  }
0xd4: {  	v1 =	vld.idx.msk [tilespmem:v1+s14+$0x0], $0xffff;
	_ =	sdelay $0x5  }
0xd5: {  	[tilespmem:v3+s20+$0x0] =	vst.idx.msk $0xffff, v1  }
0xd6: {  	v1 =	vld.idx.msk [tilespmem:v4+s14+$0x0], $0xffff;
	_ =	sdelay $0x5  }
0xd7: {  	[tilespmem:v5+s20+$0x0] =	vst.idx.msk $0xffff, v1  }
0xd8: {  	v1 =	vld.idx.msk [tilespmem:v6+s14+$0x0], $0xffff;
	_ =	sdelay $0x5  }
0xd9: {  	[tilespmem:v8+s20+$0x0] =	vst.idx.msk $0xffff, v1  }
0xda: {  	v1 =	vld.idx.msk [tilespmem:v9+s14+$0x0], $0xffff;
	_ =	sdelay $0x5  }
0xdb: {  	[tilespmem:v11+s20+$0x0] =	vst.idx.msk $0xffff, v1  }
0xdc: {  	v1 =	vld.idx.msk [tilespmem:v12+s14+$0x0], $0xffff;
	_ =	sdelay $0x5  }
0xdd: {  	[tilespmem:v13+s20+$0x0] =	vst.idx.msk $0xffff, v1  }
0xde: {  	v1 =	vld.idx.msk [tilespmem:v14+s14+$0x0], $0xffff;
	_ =	sdelay $0x5  }
0xdf: {  	[tilespmem:v15+s20+$0x0] =	vst.idx.msk $0xffff, v1  }
0xe0: {  	v1 =	vld.idx.msk [tilespmem:v16+s14+$0x0], $0xffff;
	_ =	sdelay $0x5  }
0xe1: {  	[tilespmem:v17+s20+$0x0] =	vst.idx.msk $0xffff, v1  }
0xe2: {  	v1 =	vld.idx.msk [tilespmem:v18+s14+$0x0], $0xffff;
	_ =	sdelay $0x5  }
0xe3: {  	[tilespmem:v19+s20+$0x0] =	vst.idx.msk $0xffff, v1  }
0xe4: {  	v1 =	vld.idx.msk [tilespmem:v20+s14+$0x0], $0xffff;
	_ =	sdelay $0x5  }
0xe5: {  	[tilespmem:v21+s20+$0x0] =	vst.idx.msk $0xffff, v1  }
0xe6: {  	v1 =	vld.idx.msk [tilespmem:v22+s14+$0x0], $0xffff;
	_ =	sdelay $0x5  }
0xe7: {  	[tilespmem:v23+s20+$0x0] =	vst.idx.msk $0xffff, v1  }
0xe8: {  	v1 =	vld.idx.msk [tilespmem:v24+s14+$0x0], $0xffff;
	_ =	sdelay $0x5  }
0xe9: {  	[tilespmem:v25+s20+$0x0] =	vst.idx.msk $0xffff, v1  }
0xea: {  	v1 =	vld.idx.msk [tilespmem:v26+s14+$0x0], $0xffff;
	_ =	sdelay $0x5  }
0xeb: {  	[tilespmem:v27+s20+$0x0] =	vst.idx.msk $0xffff, v1  }
0xec: {  	v1 =	vld.idx.msk [tilespmem:v28+s14+$0x0], $0xffff;
	_ =	sdelay $0x5  }
0xed: {  	[tilespmem:v29+s20+$0x0] =	vst.idx.msk $0xffff, v1  }
0xee: {  	v1 =	vld.idx.msk [tilespmem:v30+s14+$0x0], $0xffff;
	_ =	sdelay $0x5  }
0xef: {  	[tilespmem:v31+s20+$0x0] =	vst.idx.msk $0xffff, v1  }
0xf0: {  	v1 =	vld.idx.msk [tilespmem:v32+s14+$0x0], $0xffff;
	_ =	sdelay $0x1  }
.Ltmp2:
0xf1: {  	(pc) =	sbr.rel @p1 .LBB2_3-.Ltmp2, $2  }
0xf2: {  	_ =	sdelay $0x2  }
0xf3: {  	s29 =	sand.u32 $0x70, s10;
	s28 =	sand.u32 $0x8, s10;
	s10 =	sadd.s32 $0x8, s10;
	[tilespmem:v33+s20+$0x0] =	vst.idx.msk $0xffff, v1  }
0xf4: {  	_ =	sdelay $0x2  }
0xf5: {  	v1 =	vor.u32 s29, v0;
	v2 =	vadd.s32 s28, v0  }
0xf6: {  	v3 =	vld.idx.msk [tilespmem:v7+s14+$0x0], $0xffff;
	v4 =	vand.u32 $0xF, v2;
	v5 =	vshll.u32 v1, $0x7  }
0xf7: {  	v6 =	vor.u32 v4, v5;
	_ =	sdelay $0x2  }
0xf8: {  	s10 =	sor.u32 $0x1, s28  }
0xf9: {  	[tilespmem:v10+s20+$0x0] =	vst.idx.msk $0xffff, v3;
	v3 =	vshll.u32 v4, $0x7;
	v4 =	vadd.s32 s10, v0  }
0xfa: {  	v3 =	vor.u32 v1, v3;
	v8 =	vand.u32 $0xF, v4;
	v7 =	vld.idx.msk [tilespmem:v6+s13+$0x0], $0xffff  }
0xfb: {  	v9 =	vor.u32 v5, v8;
	_ =	sdelay $0x2  }
0xfc: {  	s10 =	sor.u32 $0x2, s28  }
0xfd: {  	[tilespmem:v3+s19+$0x0] =	vst.idx.msk $0xffff, v7;
	v7 =	vshll.u32 v8, $0x7;
	v8 =	vadd.s32 s10, v0  }
0xfe: {  	v10 =	vld.idx.msk [tilespmem:v9+s13+$0x0], $0xffff;
	v7 =	vor.u32 v1, v7;
	v11 =	vand.u32 $0xF, v8  }
0xff: {  	v12 =	vor.u32 v5, v11;
	_ =	sdelay $0x2  }
0x100: {  	s10 =	sor.u32 $0x3, s28  }
0x101: {  	[tilespmem:v7+s19+$0x0] =	vst.idx.msk $0xffff, v10;
	v10 =	vshll.u32 v11, $0x7;
	v11 =	vadd.s32 s10, v0  }
0x102: {  	v13 =	vld.idx.msk [tilespmem:v12+s13+$0x0], $0xffff;
	v10 =	vor.u32 v1, v10;
	v14 =	vand.u32 $0xF, v11  }
0x103: {  	v15 =	vor.u32 v5, v14;
	_ =	sdelay $0x2  }
0x104: {  	s10 =	sor.u32 $0x4, s28  }
0x105: {  	v59 =	vadd.s32 s10, v0;
	v58 =	vshll.u32 v14, $0x7;
	[tilespmem:v10+s19+$0x0] =	vst.idx.msk $0xffff, v13  }
0x106: {  	v17 =	vand.u32 $0xF, v59;
	v13 =	vor.u32 v1, v58;
	v16 =	vld.idx.msk [tilespmem:v15+s13+$0x0], $0xffff  }
0x107: {  	v18 =	vor.u32 v5, v17;
	_ =	sdelay $0x2  }
0x108: {  	s10 =	sor.u32 $0x5, s28  }
0x109: {  	v61 =	vadd.s32 s10, v0;
	v60 =	vshll.u32 v17, $0x7;
	[tilespmem:v13+s19+$0x0] =	vst.idx.msk $0xffff, v16  }
0x10a: {  	v20 =	vand.u32 $0xF, v61;
	v16 =	vor.u32 v1, v60;
	v19 =	vld.idx.msk [tilespmem:v18+s13+$0x0], $0xffff  }
0x10b: {  	v21 =	vor.u32 v5, v20;
	_ =	sdelay $0x2  }
0x10c: {  	s10 =	sor.u32 $0x6, s28  }
0x10d: {  	v63 =	vadd.s32 s10, v0;
	v62 =	vshll.u32 v20, $0x7;
	[tilespmem:v16+s19+$0x0] =	vst.idx.msk $0xffff, v19  }
0x10e: {  	v23 =	vand.u32 $0xF, v63;
	v19 =	vor.u32 v1, v62;
	v22 =	vld.idx.msk [tilespmem:v21+s13+$0x0], $0xffff  }
0x10f: {  	v24 =	vor.u32 v5, v23;
	_ =	sdelay $0x2  }
0x110: {  	s10 =	sor.u32 $0x7, s28  }
0x111: {  	v36 =	vadd.s32 s10, v0;
	v35 =	vshll.u32 v23, $0x7;
	[tilespmem:v19+s19+$0x0] =	vst.idx.msk $0xffff, v22  }
0x112: {  	v26 =	vand.u32 $0xF, v36;
	v22 =	vor.u32 v1, v35;
	v25 =	vld.idx.msk [tilespmem:v24+s13+$0x0], $0xffff  }
0x113: {  	v27 =	vor.u32 v5, v26;
	_ =	sdelay $0x3  }
0x114: {  	v37 =	vshll.u32 v26, $0x7;
	[tilespmem:v22+s19+$0x0] =	vst.idx.msk $0xffff, v25  }
0x115: {  	v2 =	vor.u32 $0x10, v2;
	v25 =	vor.u32 v1, v37;
	v38 =	vld.idx.msk [tilespmem:v27+s13+$0x0], $0xffff  }
0x116: {  	v28 =	vor.u32 v2, v5;
	_ =	sdelay $0x3  }
0x117: {  	v2 =	vshll.u32 v2, $0x7;
	[tilespmem:v25+s19+$0x0] =	vst.idx.msk $0xffff, v38  }
0x118: {  	v2 =	vor.u32 v1, v2;
	v4 =	vor.u32 $0x10, v4;
	v26 =	vld.idx.msk [tilespmem:v28+s13+$0x0], $0xffff  }
0x119: {  	v29 =	vor.u32 v5, v4;
	_ =	sdelay $0x3  }
0x11a: {  	v4 =	vshll.u32 v4, $0x7;
	[tilespmem:v2+s19+$0x0] =	vst.idx.msk $0xffff, v26  }
0x11b: {  	v4 =	vor.u32 v1, v4;
	v8 =	vor.u32 $0x10, v8;
	v26 =	vld.idx.msk [tilespmem:v29+s13+$0x0], $0xffff  }
0x11c: {  	v30 =	vor.u32 v5, v8;
	_ =	sdelay $0x3  }
0x11d: {  	v8 =	vshll.u32 v8, $0x7;
	[tilespmem:v4+s19+$0x0] =	vst.idx.msk $0xffff, v26  }
0x11e: {  	v8 =	vor.u32 v1, v8;
	v11 =	vor.u32 $0x10, v11;
	v26 =	vld.idx.msk [tilespmem:v30+s13+$0x0], $0xffff  }
0x11f: {  	v31 =	vor.u32 v5, v11;
	_ =	sdelay $0x3  }
0x120: {  	v11 =	vshll.u32 v11, $0x7;
	[tilespmem:v8+s19+$0x0] =	vst.idx.msk $0xffff, v26  }
0x121: {  	v14 =	vor.u32 $0x10, v59;
	v11 =	vor.u32 v1, v11;
	v26 =	vld.idx.msk [tilespmem:v31+s13+$0x0], $0xffff  }
0x122: {  	v32 =	vor.u32 v5, v14;
	_ =	sdelay $0x3  }
0x123: {  	v14 =	vshll.u32 v14, $0x7;
	[tilespmem:v11+s19+$0x0] =	vst.idx.msk $0xffff, v26  }
0x124: {  	v17 =	vor.u32 $0x10, v61;
	v14 =	vor.u32 v1, v14;
	v26 =	vld.idx.msk [tilespmem:v32+s13+$0x0], $0xffff  }
0x125: {  	v33 =	vor.u32 v5, v17;
	_ =	sdelay $0x3  }
0x126: {  	v17 =	vshll.u32 v17, $0x7;
	[tilespmem:v14+s19+$0x0] =	vst.idx.msk $0xffff, v26  }
0x127: {  	v20 =	vor.u32 $0x10, v63;
	v17 =	vor.u32 v1, v17;
	v26 =	vld.idx.msk [tilespmem:v33+s13+$0x0], $0xffff  }
0x128: {  	v34 =	vor.u32 v5, v20;
	_ =	sdelay $0x3  }
0x129: {  	v20 =	vshll.u32 v20, $0x7;
	[tilespmem:v17+s19+$0x0] =	vst.idx.msk $0xffff, v26  }
0x12a: {  	v23 =	vor.u32 $0x10, v36;
	v20 =	vor.u32 v1, v20;
	v26 =	vld.idx.msk [tilespmem:v34+s13+$0x0], $0xffff  }
0x12b: {  	v5 =	vor.u32 v5, v23;
	_ =	sdelay $0x3  }
0x12c: {  	v23 =	vshll.u32 v23, $0x7;
	[tilespmem:v20+s19+$0x0] =	vst.idx.msk $0xffff, v26  }
0x12d: {  	v1 =	vor.u32 v1, v23;
	v26 =	vld.idx.msk [tilespmem:v5+s13+$0x0], $0xffff;
	_ =	sdelay $0x4  }
0x12e: {  	[tilespmem:v1+s19+$0x0] =	vst.idx.msk $0xffff, v26  }
0x12f: {  	v6 =	vld.idx.msk [tilespmem:v6+s14+$0x0], $0xffff;
	_ =	sdelay $0x4  }
0x130: {  	[tilespmem:v3+s20+$0x0] =	vst.idx.msk $0xffff, v6  }
0x131: {  	v3 =	vld.idx.msk [tilespmem:v9+s14+$0x0], $0xffff;
	_ =	sdelay $0x4  }
0x132: {  	[tilespmem:v7+s20+$0x0] =	vst.idx.msk $0xffff, v3  }
0x133: {  	v3 =	vld.idx.msk [tilespmem:v12+s14+$0x0], $0xffff;
	_ =	sdelay $0x4  }
0x134: {  	[tilespmem:v10+s20+$0x0] =	vst.idx.msk $0xffff, v3  }
0x135: {  	v3 =	vld.idx.msk [tilespmem:v15+s14+$0x0], $0xffff;
	_ =	sdelay $0x4  }
0x136: {  	[tilespmem:v13+s20+$0x0] =	vst.idx.msk $0xffff, v3  }
0x137: {  	v3 =	vld.idx.msk [tilespmem:v18+s14+$0x0], $0xffff;
	_ =	sdelay $0x4  }
0x138: {  	[tilespmem:v16+s20+$0x0] =	vst.idx.msk $0xffff, v3  }
0x139: {  	v3 =	vld.idx.msk [tilespmem:v21+s14+$0x0], $0xffff;
	_ =	sdelay $0x4  }
0x13a: {  	[tilespmem:v19+s20+$0x0] =	vst.idx.msk $0xffff, v3  }
0x13b: {  	v3 =	vld.idx.msk [tilespmem:v24+s14+$0x0], $0xffff;
	_ =	sdelay $0x4  }
0x13c: {  	[tilespmem:v22+s20+$0x0] =	vst.idx.msk $0xffff, v3  }
0x13d: {  	v3 =	vld.idx.msk [tilespmem:v27+s14+$0x0], $0xffff;
	_ =	sdelay $0x4  }
0x13e: {  	[tilespmem:v25+s20+$0x0] =	vst.idx.msk $0xffff, v3  }
0x13f: {  	v3 =	vld.idx.msk [tilespmem:v28+s14+$0x0], $0xffff;
	_ =	sdelay $0x4  }
0x140: {  	[tilespmem:v2+s20+$0x0] =	vst.idx.msk $0xffff, v3  }
0x141: {  	v2 =	vld.idx.msk [tilespmem:v29+s14+$0x0], $0xffff;
	_ =	sdelay $0x4  }
0x142: {  	[tilespmem:v4+s20+$0x0] =	vst.idx.msk $0xffff, v2  }
0x143: {  	v2 =	vld.idx.msk [tilespmem:v30+s14+$0x0], $0xffff;
	_ =	sdelay $0x4  }
0x144: {  	[tilespmem:v8+s20+$0x0] =	vst.idx.msk $0xffff, v2  }
0x145: {  	v2 =	vld.idx.msk [tilespmem:v31+s14+$0x0], $0xffff;
	_ =	sdelay $0x4  }
0x146: {  	[tilespmem:v11+s20+$0x0] =	vst.idx.msk $0xffff, v2  }
0x147: {  	v2 =	vld.idx.msk [tilespmem:v32+s14+$0x0], $0xffff;
	_ =	sdelay $0x4  }
0x148: {  	[tilespmem:v14+s20+$0x0] =	vst.idx.msk $0xffff, v2  }
0x149: {  	v2 =	vld.idx.msk [tilespmem:v33+s14+$0x0], $0xffff;
	_ =	sdelay $0x4  }
0x14a: {  	[tilespmem:v17+s20+$0x0] =	vst.idx.msk $0xffff, v2  }
0x14b: {  	v2 =	vld.idx.msk [tilespmem:v34+s14+$0x0], $0xffff;
	_ =	sdelay $0x4  }
0x14c: {  	[tilespmem:v20+s20+$0x0] =	vst.idx.msk $0xffff, v2  }
0x14d: {  	v2 =	vld.idx.msk [tilespmem:v5+s14+$0x0], $0xffff  }
0x14e: {  	s28 =	sshll.u32 s3, $0xF;
	s10 =	sshll.u32 s3, $0x8  }
0x14f: {  	s28 =	sand.u32 $0x1F0000, s28;
	s10 =	sand.u32 $0x100, s10  }
0x150: {  	s10 =	sor.u32 s10, s28  }
0x151: {  	s10 =	sor.u32 s5, s10  }
0x152: {  	s28 =	sadd.s32 s1, s10;
	[tilespmem:v1+s20+$0x0] =	vst.idx.msk $0xffff, v2  }
0x153: {  	[hbm4b:s28+s21] =	stream.strided.scatter [tilespmem:s19], [sflag:$0x5], $0x1000, s22, s21, $0x38;
	[tilespmem:$0x14100] =	vst v63  }
0x154: {  	p1 =	seq.s32 s3, $0x27;
	s28 =	sadd.s32 s2, s10  }
0x155: {  	[hbm4b:s28+s21] =	stream.strided.scatter [tilespmem:s20], [sflag:$0x7], $0x1000, s22, s21, $0x38;
	[tilespmem:$0x14100] =	vst v63  }
0x156: {  	s28 =	sadd.s32 @!p1 $0x2, s9  }
0x157: {  	s29 =	sshll.u32 @!p1 s28, $0x7  }
0x158: {  	s30 =	sshll.u32 @!p1 s28, $0x9;
	s29 =	sand.u32 @!p1 $0x100, s29  }
0x159: {  	s28 =	sshll.u32 @!p1 s28, $0x2;
	s30 =	sand.u32 @!p1 $0x1C000, s30;
	s29 =	sadd.s32 @!p1 s29, s7  }
0x15a: {  	s28 =	sand.u32 @!p1 $0x70, s28;
	s29 =	sadd.s32 @!p1 s30, s29  }
0x15b: {  	s28 =	sadd.s32 @!p1 s28, s29;
	s29 =	simm.s32 @!p1 $0x0  }
0x15c: {  	[tilespmem:s29], [sflag:$0x9] =	stream.linear.gather @!p1 [hbm4b:s28+s29], $0x80, $0x38;
	[tilespmem:$0x14100] =	vst v63  }
0x15d: {  	s28 =	simm.s32 @!p1 $0x9  }
0x15e: {  	_ =	swait.ge @!p1 [sflag:s28], $0x80  }
0x15f: {  	[sflag:s28] =	ssyncset.done @!p1 $0x0  }
0x160: {  	s30 =	simm.s32 @!p1 $0x100;
	[sflag:s28] =	ssyncadd.s32 @!p1 $0xFFFFFF80;
	s28 =	simm.s32 @!p1 $0x80  }
0x161: {  	[tilespmem:s30], [sflag:$0x1] =	stream.indirect.gather @!p1 [hbm4b:s6+s28], $0x80, s29, s28, $0xb8;
	[tilespmem:$0x14100] =	vst v63  }
0x162: {  	s30 =	simm.s32 @!p1 $0x8100  }
0x163: {  	[tilespmem:s30], [sflag:$0x3] =	stream.indirect.gather @!p1 [hbm4b:s8+s28], $0x80, s29, s28, $0xb8;
	[tilespmem:$0x14100] =	vst v63  }
0x164: {  	_ =	swait.ge [sflag:s23], $0x4000  }
0x165: {  	[sflag:s23] =	ssyncset.done $0x0  }
0x166: {  	[sflag:s23] =	ssyncadd.s32 $0xFFFFC000  }
0x167: {  	s28 =	simm.s32 $0x0;
	_ =	swait.ge [sflag:s24], $0x4000  }
0x168: {  	s29 =	sand.u32 $0x70, s28;
	s28 =	sand.u32 $0x8, s28;
	[sflag:s24] =	ssyncset.done $0x0  }
0x169: {  	s30 =	simm.s32 @!p0 $0x6;
	v1 =	vor.u32 s29, v0;
	v2 =	vadd.s32 s28, v0;
	[sflag:s24] =	ssyncadd.s32 $0xFFFFC000  }
0x16a: {  	v3 =	vand.u32 $0xF, v2;
	v4 =	vshll.u32 v1, $0x7;
	_ =	swait.ge @!p0 [sflag:s30], $0x1000  }
0x16b: {  	v5 =	vor.u32 v3, v4;
	[sflag:s30] =	ssyncset.done @!p0 $0x0  }
0x16c: {  	s29 =	simm.s32 @!p0 $0x8;
	[sflag:s30] =	ssyncadd.s32 @!p0 $0xFFFFF000  }
0x16d: {  	_ =	swait.ge @!p0 [sflag:s29], $0x1000  }
0x16e: {  	s30 =	sor.u32 $0x1, s28;
	[sflag:s29] =	ssyncset.done @!p0 $0x0  }
0x16f: {  	v3 =	vshll.u32 v3, $0x7;
	v6 =	vadd.s32 s30, v0;
	[sflag:s29] =	ssyncadd.s32 @!p0 $0xFFFFF000  }
0x170: {  	v3 =	vor.u32 v1, v3;
	v8 =	vand.u32 $0xF, v6;
	v7 =	vld.idx.msk [tilespmem:v5+s15+$0x0], $0xffff  }
0x171: {  	v9 =	vor.u32 v4, v8;
	_ =	sdelay $0x2  }
0x172: {  	s29 =	sor.u32 $0x2, s28  }
0x173: {  	[tilespmem:v3+s25+$0x0] =	vst.idx.msk $0xffff, v7;
	v7 =	vshll.u32 v8, $0x7;
	v8 =	vadd.s32 s29, v0  }
0x174: {  	v10 =	vld.idx.msk [tilespmem:v9+s15+$0x0], $0xffff;
	v11 =	vor.u32 v1, v7;
	v7 =	vand.u32 $0xF, v8  }
0x175: {  	v12 =	vor.u32 v4, v7;
	_ =	sdelay $0x2  }
0x176: {  	s29 =	sor.u32 $0x3, s28  }
0x177: {  	v7 =	vshll.u32 v7, $0x7;
	[tilespmem:v11+s25+$0x0] =	vst.idx.msk $0xffff, v10;
	v10 =	vadd.s32 s29, v0  }
0x178: {  	v14 =	vor.u32 v1, v7;
	v39 =	vld.idx.msk [tilespmem:v12+s15+$0x0], $0xffff;
	v7 =	vand.u32 $0xF, v10  }
0x179: {  	v15 =	vor.u32 v4, v7;
	_ =	sdelay $0x2  }
0x17a: {  	s29 =	sor.u32 $0x4, s28  }
0x17b: {  	v40 =	vadd.s32 s29, v0;
	v7 =	vshll.u32 v7, $0x7;
	[tilespmem:v14+s25+$0x0] =	vst.idx.msk $0xffff, v39  }
0x17c: {  	v42 =	vor.u32 v1, v7;
	v7 =	vand.u32 $0xF, v40;
	v41 =	vld.idx.msk [tilespmem:v15+s15+$0x0], $0xffff  }
0x17d: {  	v43 =	vor.u32 v4, v7;
	_ =	sdelay $0x2  }
0x17e: {  	s29 =	sor.u32 $0x5, s28  }
0x17f: {  	v44 =	vadd.s32 s29, v0;
	v7 =	vshll.u32 v7, $0x7;
	[tilespmem:v42+s25+$0x0] =	vst.idx.msk $0xffff, v41  }
0x180: {  	v46 =	vor.u32 v1, v7;
	v7 =	vand.u32 $0xF, v44;
	v45 =	vld.idx.msk [tilespmem:v43+s15+$0x0], $0xffff  }
0x181: {  	v47 =	vor.u32 v4, v7;
	_ =	sdelay $0x2  }
0x182: {  	s29 =	sor.u32 $0x6, s28  }
0x183: {  	v48 =	vadd.s32 s29, v0;
	v7 =	vshll.u32 v7, $0x7;
	[tilespmem:v46+s25+$0x0] =	vst.idx.msk $0xffff, v45  }
0x184: {  	v50 =	vor.u32 v1, v7;
	v7 =	vand.u32 $0xF, v48;
	v49 =	vld.idx.msk [tilespmem:v47+s15+$0x0], $0xffff  }
0x185: {  	v51 =	vor.u32 v4, v7;
	_ =	sdelay $0x2  }
0x186: {  	s28 =	sor.u32 $0x7, s28  }
0x187: {  	v52 =	vadd.s32 s28, v0;
	v7 =	vshll.u32 v7, $0x7;
	[tilespmem:v50+s25+$0x0] =	vst.idx.msk $0xffff, v49  }
0x188: {  	v54 =	vor.u32 v1, v7;
	v7 =	vand.u32 $0xF, v52;
	v53 =	vld.idx.msk [tilespmem:v51+s15+$0x0], $0xffff  }
0x189: {  	v55 =	vor.u32 v4, v7;
	_ =	sdelay $0x3  }
0x18a: {  	v7 =	vshll.u32 v7, $0x7;
	[tilespmem:v54+s25+$0x0] =	vst.idx.msk $0xffff, v53  }
0x18b: {  	v2 =	vor.u32 $0x10, v2;
	v56 =	vor.u32 v1, v7;
	v25 =	vld.idx.msk [tilespmem:v55+s15+$0x0], $0xffff  }
0x18c: {  	v57 =	vor.u32 v2, v4;
	_ =	sdelay $0x3  }
0x18d: {  	v2 =	vshll.u32 v2, $0x7;
	[tilespmem:v56+s25+$0x0] =	vst.idx.msk $0xffff, v25  }
0x18e: {  	v2 =	vor.u32 v1, v2;
	v6 =	vor.u32 $0x10, v6;
	v7 =	vld.idx.msk [tilespmem:v57+s15+$0x0], $0xffff  }
0x18f: {  	v58 =	vor.u32 v4, v6;
	_ =	sdelay $0x3  }
0x190: {  	v6 =	vshll.u32 v6, $0x7;
	[tilespmem:v2+s25+$0x0] =	vst.idx.msk $0xffff, v7  }
0x191: {  	v6 =	vor.u32 v1, v6;
	v8 =	vor.u32 $0x10, v8;
	v7 =	vld.idx.msk [tilespmem:v58+s15+$0x0], $0xffff  }
0x192: {  	v59 =	vor.u32 v4, v8;
	_ =	sdelay $0x3  }
0x193: {  	[tilespmem:v6+s25+$0x0] =	vst.idx.msk $0xffff, v7;
	v7 =	vshll.u32 v8, $0x7  }
0x194: {  	v8 =	vld.idx.msk [tilespmem:v59+s15+$0x0], $0xffff;
	v60 =	vor.u32 v1, v7;
	v7 =	vor.u32 $0x10, v10  }
0x195: {  	v61 =	vor.u32 v4, v7;
	_ =	sdelay $0x3  }
0x196: {  	v7 =	vshll.u32 v7, $0x7;
	[tilespmem:v60+s25+$0x0] =	vst.idx.msk $0xffff, v8  }
0x197: {  	v62 =	vor.u32 v1, v7;
	v7 =	vor.u32 $0x10, v40;
	v8 =	vld.idx.msk [tilespmem:v61+s15+$0x0], $0xffff  }
0x198: {  	v13 =	vor.u32 v4, v7;
	_ =	sdelay $0x3  }
0x199: {  	v7 =	vshll.u32 v7, $0x7;
	[tilespmem:v62+s25+$0x0] =	vst.idx.msk $0xffff, v8  }
0x19a: {  	v63 =	vor.u32 v1, v7;
	v7 =	vor.u32 $0x10, v44;
	v8 =	vld.idx.msk [tilespmem:v13+s15+$0x0], $0xffff  }
0x19b: {  	v16 =	vor.u32 v4, v7;
	_ =	sdelay $0x3  }
0x19c: {  	v7 =	vshll.u32 v7, $0x7;
	[tilespmem:v63+s25+$0x0] =	vst.idx.msk $0xffff, v8  }
0x19d: {  	v35 =	vor.u32 v1, v7;
	v7 =	vor.u32 $0x10, v48;
	v8 =	vld.idx.msk [tilespmem:v16+s15+$0x0], $0xffff  }
0x19e: {  	v19 =	vor.u32 v4, v7;
	_ =	sdelay $0x3  }
0x19f: {  	v7 =	vshll.u32 v7, $0x7;
	[tilespmem:v35+s25+$0x0] =	vst.idx.msk $0xffff, v8  }
0x1a0: {  	v10 =	vor.u32 $0x10, v52;
	v36 =	vor.u32 v1, v7;
	v8 =	vld.idx.msk [tilespmem:v19+s15+$0x0], $0xffff  }
0x1a1: {  	v7 =	vor.u32 v4, v10;
	_ =	sdelay $0x3  }
0x1a2: {  	v4 =	vshll.u32 v10, $0x7;
	[tilespmem:v36+s25+$0x0] =	vst.idx.msk $0xffff, v8  }
0x1a3: {  	v10 =	vor.u32 v1, v4;
	v8 =	vld.idx.msk [tilespmem:v7+s15+$0x0], $0xffff;
	_ =	sdelay $0x4  }
0x1a4: {  	[tilespmem:v10+s25+$0x0] =	vst.idx.msk $0xffff, v8  }
0x1a5: {  	v1 =	vld.idx.msk [tilespmem:v5+s16+$0x0], $0xffff;
	_ =	sdelay $0x4  }
0x1a6: {  	[tilespmem:v3+s26+$0x0] =	vst.idx.msk $0xffff, v1  }
0x1a7: {  	v1 =	vld.idx.msk [tilespmem:v9+s16+$0x0], $0xffff;
	_ =	sdelay $0x4  }
0x1a8: {  	[tilespmem:v11+s26+$0x0] =	vst.idx.msk $0xffff, v1  }
0x1a9: {  	v1 =	vld.idx.msk [tilespmem:v12+s16+$0x0], $0xffff;
	_ =	sdelay $0x4  }
0x1aa: {  	[tilespmem:v14+s26+$0x0] =	vst.idx.msk $0xffff, v1  }
0x1ab: {  	v1 =	vld.idx.msk [tilespmem:v15+s16+$0x0], $0xffff;
	_ =	sdelay $0x4  }
0x1ac: {  	[tilespmem:v42+s26+$0x0] =	vst.idx.msk $0xffff, v1  }
0x1ad: {  	v1 =	vld.idx.msk [tilespmem:v43+s16+$0x0], $0xffff;
	_ =	sdelay $0x4  }
0x1ae: {  	[tilespmem:v46+s26+$0x0] =	vst.idx.msk $0xffff, v1  }
0x1af: {  	v1 =	vld.idx.msk [tilespmem:v47+s16+$0x0], $0xffff;
	_ =	sdelay $0x4  }
0x1b0: {  	[tilespmem:v50+s26+$0x0] =	vst.idx.msk $0xffff, v1  }
0x1b1: {  	v1 =	vld.idx.msk [tilespmem:v51+s16+$0x0], $0xffff;
	_ =	sdelay $0x4  }
0x1b2: {  	[tilespmem:v54+s26+$0x0] =	vst.idx.msk $0xffff, v1  }
0x1b3: {  	v1 =	vld.idx.msk [tilespmem:v55+s16+$0x0], $0xffff;
	_ =	sdelay $0x4  }
0x1b4: {  	[tilespmem:v56+s26+$0x0] =	vst.idx.msk $0xffff, v1  }
0x1b5: {  	v1 =	vld.idx.msk [tilespmem:v57+s16+$0x0], $0xffff;
	_ =	sdelay $0x4  }
0x1b6: {  	[tilespmem:v2+s26+$0x0] =	vst.idx.msk $0xffff, v1  }
0x1b7: {  	v1 =	vld.idx.msk [tilespmem:v58+s16+$0x0], $0xffff;
	_ =	sdelay $0x4  }
0x1b8: {  	[tilespmem:v6+s26+$0x0] =	vst.idx.msk $0xffff, v1  }
0x1b9: {  	v1 =	vld.idx.msk [tilespmem:v59+s16+$0x0], $0xffff;
	_ =	sdelay $0x4  }
0x1ba: {  	[tilespmem:v60+s26+$0x0] =	vst.idx.msk $0xffff, v1  }
0x1bb: {  	v1 =	vld.idx.msk [tilespmem:v61+s16+$0x0], $0xffff;
	_ =	sdelay $0x4  }
0x1bc: {  	[tilespmem:v62+s26+$0x0] =	vst.idx.msk $0xffff, v1  }
0x1bd: {  	v1 =	vld.idx.msk [tilespmem:v13+s16+$0x0], $0xffff;
	_ =	sdelay $0x4  }
0x1be: {  	[tilespmem:v63+s26+$0x0] =	vst.idx.msk $0xffff, v1  }
0x1bf: {  	v1 =	vld.idx.msk [tilespmem:v16+s16+$0x0], $0xffff;
	_ =	sdelay $0x4  }
0x1c0: {  	[tilespmem:v35+s26+$0x0] =	vst.idx.msk $0xffff, v1  }
0x1c1: {  	v1 =	vld.idx.msk [tilespmem:v19+s16+$0x0], $0xffff;
	_ =	sdelay $0x3  }
0x1c2: {  	s28 =	simm.s32 $0x8  }
0x1c3: {  	s30 =	sand.u32 $0x70, s28;
	s29 =	sand.u32 $0x8, s28;
	s28 =	simm.s32 $0x10;
	[tilespmem:v36+s26+$0x0] =	vst.idx.msk $0xffff, v1  }
.LBB2_5:
0x1c4: {  	p0 =	sne.s32 s28, $0x78;
	v2 =	vor.u32 s30, v0;
	v20 =	vadd.s32 s29, v0;
	v3 =	vld.idx.msk [tilespmem:v7+s16+$0x0], $0xffff  }
0x1c5: {  	v4 =	vand.u32 $0xF, v20;
	v7 =	vshll.u32 v2, $0x7  }
0x1c6: {  	v1 =	vor.u32 v4, v7;
	_ =	sdelay $0x3  }
0x1c7: {  	s30 =	sor.u32 $0x1, s29;
	[tilespmem:v10+s26+$0x0] =	vst.idx.msk $0xffff, v3  }
0x1c8: {  	v3 =	vshll.u32 v4, $0x7;
	v10 =	vadd.s32 s30, v0;
	v5 =	vld.idx.msk [tilespmem:v1+s15+$0x0], $0xffff  }
0x1c9: {  	v3 =	vor.u32 v2, v3;
	v6 =	vand.u32 $0xF, v10  }
0x1ca: {  	v4 =	vor.u32 v7, v6;
	_ =	sdelay $0x3  }
0x1cb: {  	s30 =	sor.u32 $0x2, s29;
	[tilespmem:v3+s25+$0x0] =	vst.idx.msk $0xffff, v5  }
0x1cc: {  	v24 =	vadd.s32 s30, v0;
	v5 =	vshll.u32 v6, $0x7;
	v8 =	vld.idx.msk [tilespmem:v4+s15+$0x0], $0xffff  }
0x1cd: {  	v9 =	vand.u32 $0xF, v24;
	v5 =	vor.u32 v2, v5  }
0x1ce: {  	v6 =	vor.u32 v7, v9;
	_ =	sdelay $0x3  }
0x1cf: {  	s30 =	sor.u32 $0x3, s29;
	[tilespmem:v5+s25+$0x0] =	vst.idx.msk $0xffff, v8  }
0x1d0: {  	v26 =	vadd.s32 s30, v0;
	v8 =	vshll.u32 v9, $0x7;
	v11 =	vld.idx.msk [tilespmem:v6+s15+$0x0], $0xffff  }
0x1d1: {  	v12 =	vand.u32 $0xF, v26;
	v8 =	vor.u32 v2, v8  }
0x1d2: {  	v9 =	vor.u32 v7, v12;
	_ =	sdelay $0x3  }
0x1d3: {  	s30 =	sor.u32 $0x4, s29;
	[tilespmem:v8+s25+$0x0] =	vst.idx.msk $0xffff, v11  }
0x1d4: {  	v28 =	vadd.s32 s30, v0;
	v11 =	vshll.u32 v12, $0x7;
	v13 =	vld.idx.msk [tilespmem:v9+s15+$0x0], $0xffff  }
0x1d5: {  	v14 =	vand.u32 $0xF, v28;
	v11 =	vor.u32 v2, v11  }
0x1d6: {  	v12 =	vor.u32 v7, v14;
	_ =	sdelay $0x3  }
0x1d7: {  	s30 =	sor.u32 $0x5, s29;
	[tilespmem:v11+s25+$0x0] =	vst.idx.msk $0xffff, v13  }
0x1d8: {  	v30 =	vadd.s32 s30, v0;
	v13 =	vshll.u32 v14, $0x7;
	v15 =	vld.idx.msk [tilespmem:v12+s15+$0x0], $0xffff  }
0x1d9: {  	v16 =	vand.u32 $0xF, v30;
	v13 =	vor.u32 v2, v13  }
0x1da: {  	v14 =	vor.u32 v7, v16;
	_ =	sdelay $0x3  }
0x1db: {  	s30 =	sor.u32 $0x6, s29;
	[tilespmem:v13+s25+$0x0] =	vst.idx.msk $0xffff, v15  }
0x1dc: {  	v32 =	vadd.s32 s30, v0;
	v15 =	vshll.u32 v16, $0x7;
	v17 =	vld.idx.msk [tilespmem:v14+s15+$0x0], $0xffff  }
0x1dd: {  	v18 =	vand.u32 $0xF, v32;
	v15 =	vor.u32 v2, v15  }
0x1de: {  	v16 =	vor.u32 v7, v18;
	_ =	sdelay $0x3  }
0x1df: {  	s29 =	sor.u32 $0x7, s29;
	[tilespmem:v15+s25+$0x0] =	vst.idx.msk $0xffff, v17  }
0x1e0: {  	v34 =	vadd.s32 s29, v0;
	v17 =	vshll.u32 v18, $0x7;
	v19 =	vld.idx.msk [tilespmem:v16+s15+$0x0], $0xffff  }
0x1e1: {  	v21 =	vand.u32 $0xF, v34;
	v17 =	vor.u32 v2, v17  }
0x1e2: {  	v18 =	vor.u32 v7, v21;
	_ =	sdelay $0x3  }
0x1e3: {  	[tilespmem:v17+s25+$0x0] =	vst.idx.msk $0xffff, v19  }
0x1e4: {  	v19 =	vshll.u32 v21, $0x7;
	v22 =	vld.idx.msk [tilespmem:v18+s15+$0x0], $0xffff  }
0x1e5: {  	v21 =	vor.u32 $0x10, v20;
	v19 =	vor.u32 v2, v19  }
0x1e6: {  	v20 =	vor.u32 v21, v7;
	_ =	sdelay $0x3  }
0x1e7: {  	[tilespmem:v19+s25+$0x0] =	vst.idx.msk $0xffff, v22  }
0x1e8: {  	v21 =	vshll.u32 v21, $0x7;
	v23 =	vld.idx.msk [tilespmem:v20+s15+$0x0], $0xffff  }
0x1e9: {  	v10 =	vor.u32 $0x10, v10;
	v21 =	vor.u32 v2, v21  }
0x1ea: {  	v22 =	vor.u32 v7, v10;
	_ =	sdelay $0x3  }
0x1eb: {  	[tilespmem:v21+s25+$0x0] =	vst.idx.msk $0xffff, v23  }
0x1ec: {  	v10 =	vshll.u32 v10, $0x7;
	v25 =	vld.idx.msk [tilespmem:v22+s15+$0x0], $0xffff  }
0x1ed: {  	v23 =	vor.u32 v2, v10;
	v10 =	vor.u32 $0x10, v24  }
0x1ee: {  	v24 =	vor.u32 v7, v10;
	_ =	sdelay $0x3  }
0x1ef: {  	[tilespmem:v23+s25+$0x0] =	vst.idx.msk $0xffff, v25  }
0x1f0: {  	v10 =	vshll.u32 v10, $0x7;
	v27 =	vld.idx.msk [tilespmem:v24+s15+$0x0], $0xffff  }
0x1f1: {  	v25 =	vor.u32 v2, v10;
	v10 =	vor.u32 $0x10, v26  }
0x1f2: {  	v26 =	vor.u32 v7, v10;
	_ =	sdelay $0x3  }
0x1f3: {  	[tilespmem:v25+s25+$0x0] =	vst.idx.msk $0xffff, v27  }
0x1f4: {  	v10 =	vshll.u32 v10, $0x7;
	v29 =	vld.idx.msk [tilespmem:v26+s15+$0x0], $0xffff  }
0x1f5: {  	v27 =	vor.u32 v2, v10;
	v10 =	vor.u32 $0x10, v28  }
0x1f6: {  	v28 =	vor.u32 v7, v10;
	_ =	sdelay $0x3  }
0x1f7: {  	[tilespmem:v27+s25+$0x0] =	vst.idx.msk $0xffff, v29  }
0x1f8: {  	v10 =	vshll.u32 v10, $0x7;
	v31 =	vld.idx.msk [tilespmem:v28+s15+$0x0], $0xffff  }
0x1f9: {  	v29 =	vor.u32 v2, v10;
	v10 =	vor.u32 $0x10, v30  }
0x1fa: {  	v30 =	vor.u32 v7, v10;
	_ =	sdelay $0x3  }
0x1fb: {  	[tilespmem:v29+s25+$0x0] =	vst.idx.msk $0xffff, v31  }
0x1fc: {  	v10 =	vshll.u32 v10, $0x7;
	v33 =	vld.idx.msk [tilespmem:v30+s15+$0x0], $0xffff  }
0x1fd: {  	v31 =	vor.u32 v2, v10;
	v10 =	vor.u32 $0x10, v32  }
0x1fe: {  	v32 =	vor.u32 v7, v10;
	_ =	sdelay $0x3  }
0x1ff: {  	[tilespmem:v31+s25+$0x0] =	vst.idx.msk $0xffff, v33  }
0x200: {  	v10 =	vshll.u32 v10, $0x7;
	v35 =	vld.idx.msk [tilespmem:v32+s15+$0x0], $0xffff  }
0x201: {  	v33 =	vor.u32 v2, v10;
	v10 =	vor.u32 $0x10, v34  }
0x202: {  	v7 =	vor.u32 v7, v10;
	_ =	sdelay $0x3  }
0x203: {  	[tilespmem:v33+s25+$0x0] =	vst.idx.msk $0xffff, v35  }
0x204: {  	v10 =	vshll.u32 v10, $0x7;
	v34 =	vld.idx.msk [tilespmem:v7+s15+$0x0], $0xffff  }
0x205: {  	v10 =	vor.u32 v2, v10;
	_ =	sdelay $0x4  }
0x206: {  	[tilespmem:v10+s25+$0x0] =	vst.idx.msk $0xffff, v34  }
0x207: {  	v1 =	vld.idx.msk [tilespmem:v1+s16+$0x0], $0xffff;
	_ =	sdelay $0x5  }
0x208: {  	[tilespmem:v3+s26+$0x0] =	vst.idx.msk $0xffff, v1  }
0x209: {  	v1 =	vld.idx.msk [tilespmem:v4+s16+$0x0], $0xffff;
	_ =	sdelay $0x5  }
0x20a: {  	[tilespmem:v5+s26+$0x0] =	vst.idx.msk $0xffff, v1  }
0x20b: {  	v1 =	vld.idx.msk [tilespmem:v6+s16+$0x0], $0xffff;
	_ =	sdelay $0x5  }
0x20c: {  	[tilespmem:v8+s26+$0x0] =	vst.idx.msk $0xffff, v1  }
0x20d: {  	v1 =	vld.idx.msk [tilespmem:v9+s16+$0x0], $0xffff;
	_ =	sdelay $0x5  }
0x20e: {  	[tilespmem:v11+s26+$0x0] =	vst.idx.msk $0xffff, v1  }
0x20f: {  	v1 =	vld.idx.msk [tilespmem:v12+s16+$0x0], $0xffff;
	_ =	sdelay $0x5  }
0x210: {  	[tilespmem:v13+s26+$0x0] =	vst.idx.msk $0xffff, v1  }
0x211: {  	v1 =	vld.idx.msk [tilespmem:v14+s16+$0x0], $0xffff;
	_ =	sdelay $0x5  }
0x212: {  	[tilespmem:v15+s26+$0x0] =	vst.idx.msk $0xffff, v1  }
0x213: {  	v1 =	vld.idx.msk [tilespmem:v16+s16+$0x0], $0xffff;
	_ =	sdelay $0x5  }
0x214: {  	[tilespmem:v17+s26+$0x0] =	vst.idx.msk $0xffff, v1  }
0x215: {  	v1 =	vld.idx.msk [tilespmem:v18+s16+$0x0], $0xffff;
	_ =	sdelay $0x5  }
0x216: {  	[tilespmem:v19+s26+$0x0] =	vst.idx.msk $0xffff, v1  }
0x217: {  	v1 =	vld.idx.msk [tilespmem:v20+s16+$0x0], $0xffff;
	_ =	sdelay $0x5  }
0x218: {  	[tilespmem:v21+s26+$0x0] =	vst.idx.msk $0xffff, v1  }
0x219: {  	v1 =	vld.idx.msk [tilespmem:v22+s16+$0x0], $0xffff;
	_ =	sdelay $0x5  }
0x21a: {  	[tilespmem:v23+s26+$0x0] =	vst.idx.msk $0xffff, v1  }
0x21b: {  	v1 =	vld.idx.msk [tilespmem:v24+s16+$0x0], $0xffff;
	_ =	sdelay $0x5  }
0x21c: {  	[tilespmem:v25+s26+$0x0] =	vst.idx.msk $0xffff, v1  }
0x21d: {  	v1 =	vld.idx.msk [tilespmem:v26+s16+$0x0], $0xffff;
	_ =	sdelay $0x5  }
0x21e: {  	[tilespmem:v27+s26+$0x0] =	vst.idx.msk $0xffff, v1  }
0x21f: {  	v1 =	vld.idx.msk [tilespmem:v28+s16+$0x0], $0xffff;
	_ =	sdelay $0x5  }
0x220: {  	[tilespmem:v29+s26+$0x0] =	vst.idx.msk $0xffff, v1  }
0x221: {  	v1 =	vld.idx.msk [tilespmem:v30+s16+$0x0], $0xffff;
	_ =	sdelay $0x5  }
0x222: {  	[tilespmem:v31+s26+$0x0] =	vst.idx.msk $0xffff, v1  }
0x223: {  	v1 =	vld.idx.msk [tilespmem:v32+s16+$0x0], $0xffff;
	_ =	sdelay $0x1  }
.Ltmp3:
0x224: {  	(pc) =	sbr.rel @p0 .LBB2_5-.Ltmp3, $2  }
0x225: {  	_ =	sdelay $0x2  }
0x226: {  	s30 =	sand.u32 $0x70, s28;
	s29 =	sand.u32 $0x8, s28;
	s28 =	sadd.s32 $0x8, s28;
	[tilespmem:v33+s26+$0x0] =	vst.idx.msk $0xffff, v1  }
0x227: {  	_ =	sdelay $0x2  }
0x228: {  	v1 =	vor.u32 s30, v0;
	v2 =	vadd.s32 s29, v0  }
0x229: {  	v3 =	vld.idx.msk [tilespmem:v7+s16+$0x0], $0xffff;
	v4 =	vand.u32 $0xF, v2;
	v5 =	vshll.u32 v1, $0x7  }
0x22a: {  	v6 =	vor.u32 v4, v5;
	_ =	sdelay $0x2  }
0x22b: {  	s28 =	sor.u32 $0x1, s29  }
0x22c: {  	v48 =	vadd.s32 s28, v0;
	[tilespmem:v10+s26+$0x0] =	vst.idx.msk $0xffff, v3;
	v3 =	vshll.u32 v4, $0x7  }
0x22d: {  	v8 =	vand.u32 $0xF, v48;
	v3 =	vor.u32 v1, v3;
	v49 =	vld.idx.msk [tilespmem:v6+s15+$0x0], $0xffff  }
0x22e: {  	v9 =	vor.u32 v5, v8;
	_ =	sdelay $0x2  }
0x22f: {  	s30 =	sor.u32 $0x2, s29  }
0x230: {  	v51 =	vadd.s32 s30, v0;
	v50 =	vshll.u32 v8, $0x7;
	[tilespmem:v3+s25+$0x0] =	vst.idx.msk $0xffff, v49  }
0x231: {  	v11 =	vand.u32 $0xF, v51;
	v7 =	vor.u32 v1, v50;
	v10 =	vld.idx.msk [tilespmem:v9+s15+$0x0], $0xffff  }
0x232: {  	v12 =	vor.u32 v5, v11;
	_ =	sdelay $0x2  }
0x233: {  	s30 =	sor.u32 $0x3, s29  }
0x234: {  	v53 =	vadd.s32 s30, v0;
	v52 =	vshll.u32 v11, $0x7;
	[tilespmem:v7+s25+$0x0] =	vst.idx.msk $0xffff, v10  }
0x235: {  	v14 =	vand.u32 $0xF, v53;
	v10 =	vor.u32 v1, v52;
	v13 =	vld.idx.msk [tilespmem:v12+s15+$0x0], $0xffff  }
0x236: {  	v15 =	vor.u32 v5, v14;
	_ =	sdelay $0x2  }
0x237: {  	s30 =	sor.u32 $0x4, s29  }
0x238: {  	v55 =	vadd.s32 s30, v0;
	v54 =	vshll.u32 v14, $0x7;
	[tilespmem:v10+s25+$0x0] =	vst.idx.msk $0xffff, v13  }
0x239: {  	v17 =	vand.u32 $0xF, v55;
	v13 =	vor.u32 v1, v54;
	v16 =	vld.idx.msk [tilespmem:v15+s15+$0x0], $0xffff  }
0x23a: {  	v18 =	vor.u32 v5, v17;
	_ =	sdelay $0x2  }
0x23b: {  	s30 =	sor.u32 $0x5, s29  }
0x23c: {  	v57 =	vadd.s32 s30, v0;
	v56 =	vshll.u32 v17, $0x7;
	[tilespmem:v13+s25+$0x0] =	vst.idx.msk $0xffff, v16  }
0x23d: {  	v20 =	vand.u32 $0xF, v57;
	v16 =	vor.u32 v1, v56;
	v19 =	vld.idx.msk [tilespmem:v18+s15+$0x0], $0xffff  }
0x23e: {  	v21 =	vor.u32 v5, v20;
	_ =	sdelay $0x2  }
0x23f: {  	s30 =	sor.u32 $0x6, s29  }
0x240: {  	v59 =	vadd.s32 s30, v0;
	v58 =	vshll.u32 v20, $0x7;
	[tilespmem:v16+s25+$0x0] =	vst.idx.msk $0xffff, v19  }
0x241: {  	v23 =	vand.u32 $0xF, v59;
	v19 =	vor.u32 v1, v58;
	v22 =	vld.idx.msk [tilespmem:v21+s15+$0x0], $0xffff  }
0x242: {  	v24 =	vor.u32 v5, v23;
	_ =	sdelay $0x2  }
0x243: {  	s29 =	sor.u32 $0x7, s29  }
0x244: {  	v61 =	vadd.s32 s29, v0;
	v60 =	vshll.u32 v23, $0x7;
	[tilespmem:v19+s25+$0x0] =	vst.idx.msk $0xffff, v22  }
0x245: {  	v26 =	vand.u32 $0xF, v61;
	v22 =	vor.u32 v1, v60;
	v25 =	vld.idx.msk [tilespmem:v24+s15+$0x0], $0xffff  }
0x246: {  	v27 =	vor.u32 v5, v26;
	_ =	sdelay $0x3  }
0x247: {  	v62 =	vshll.u32 v26, $0x7;
	[tilespmem:v22+s25+$0x0] =	vst.idx.msk $0xffff, v25  }
0x248: {  	v2 =	vor.u32 $0x10, v2;
	v25 =	vor.u32 v1, v62;
	v63 =	vld.idx.msk [tilespmem:v27+s15+$0x0], $0xffff  }
0x249: {  	v28 =	vor.u32 v2, v5;
	_ =	sdelay $0x3  }
0x24a: {  	v2 =	vshll.u32 v2, $0x7;
	[tilespmem:v25+s25+$0x0] =	vst.idx.msk $0xffff, v63  }
0x24b: {  	v2 =	vor.u32 v1, v2;
	v4 =	vor.u32 $0x10, v48;
	v26 =	vld.idx.msk [tilespmem:v28+s15+$0x0], $0xffff  }
0x24c: {  	v29 =	vor.u32 v5, v4;
	_ =	sdelay $0x3  }
0x24d: {  	v4 =	vshll.u32 v4, $0x7;
	[tilespmem:v2+s25+$0x0] =	vst.idx.msk $0xffff, v26  }
0x24e: {  	v8 =	vor.u32 $0x10, v51;
	v4 =	vor.u32 v1, v4;
	v26 =	vld.idx.msk [tilespmem:v29+s15+$0x0], $0xffff  }
0x24f: {  	v30 =	vor.u32 v5, v8;
	_ =	sdelay $0x3  }
0x250: {  	v8 =	vshll.u32 v8, $0x7;
	[tilespmem:v4+s25+$0x0] =	vst.idx.msk $0xffff, v26  }
0x251: {  	v11 =	vor.u32 $0x10, v53;
	v8 =	vor.u32 v1, v8;
	v26 =	vld.idx.msk [tilespmem:v30+s15+$0x0], $0xffff  }
0x252: {  	v31 =	vor.u32 v5, v11;
	_ =	sdelay $0x3  }
0x253: {  	v11 =	vshll.u32 v11, $0x7;
	[tilespmem:v8+s25+$0x0] =	vst.idx.msk $0xffff, v26  }
0x254: {  	v14 =	vor.u32 $0x10, v55;
	v11 =	vor.u32 v1, v11;
	v26 =	vld.idx.msk [tilespmem:v31+s15+$0x0], $0xffff  }
0x255: {  	v32 =	vor.u32 v5, v14;
	_ =	sdelay $0x3  }
0x256: {  	v14 =	vshll.u32 v14, $0x7;
	[tilespmem:v11+s25+$0x0] =	vst.idx.msk $0xffff, v26  }
0x257: {  	v17 =	vor.u32 $0x10, v57;
	v14 =	vor.u32 v1, v14;
	v26 =	vld.idx.msk [tilespmem:v32+s15+$0x0], $0xffff  }
0x258: {  	v33 =	vor.u32 v5, v17;
	_ =	sdelay $0x3  }
0x259: {  	v17 =	vshll.u32 v17, $0x7;
	[tilespmem:v14+s25+$0x0] =	vst.idx.msk $0xffff, v26  }
0x25a: {  	v20 =	vor.u32 $0x10, v59;
	v17 =	vor.u32 v1, v17;
	v26 =	vld.idx.msk [tilespmem:v33+s15+$0x0], $0xffff  }
0x25b: {  	v34 =	vor.u32 v5, v20;
	_ =	sdelay $0x3  }
0x25c: {  	v20 =	vshll.u32 v20, $0x7;
	[tilespmem:v17+s25+$0x0] =	vst.idx.msk $0xffff, v26  }
0x25d: {  	v23 =	vor.u32 $0x10, v61;
	v20 =	vor.u32 v1, v20;
	v26 =	vld.idx.msk [tilespmem:v34+s15+$0x0], $0xffff  }
0x25e: {  	v5 =	vor.u32 v5, v23;
	_ =	sdelay $0x3  }
0x25f: {  	v23 =	vshll.u32 v23, $0x7;
	[tilespmem:v20+s25+$0x0] =	vst.idx.msk $0xffff, v26  }
0x260: {  	v1 =	vor.u32 v1, v23;
	v26 =	vld.idx.msk [tilespmem:v5+s15+$0x0], $0xffff;
	_ =	sdelay $0x4  }
0x261: {  	[tilespmem:v1+s25+$0x0] =	vst.idx.msk $0xffff, v26  }
0x262: {  	v6 =	vld.idx.msk [tilespmem:v6+s16+$0x0], $0xffff;
	_ =	sdelay $0x4  }
0x263: {  	[tilespmem:v3+s26+$0x0] =	vst.idx.msk $0xffff, v6  }
0x264: {  	v3 =	vld.idx.msk [tilespmem:v9+s16+$0x0], $0xffff;
	_ =	sdelay $0x4  }
0x265: {  	[tilespmem:v7+s26+$0x0] =	vst.idx.msk $0xffff, v3  }
0x266: {  	v3 =	vld.idx.msk [tilespmem:v12+s16+$0x0], $0xffff;
	_ =	sdelay $0x4  }
0x267: {  	[tilespmem:v10+s26+$0x0] =	vst.idx.msk $0xffff, v3  }
0x268: {  	v3 =	vld.idx.msk [tilespmem:v15+s16+$0x0], $0xffff;
	_ =	sdelay $0x4  }
0x269: {  	[tilespmem:v13+s26+$0x0] =	vst.idx.msk $0xffff, v3  }
0x26a: {  	v3 =	vld.idx.msk [tilespmem:v18+s16+$0x0], $0xffff;
	_ =	sdelay $0x4  }
0x26b: {  	[tilespmem:v16+s26+$0x0] =	vst.idx.msk $0xffff, v3  }
0x26c: {  	v3 =	vld.idx.msk [tilespmem:v21+s16+$0x0], $0xffff;
	_ =	sdelay $0x4  }
0x26d: {  	[tilespmem:v19+s26+$0x0] =	vst.idx.msk $0xffff, v3  }
0x26e: {  	v3 =	vld.idx.msk [tilespmem:v24+s16+$0x0], $0xffff;
	_ =	sdelay $0x4  }
0x26f: {  	[tilespmem:v22+s26+$0x0] =	vst.idx.msk $0xffff, v3  }
0x270: {  	v3 =	vld.idx.msk [tilespmem:v27+s16+$0x0], $0xffff;
	_ =	sdelay $0x4  }
0x271: {  	[tilespmem:v25+s26+$0x0] =	vst.idx.msk $0xffff, v3  }
0x272: {  	v3 =	vld.idx.msk [tilespmem:v28+s16+$0x0], $0xffff;
	_ =	sdelay $0x4  }
0x273: {  	[tilespmem:v2+s26+$0x0] =	vst.idx.msk $0xffff, v3  }
0x274: {  	v2 =	vld.idx.msk [tilespmem:v29+s16+$0x0], $0xffff;
	_ =	sdelay $0x4  }
0x275: {  	[tilespmem:v4+s26+$0x0] =	vst.idx.msk $0xffff, v2  }
0x276: {  	v2 =	vld.idx.msk [tilespmem:v30+s16+$0x0], $0xffff;
	_ =	sdelay $0x4  }
0x277: {  	[tilespmem:v8+s26+$0x0] =	vst.idx.msk $0xffff, v2  }
0x278: {  	v2 =	vld.idx.msk [tilespmem:v31+s16+$0x0], $0xffff;
	_ =	sdelay $0x4  }
0x279: {  	[tilespmem:v11+s26+$0x0] =	vst.idx.msk $0xffff, v2  }
0x27a: {  	v2 =	vld.idx.msk [tilespmem:v32+s16+$0x0], $0xffff;
	_ =	sdelay $0x4  }
0x27b: {  	[tilespmem:v14+s26+$0x0] =	vst.idx.msk $0xffff, v2  }
0x27c: {  	v2 =	vld.idx.msk [tilespmem:v33+s16+$0x0], $0xffff;
	_ =	sdelay $0x4  }
0x27d: {  	[tilespmem:v17+s26+$0x0] =	vst.idx.msk $0xffff, v2  }
0x27e: {  	v2 =	vld.idx.msk [tilespmem:v34+s16+$0x0], $0xffff;
	_ =	sdelay $0x4  }
0x27f: {  	[tilespmem:v20+s26+$0x0] =	vst.idx.msk $0xffff, v2  }
0x280: {  	v2 =	vld.idx.msk [tilespmem:v5+s16+$0x0], $0xffff;
	_ =	sdelay $0x3  }
.Ltmp4:
0x281: {  	s10 =	sor.u32 $0x80, s10;
	(pc) =	sbr.rel @p1 .LBB2_8-.Ltmp4, $4  }
0x282: {  	s30 =	sadd.s32 s1, s10;
	[tilespmem:v1+s26+$0x0] =	vst.idx.msk $0xffff, v2  }
0x283: {  	[hbm4b:s30+s21] =	stream.strided.scatter [tilespmem:s25], [sflag:$0x6], $0x1000, s22, s21, $0x38;
	[tilespmem:$0x14100] =	vst v63  }
0x284: {  	s10 =	sadd.s32 s2, s10  }
0x285: {  	[hbm4b:s10+s21] =	stream.strided.scatter [tilespmem:s26], [sflag:$0x8], $0x1000, s22, s21, $0x38;
	[tilespmem:$0x14100] =	vst v63  }
0x286: {  	s9 =	sadd.s32 $0x3, s9  }
0x287: {  	s10 =	sshll.u32 s9, $0x7  }
0x288: {  	s28 =	sshll.u32 s9, $0x9;
	s10 =	sand.u32 $0x180, s10  }
0x289: {  	s9 =	sshll.u32 s9, $0x2;
	s28 =	sand.u32 $0x1C000, s28;
	s10 =	sadd.s32 s10, s7  }
0x28a: {  	s9 =	sand.u32 $0x70, s9;
	s10 =	sadd.s32 s28, s10  }
0x28b: {  	s9 =	sadd.s32 s9, s10  }
0x28c: {  	[tilespmem:s12], [sflag:$0x9] =	stream.linear.gather [hbm4b:s9+s4], $0x80, $0x38;
	[tilespmem:$0x14100] =	vst v63  }
0x28d: {  	_ =	swait.ge [sflag:s11], $0x80  }
.Ltmp5:
0x28e: {  	[sflag:s11] =	ssyncset.done $0x0;
	(pc) =	sbr.rel .LBB2_2-.Ltmp5, $4  }
0x28f: {  	[sflag:s11] =	ssyncadd.s32 $0xFFFFFF80  }
0x290: {  	[tilespmem:s15], [sflag:$0x2] =	stream.indirect.gather [hbm4b:s6+s12], $0x80, s12, s12, $0xb8;
	[tilespmem:$0x14100] =	vst v63  }
0x291: {  	s3 =	sadd.s32 $0x1, s3  }
0x292: {  	[tilespmem:s16], [sflag:$0x4] =	stream.indirect.gather [hbm4b:s8+s12], $0x80, s12, s12, $0xb8;
	[tilespmem:$0x14100] =	vst v63  }
.LBB2_9:
0x293: {  	_ =	sfence.sel $0x180000  }
0x294: {  	[bflag:$0x0] =	sbarrier.arrive $0xFFFF  }
0x295: {  	_ =	strace $0x9000004A  }
0x296: {  	s0 =	stileid.u32;
	[bflag:$0x2] =	sbarrier.arrive $0xFFFF  }
0x297: {  	p0 =	sne.s32 s0, $0x0;
	s0 =	rddreg [dreg:$0x4]  }
0x298: {  	s0 =	sadd.s32 @!p0 $0x100000, s0  }
0x299: {  	[sflag:s0] =	ssyncadd.tile.s32 @!p0 $0x1;
	_ =	shalt  }
.Lfunc_end2:
_tile_overlayer_lowered:
.L_overlay_start_2:
0x29a: {  	(tag) =	ssettag $0x2  }
0x29b: {  	s0 =	rddreg [dreg:$0x0];
	s2 =	stileid.u32  }
0x29c: {  	s1 =	rddreg [dreg:$0x1];
	p0 =	sne.s32 s2, $0x0  }
0x29d: {  	s3 =	rddreg [dreg:$0x2];
	[bflag:$0x3] =	sbarrier.arrive $0xFFFF;
	s2 =	simm.s32 @!p0 $0x1C09  }
0x29e: {  	[timem:s3], [sflag:s2] =	dma.local @!p0 [hbm:s0], s1  }
0x29f: {  	s0 =	simm.s32 @!p0 $0x9  }
0x2a0: {  	_ =	swait.ge @!p0 [sflag:s0], s1  }
0x2a1: {  	s1 =	ssub.s32 @!p0 $0x0, s1;
	[sflag:s0] =	ssyncset.done @!p0 $0x0  }
0x2a2: {  	[sflag:s0] =	ssyncadd.s32 @!p0 s1  }
0x2a3: {  	[bflag:$0x3] =	sbarrier.arrive $0xFFFF  }
0x2a4: {  	_ =	shalt  }

</sc_bundles>
